<compile_context>
chip_gen: v7x
topology: tpu7x:2x2x1
jax: 0.10.2.dev20260603
libtpu: 0.0.44.dev20260713+nightly
codegen_flags: <defaults>
</compile_context>

<pallas_src>
import functools

import jax
import jax.numpy as jnp
from jax import lax
from jax.experimental import pallas as pl
from jax.experimental.pallas import tpu as pltpu
from jax.experimental.pallas import tpu_sc as plsc

N = 10000
E = 320000
F_IN = 128
H = 256
NG = 64
NC = 2
NS = 16
HH = H // 2

CW = 80
ROWS = E // CW
RPT = ROWS // NS
GRP = 2
NGRP = RPT // GRP
NPAIR = NGRP // 2

CWD = 125
ROWS_D = E // CWD
RPT_D = ROWS_D // (NC * NS)
GRP_D = 20
NGRP_D = RPT_D // GRP_D
NPT = 624
TAIL = N - NS * NPT

BN_R = 1000
NBLK = N // BN_R

_MESH = dict(core_axis_name="c", subcore_axis_name="s",
             num_cores=NC, num_subcores=NS)



def _part_copy(src, dst, s, src_base, dst_base):
    pltpu.sync_copy(src.at[pl.ds(src_base + s * NPT, NPT)],
                    dst.at[pl.ds(dst_base + s * NPT, NPT)])

    @pl.when(s == NS - 1)
    def _():
        pltpu.sync_copy(src.at[pl.ds(src_base + NS * NPT, TAIL)],
                        dst.at[pl.ds(dst_base + NS * NPT, TAIL)])


def _deg_body(dstR, z16, ones80, out, acc, ones_v, didx, sem_i, sem_s):
    c = lax.axis_index("c")
    s = lax.axis_index("s")
    w = c * NS + s
    _part_copy(z16, acc, s, 0, 0)
    pltpu.sync_copy(ones80, ones_v)
    plsc.subcore_barrier()

    def grp(g, carry):
        base = w * RPT_D + g * GRP_D
        pltpu.async_copy(dstR.at[pl.ds(base, GRP_D)], didx, sem_i).wait()
        ss = [pltpu.async_copy(ones_v, acc.at[didx.at[b, 0]], sem_s, add=True)
              for b in range(GRP_D)]
        for d in ss:
            d.wait()
        return carry

    lax.fori_loop(0, NGRP_D, grp, 0)
    plsc.subcore_barrier()
    _part_copy(acc, out, s, 0, c * N)


def _deg_call(dstR, z16, ones80):
    return pl.kernel(
        _deg_body,
        out_type=jax.ShapeDtypeStruct((NC * N, 16), jnp.float32),
        mesh=plsc.VectorSubcoreMesh(**_MESH),
        compiler_params=pltpu.CompilerParams(use_tc_tiling_on_sc=False),
        scratch_types=[
            pltpu.VMEM_SHARED((N, 16), jnp.float32),
            pltpu.VMEM((CWD, 16), jnp.float32),
            pltpu.VMEM((GRP_D, 1, CWD), jnp.int32),
            pltpu.SemaphoreType.DMA,
            pltpu.SemaphoreType.DMA,
        ],
    )(dstR, z16, ones80)


def _scat_body(xs, srcR2, dstR, out, acc,
               sidxA, didxA, bufsA, sidxB, didxB, bufsB,
               sem_i, sem_g, sem_sa, sem_sb):
    c = lax.axis_index("c")
    s = lax.axis_index("s")
    row0 = s * RPT

    def idx_load(sidx, didx, base):
        d1 = pltpu.async_copy(srcR2.at[c, pl.ds(base, GRP)], sidx, sem_i)
        d2 = pltpu.async_copy(dstR.at[pl.ds(base, GRP)], didx, sem_i)
        d1.wait()
        d2.wait()

    def gathers(sidx, bufs):
        for b in range(GRP):
            pltpu.async_copy(xs.at[sidx.at[b, 0]], bufs[b], sem_g)

    def wait_gathers(sidx, bufs):
        for b in range(GRP):
            pltpu.make_async_copy(xs.at[sidx.at[b, 0]], bufs[b], sem_g).wait()

    def scatters(didx, bufs, sem):
        return [pltpu.async_copy(bufs[b], acc.at[didx.at[b, 0]], sem,
                                 add=True)
                for b in range(GRP)]

    idx_load(sidxA, didxA, row0)
    gathers(sidxA, bufsA)
    idx_load(sidxB, didxB, row0 + GRP)
    _part_copy(xs, acc, s, c * N, 0)
    plsc.subcore_barrier()

    def pair(i, carry):
        base_a2 = row0 + (2 * i + 2) * GRP
        base_a2 = lax.min(base_a2, ROWS - GRP)
        base_b2 = lax.min(base_a2 + GRP, ROWS - GRP)
        wait_gathers(sidxA, bufsA)
        sA = scatters(didxA, bufsA, sem_sa)
        gathers(sidxB, bufsB)
        for d in sA:
            d.wait()
        idx_load(sidxA, didxA, base_a2)
        wait_gathers(sidxB, bufsB)
        sB = scatters(didxB, bufsB, sem_sb)
        gathers(sidxA, bufsA)
        for d in sB:
            d.wait()
        idx_load(sidxB, didxB, base_b2)
        return carry

    lax.fori_loop(0, NPAIR, pair, 0)
    wait_gathers(sidxA, bufsA)
    for d in scatters(didxA, bufsA, sem_sa):
        d.wait()
    plsc.subcore_barrier()
    _part_copy(acc, out, s, 0, c * N)


def _scat_call(xs_flat, srcR2, dstR):
    return pl.kernel(
        _scat_body,
        out_type=jax.ShapeDtypeStruct((NC * N, HH), jnp.float32),
        mesh=plsc.VectorSubcoreMesh(**_MESH),
        scratch_types=[
            pltpu.VMEM_SHARED((N, HH), jnp.float32),
            pltpu.VMEM((GRP, 1, CW), jnp.int32),
            pltpu.VMEM((GRP, 1, CW), jnp.int32),
            [pltpu.VMEM((CW, HH), jnp.float32) for _ in range(GRP)],
            pltpu.VMEM((GRP, 1, CW), jnp.int32),
            pltpu.VMEM((GRP, 1, CW), jnp.int32),
            [pltpu.VMEM((CW, HH), jnp.float32) for _ in range(GRP)],
            pltpu.SemaphoreType.DMA,
            pltpu.SemaphoreType.DMA,
            pltpu.SemaphoreType.DMA,
            pltpu.SemaphoreType.DMA,
        ],
    )(xs_flat, srcR2, dstR)



def _tc1_body(x_ref, dega_ref, degb_ref, w1_ref, xs_ref, dinv_ref):
    deg = dega_ref[:, :1] + degb_ref[:, :1] + 1.0
    dinv = lax.rsqrt(deg)
    hw = jnp.dot(x_ref[...], w1_ref[...], preferred_element_type=jnp.float32)
    xs = hw * dinv
    xs_ref[0] = xs[:, :HH]
    xs_ref[1] = xs[:, HH:]
    dinv_ref[...] = jnp.broadcast_to(dinv, (BN_R, HH))


def _tc1_call(x, deg2, W1):
    return pl.pallas_call(
        _tc1_body,
        grid=(NBLK,),
        in_specs=[
            pl.BlockSpec((BN_R, F_IN), lambda i: (i, 0)),
            pl.BlockSpec((BN_R, 16), lambda i: (i, 0)),
            pl.BlockSpec((BN_R, 16), lambda i: (i + NBLK, 0)),
            pl.BlockSpec((F_IN, H), lambda i: (0, 0)),
        ],
        out_specs=[
            pl.BlockSpec((NC, BN_R, HH), lambda i: (0, i, 0)),
            pl.BlockSpec((BN_R, HH), lambda i: (i, 0)),
        ],
        out_shape=[
            jax.ShapeDtypeStruct((NC, N, HH), jnp.float32),
            jax.ShapeDtypeStruct((N, HH), jnp.float32),
        ],
    )(x, deg2, deg2, W1)


def _tcmid_body(acc_ref, dinv_ref, a_ref, b_ref, w_ref, xs_ref):
    dinv = dinv_ref[:, :1]
    y0 = acc_ref[0] * dinv * a_ref[:, :HH] + b_ref[:, :HH]
    y1 = acc_ref[1] * dinv * a_ref[:, HH:] + b_ref[:, HH:]
    h = jax.nn.relu(jnp.concatenate([y0, y1], axis=1))
    hw = jnp.dot(h, w_ref[...], preferred_element_type=jnp.float32)
    xs = hw * dinv
    xs_ref[0] = xs[:, :HH]
    xs_ref[1] = xs[:, HH:]


def _tcmid_call(acc3d, dinv128, A, B, W):
    return pl.pallas_call(
        _tcmid_body,
        grid=(NBLK,),
        in_specs=[
            pl.BlockSpec((NC, BN_R, HH), lambda i: (0, i, 0)),
            pl.BlockSpec((BN_R, HH), lambda i: (i, 0)),
            pl.BlockSpec((1, H), lambda i: (0, 0)),
            pl.BlockSpec((1, H), lambda i: (0, 0)),
            pl.BlockSpec((H, H), lambda i: (0, 0)),
        ],
        out_specs=pl.BlockSpec((NC, BN_R, HH), lambda i: (0, i, 0)),
        out_shape=jax.ShapeDtypeStruct((NC, N, HH), jnp.float32),
    )(acc3d, dinv128, A, B, W)


def _pool_body(acc_ref, dinv_ref, b3_ref, batch_ref, out_ref, sums, cnts):
    i = pl.program_id(0)
    dinv = dinv_ref[:, :1]
    o0 = acc_ref[0] * dinv + b3_ref[:, :HH]
    o1 = acc_ref[1] * dinv + b3_ref[:, HH:]
    out3 = jnp.concatenate([o0, o1], axis=1)
    ids = batch_ref[0, 0, :]
    gid = lax.broadcasted_iota(jnp.int32, (NG, BN_R), 0)
    oh = (gid == jnp.broadcast_to(ids[None, :], (NG, BN_R))
          ).astype(jnp.float32)

    @pl.when(i == 0)
    def _():
        sums[...] = jnp.zeros_like(sums)
        cnts[...] = jnp.zeros_like(cnts)

    sums[...] += jnp.dot(oh, out3, preferred_element_type=jnp.float32)
    cnts[...] += jnp.broadcast_to(
        jnp.sum(oh, axis=1, keepdims=True), (NG, HH))

    @pl.when(i == NBLK - 1)
    def _():
        out_ref[...] = sums[...] / jnp.maximum(cnts[:, :1], 1.0)


def _pool_call(acc3d, dinv128, b3r, batch3):
    return pl.pallas_call(
        _pool_body,
        grid=(NBLK,),
        in_specs=[
            pl.BlockSpec((NC, BN_R, HH), lambda i: (0, i, 0)),
            pl.BlockSpec((BN_R, HH), lambda i: (i, 0)),
            pl.BlockSpec((1, H), lambda i: (0, 0)),
            pl.BlockSpec((1, 1, BN_R), lambda i: (i, 0, 0)),
        ],
        out_specs=pl.BlockSpec((NG, H), lambda i: (0, 0)),
        out_shape=jax.ShapeDtypeStruct((NG, H), jnp.float32),
        scratch_shapes=[
            pltpu.VMEM((NG, H), jnp.float32),
            pltpu.VMEM((NG, HH), jnp.float32),
        ],
    )(acc3d, dinv128, b3r, batch3)



@jax.jit
def kernel(x, edge_index, batch, W1, b1, W2, b2, W3, b3,
           g1, be1, rm1, rv1, g2, be2, rm2, rv2):
    src = edge_index[0].reshape(ROWS, 1, CW)
    dstR = edge_index[1].reshape(ROWS, 1, CW)
    dstRd = edge_index[1].reshape(ROWS_D, 1, CWD)
    srcR2 = jnp.stack([src, src + N])
    batch3 = batch.reshape(NBLK, 1, BN_R)
    z16 = jnp.zeros((N, 16), jnp.float32)
    ones80 = jnp.ones((CWD, 16), jnp.float32)

    s1 = g1 * lax.rsqrt(rv1 + 1e-5)
    A1 = s1.reshape(1, H)
    B1 = ((b1 - rm1) * s1 + be1).reshape(1, H)
    s2 = g2 * lax.rsqrt(rv2 + 1e-5)
    A2 = s2.reshape(1, H)
    B2 = ((b2 - rm2) * s2 + be2).reshape(1, H)
    b3r = b3.reshape(1, H)

    deg2 = _deg_call(dstRd, z16, ones80)
    xs1, dinv128 = _tc1_call(x, deg2, W1)
    acc1 = _scat_call(xs1.reshape(NC * N, HH), srcR2, dstR)
    xs2 = _tcmid_call(acc1.reshape(NC, N, HH), dinv128, A1, B1, W2)
    acc2 = _scat_call(xs2.reshape(NC * N, HH), srcR2, dstR)
    xs3 = _tcmid_call(acc2.reshape(NC, N, HH), dinv128, A2, B2, W3)
    acc3 = _scat_call(xs3.reshape(NC * N, HH), srcR2, dstR)
    return _pool_call(acc3.reshape(NC, N, HH), dinv128, b3r, batch3)

# --- scband reference (transcript-rebuilt; emitter-appended) ---
"""Pipeline reference for scband-molecular-gnn-84396107366805 (READ-ONLY COPY).

The authoritative reference and input builder live on the scoring server;
editing this copy changes nothing except your own understanding.
"""

import jax, jax.numpy as jnp
import numpy as np

N = 10000
E = 320000
F_IN = 128
H = 256
G = 64


def setup_inputs(seed: int = 0) -> dict:
    key = jax.random.key(seed)
    ks = jax.random.split(key, 16)
    x = jax.random.normal(ks[0], (N, F_IN), dtype=jnp.float32)
    edge_index = jax.random.randint(ks[1], (2, E), 0, N, dtype=jnp.int32)
    batch = jnp.sort(jax.random.randint(ks[2], (N,), 0, G, dtype=jnp.int32))
    # GCNConv weights (glorot-ish scale) and biases
    W1 = jax.random.normal(ks[3], (F_IN, H), dtype=jnp.float32) * (1.0 / np.sqrt(F_IN))
    b1 = jnp.zeros((H,), dtype=jnp.float32)
    W2 = jax.random.normal(ks[4], (H, H), dtype=jnp.float32) * (1.0 / np.sqrt(H))
    b2 = jnp.zeros((H,), dtype=jnp.float32)
    W3 = jax.random.normal(ks[5], (H, H), dtype=jnp.float32) * (1.0 / np.sqrt(H))
    b3 = jnp.zeros((H,), dtype=jnp.float32)
    # BatchNorm1d params + running stats (eval mode)
    g1 = jnp.ones((H,), dtype=jnp.float32)
    be1 = jnp.zeros((H,), dtype=jnp.float32)
    rm1 = jnp.zeros((H,), dtype=jnp.float32)
    rv1 = jnp.ones((H,), dtype=jnp.float32)
    g2 = jnp.ones((H,), dtype=jnp.float32)
    be2 = jnp.zeros((H,), dtype=jnp.float32)
    rm2 = jnp.zeros((H,), dtype=jnp.float32)
    rv2 = jnp.ones((H,), dtype=jnp.float32)
    return {"x": x, "edge_index": edge_index, "batch": batch,
            "W1": W1, "b1": b1, "W2": W2, "b2": b2, "W3": W3, "b3": b3,
            "g1": g1, "be1": be1, "rm1": rm1, "rv1": rv1,
            "g2": g2, "be2": be2, "rm2": rm2, "rv2": rv2}


def _gcn_conv(h, edge_index, W, b, n_nodes):
    # PyG GCNConv: add self-loops, symmetric normalization, linear, scatter-add, bias
    loop = jnp.arange(n_nodes, dtype=edge_index.dtype)
    src = jnp.concatenate([edge_index[0], loop])
    dst = jnp.concatenate([edge_index[1], loop])
    deg = jnp.zeros((n_nodes,), dtype=h.dtype).at[dst].add(1.0)
    dinv = jnp.where(deg > 0, deg ** -0.5, 0.0)
    norm = dinv[src] * dinv[dst]
    hW = h @ W
    msg = hW[src] * norm[:, None]
    out = jnp.zeros((n_nodes, W.shape[1]), dtype=h.dtype).at[dst].add(msg)
    return out + b


def _batch_norm_eval(h, gamma, beta, rm, rv, eps=1e-5):
    return (h - rm) * jax.lax.rsqrt(rv + eps) * gamma + beta


def reference(x, edge_index, batch, W1, b1, W2, b2, W3, b3,
              g1, be1, rm1, rv1, g2, be2, rm2, rv2):
    n = x.shape[0]
    h = _gcn_conv(x, edge_index, W1, b1, n)
    h = _batch_norm_eval(h, g1, be1, rm1, rv1)
    h = jax.nn.relu(h)
    # dropout is identity in eval mode
    h = _gcn_conv(h, edge_index, W2, b2, n)
    h = _batch_norm_eval(h, g2, be2, rm2, rv2)
    h = jax.nn.relu(h)
    h = _gcn_conv(h, edge_index, W3, b3, n)
    # global_mean_pool over graph ids
    sums = jax.ops.segment_sum(h, batch, num_segments=G)
    counts = jax.ops.segment_sum(jnp.ones((n,), dtype=h.dtype), batch, num_segments=G)
    return sums / jnp.maximum(counts, 1.0)[:, None]

if __name__ == "__main__":
    import jax
    _d = setup_inputs()
    print(jax.jit(kernel)(*tuple(_d.values())))

</pallas_src>

<mosaic_0001>
#map = affine_map<(d0, d1) -> (0, 0)>
#map1 = affine_map<(d0, d1) -> (0, 0, 0, 0)>
#map2 = affine_map<(d0, d1) -> (0, 0, 0)>
module attributes {stable_mosaic.version = 14 : i64} {
  func.func @_scat_body(%arg0: i32, %arg1: i32, %arg2: memref<20000x128xf32, #tpu.memory_space<hbm>>, %arg3: memref<2x4000x1x80xi32, #tpu.memory_space<hbm>>, %arg4: memref<4000x1x80xi32, #tpu.memory_space<hbm>>, %arg5: memref<20000x128xf32, #tpu.memory_space<hbm>>, %arg6: memref<10000x128xf32, #tpu.memory_space<vmem_shared>>, %arg7: memref<2x1x80xi32, #tpu.memory_space<vmem>>, %arg8: memref<2x1x80xi32, #tpu.memory_space<vmem>>, %arg9: memref<80x128xf32, #tpu.memory_space<vmem>>, %arg10: memref<80x128xf32, #tpu.memory_space<vmem>>, %arg11: memref<2x1x80xi32, #tpu.memory_space<vmem>>, %arg12: memref<2x1x80xi32, #tpu.memory_space<vmem>>, %arg13: memref<80x128xf32, #tpu.memory_space<vmem>>, %arg14: memref<80x128xf32, #tpu.memory_space<vmem>>, %arg15: memref<!tpu.dma_semaphore, #tpu.memory_space<semaphore_mem>>, %arg16: memref<!tpu.dma_semaphore, #tpu.memory_space<semaphore_mem>>, %arg17: memref<!tpu.dma_semaphore, #tpu.memory_space<semaphore_mem>>, %arg18: memref<!tpu.dma_semaphore, #tpu.memory_space<semaphore_mem>>) attributes {dimension_semantics = [#tpu.dimension_semantics<core_parallel>, #tpu.dimension_semantics<subcore_parallel>], iteration_bounds = array<i64: 2, 16>, scalar_prefetch = 0 : i64, scratch_operands = 13 : i64, tpu.core_type = #tpu.core_type<sc_vector_subcore>, window_params = [{transform_indices = #map}, {transform_indices = #map1}, {transform_indices = #map2}, {transform_indices = #map}]} {
    %mul3A = arith.constant 250 : i32
    %mul3A_0 = arith.muli %arg1, %mul3A : i32
    %dma_start3A = arith.constant 0 : i32
    %dma_start3A_1 = arith.constant 0 : i32
    %dma_start3A_2 = tpu.memref_slice %arg3[%arg0, %mul3A_0, %dma_start3A, %dma_start3A_1] : memref<2x4000x1x80xi32, #tpu.memory_space<hbm>> -> memref<1x2x1x80xi32, #tpu.memory_space<hbm>>
    %dma_start3A_3 = tpu.memref_squeeze %dma_start3A_2 : memref<1x2x1x80xi32, #tpu.memory_space<hbm>> -> memref<2x1x80xi32, #tpu.memory_space<hbm>>
    %dma_start3A_4 = arith.constant 0 : i32
    %dma_start3A_5 = arith.constant 0 : i32
    %dma_start3A_6 = tpu.memref_slice %arg3[%arg0, %mul3A_0, %dma_start3A_4, %dma_start3A_5] : memref<2x4000x1x80xi32, #tpu.memory_space<hbm>> -> memref<1x2x1x80xi32, #tpu.memory_space<hbm>>
    %dma_start3A_7 = tpu.memref_squeeze %dma_start3A_6 : memref<1x2x1x80xi32, #tpu.memory_space<hbm>> -> memref<2x1x80xi32, #tpu.memory_space<hbm>>
    tpu.enqueue_dma source(%dma_start3A_7 : memref<2x1x80xi32, #tpu.memory_space<hbm>>) target(%arg7 : memref<2x1x80xi32, #tpu.memory_space<vmem>>) target_semaphore(%arg15 : memref<!tpu.dma_semaphore, #tpu.memory_space<semaphore_mem>>)
    %dma_start3A_8 = arith.constant 0 : i32
    %dma_start3A_9 = arith.constant 0 : i32
    %dma_start3A_10 = tpu.memref_slice %arg4[%mul3A_0, %dma_start3A_8, %dma_start3A_9] : memref<4000x1x80xi32, #tpu.memory_space<hbm>> -> memref<2x1x80xi32, #tpu.memory_space<hbm>>
    %dma_start3A_11 = arith.constant 0 : i32
    %dma_start3A_12 = arith.constant 0 : i32
    %dma_start3A_13 = tpu.memref_slice %arg4[%mul3A_0, %dma_start3A_11, %dma_start3A_12] : memref<4000x1x80xi32, #tpu.memory_space<hbm>> -> memref<2x1x80xi32, #tpu.memory_space<hbm>>
    tpu.enqueue_dma source(%dma_start3A_13 : memref<2x1x80xi32, #tpu.memory_space<hbm>>) target(%arg8 : memref<2x1x80xi32, #tpu.memory_space<vmem>>) target_semaphore(%arg15 : memref<!tpu.dma_semaphore, #tpu.memory_space<semaphore_mem>>)
    %dma_wait3A = arith.constant 0 : i32
    %dma_wait3A_14 = arith.constant 0 : i32
    %dma_wait3A_15 = tpu.memref_slice %arg3[%arg0, %mul3A_0, %dma_wait3A, %dma_wait3A_14] : memref<2x4000x1x80xi32, #tpu.memory_space<hbm>> -> memref<1x2x1x80xi32, #tpu.memory_space<hbm>>
    %dma_wait3A_16 = tpu.memref_squeeze %dma_wait3A_15 : memref<1x2x1x80xi32, #tpu.memory_space<hbm>> -> memref<2x1x80xi32, #tpu.memory_space<hbm>>
    %dma_wait3A_17 = arith.constant 0 : i32
    %dma_wait3A_18 = arith.constant 0 : i32
    %dma_wait3A_19 = tpu.memref_slice %arg3[%arg0, %mul3A_0, %dma_wait3A_17, %dma_wait3A_18] : memref<2x4000x1x80xi32, #tpu.memory_space<hbm>> -> memref<1x2x1x80xi32, #tpu.memory_space<hbm>>
    %dma_wait3A_20 = tpu.memref_squeeze %dma_wait3A_19 : memref<1x2x1x80xi32, #tpu.memory_space<hbm>> -> memref<2x1x80xi32, #tpu.memory_space<hbm>>
    tpu.wait_dma2 semaphore(%arg15 : memref<!tpu.dma_semaphore, #tpu.memory_space<semaphore_mem>>) src(%dma_wait3A_20 : memref<2x1x80xi32, #tpu.memory_space<hbm>>) dst(%arg7 : memref<2x1x80xi32, #tpu.memory_space<vmem>>)
    %dma_wait3A_21 = arith.constant 0 : i32
    %dma_wait3A_22 = arith.constant 0 : i32
    %dma_wait3A_23 = tpu.memref_slice %arg4[%mul3A_0, %dma_wait3A_21, %dma_wait3A_22] : memref<4000x1x80xi32, #tpu.memory_space<hbm>> -> memref<2x1x80xi32, #tpu.memory_space<hbm>>
    %dma_wait3A_24 = arith.constant 0 : i32
    %dma_wait3A_25 = arith.constant 0 : i32
    %dma_wait3A_26 = tpu.memref_slice %arg4[%mul3A_0, %dma_wait3A_24, %dma_wait3A_25] : memref<4000x1x80xi32, #tpu.memory_space<hbm>> -> memref<2x1x80xi32, #tpu.memory_space<hbm>>
    tpu.wait_dma2 semaphore(%arg15 : memref<!tpu.dma_semaphore, #tpu.memory_space<semaphore_mem>>) src(%dma_wait3A_26 : memref<2x1x80xi32, #tpu.memory_space<hbm>>) dst(%arg8 : memref<2x1x80xi32, #tpu.memory_space<vmem>>)
    %dma_start3A_27 = arith.constant 0 : i32
    %dma_start3A_28 = arith.constant 0 : i32
    %dma_start3A_29 = arith.constant 0 : i32
    %dma_start3A_30 = tpu.memref_slice %arg7[%dma_start3A_27, %dma_start3A_28, %dma_start3A_29] : memref<2x1x80xi32, #tpu.memory_space<vmem>> -> memref<1x1x80xi32, #tpu.memory_space<vmem>>
    %dma_start3A_31 = tpu.memref_squeeze %dma_start3A_30 : memref<1x1x80xi32, #tpu.memory_space<vmem>> -> memref<80xi32, #tpu.memory_space<vmem>>
    %dma_start3A_32 = arith.constant 0 : i32
    %dma_start3A_33 = arith.constant 0 : i32
    %dma_start3A_34 = tpu.memref_slice %arg2[%dma_start3A_32, %dma_start3A_33] : memref<20000x128xf32, #tpu.memory_space<hbm>> -> memref<20000x128xf32, #tpu.memory_space<hbm>>
    tpu.enqueue_indirect_dma source(%dma_start3A_34 : memref<20000x128xf32, #tpu.memory_space<hbm>>) target(%arg9 : memref<80x128xf32, #tpu.memory_space<vmem>>) offsets(%dma_start3A_31 : memref<80xi32, #tpu.memory_space<vmem>>) semaphore(%arg16 : memref<!tpu.dma_semaphore, #tpu.memory_space<semaphore_mem>>)
    %dma_start3A_35 = arith.constant 1 : i32
    %dma_start3A_36 = arith.constant 0 : i32
    %dma_start3A_37 = arith.constant 0 : i32
    %dma_start3A_38 = tpu.memref_slice %arg7[%dma_start3A_35, %dma_start3A_36, %dma_start3A_37] : memref<2x1x80xi32, #tpu.memory_space<vmem>> -> memref<1x1x80xi32, #tpu.memory_space<vmem>>
    %dma_start3A_39 = tpu.memref_squeeze %dma_start3A_38 : memref<1x1x80xi32, #tpu.memory_space<vmem>> -> memref<80xi32, #tpu.memory_space<vmem>>
    %dma_start3A_40 = arith.constant 0 : i32
    %dma_start3A_41 = arith.constant 0 : i32
    %dma_start3A_42 = tpu.memref_slice %arg2[%dma_start3A_40, %dma_start3A_41] : memref<20000x128xf32, #tpu.memory_space<hbm>> -> memref<20000x128xf32, #tpu.memory_space<hbm>>
    tpu.enqueue_indirect_dma source(%dma_start3A_42 : memref<20000x128xf32, #tpu.memory_space<hbm>>) target(%arg10 : memref<80x128xf32, #tpu.memory_space<vmem>>) offsets(%dma_start3A_39 : memref<80xi32, #tpu.memory_space<vmem>>) semaphore(%arg16 : memref<!tpu.dma_semaphore, #tpu.memory_space<semaphore_mem>>)
    %add3A = arith.constant 2 : i32
    %add3A_43 = arith.addi %mul3A_0, %add3A : i32
    %dma_start3A_44 = arith.constant 0 : i32
    %dma_start3A_45 = arith.constant 0 : i32
    %dma_start3A_46 = tpu.memref_slice %arg3[%arg0, %add3A_43, %dma_start3A_44, %dma_start3A_45] : memref<2x4000x1x80xi32, #tpu.memory_space<hbm>> -> memref<1x2x1x80xi32, #tpu.memory_space<hbm>>
    %dma_start3A_47 = tpu.memref_squeeze %dma_start3A_46 : memref<1x2x1x80xi32, #tpu.memory_space<hbm>> -> memref<2x1x80xi32, #tpu.memory_space<hbm>>
    %dma_start3A_48 = arith.constant 0 : i32
    %dma_start3A_49 = arith.constant 0 : i32
    %dma_start3A_50 = tpu.memref_slice %arg3[%arg0, %add3A_43, %dma_start3A_48, %dma_start3A_49] : memref<2x4000x1x80xi32, #tpu.memory_space<hbm>> -> memref<1x2x1x80xi32, #tpu.memory_space<hbm>>
    %dma_start3A_51 = tpu.memref_squeeze %dma_start3A_50 : memref<1x2x1x80xi32, #tpu.memory_space<hbm>> -> memref<2x1x80xi32, #tpu.memory_space<hbm>>
    tpu.enqueue_dma source(%dma_start3A_51 : memref<2x1x80xi32, #tpu.memory_space<hbm>>) target(%arg11 : memref<2x1x80xi32, #tpu.memory_space<vmem>>) target_semaphore(%arg15 : memref<!tpu.dma_semaphore, #tpu.memory_space<semaphore_mem>>)
    %dma_start3A_52 = arith.constant 0 : i32
    %dma_start3A_53 = arith.constant 0 : i32
    %dma_start3A_54 = tpu.memref_slice %arg4[%add3A_43, %dma_start3A_52, %dma_start3A_53] : memref<4000x1x80xi32, #tpu.memory_space<hbm>> -> memref<2x1x80xi32, #tpu.memory_space<hbm>>
    %dma_start3A_55 = arith.constant 0 : i32
    %dma_start3A_56 = arith.constant 0 : i32
    %dma_start3A_57 = tpu.memref_slice %arg4[%add3A_43, %dma_start3A_55, %dma_start3A_56] : memref<4000x1x80xi32, #tpu.memory_space<hbm>> -> memref<2x1x80xi32, #tpu.memory_space<hbm>>
    tpu.enqueue_dma source(%dma_start3A_57 : memref<2x1x80xi32, #tpu.memory_space<hbm>>) target(%arg12 : memref<2x1x80xi32, #tpu.memory_space<vmem>>) target_semaphore(%arg15 : memref<!tpu.dma_semaphore, #tpu.memory_space<semaphore_mem>>)
    %dma_wait3A_58 = arith.constant 0 : i32
    %dma_wait3A_59 = arith.constant 0 : i32
    %dma_wait3A_60 = tpu.memref_slice %arg3[%arg0, %add3A_43, %dma_wait3A_58, %dma_wait3A_59] : memref<2x4000x1x80xi32, #tpu.memory_space<hbm>> -> memref<1x2x1x80xi32, #tpu.memory_space<hbm>>
    %dma_wait3A_61 = tpu.memref_squeeze %dma_wait3A_60 : memref<1x2x1x80xi32, #tpu.memory_space<hbm>> -> memref<2x1x80xi32, #tpu.memory_space<hbm>>
    %dma_wait3A_62 = arith.constant 0 : i32
    %dma_wait3A_63 = arith.constant 0 : i32
    %dma_wait3A_64 = tpu.memref_slice %arg3[%arg0, %add3A_43, %dma_wait3A_62, %dma_wait3A_63] : memref<2x4000x1x80xi32, #tpu.memory_space<hbm>> -> memref<1x2x1x80xi32, #tpu.memory_space<hbm>>
    %dma_wait3A_65 = tpu.memref_squeeze %dma_wait3A_64 : memref<1x2x1x80xi32, #tpu.memory_space<hbm>> -> memref<2x1x80xi32, #tpu.memory_space<hbm>>
    tpu.wait_dma2 semaphore(%arg15 : memref<!tpu.dma_semaphore, #tpu.memory_space<semaphore_mem>>) src(%dma_wait3A_65 : memref<2x1x80xi32, #tpu.memory_space<hbm>>) dst(%arg11 : memref<2x1x80xi32, #tpu.memory_space<vmem>>)
    %dma_wait3A_66 = arith.constant 0 : i32
    %dma_wait3A_67 = arith.constant 0 : i32
    %dma_wait3A_68 = tpu.memref_slice %arg4[%add3A_43, %dma_wait3A_66, %dma_wait3A_67] : memref<4000x1x80xi32, #tpu.memory_space<hbm>> -> memref<2x1x80xi32, #tpu.memory_space<hbm>>
    %dma_wait3A_69 = arith.constant 0 : i32
    %dma_wait3A_70 = arith.constant 0 : i32
    %dma_wait3A_71 = tpu.memref_slice %arg4[%add3A_43, %dma_wait3A_69, %dma_wait3A_70] : memref<4000x1x80xi32, #tpu.memory_space<hbm>> -> memref<2x1x80xi32, #tpu.memory_space<hbm>>
    tpu.wait_dma2 semaphore(%arg15 : memref<!tpu.dma_semaphore, #tpu.memory_space<semaphore_mem>>) src(%dma_wait3A_71 : memref<2x1x80xi32, #tpu.memory_space<hbm>>) dst(%arg12 : memref<2x1x80xi32, #tpu.memory_space<vmem>>)
    %mul3A_72 = arith.constant 10000 : i32
    %mul3A_73 = arith.muli %arg0, %mul3A_72 : i32
    %mul3A_74 = arith.constant 624 : i32
    %mul3A_75 = arith.muli %arg1, %mul3A_74 : i32
    %add3A_76 = arith.addi %mul3A_73, %mul3A_75 : i32
    %mul3A_77 = arith.constant 624 : i32
    %mul3A_78 = arith.muli %arg1, %mul3A_77 : i32
    %add3A_79 = arith.constant 0 : i32
    %add3A_80 = arith.addi %add3A_79, %mul3A_78 : i32
    "tpu.region"() ({
      %run_scoped3A = tpu.sem_alloc : memref<!tpu.dma_semaphore, #tpu.memory_space<semaphore_mem>>
      %dma_start3A_151 = arith.constant 0 : i32
      %dma_start3A_152 = tpu.memref_slice %arg6[%add3A_80, %dma_start3A_151] : memref<10000x128xf32, #tpu.memory_space<vmem_shared>> -> memref<624x128xf32, #tpu.memory_space<vmem_shared>>
      %dma_start3A_153 = arith.constant 0 : i32
      %dma_start3A_154 = tpu.memref_slice %arg2[%add3A_76, %dma_start3A_153] : memref<20000x128xf32, #tpu.memory_space<hbm>> -> memref<624x128xf32, #tpu.memory_space<hbm>>
      tpu.enqueue_dma source(%dma_start3A_154 : memref<624x128xf32, #tpu.memory_space<hbm>>) target(%dma_start3A_152 : memref<624x128xf32, #tpu.memory_space<vmem_shared>>) target_semaphore(%run_scoped3A : memref<!tpu.dma_semaphore, #tpu.memory_space<semaphore_mem>>)
      %dma_wait3A_155 = arith.constant 0 : i32
      %dma_wait3A_156 = tpu.memref_slice %arg6[%add3A_80, %dma_wait3A_155] : memref<10000x128xf32, #tpu.memory_space<vmem_shared>> -> memref<624x128xf32, #tpu.memory_space<vmem_shared>>
      %dma_wait3A_157 = arith.constant 0 : i32
      %dma_wait3A_158 = tpu.memref_slice %arg2[%add3A_76, %dma_wait3A_157] : memref<20000x128xf32, #tpu.memory_space<hbm>> -> memref<624x128xf32, #tpu.memory_space<hbm>>
      tpu.wait_dma2 semaphore(%run_scoped3A : memref<!tpu.dma_semaphore, #tpu.memory_space<semaphore_mem>>) src(%dma_wait3A_158 : memref<624x128xf32, #tpu.memory_space<hbm>>) dst(%dma_wait3A_156 : memref<624x128xf32, #tpu.memory_space<vmem_shared>>)
      tpu.yield
    }) : () -> ()
    %eq3A = arith.constant 15 : i32
    %eq3A_81 = arith.cmpi eq, %arg1, %eq3A : i32
    %convert_element_type3A = arith.extui %eq3A_81 : i1 to i32
    %cond3A = arith.constant 0 : i32
    %cond3A_82 = arith.cmpi ne, %convert_element_type3A, %cond3A : i32
    scf.if %cond3A_82 {
      %add3A_151 = arith.constant 9984 : i32
      %add3A_152 = arith.addi %mul3A_73, %add3A_151 : i32
      "tpu.region"() ({
        %run_scoped3A = tpu.sem_alloc : memref<!tpu.dma_semaphore, #tpu.memory_space<semaphore_mem>>
        %dma_start3A_153 = arith.constant 9984 : i32
        %dma_start3A_154 = arith.constant 0 : i32
        %dma_start3A_155 = tpu.memref_slice %arg6[%dma_start3A_153, %dma_start3A_154] : memref<10000x128xf32, #tpu.memory_space<vmem_shared>> -> memref<16x128xf32, #tpu.memory_space<vmem_shared>>
        %dma_start3A_156 = arith.constant 0 : i32
        %dma_start3A_157 = tpu.memref_slice %arg2[%add3A_152, %dma_start3A_156] : memref<20000x128xf32, #tpu.memory_space<hbm>> -> memref<16x128xf32, #tpu.memory_space<hbm>>
        tpu.enqueue_dma source(%dma_start3A_157 : memref<16x128xf32, #tpu.memory_space<hbm>>) target(%dma_start3A_155 : memref<16x128xf32, #tpu.memory_space<vmem_shared>>) target_semaphore(%run_scoped3A : memref<!tpu.dma_semaphore, #tpu.memory_space<semaphore_mem>>)
        %dma_wait3A_158 = arith.constant 9984 : i32
        %dma_wait3A_159 = arith.constant 0 : i32
        %dma_wait3A_160 = tpu.memref_slice %arg6[%dma_wait3A_158, %dma_wait3A_159] : memref<10000x128xf32, #tpu.memory_space<vmem_shared>> -> memref<16x128xf32, #tpu.memory_space<vmem_shared>>
        %dma_wait3A_161 = arith.constant 0 : i32
        %dma_wait3A_162 = tpu.memref_slice %arg2[%add3A_152, %dma_wait3A_161] : memref<20000x128xf32, #tpu.memory_space<hbm>> -> memref<16x128xf32, #tpu.memory_space<hbm>>
        tpu.wait_dma2 semaphore(%run_scoped3A : memref<!tpu.dma_semaphore, #tpu.memory_space<semaphore_mem>>) src(%dma_wait3A_162 : memref<16x128xf32, #tpu.memory_space<hbm>>) dst(%dma_wait3A_160 : memref<16x128xf32, #tpu.memory_space<vmem_shared>>)
        tpu.yield
      }) : () -> ()
    } else {
    }
    %barrier3A = arith.constant 0 : index
    tpu.barrier barrier_id(%barrier3A)
    %scan3A = arith.constant 0 : i32
    %scan3A_83 = arith.constant 0 : i32
    %scan3A_84 = arith.constant 62 : i32
    %scan3A_85 = arith.addi %scan3A_83, %scan3A_84 : i32
    %scan3A_86 = arith.constant 1 : i32
    scf.for %scan3A_151 = %scan3A_83 to %scan3A_85 step %scan3A_86  : i32 {
      %mul3A_152 = arith.constant 2 : i32
      %mul3A_153 = arith.muli %mul3A_152, %scan3A_151 : i32
      %add3A_154 = arith.constant 2 : i32
      %add3A_155 = arith.addi %mul3A_153, %add3A_154 : i32
      %mul3A_156 = arith.constant 2 : i32
      %mul3A_157 = arith.muli %add3A_155, %mul3A_156 : i32
      %add3A_158 = arith.addi %mul3A_0, %mul3A_157 : i32
      %min3A = arith.constant 3998 : i32
      %min3A_159 = arith.minsi %add3A_158, %min3A : i32
      %add3A_160 = arith.constant 2 : i32
      %add3A_161 = arith.addi %min3A_159, %add3A_160 : i32
      %min3A_162 = arith.constant 3998 : i32
      %min3A_163 = arith.minsi %add3A_161, %min3A_162 : i32
      %dma_wait3A_164 = arith.constant 0 : i32
      %dma_wait3A_165 = arith.constant 0 : i32
      %dma_wait3A_166 = arith.constant 0 : i32
      %dma_wait3A_167 = tpu.memref_slice %arg7[%dma_wait3A_164, %dma_wait3A_165, %dma_wait3A_166] : memref<2x1x80xi32, #tpu.memory_space<vmem>> -> memref<1x1x80xi32, #tpu.memory_space<vmem>>
      %dma_wait3A_168 = tpu.memref_squeeze %dma_wait3A_167 : memref<1x1x80xi32, #tpu.memory_space<vmem>> -> memref<80xi32, #tpu.memory_space<vmem>>
      %dma_wait3A_169 = arith.constant 0 : i32
      %dma_wait3A_170 = arith.constant 0 : i32
      %dma_wait3A_171 = tpu.memref_slice %arg2[%dma_wait3A_169, %dma_wait3A_170] : memref<20000x128xf32, #tpu.memory_space<hbm>> -> memref<20000x128xf32, #tpu.memory_space<hbm>>
      tpu.wait_indirect_dma semaphore(%arg16 : memref<!tpu.dma_semaphore, #tpu.memory_space<semaphore_mem>>) src(%dma_wait3A_171 : memref<20000x128xf32, #tpu.memory_space<hbm>>) dst(%arg9 : memref<80x128xf32, #tpu.memory_space<vmem>>)
      %dma_wait3A_172 = arith.constant 1 : i32
      %dma_wait3A_173 = arith.constant 0 : i32
      %dma_wait3A_174 = arith.constant 0 : i32
      %dma_wait3A_175 = tpu.memref_slice %arg7[%dma_wait3A_172, %dma_wait3A_173, %dma_wait3A_174] : memref<2x1x80xi32, #tpu.memory_space<vmem>> -> memref<1x1x80xi32, #tpu.memory_space<vmem>>
      %dma_wait3A_176 = tpu.memref_squeeze %dma_wait3A_175 : memref<1x1x80xi32, #tpu.memory_space<vmem>> -> memref<80xi32, #tpu.memory_space<vmem>>
      %dma_wait3A_177 = arith.constant 0 : i32
      %dma_wait3A_178 = arith.constant 0 : i32
      %dma_wait3A_179 = tpu.memref_slice %arg2[%dma_wait3A_177, %dma_wait3A_178] : memref<20000x128xf32, #tpu.memory_space<hbm>> -> memref<20000x128xf32, #tpu.memory_space<hbm>>
      tpu.wait_indirect_dma semaphore(%arg16 : memref<!tpu.dma_semaphore, #tpu.memory_space<semaphore_mem>>) src(%dma_wait3A_179 : memref<20000x128xf32, #tpu.memory_space<hbm>>) dst(%arg10 : memref<80x128xf32, #tpu.memory_space<vmem>>)
      %dma_start3A_180 = arith.constant 0 : i32
      %dma_start3A_181 = arith.constant 0 : i32
      %dma_start3A_182 = arith.constant 0 : i32
      %dma_start3A_183 = tpu.memref_slice %arg8[%dma_start3A_180, %dma_start3A_181, %dma_start3A_182] : memref<2x1x80xi32, #tpu.memory_space<vmem>> -> memref<1x1x80xi32, #tpu.memory_space<vmem>>
      %dma_start3A_184 = tpu.memref_squeeze %dma_start3A_183 : memref<1x1x80xi32, #tpu.memory_space<vmem>> -> memref<80xi32, #tpu.memory_space<vmem>>
      %dma_start3A_185 = arith.constant 0 : i32
      %dma_start3A_186 = arith.constant 0 : i32
      %dma_start3A_187 = tpu.memref_slice %arg6[%dma_start3A_185, %dma_start3A_186] : memref<10000x128xf32, #tpu.memory_space<vmem_shared>> -> memref<10000x128xf32, #tpu.memory_space<vmem_shared>>
      tpu.enqueue_indirect_dma source(%arg9 : memref<80x128xf32, #tpu.memory_space<vmem>>) target(%dma_start3A_187 : memref<10000x128xf32, #tpu.memory_space<vmem_shared>>) offsets(%dma_start3A_184 : memref<80xi32, #tpu.memory_space<vmem>>) semaphore(%arg17 : memref<!tpu.dma_semaphore, #tpu.memory_space<semaphore_mem>>) {add = true}
      %dma_start3A_188 = arith.constant 1 : i32
      %dma_start3A_189 = arith.constant 0 : i32
      %dma_start3A_190 = arith.constant 0 : i32
      %dma_start3A_191 = tpu.memref_slice %arg8[%dma_start3A_188, %dma_start3A_189, %dma_start3A_190] : memref<2x1x80xi32, #tpu.memory_space<vmem>> -> memref<1x1x80xi32, #tpu.memory_space<vmem>>
      %dma_start3A_192 = tpu.memref_squeeze %dma_start3A_191 : memref<1x1x80xi32, #tpu.memory_space<vmem>> -> memref<80xi32, #tpu.memory_space<vmem>>
      %dma_start3A_193 = arith.constant 0 : i32
      %dma_start3A_194 = arith.constant 0 : i32
      %dma_start3A_195 = tpu.memref_slice %arg6[%dma_start3A_193, %dma_start3A_194] : memref<10000x128xf32, #tpu.memory_space<vmem_shared>> -> memref<10000x128xf32, #tpu.memory_space<vmem_shared>>
      tpu.enqueue_indirect_dma source(%arg10 : memref<80x128xf32, #tpu.memory_space<vmem>>) target(%dma_start3A_195 : memref<10000x128xf32, #tpu.memory_space<vmem_shared>>) offsets(%dma_start3A_192 : memref<80xi32, #tpu.memory_space<vmem>>) semaphore(%arg17 : memref<!tpu.dma_semaphore, #tpu.memory_space<semaphore_mem>>) {add = true}
      %dma_start3A_196 = arith.constant 0 : i32
      %dma_start3A_197 = arith.constant 0 : i32
      %dma_start3A_198 = arith.constant 0 : i32
      %dma_start3A_199 = tpu.memref_slice %arg11[%dma_start3A_196, %dma_start3A_197, %dma_start3A_198] : memref<2x1x80xi32, #tpu.memory_space<vmem>> -> memref<1x1x80xi32, #tpu.memory_space<vmem>>
      %dma_start3A_200 = tpu.memref_squeeze %dma_start3A_199 : memref<1x1x80xi32, #tpu.memory_space<vmem>> -> memref<80xi32, #tpu.memory_space<vmem>>
      %dma_start3A_201 = arith.constant 0 : i32
      %dma_start3A_202 = arith.constant 0 : i32
      %dma_start3A_203 = tpu.memref_slice %arg2[%dma_start3A_201, %dma_start3A_202] : memref<20000x128xf32, #tpu.memory_space<hbm>> -> memref<20000x128xf32, #tpu.memory_space<hbm>>
      tpu.enqueue_indirect_dma source(%dma_start3A_203 : memref<20000x128xf32, #tpu.memory_space<hbm>>) target(%arg13 : memref<80x128xf32, #tpu.memory_space<vmem>>) offsets(%dma_start3A_200 : memref<80xi32, #tpu.memory_space<vmem>>) semaphore(%arg16 : memref<!tpu.dma_semaphore, #tpu.memory_space<semaphore_mem>>)
      %dma_start3A_204 = arith.constant 1 : i32
      %dma_start3A_205 = arith.constant 0 : i32
      %dma_start3A_206 = arith.constant 0 : i32
      %dma_start3A_207 = tpu.memref_slice %arg11[%dma_start3A_204, %dma_start3A_205, %dma_start3A_206] : memref<2x1x80xi32, #tpu.memory_space<vmem>> -> memref<1x1x80xi32, #tpu.memory_space<vmem>>
      %dma_start3A_208 = tpu.memref_squeeze %dma_start3A_207 : memref<1x1x80xi32, #tpu.memory_space<vmem>> -> memref<80xi32, #tpu.memory_space<vmem>>
      %dma_start3A_209 = arith.constant 0 : i32
      %dma_start3A_210 = arith.constant 0 : i32
      %dma_start3A_211 = tpu.memref_slice %arg2[%dma_start3A_209, %dma_start3A_210] : memref<20000x128xf32, #tpu.memory_space<hbm>> -> memref<20000x128xf32, #tpu.memory_space<hbm>>
      tpu.enqueue_indirect_dma source(%dma_start3A_211 : memref<20000x128xf32, #tpu.memory_space<hbm>>) target(%arg14 : memref<80x128xf32, #tpu.memory_space<vmem>>) offsets(%dma_start3A_208 : memref<80xi32, #tpu.memory_space<vmem>>) semaphore(%arg16 : memref<!tpu.dma_semaphore, #tpu.memory_space<semaphore_mem>>)
      %dma_wait3A_212 = arith.constant 0 : i32
      %dma_wait3A_213 = arith.constant 0 : i32
      %dma_wait3A_214 = arith.constant 0 : i32
      %dma_wait3A_215 = tpu.memref_slice %arg8[%dma_wait3A_212, %dma_wait3A_213, %dma_wait3A_214] : memref<2x1x80xi32, #tpu.memory_space<vmem>> -> memref<1x1x80xi32, #tpu.memory_space<vmem>>
      %dma_wait3A_216 = tpu.memref_squeeze %dma_wait3A_215 : memref<1x1x80xi32, #tpu.memory_space<vmem>> -> memref<80xi32, #tpu.memory_space<vmem>>
      %dma_wait3A_217 = arith.constant 0 : i32
      %dma_wait3A_218 = arith.constant 0 : i32
      %dma_wait3A_219 = tpu.memref_slice %arg6[%dma_wait3A_217, %dma_wait3A_218] : memref<10000x128xf32, #tpu.memory_space<vmem_shared>> -> memref<10000x128xf32, #tpu.memory_space<vmem_shared>>
      tpu.wait_indirect_dma semaphore(%arg17 : memref<!tpu.dma_semaphore, #tpu.memory_space<semaphore_mem>>) src(%arg9 : memref<80x128xf32, #tpu.memory_space<vmem>>) dst(%dma_wait3A_219 : memref<10000x128xf32, #tpu.memory_space<vmem_shared>>)
      %dma_wait3A_220 = arith.constant 1 : i32
      %dma_wait3A_221 = arith.constant 0 : i32
      %dma_wait3A_222 = arith.constant 0 : i32
      %dma_wait3A_223 = tpu.memref_slice %arg8[%dma_wait3A_220, %dma_wait3A_221, %dma_wait3A_222] : memref<2x1x80xi32, #tpu.memory_space<vmem>> -> memref<1x1x80xi32, #tpu.memory_space<vmem>>
      %dma_wait3A_224 = tpu.memref_squeeze %dma_wait3A_223 : memref<1x1x80xi32, #tpu.memory_space<vmem>> -> memref<80xi32, #tpu.memory_space<vmem>>
      %dma_wait3A_225 = arith.constant 0 : i32
      %dma_wait3A_226 = arith.constant 0 : i32
      %dma_wait3A_227 = tpu.memref_slice %arg6[%dma_wait3A_225, %dma_wait3A_226] : memref<10000x128xf32, #tpu.memory_space<vmem_shared>> -> memref<10000x128xf32, #tpu.memory_space<vmem_shared>>
      tpu.wait_indirect_dma semaphore(%arg17 : memref<!tpu.dma_semaphore, #tpu.memory_space<semaphore_mem>>) src(%arg10 : memref<80x128xf32, #tpu.memory_space<vmem>>) dst(%dma_wait3A_227 : memref<10000x128xf32, #tpu.memory_space<vmem_shared>>)
      %dma_start3A_228 = arith.constant 0 : i32
      %dma_start3A_229 = arith.constant 0 : i32
      %dma_start3A_230 = tpu.memref_slice %arg3[%arg0, %min3A_159, %dma_start3A_228, %dma_start3A_229] : memref<2x4000x1x80xi32, #tpu.memory_space<hbm>> -> memref<1x2x1x80xi32, #tpu.memory_space<hbm>>
      %dma_start3A_231 = tpu.memref_squeeze %dma_start3A_230 : memref<1x2x1x80xi32, #tpu.memory_space<hbm>> -> memref<2x1x80xi32, #tpu.memory_space<hbm>>
      %dma_start3A_232 = arith.constant 0 : i32
      %dma_start3A_233 = arith.constant 0 : i32
      %dma_start3A_234 = tpu.memref_slice %arg3[%arg0, %min3A_159, %dma_start3A_232, %dma_start3A_233] : memref<2x4000x1x80xi32, #tpu.memory_space<hbm>> -> memref<1x2x1x80xi32, #tpu.memory_space<hbm>>
      %dma_start3A_235 = tpu.memref_squeeze %dma_start3A_234 : memref<1x2x1x80xi32, #tpu.memory_space<hbm>> -> memref<2x1x80xi32, #tpu.memory_space<hbm>>
      tpu.enqueue_dma source(%dma_start3A_235 : memref<2x1x80xi32, #tpu.memory_space<hbm>>) target(%arg7 : memref<2x1x80xi32, #tpu.memory_space<vmem>>) target_semaphore(%arg15 : memref<!tpu.dma_semaphore, #tpu.memory_space<semaphore_mem>>)
      %dma_start3A_236 = arith.constant 0 : i32
      %dma_start3A_237 = arith.constant 0 : i32
      %dma_start3A_238 = tpu.memref_slice %arg4[%min3A_159, %dma_start3A_236, %dma_start3A_237] : memref<4000x1x80xi32, #tpu.memory_space<hbm>> -> memref<2x1x80xi32, #tpu.memory_space<hbm>>
      %dma_start3A_239 = arith.constant 0 : i32
      %dma_start3A_240 = arith.constant 0 : i32
      %dma_start3A_241 = tpu.memref_slice %arg4[%min3A_159, %dma_start3A_239, %dma_start3A_240] : memref<4000x1x80xi32, #tpu.memory_space<hbm>> -> memref<2x1x80xi32, #tpu.memory_space<hbm>>
      tpu.enqueue_dma source(%dma_start3A_241 : memref<2x1x80xi32, #tpu.memory_space<hbm>>) target(%arg8 : memref<2x1x80xi32, #tpu.memory_space<vmem>>) target_semaphore(%arg15 : memref<!tpu.dma_semaphore, #tpu.memory_space<semaphore_mem>>)
      %dma_wait3A_242 = arith.constant 0 : i32
      %dma_wait3A_243 = arith.constant 0 : i32
      %dma_wait3A_244 = tpu.memref_slice %arg3[%arg0, %min3A_159, %dma_wait3A_242, %dma_wait3A_243] : memref<2x4000x1x80xi32, #tpu.memory_space<hbm>> -> memref<1x2x1x80xi32, #tpu.memory_space<hbm>>
      %dma_wait3A_245 = tpu.memref_squeeze %dma_wait3A_244 : memref<1x2x1x80xi32, #tpu.memory_space<hbm>> -> memref<2x1x80xi32, #tpu.memory_space<hbm>>
      %dma_wait3A_246 = arith.constant 0 : i32
      %dma_wait3A_247 = arith.constant 0 : i32
      %dma_wait3A_248 = tpu.memref_slice %arg3[%arg0, %min3A_159, %dma_wait3A_246, %dma_wait3A_247] : memref<2x4000x1x80xi32, #tpu.memory_space<hbm>> -> memref<1x2x1x80xi32, #tpu.memory_space<hbm>>
      %dma_wait3A_249 = tpu.memref_squeeze %dma_wait3A_248 : memref<1x2x1x80xi32, #tpu.memory_space<hbm>> -> memref<2x1x80xi32, #tpu.memory_space<hbm>>
      tpu.wait_dma2 semaphore(%arg15 : memref<!tpu.dma_semaphore, #tpu.memory_space<semaphore_mem>>) src(%dma_wait3A_249 : memref<2x1x80xi32, #tpu.memory_space<hbm>>) dst(%arg7 : memref<2x1x80xi32, #tpu.memory_space<vmem>>)
      %dma_wait3A_250 = arith.constant 0 : i32
      %dma_wait3A_251 = arith.constant 0 : i32
      %dma_wait3A_252 = tpu.memref_slice %arg4[%min3A_159, %dma_wait3A_250, %dma_wait3A_251] : memref<4000x1x80xi32, #tpu.memory_space<hbm>> -> memref<2x1x80xi32, #tpu.memory_space<hbm>>
      %dma_wait3A_253 = arith.constant 0 : i32
      %dma_wait3A_254 = arith.constant 0 : i32
      %dma_wait3A_255 = tpu.memref_slice %arg4[%min3A_159, %dma_wait3A_253, %dma_wait3A_254] : memref<4000x1x80xi32, #tpu.memory_space<hbm>> -> memref<2x1x80xi32, #tpu.memory_space<hbm>>
      tpu.wait_dma2 semaphore(%arg15 : memref<!tpu.dma_semaphore, #tpu.memory_space<semaphore_mem>>) src(%dma_wait3A_255 : memref<2x1x80xi32, #tpu.memory_space<hbm>>) dst(%arg8 : memref<2x1x80xi32, #tpu.memory_space<vmem>>)
      %dma_wait3A_256 = arith.constant 0 : i32
      %dma_wait3A_257 = arith.constant 0 : i32
      %dma_wait3A_258 = arith.constant 0 : i32
      %dma_wait3A_259 = tpu.memref_slice %arg11[%dma_wait3A_256, %dma_wait3A_257, %dma_wait3A_258] : memref<2x1x80xi32, #tpu.memory_space<vmem>> -> memref<1x1x80xi32, #tpu.memory_space<vmem>>
      %dma_wait3A_260 = tpu.memref_squeeze %dma_wait3A_259 : memref<1x1x80xi32, #tpu.memory_space<vmem>> -> memref<80xi32, #tpu.memory_space<vmem>>
      %dma_wait3A_261 = arith.constant 0 : i32
      %dma_wait3A_262 = arith.constant 0 : i32
      %dma_wait3A_263 = tpu.memref_slice %arg2[%dma_wait3A_261, %dma_wait3A_262] : memref<20000x128xf32, #tpu.memory_space<hbm>> -> memref<20000x128xf32, #tpu.memory_space<hbm>>
      tpu.wait_indirect_dma semaphore(%arg16 : memref<!tpu.dma_semaphore, #tpu.memory_space<semaphore_mem>>) src(%dma_wait3A_263 : memref<20000x128xf32, #tpu.memory_space<hbm>>) dst(%arg13 : memref<80x128xf32, #tpu.memory_space<vmem>>)
      %dma_wait3A_264 = arith.constant 1 : i32
      %dma_wait3A_265 = arith.constant 0 : i32
      %dma_wait3A_266 = arith.constant 0 : i32
      %dma_wait3A_267 = tpu.memref_slice %arg11[%dma_wait3A_264, %dma_wait3A_265, %dma_wait3A_266] : memref<2x1x80xi32, #tpu.memory_space<vmem>> -> memref<1x1x80xi32, #tpu.memory_space<vmem>>
      %dma_wait3A_268 = tpu.memref_squeeze %dma_wait3A_267 : memref<1x1x80xi32, #tpu.memory_space<vmem>> -> memref<80xi32, #tpu.memory_space<vmem>>
      %dma_wait3A_269 = arith.constant 0 : i32
      %dma_wait3A_270 = arith.constant 0 : i32
      %dma_wait3A_271 = tpu.memref_slice %arg2[%dma_wait3A_269, %dma_wait3A_270] : memref<20000x128xf32, #tpu.memory_space<hbm>> -> memref<20000x128xf32, #tpu.memory_space<hbm>>
      tpu.wait_indirect_dma semaphore(%arg16 : memref<!tpu.dma_semaphore, #tpu.memory_space<semaphore_mem>>) src(%dma_wait3A_271 : memref<20000x128xf32, #tpu.memory_space<hbm>>) dst(%arg14 : memref<80x128xf32, #tpu.memory_space<vmem>>)
      %dma_start3A_272 = arith.constant 0 : i32
      %dma_start3A_273 = arith.constant 0 : i32
      %dma_start3A_274 = arith.constant 0 : i32
      %dma_start3A_275 = tpu.memref_slice %arg12[%dma_start3A_272, %dma_start3A_273, %dma_start3A_274] : memref<2x1x80xi32, #tpu.memory_space<vmem>> -> memref<1x1x80xi32, #tpu.memory_space<vmem>>
      %dma_start3A_276 = tpu.memref_squeeze %dma_start3A_275 : memref<1x1x80xi32, #tpu.memory_space<vmem>> -> memref<80xi32, #tpu.memory_space<vmem>>
      %dma_start3A_277 = arith.constant 0 : i32
      %dma_start3A_278 = arith.constant 0 : i32
      %dma_start3A_279 = tpu.memref_slice %arg6[%dma_start3A_277, %dma_start3A_278] : memref<10000x128xf32, #tpu.memory_space<vmem_shared>> -> memref<10000x128xf32, #tpu.memory_space<vmem_shared>>
      tpu.enqueue_indirect_dma source(%arg13 : memref<80x128xf32, #tpu.memory_space<vmem>>) target(%dma_start3A_279 : memref<10000x128xf32, #tpu.memory_space<vmem_shared>>) offsets(%dma_start3A_276 : memref<80xi32, #tpu.memory_space<vmem>>) semaphore(%arg18 : memref<!tpu.dma_semaphore, #tpu.memory_space<semaphore_mem>>) {add = true}
      %dma_start3A_280 = arith.constant 1 : i32
      %dma_start3A_281 = arith.constant 0 : i32
      %dma_start3A_282 = arith.constant 0 : i32
      %dma_start3A_283 = tpu.memref_slice %arg12[%dma_start3A_280, %dma_start3A_281, %dma_start3A_282] : memref<2x1x80xi32, #tpu.memory_space<vmem>> -> memref<1x1x80xi32, #tpu.memory_space<vmem>>
      %dma_start3A_284 = tpu.memref_squeeze %dma_start3A_283 : memref<1x1x80xi32, #tpu.memory_space<vmem>> -> memref<80xi32, #tpu.memory_space<vmem>>
      %dma_start3A_285 = arith.constant 0 : i32
      %dma_start3A_286 = arith.constant 0 : i32
      %dma_start3A_287 = tpu.memref_slice %arg6[%dma_start3A_285, %dma_start3A_286] : memref<10000x128xf32, #tpu.memory_space<vmem_shared>> -> memref<10000x128xf32, #tpu.memory_space<vmem_shared>>
      tpu.enqueue_indirect_dma source(%arg14 : memref<80x128xf32, #tpu.memory_space<vmem>>) target(%dma_start3A_287 : memref<10000x128xf32, #tpu.memory_space<vmem_shared>>) offsets(%dma_start3A_284 : memref<80xi32, #tpu.memory_space<vmem>>) semaphore(%arg18 : memref<!tpu.dma_semaphore, #tpu.memory_space<semaphore_mem>>) {add = true}
      %dma_start3A_288 = arith.constant 0 : i32
      %dma_start3A_289 = arith.constant 0 : i32
      %dma_start3A_290 = arith.constant 0 : i32
      %dma_start3A_291 = tpu.memref_slice %arg7[%dma_start3A_288, %dma_start3A_289, %dma_start3A_290] : memref<2x1x80xi32, #tpu.memory_space<vmem>> -> memref<1x1x80xi32, #tpu.memory_space<vmem>>
      %dma_start3A_292 = tpu.memref_squeeze %dma_start3A_291 : memref<1x1x80xi32, #tpu.memory_space<vmem>> -> memref<80xi32, #tpu.memory_space<vmem>>
      %dma_start3A_293 = arith.constant 0 : i32
      %dma_start3A_294 = arith.constant 0 : i32
      %dma_start3A_295 = tpu.memref_slice %arg2[%dma_start3A_293, %dma_start3A_294] : memref<20000x128xf32, #tpu.memory_space<hbm>> -> memref<20000x128xf32, #tpu.memory_space<hbm>>
      tpu.enqueue_indirect_dma source(%dma_start3A_295 : memref<20000x128xf32, #tpu.memory_space<hbm>>) target(%arg9 : memref<80x128xf32, #tpu.memory_space<vmem>>) offsets(%dma_start3A_292 : memref<80xi32, #tpu.memory_space<vmem>>) semaphore(%arg16 : memref<!tpu.dma_semaphore, #tpu.memory_space<semaphore_mem>>)
      %dma_start3A_296 = arith.constant 1 : i32
      %dma_start3A_297 = arith.constant 0 : i32
      %dma_start3A_298 = arith.constant 0 : i32
      %dma_start3A_299 = tpu.memref_slice %arg7[%dma_start3A_296, %dma_start3A_297, %dma_start3A_298] : memref<2x1x80xi32, #tpu.memory_space<vmem>> -> memref<1x1x80xi32, #tpu.memory_space<vmem>>
      %dma_start3A_300 = tpu.memref_squeeze %dma_start3A_299 : memref<1x1x80xi32, #tpu.memory_space<vmem>> -> memref<80xi32, #tpu.memory_space<vmem>>
      %dma_start3A_301 = arith.constant 0 : i32
      %dma_start3A_302 = arith.constant 0 : i32
      %dma_start3A_303 = tpu.memref_slice %arg2[%dma_start3A_301, %dma_start3A_302] : memref<20000x128xf32, #tpu.memory_space<hbm>> -> memref<20000x128xf32, #tpu.memory_space<hbm>>
      tpu.enqueue_indirect_dma source(%dma_start3A_303 : memref<20000x128xf32, #tpu.memory_space<hbm>>) target(%arg10 : memref<80x128xf32, #tpu.memory_space<vmem>>) offsets(%dma_start3A_300 : memref<80xi32, #tpu.memory_space<vmem>>) semaphore(%arg16 : memref<!tpu.dma_semaphore, #tpu.memory_space<semaphore_mem>>)
      %dma_wait3A_304 = arith.constant 0 : i32
      %dma_wait3A_305 = arith.constant 0 : i32
      %dma_wait3A_306 = arith.constant 0 : i32
      %dma_wait3A_307 = tpu.memref_slice %arg12[%dma_wait3A_304, %dma_wait3A_305, %dma_wait3A_306] : memref<2x1x80xi32, #tpu.memory_space<vmem>> -> memref<1x1x80xi32, #tpu.memory_space<vmem>>
      %dma_wait3A_308 = tpu.memref_squeeze %dma_wait3A_307 : memref<1x1x80xi32, #tpu.memory_space<vmem>> -> memref<80xi32, #tpu.memory_space<vmem>>
      %dma_wait3A_309 = arith.constant 0 : i32
      %dma_wait3A_310 = arith.constant 0 : i32
      %dma_wait3A_311 = tpu.memref_slice %arg6[%dma_wait3A_309, %dma_wait3A_310] : memref<10000x128xf32, #tpu.memory_space<vmem_shared>> -> memref<10000x128xf32, #tpu.memory_space<vmem_shared>>
      tpu.wait_indirect_dma semaphore(%arg18 : memref<!tpu.dma_semaphore, #tpu.memory_space<semaphore_mem>>) src(%arg13 : memref<80x128xf32, #tpu.memory_space<vmem>>) dst(%dma_wait3A_311 : memref<10000x128xf32, #tpu.memory_space<vmem_shared>>)
      %dma_wait3A_312 = arith.constant 1 : i32
      %dma_wait3A_313 = arith.constant 0 : i32
      %dma_wait3A_314 = arith.constant 0 : i32
      %dma_wait3A_315 = tpu.memref_slice %arg12[%dma_wait3A_312, %dma_wait3A_313, %dma_wait3A_314] : memref<2x1x80xi32, #tpu.memory_space<vmem>> -> memref<1x1x80xi32, #tpu.memory_space<vmem>>
      %dma_wait3A_316 = tpu.memref_squeeze %dma_wait3A_315 : memref<1x1x80xi32, #tpu.memory_space<vmem>> -> memref<80xi32, #tpu.memory_space<vmem>>
      %dma_wait3A_317 = arith.constant 0 : i32
      %dma_wait3A_318 = arith.constant 0 : i32
      %dma_wait3A_319 = tpu.memref_slice %arg6[%dma_wait3A_317, %dma_wait3A_318] : memref<10000x128xf32, #tpu.memory_space<vmem_shared>> -> memref<10000x128xf32, #tpu.memory_space<vmem_shared>>
      tpu.wait_indirect_dma semaphore(%arg18 : memref<!tpu.dma_semaphore, #tpu.memory_space<semaphore_mem>>) src(%arg14 : memref<80x128xf32, #tpu.memory_space<vmem>>) dst(%dma_wait3A_319 : memref<10000x128xf32, #tpu.memory_space<vmem_shared>>)
      %dma_start3A_320 = arith.constant 0 : i32
      %dma_start3A_321 = arith.constant 0 : i32
      %dma_start3A_322 = tpu.memref_slice %arg3[%arg0, %min3A_163, %dma_start3A_320, %dma_start3A_321] : memref<2x4000x1x80xi32, #tpu.memory_space<hbm>> -> memref<1x2x1x80xi32, #tpu.memory_space<hbm>>
      %dma_start3A_323 = tpu.memref_squeeze %dma_start3A_322 : memref<1x2x1x80xi32, #tpu.memory_space<hbm>> -> memref<2x1x80xi32, #tpu.memory_space<hbm>>
      %dma_start3A_324 = arith.constant 0 : i32
      %dma_start3A_325 = arith.constant 0 : i32
      %dma_start3A_326 = tpu.memref_slice %arg3[%arg0, %min3A_163, %dma_start3A_324, %dma_start3A_325] : memref<2x4000x1x80xi32, #tpu.memory_space<hbm>> -> memref<1x2x1x80xi32, #tpu.memory_space<hbm>>
      %dma_start3A_327 = tpu.memref_squeeze %dma_start3A_326 : memref<1x2x1x80xi32, #tpu.memory_space<hbm>> -> memref<2x1x80xi32, #tpu.memory_space<hbm>>
      tpu.enqueue_dma source(%dma_start3A_327 : memref<2x1x80xi32, #tpu.memory_space<hbm>>) target(%arg11 : memref<2x1x80xi32, #tpu.memory_space<vmem>>) target_semaphore(%arg15 : memref<!tpu.dma_semaphore, #tpu.memory_space<semaphore_mem>>)
      %dma_start3A_328 = arith.constant 0 : i32
      %dma_start3A_329 = arith.constant 0 : i32
      %dma_start3A_330 = tpu.memref_slice %arg4[%min3A_163, %dma_start3A_328, %dma_start3A_329] : memref<4000x1x80xi32, #tpu.memory_space<hbm>> -> memref<2x1x80xi32, #tpu.memory_space<hbm>>
      %dma_start3A_331 = arith.constant 0 : i32
      %dma_start3A_332 = arith.constant 0 : i32
      %dma_start3A_333 = tpu.memref_slice %arg4[%min3A_163, %dma_start3A_331, %dma_start3A_332] : memref<4000x1x80xi32, #tpu.memory_space<hbm>> -> memref<2x1x80xi32, #tpu.memory_space<hbm>>
      tpu.enqueue_dma source(%dma_start3A_333 : memref<2x1x80xi32, #tpu.memory_space<hbm>>) target(%arg12 : memref<2x1x80xi32, #tpu.memory_space<vmem>>) target_semaphore(%arg15 : memref<!tpu.dma_semaphore, #tpu.memory_space<semaphore_mem>>)
      %dma_wait3A_334 = arith.constant 0 : i32
      %dma_wait3A_335 = arith.constant 0 : i32
      %dma_wait3A_336 = tpu.memref_slice %arg3[%arg0, %min3A_163, %dma_wait3A_334, %dma_wait3A_335] : memref<2x4000x1x80xi32, #tpu.memory_space<hbm>> -> memref<1x2x1x80xi32, #tpu.memory_space<hbm>>
      %dma_wait3A_337 = tpu.memref_squeeze %dma_wait3A_336 : memref<1x2x1x80xi32, #tpu.memory_space<hbm>> -> memref<2x1x80xi32, #tpu.memory_space<hbm>>
      %dma_wait3A_338 = arith.constant 0 : i32
      %dma_wait3A_339 = arith.constant 0 : i32
      %dma_wait3A_340 = tpu.memref_slice %arg3[%arg0, %min3A_163, %dma_wait3A_338, %dma_wait3A_339] : memref<2x4000x1x80xi32, #tpu.memory_space<hbm>> -> memref<1x2x1x80xi32, #tpu.memory_space<hbm>>
      %dma_wait3A_341 = tpu.memref_squeeze %dma_wait3A_340 : memref<1x2x1x80xi32, #tpu.memory_space<hbm>> -> memref<2x1x80xi32, #tpu.memory_space<hbm>>
      tpu.wait_dma2 semaphore(%arg15 : memref<!tpu.dma_semaphore, #tpu.memory_space<semaphore_mem>>) src(%dma_wait3A_341 : memref<2x1x80xi32, #tpu.memory_space<hbm>>) dst(%arg11 : memref<2x1x80xi32, #tpu.memory_space<vmem>>)
      %dma_wait3A_342 = arith.constant 0 : i32
      %dma_wait3A_343 = arith.constant 0 : i32
      %dma_wait3A_344 = tpu.memref_slice %arg4[%min3A_163, %dma_wait3A_342, %dma_wait3A_343] : memref<4000x1x80xi32, #tpu.memory_space<hbm>> -> memref<2x1x80xi32, #tpu.memory_space<hbm>>
      %dma_wait3A_345 = arith.constant 0 : i32
      %dma_wait3A_346 = arith.constant 0 : i32
      %dma_wait3A_347 = tpu.memref_slice %arg4[%min3A_163, %dma_wait3A_345, %dma_wait3A_346] : memref<4000x1x80xi32, #tpu.memory_space<hbm>> -> memref<2x1x80xi32, #tpu.memory_space<hbm>>
      tpu.wait_dma2 semaphore(%arg15 : memref<!tpu.dma_semaphore, #tpu.memory_space<semaphore_mem>>) src(%dma_wait3A_347 : memref<2x1x80xi32, #tpu.memory_space<hbm>>) dst(%arg12 : memref<2x1x80xi32, #tpu.memory_space<vmem>>)
    }
    %scan3A_87 = arith.constant 62 : i32
    %dma_wait3A_88 = arith.constant 0 : i32
    %dma_wait3A_89 = arith.constant 0 : i32
    %dma_wait3A_90 = arith.constant 0 : i32
    %dma_wait3A_91 = tpu.memref_slice %arg7[%dma_wait3A_88, %dma_wait3A_89, %dma_wait3A_90] : memref<2x1x80xi32, #tpu.memory_space<vmem>> -> memref<1x1x80xi32, #tpu.memory_space<vmem>>
    %dma_wait3A_92 = tpu.memref_squeeze %dma_wait3A_91 : memref<1x1x80xi32, #tpu.memory_space<vmem>> -> memref<80xi32, #tpu.memory_space<vmem>>
    %dma_wait3A_93 = arith.constant 0 : i32
    %dma_wait3A_94 = arith.constant 0 : i32
    %dma_wait3A_95 = tpu.memref_slice %arg2[%dma_wait3A_93, %dma_wait3A_94] : memref<20000x128xf32, #tpu.memory_space<hbm>> -> memref<20000x128xf32, #tpu.memory_space<hbm>>
    tpu.wait_indirect_dma semaphore(%arg16 : memref<!tpu.dma_semaphore, #tpu.memory_space<semaphore_mem>>) src(%dma_wait3A_95 : memref<20000x128xf32, #tpu.memory_space<hbm>>) dst(%arg9 : memref<80x128xf32, #tpu.memory_space<vmem>>)
    %dma_wait3A_96 = arith.constant 1 : i32
    %dma_wait3A_97 = arith.constant 0 : i32
    %dma_wait3A_98 = arith.constant 0 : i32
    %dma_wait3A_99 = tpu.memref_slice %arg7[%dma_wait3A_96, %dma_wait3A_97, %dma_wait3A_98] : memref<2x1x80xi32, #tpu.memory_space<vmem>> -> memref<1x1x80xi32, #tpu.memory_space<vmem>>
    %dma_wait3A_100 = tpu.memref_squeeze %dma_wait3A_99 : memref<1x1x80xi32, #tpu.memory_space<vmem>> -> memref<80xi32, #tpu.memory_space<vmem>>
    %dma_wait3A_101 = arith.constant 0 : i32
    %dma_wait3A_102 = arith.constant 0 : i32
    %dma_wait3A_103 = tpu.memref_slice %arg2[%dma_wait3A_101, %dma_wait3A_102] : memref<20000x128xf32, #tpu.memory_space<hbm>> -> memref<20000x128xf32, #tpu.memory_space<hbm>>
    tpu.wait_indirect_dma semaphore(%arg16 : memref<!tpu.dma_semaphore, #tpu.memory_space<semaphore_mem>>) src(%dma_wait3A_103 : memref<20000x128xf32, #tpu.memory_space<hbm>>) dst(%arg10 : memref<80x128xf32, #tpu.memory_space<vmem>>)
    %dma_start3A_104 = arith.constant 0 : i32
    %dma_start3A_105 = arith.constant 0 : i32
    %dma_start3A_106 = arith.constant 0 : i32
    %dma_start3A_107 = tpu.memref_slice %arg8[%dma_start3A_104, %dma_start3A_105, %dma_start3A_106] : memref<2x1x80xi32, #tpu.memory_space<vmem>> -> memref<1x1x80xi32, #tpu.memory_space<vmem>>
    %dma_start3A_108 = tpu.memref_squeeze %dma_start3A_107 : memref<1x1x80xi32, #tpu.memory_space<vmem>> -> memref<80xi32, #tpu.memory_space<vmem>>
    %dma_start3A_109 = arith.constant 0 : i32
    %dma_start3A_110 = arith.constant 0 : i32
    %dma_start3A_111 = tpu.memref_slice %arg6[%dma_start3A_109, %dma_start3A_110] : memref<10000x128xf32, #tpu.memory_space<vmem_shared>> -> memref<10000x128xf32, #tpu.memory_space<vmem_shared>>
    tpu.enqueue_indirect_dma source(%arg9 : memref<80x128xf32, #tpu.memory_space<vmem>>) target(%dma_start3A_111 : memref<10000x128xf32, #tpu.memory_space<vmem_shared>>) offsets(%dma_start3A_108 : memref<80xi32, #tpu.memory_space<vmem>>) semaphore(%arg17 : memref<!tpu.dma_semaphore, #tpu.memory_space<semaphore_mem>>) {add = true}
    %dma_start3A_112 = arith.constant 1 : i32
    %dma_start3A_113 = arith.constant 0 : i32
    %dma_start3A_114 = arith.constant 0 : i32
    %dma_start3A_115 = tpu.memref_slice %arg8[%dma_start3A_112, %dma_start3A_113, %dma_start3A_114] : memref<2x1x80xi32, #tpu.memory_space<vmem>> -> memref<1x1x80xi32, #tpu.memory_space<vmem>>
    %dma_start3A_116 = tpu.memref_squeeze %dma_start3A_115 : memref<1x1x80xi32, #tpu.memory_space<vmem>> -> memref<80xi32, #tpu.memory_space<vmem>>
    %dma_start3A_117 = arith.constant 0 : i32
    %dma_start3A_118 = arith.constant 0 : i32
    %dma_start3A_119 = tpu.memref_slice %arg6[%dma_start3A_117, %dma_start3A_118] : memref<10000x128xf32, #tpu.memory_space<vmem_shared>> -> memref<10000x128xf32, #tpu.memory_space<vmem_shared>>
    tpu.enqueue_indirect_dma source(%arg10 : memref<80x128xf32, #tpu.memory_space<vmem>>) target(%dma_start3A_119 : memref<10000x128xf32, #tpu.memory_space<vmem_shared>>) offsets(%dma_start3A_116 : memref<80xi32, #tpu.memory_space<vmem>>) semaphore(%arg17 : memref<!tpu.dma_semaphore, #tpu.memory_space<semaphore_mem>>) {add = true}
    %dma_wait3A_120 = arith.constant 0 : i32
    %dma_wait3A_121 = arith.constant 0 : i32
    %dma_wait3A_122 = arith.constant 0 : i32
    %dma_wait3A_123 = tpu.memref_slice %arg8[%dma_wait3A_120, %dma_wait3A_121, %dma_wait3A_122] : memref<2x1x80xi32, #tpu.memory_space<vmem>> -> memref<1x1x80xi32, #tpu.memory_space<vmem>>
    %dma_wait3A_124 = tpu.memref_squeeze %dma_wait3A_123 : memref<1x1x80xi32, #tpu.memory_space<vmem>> -> memref<80xi32, #tpu.memory_space<vmem>>
    %dma_wait3A_125 = arith.constant 0 : i32
    %dma_wait3A_126 = arith.constant 0 : i32
    %dma_wait3A_127 = tpu.memref_slice %arg6[%dma_wait3A_125, %dma_wait3A_126] : memref<10000x128xf32, #tpu.memory_space<vmem_shared>> -> memref<10000x128xf32, #tpu.memory_space<vmem_shared>>
    tpu.wait_indirect_dma semaphore(%arg17 : memref<!tpu.dma_semaphore, #tpu.memory_space<semaphore_mem>>) src(%arg9 : memref<80x128xf32, #tpu.memory_space<vmem>>) dst(%dma_wait3A_127 : memref<10000x128xf32, #tpu.memory_space<vmem_shared>>)
    %dma_wait3A_128 = arith.constant 1 : i32
    %dma_wait3A_129 = arith.constant 0 : i32
    %dma_wait3A_130 = arith.constant 0 : i32
    %dma_wait3A_131 = tpu.memref_slice %arg8[%dma_wait3A_128, %dma_wait3A_129, %dma_wait3A_130] : memref<2x1x80xi32, #tpu.memory_space<vmem>> -> memref<1x1x80xi32, #tpu.memory_space<vmem>>
    %dma_wait3A_132 = tpu.memref_squeeze %dma_wait3A_131 : memref<1x1x80xi32, #tpu.memory_space<vmem>> -> memref<80xi32, #tpu.memory_space<vmem>>
    %dma_wait3A_133 = arith.constant 0 : i32
    %dma_wait3A_134 = arith.constant 0 : i32
    %dma_wait3A_135 = tpu.memref_slice %arg6[%dma_wait3A_133, %dma_wait3A_134] : memref<10000x128xf32, #tpu.memory_space<vmem_shared>> -> memref<10000x128xf32, #tpu.memory_space<vmem_shared>>
    tpu.wait_indirect_dma semaphore(%arg17 : memref<!tpu.dma_semaphore, #tpu.memory_space<semaphore_mem>>) src(%arg10 : memref<80x128xf32, #tpu.memory_space<vmem>>) dst(%dma_wait3A_135 : memref<10000x128xf32, #tpu.memory_space<vmem_shared>>)
    %barrier3A_136 = arith.constant 0 : index
    tpu.barrier barrier_id(%barrier3A_136)
    %mul3A_137 = arith.constant 10000 : i32
    %mul3A_138 = arith.muli %arg0, %mul3A_137 : i32
    %mul3A_139 = arith.constant 624 : i32
    %mul3A_140 = arith.muli %arg1, %mul3A_139 : i32
    %add3A_141 = arith.constant 0 : i32
    %add3A_142 = arith.addi %add3A_141, %mul3A_140 : i32
    %mul3A_143 = arith.constant 624 : i32
    %mul3A_144 = arith.muli %arg1, %mul3A_143 : i32
    %add3A_145 = arith.addi %mul3A_138, %mul3A_144 : i32
    "tpu.region"() ({
      %run_scoped3A = tpu.sem_alloc : memref<!tpu.dma_semaphore, #tpu.memory_space<semaphore_mem>>
      %dma_start3A_151 = arith.constant 0 : i32
      %dma_start3A_152 = tpu.memref_slice %arg5[%add3A_145, %dma_start3A_151] : memref<20000x128xf32, #tpu.memory_space<hbm>> -> memref<624x128xf32, #tpu.memory_space<hbm>>
      %dma_start3A_153 = arith.constant 0 : i32
      %dma_start3A_154 = tpu.memref_slice %arg6[%add3A_142, %dma_start3A_153] : memref<10000x128xf32, #tpu.memory_space<vmem_shared>> -> memref<624x128xf32, #tpu.memory_space<vmem_shared>>
      tpu.enqueue_dma source(%dma_start3A_154 : memref<624x128xf32, #tpu.memory_space<vmem_shared>>) target(%dma_start3A_152 : memref<624x128xf32, #tpu.memory_space<hbm>>) target_semaphore(%run_scoped3A : memref<!tpu.dma_semaphore, #tpu.memory_space<semaphore_mem>>)
      %dma_wait3A_155 = arith.constant 0 : i32
      %dma_wait3A_156 = tpu.memref_slice %arg5[%add3A_145, %dma_wait3A_155] : memref<20000x128xf32, #tpu.memory_space<hbm>> -> memref<624x128xf32, #tpu.memory_space<hbm>>
      %dma_wait3A_157 = arith.constant 0 : i32
      %dma_wait3A_158 = tpu.memref_slice %arg6[%add3A_142, %dma_wait3A_157] : memref<10000x128xf32, #tpu.memory_space<vmem_shared>> -> memref<624x128xf32, #tpu.memory_space<vmem_shared>>
      tpu.wait_dma2 semaphore(%run_scoped3A : memref<!tpu.dma_semaphore, #tpu.memory_space<semaphore_mem>>) src(%dma_wait3A_158 : memref<624x128xf32, #tpu.memory_space<vmem_shared>>) dst(%dma_wait3A_156 : memref<624x128xf32, #tpu.memory_space<hbm>>)
      tpu.yield
    }) : () -> ()
    %eq3A_146 = arith.constant 15 : i32
    %eq3A_147 = arith.cmpi eq, %arg1, %eq3A_146 : i32
    %convert_element_type3A_148 = arith.extui %eq3A_147 : i1 to i32
    %cond3A_149 = arith.constant 0 : i32
    %cond3A_150 = arith.cmpi ne, %convert_element_type3A_148, %cond3A_149 : i32
    scf.if %cond3A_150 {
      %add3A_151 = arith.constant 9984 : i32
      %add3A_152 = arith.addi %mul3A_138, %add3A_151 : i32
      "tpu.region"() ({
        %run_scoped3A = tpu.sem_alloc : memref<!tpu.dma_semaphore, #tpu.memory_space<semaphore_mem>>
        %dma_start3A_153 = arith.constant 0 : i32
        %dma_start3A_154 = tpu.memref_slice %arg5[%add3A_152, %dma_start3A_153] : memref<20000x128xf32, #tpu.memory_space<hbm>> -> memref<16x128xf32, #tpu.memory_space<hbm>>
        %dma_start3A_155 = arith.constant 9984 : i32
        %dma_start3A_156 = arith.constant 0 : i32
        %dma_start3A_157 = tpu.memref_slice %arg6[%dma_start3A_155, %dma_start3A_156] : memref<10000x128xf32, #tpu.memory_space<vmem_shared>> -> memref<16x128xf32, #tpu.memory_space<vmem_shared>>
        tpu.enqueue_dma source(%dma_start3A_157 : memref<16x128xf32, #tpu.memory_space<vmem_shared>>) target(%dma_start3A_154 : memref<16x128xf32, #tpu.memory_space<hbm>>) target_semaphore(%run_scoped3A : memref<!tpu.dma_semaphore, #tpu.memory_space<semaphore_mem>>)
        %dma_wait3A_158 = arith.constant 0 : i32
        %dma_wait3A_159 = tpu.memref_slice %arg5[%add3A_152, %dma_wait3A_158] : memref<20000x128xf32, #tpu.memory_space<hbm>> -> memref<16x128xf32, #tpu.memory_space<hbm>>
        %dma_wait3A_160 = arith.constant 9984 : i32
        %dma_wait3A_161 = arith.constant 0 : i32
        %dma_wait3A_162 = tpu.memref_slice %arg6[%dma_wait3A_160, %dma_wait3A_161] : memref<10000x128xf32, #tpu.memory_space<vmem_shared>> -> memref<16x128xf32, #tpu.memory_space<vmem_shared>>
        tpu.wait_dma2 semaphore(%run_scoped3A : memref<!tpu.dma_semaphore, #tpu.memory_space<semaphore_mem>>) src(%dma_wait3A_162 : memref<16x128xf32, #tpu.memory_space<vmem_shared>>) dst(%dma_wait3A_159 : memref<16x128xf32, #tpu.memory_space<hbm>>)
        tpu.yield
      }) : () -> ()
    } else {
    }
    return
  }
}

#map = affine_map<(d0, d1) -> (0, 0)>
#map1 = affine_map<(d0, d1) -> (0, 0, 0, 0)>
#map2 = affine_map<(d0, d1) -> (0, 0, 0)>
module attributes {stable_mosaic.version = 14 : i64} {
  func.func @_scat_body(%arg0: i32, %arg1: i32, %arg2: memref<20000x128xf32, #tpu.memory_space<hbm>>, %arg3: memref<2x4000x1x80xi32, #tpu.memory_space<hbm>>, %arg4: memref<4000x1x80xi32, #tpu.memory_space<hbm>>, %arg5: memref<20000x128xf32, #tpu.memory_space<hbm>>, %arg6: memref<10000x128xf32, #tpu.memory_space<vmem_shared>>, %arg7: memref<2x1x80xi32, #tpu.memory_space<vmem>>, %arg8: memref<2x1x80xi32, #tpu.memory_space<vmem>>, %arg9: memref<80x128xf32, #tpu.memory_space<vmem>>, %arg10: memref<80x128xf32, #tpu.memory_space<vmem>>, %arg11: memref<2x1x80xi32, #tpu.memory_space<vmem>>, %arg12: memref<2x1x80xi32, #tpu.memory_space<vmem>>, %arg13: memref<80x128xf32, #tpu.memory_space<vmem>>, %arg14: memref<80x128xf32, #tpu.memory_space<vmem>>, %arg15: memref<!tpu.dma_semaphore, #tpu.memory_space<semaphore_mem>>, %arg16: memref<!tpu.dma_semaphore, #tpu.memory_space<semaphore_mem>>, %arg17: memref<!tpu.dma_semaphore, #tpu.memory_space<semaphore_mem>>, %arg18: memref<!tpu.dma_semaphore, #tpu.memory_space<semaphore_mem>>) attributes {dimension_semantics = [#tpu.dimension_semantics<core_parallel>, #tpu.dimension_semantics<subcore_parallel>], iteration_bounds = array<i64: 2, 16>, scalar_prefetch = 0 : i64, scratch_operands = 13 : i64, tpu.core_type = #tpu.core_type<sc_vector_subcore>, window_params = [{transform_indices = #map}, {transform_indices = #map1}, {transform_indices = #map2}, {transform_indices = #map}]} {
    %mul3A = arith.constant 250 : i32
    %mul3A_0 = arith.muli %arg1, %mul3A : i32
    %dma_start3A = arith.constant 0 : i32
    %dma_start3A_1 = arith.constant 0 : i32
    %dma_start3A_2 = tpu.memref_slice %arg3[%arg0, %mul3A_0, %dma_start3A, %dma_start3A_1] : memref<2x4000x1x80xi32, #tpu.memory_space<hbm>> -> memref<1x2x1x80xi32, #tpu.memory_space<hbm>>
    %dma_start3A_3 = tpu.memref_squeeze %dma_start3A_2 : memref<1x2x1x80xi32, #tpu.memory_space<hbm>> -> memref<2x1x80xi32, #tpu.memory_space<hbm>>
    %dma_start3A_4 = arith.constant 0 : i32
    %dma_start3A_5 = arith.constant 0 : i32
    %dma_start3A_6 = tpu.memref_slice %arg3[%arg0, %mul3A_0, %dma_start3A_4, %dma_start3A_5] : memref<2x4000x1x80xi32, #tpu.memory_space<hbm>> -> memref<1x2x1x80xi32, #tpu.memory_space<hbm>>
    %dma_start3A_7 = tpu.memref_squeeze %dma_start3A_6 : memref<1x2x1x80xi32, #tpu.memory_space<hbm>> -> memref<2x1x80xi32, #tpu.memory_space<hbm>>
    tpu.enqueue_dma source(%dma_start3A_7 : memref<2x1x80xi32, #tpu.memory_space<hbm>>) target(%arg7 : memref<2x1x80xi32, #tpu.memory_space<vmem>>) target_semaphore(%arg15 : memref<!tpu.dma_semaphore, #tpu.memory_space<semaphore_mem>>)
    %dma_start3A_8 = arith.constant 0 : i32
    %dma_start3A_9 = arith.constant 0 : i32
    %dma_start3A_10 = tpu.memref_slice %arg4[%mul3A_0, %dma_start3A_8, %dma_start3A_9] : memref<4000x1x80xi32, #tpu.memory_space<hbm>> -> memref<2x1x80xi32, #tpu.memory_space<hbm>>
    %dma_start3A_11 = arith.constant 0 : i32
    %dma_start3A_12 = arith.constant 0 : i32
    %dma_start3A_13 = tpu.memref_slice %arg4[%mul3A_0, %dma_start3A_11, %dma_start3A_12] : memref<4000x1x80xi32, #tpu.memory_space<hbm>> -> memref<2x1x80xi32, #tpu.memory_space<hbm>>
    tpu.enqueue_dma source(%dma_start3A_13 : memref<2x1x80xi32, #tpu.memory_space<hbm>>) target(%arg8 : memref<2x1x80xi32, #tpu.memory_space<vmem>>) target_semaphore(%arg15 : memref<!tpu.dma_semaphore, #tpu.memory_space<semaphore_mem>>)
    %dma_wait3A = arith.constant 0 : i32
    %dma_wait3A_14 = arith.constant 0 : i32
    %dma_wait3A_15 = tpu.memref_slice %arg3[%arg0, %mul3A_0, %dma_wait3A, %dma_wait3A_14] : memref<2x4000x1x80xi32, #tpu.memory_space<hbm>> -> memref<1x2x1x80xi32, #tpu.memory_space<hbm>>
    %dma_wait3A_16 = tpu.memref_squeeze %dma_wait3A_15 : memref<1x2x1x80xi32, #tpu.memory_space<hbm>> -> memref<2x1x80xi32, #tpu.memory_space<hbm>>
    %dma_wait3A_17 = arith.constant 0 : i32
    %dma_wait3A_18 = arith.constant 0 : i32
    %dma_wait3A_19 = tpu.memref_slice %arg3[%arg0, %mul3A_0, %dma_wait3A_17, %dma_wait3A_18] : memref<2x4000x1x80xi32, #tpu.memory_space<hbm>> -> memref<1x2x1x80xi32, #tpu.memory_space<hbm>>
    %dma_wait3A_20 = tpu.memref_squeeze %dma_wait3A_19 : memref<1x2x1x80xi32, #tpu.memory_space<hbm>> -> memref<2x1x80xi32, #tpu.memory_space<hbm>>
    tpu.wait_dma2 semaphore(%arg15 : memref<!tpu.dma_semaphore, #tpu.memory_space<semaphore_mem>>) src(%dma_wait3A_20 : memref<2x1x80xi32, #tpu.memory_space<hbm>>) dst(%arg7 : memref<2x1x80xi32, #tpu.memory_space<vmem>>)
    %dma_wait3A_21 = arith.constant 0 : i32
    %dma_wait3A_22 = arith.constant 0 : i32
    %dma_wait3A_23 = tpu.memref_slice %arg4[%mul3A_0, %dma_wait3A_21, %dma_wait3A_22] : memref<4000x1x80xi32, #tpu.memory_space<hbm>> -> memref<2x1x80xi32, #tpu.memory_space<hbm>>
    %dma_wait3A_24 = arith.constant 0 : i32
    %dma_wait3A_25 = arith.constant 0 : i32
    %dma_wait3A_26 = tpu.memref_slice %arg4[%mul3A_0, %dma_wait3A_24, %dma_wait3A_25] : memref<4000x1x80xi32, #tpu.memory_space<hbm>> -> memref<2x1x80xi32, #tpu.memory_space<hbm>>
    tpu.wait_dma2 semaphore(%arg15 : memref<!tpu.dma_semaphore, #tpu.memory_space<semaphore_mem>>) src(%dma_wait3A_26 : memref<2x1x80xi32, #tpu.memory_space<hbm>>) dst(%arg8 : memref<2x1x80xi32, #tpu.memory_space<vmem>>)
    %dma_start3A_27 = arith.constant 0 : i32
    %dma_start3A_28 = arith.constant 0 : i32
    %dma_start3A_29 = arith.constant 0 : i32
    %dma_start3A_30 = tpu.memref_slice %arg7[%dma_start3A_27, %dma_start3A_28, %dma_start3A_29] : memref<2x1x80xi32, #tpu.memory_space<vmem>> -> memref<1x1x80xi32, #tpu.memory_space<vmem>>
    %dma_start3A_31 = tpu.memref_squeeze %dma_start3A_30 : memref<1x1x80xi32, #tpu.memory_space<vmem>> -> memref<80xi32, #tpu.memory_space<vmem>>
    %dma_start3A_32 = arith.constant 0 : i32
    %dma_start3A_33 = arith.constant 0 : i32
    %dma_start3A_34 = tpu.memref_slice %arg2[%dma_start3A_32, %dma_start3A_33] : memref<20000x128xf32, #tpu.memory_space<hbm>> -> memref<20000x128xf32, #tpu.memory_space<hbm>>
    tpu.enqueue_indirect_dma source(%dma_start3A_34 : memref<20000x128xf32, #tpu.memory_space<hbm>>) target(%arg9 : memref<80x128xf32, #tpu.memory_space<vmem>>) offsets(%dma_start3A_31 : memref<80xi32, #tpu.memory_space<vmem>>) semaphore(%arg16 : memref<!tpu.dma_semaphore, #tpu.memory_space<semaphore_mem>>)
    %dma_start3A_35 = arith.constant 1 : i32
    %dma_start3A_36 = arith.constant 0 : i32
    %dma_start3A_37 = arith.constant 0 : i32
    %dma_start3A_38 = tpu.memref_slice %arg7[%dma_start3A_35, %dma_start3A_36, %dma_start3A_37] : memref<2x1x80xi32, #tpu.memory_space<vmem>> -> memref<1x1x80xi32, #tpu.memory_space<vmem>>
    %dma_start3A_39 = tpu.memref_squeeze %dma_start3A_38 : memref<1x1x80xi32, #tpu.memory_space<vmem>> -> memref<80xi32, #tpu.memory_space<vmem>>
    %dma_start3A_40 = arith.constant 0 : i32
    %dma_start3A_41 = arith.constant 0 : i32
    %dma_start3A_42 = tpu.memref_slice %arg2[%dma_start3A_40, %dma_start3A_41] : memref<20000x128xf32, #tpu.memory_space<hbm>> -> memref<20000x128xf32, #tpu.memory_space<hbm>>
    tpu.enqueue_indirect_dma source(%dma_start3A_42 : memref<20000x128xf32, #tpu.memory_space<hbm>>) target(%arg10 : memref<80x128xf32, #tpu.memory_space<vmem>>) offsets(%dma_start3A_39 : memref<80xi32, #tpu.memory_space<vmem>>) semaphore(%arg16 : memref<!tpu.dma_semaphore, #tpu.memory_space<semaphore_mem>>)
    %add3A = arith.constant 2 : i32
    %add3A_43 = arith.addi %mul3A_0, %add3A : i32
    %dma_start3A_44 = arith.constant 0 : i32
    %dma_start3A_45 = arith.constant 0 : i32
    %dma_start3A_46 = tpu.memref_slice %arg3[%arg0, %add3A_43, %dma_start3A_44, %dma_start3A_45] : memref<2x4000x1x80xi32, #tpu.memory_space<hbm>> -> memref<1x2x1x80xi32, #tpu.memory_space<hbm>>
    %dma_start3A_47 = tpu.memref_squeeze %dma_start3A_46 : memref<1x2x1x80xi32, #tpu.memory_space<hbm>> -> memref<2x1x80xi32, #tpu.memory_space<hbm>>
    %dma_start3A_48 = arith.constant 0 : i32
    %dma_start3A_49 = arith.constant 0 : i32
    %dma_start3A_50 = tpu.memref_slice %arg3[%arg0, %add3A_43, %dma_start3A_48, %dma_start3A_49] : memref<2x4000x1x80xi32, #tpu.memory_space<hbm>> -> memref<1x2x1x80xi32, #tpu.memory_space<hbm>>
    %dma_start3A_51 = tpu.memref_squeeze %dma_start3A_50 : memref<1x2x1x80xi32, #tpu.memory_space<hbm>> -> memref<2x1x80xi32, #tpu.memory_space<hbm>>
    tpu.enqueue_dma source(%dma_start3A_51 : memref<2x1x80xi32, #tpu.memory_space<hbm>>) target(%arg11 : memref<2x1x80xi32, #tpu.memory_space<vmem>>) target_semaphore(%arg15 : memref<!tpu.dma_semaphore, #tpu.memory_space<semaphore_mem>>)
    %dma_start3A_52 = arith.constant 0 : i32
    %dma_start3A_53 = arith.constant 0 : i32
    %dma_start3A_54 = tpu.memref_slice %arg4[%add3A_43, %dma_start3A_52, %dma_start3A_53] : memref<4000x1x80xi32, #tpu.memory_space<hbm>> -> memref<2x1x80xi32, #tpu.memory_space<hbm>>
    %dma_start3A_55 = arith.constant 0 : i32
    %dma_start3A_56 = arith.constant 0 : i32
    %dma_start3A_57 = tpu.memref_slice %arg4[%add3A_43, %dma_start3A_55, %dma_start3A_56] : memref<4000x1x80xi32, #tpu.memory_space<hbm>> -> memref<2x1x80xi32, #tpu.memory_space<hbm>>
    tpu.enqueue_dma source(%dma_start3A_57 : memref<2x1x80xi32, #tpu.memory_space<hbm>>) target(%arg12 : memref<2x1x80xi32, #tpu.memory_space<vmem>>) target_semaphore(%arg15 : memref<!tpu.dma_semaphore, #tpu.memory_space<semaphore_mem>>)
    %dma_wait3A_58 = arith.constant 0 : i32
    %dma_wait3A_59 = arith.constant 0 : i32
    %dma_wait3A_60 = tpu.memref_slice %arg3[%arg0, %add3A_43, %dma_wait3A_58, %dma_wait3A_59] : memref<2x4000x1x80xi32, #tpu.memory_space<hbm>> -> memref<1x2x1x80xi32, #tpu.memory_space<hbm>>
    %dma_wait3A_61 = tpu.memref_squeeze %dma_wait3A_60 : memref<1x2x1x80xi32, #tpu.memory_space<hbm>> -> memref<2x1x80xi32, #tpu.memory_space<hbm>>
    %dma_wait3A_62 = arith.constant 0 : i32
    %dma_wait3A_63 = arith.constant 0 : i32
    %dma_wait3A_64 = tpu.memref_slice %arg3[%arg0, %add3A_43, %dma_wait3A_62, %dma_wait3A_63] : memref<2x4000x1x80xi32, #tpu.memory_space<hbm>> -> memref<1x2x1x80xi32, #tpu.memory_space<hbm>>
    %dma_wait3A_65 = tpu.memref_squeeze %dma_wait3A_64 : memref<1x2x1x80xi32, #tpu.memory_space<hbm>> -> memref<2x1x80xi32, #tpu.memory_space<hbm>>
    tpu.wait_dma2 semaphore(%arg15 : memref<!tpu.dma_semaphore, #tpu.memory_space<semaphore_mem>>) src(%dma_wait3A_65 : memref<2x1x80xi32, #tpu.memory_space<hbm>>) dst(%arg11 : memref<2x1x80xi32, #tpu.memory_space<vmem>>)
    %dma_wait3A_66 = arith.constant 0 : i32
    %dma_wait3A_67 = arith.constant 0 : i32
    %dma_wait3A_68 = tpu.memref_slice %arg4[%add3A_43, %dma_wait3A_66, %dma_wait3A_67] : memref<4000x1x80xi32, #tpu.memory_space<hbm>> -> memref<2x1x80xi32, #tpu.memory_space<hbm>>
    %dma_wait3A_69 = arith.constant 0 : i32
    %dma_wait3A_70 = arith.constant 0 : i32
    %dma_wait3A_71 = tpu.memref_slice %arg4[%add3A_43, %dma_wait3A_69, %dma_wait3A_70] : memref<4000x1x80xi32, #tpu.memory_space<hbm>> -> memref<2x1x80xi32, #tpu.memory_space<hbm>>
    tpu.wait_dma2 semaphore(%arg15 : memref<!tpu.dma_semaphore, #tpu.memory_space<semaphore_mem>>) src(%dma_wait3A_71 : memref<2x1x80xi32, #tpu.memory_space<hbm>>) dst(%arg12 : memref<2x1x80xi32, #tpu.memory_space<vmem>>)
    %mul3A_72 = arith.constant 10000 : i32
    %mul3A_73 = arith.muli %arg0, %mul3A_72 : i32
    %mul3A_74 = arith.constant 624 : i32
    %mul3A_75 = arith.muli %arg1, %mul3A_74 : i32
    %add3A_76 = arith.addi %mul3A_73, %mul3A_75 : i32
    %mul3A_77 = arith.constant 624 : i32
    %mul3A_78 = arith.muli %arg1, %mul3A_77 : i32
    %add3A_79 = arith.constant 0 : i32
    %add3A_80 = arith.addi %add3A_79, %mul3A_78 : i32
    "tpu.region"() ({
      %run_scoped3A = tpu.sem_alloc : memref<!tpu.dma_semaphore, #tpu.memory_space<semaphore_mem>>
      %dma_start3A_151 = arith.constant 0 : i32
      %dma_start3A_152 = tpu.memref_slice %arg6[%add3A_80, %dma_start3A_151] : memref<10000x128xf32, #tpu.memory_space<vmem_shared>> -> memref<624x128xf32, #tpu.memory_space<vmem_shared>>
      %dma_start3A_153 = arith.constant 0 : i32
      %dma_start3A_154 = tpu.memref_slice %arg2[%add3A_76, %dma_start3A_153] : memref<20000x128xf32, #tpu.memory_space<hbm>> -> memref<624x128xf32, #tpu.memory_space<hbm>>
      tpu.enqueue_dma source(%dma_start3A_154 : memref<624x128xf32, #tpu.memory_space<hbm>>) target(%dma_start3A_152 : memref<624x128xf32, #tpu.memory_space<vmem_shared>>) target_semaphore(%run_scoped3A : memref<!tpu.dma_semaphore, #tpu.memory_space<semaphore_mem>>)
      %dma_wait3A_155 = arith.constant 0 : i32
      %dma_wait3A_156 = tpu.memref_slice %arg6[%add3A_80, %dma_wait3A_155] : memref<10000x128xf32, #tpu.memory_space<vmem_shared>> -> memref<624x128xf32, #tpu.memory_space<vmem_shared>>
      %dma_wait3A_157 = arith.constant 0 : i32
      %dma_wait3A_158 = tpu.memref_slice %arg2[%add3A_76, %dma_wait3A_157] : memref<20000x128xf32, #tpu.memory_space<hbm>> -> memref<624x128xf32, #tpu.memory_space<hbm>>
      tpu.wait_dma2 semaphore(%run_scoped3A : memref<!tpu.dma_semaphore, #tpu.memory_space<semaphore_mem>>) src(%dma_wait3A_158 : memref<624x128xf32, #tpu.memory_space<hbm>>) dst(%dma_wait3A_156 : memref<624x128xf32, #tpu.memory_space<vmem_shared>>)
      tpu.yield
    }) : () -> ()
    %eq3A = arith.constant 15 : i32
    %eq3A_81 = arith.cmpi eq, %arg1, %eq3A : i32
    %convert_element_type3A = arith.extui %eq3A_81 : i1 to i32
    %cond3A = arith.constant 0 : i32
    %cond3A_82 = arith.cmpi ne, %convert_element_type3A, %cond3A : i32
    scf.if %cond3A_82 {
      %add3A_151 = arith.constant 9984 : i32
      %add3A_152 = arith.addi %mul3A_73, %add3A_151 : i32
      "tpu.region"() ({
        %run_scoped3A = tpu.sem_alloc : memref<!tpu.dma_semaphore, #tpu.memory_space<semaphore_mem>>
        %dma_start3A_153 = arith.constant 9984 : i32
        %dma_start3A_154 = arith.constant 0 : i32
        %dma_start3A_155 = tpu.memref_slice %arg6[%dma_start3A_153, %dma_start3A_154] : memref<10000x128xf32, #tpu.memory_space<vmem_shared>> -> memref<16x128xf32, #tpu.memory_space<vmem_shared>>
        %dma_start3A_156 = arith.constant 0 : i32
        %dma_start3A_157 = tpu.memref_slice %arg2[%add3A_152, %dma_start3A_156] : memref<20000x128xf32, #tpu.memory_space<hbm>> -> memref<16x128xf32, #tpu.memory_space<hbm>>
        tpu.enqueue_dma source(%dma_start3A_157 : memref<16x128xf32, #tpu.memory_space<hbm>>) target(%dma_start3A_155 : memref<16x128xf32, #tpu.memory_space<vmem_shared>>) target_semaphore(%run_scoped3A : memref<!tpu.dma_semaphore, #tpu.memory_space<semaphore_mem>>)
        %dma_wait3A_158 = arith.constant 9984 : i32
        %dma_wait3A_159 = arith.constant 0 : i32
        %dma_wait3A_160 = tpu.memref_slice %arg6[%dma_wait3A_158, %dma_wait3A_159] : memref<10000x128xf32, #tpu.memory_space<vmem_shared>> -> memref<16x128xf32, #tpu.memory_space<vmem_shared>>
        %dma_wait3A_161 = arith.constant 0 : i32
        %dma_wait3A_162 = tpu.memref_slice %arg2[%add3A_152, %dma_wait3A_161] : memref<20000x128xf32, #tpu.memory_space<hbm>> -> memref<16x128xf32, #tpu.memory_space<hbm>>
        tpu.wait_dma2 semaphore(%run_scoped3A : memref<!tpu.dma_semaphore, #tpu.memory_space<semaphore_mem>>) src(%dma_wait3A_162 : memref<16x128xf32, #tpu.memory_space<hbm>>) dst(%dma_wait3A_160 : memref<16x128xf32, #tpu.memory_space<vmem_shared>>)
        tpu.yield
      }) : () -> ()
    } else {
    }
    %barrier3A = arith.constant 0 : index
    tpu.barrier barrier_id(%barrier3A)
    %scan3A = arith.constant 0 : i32
    %scan3A_83 = arith.constant 0 : i32
    %scan3A_84 = arith.constant 62 : i32
    %scan3A_85 = arith.addi %scan3A_83, %scan3A_84 : i32
    %scan3A_86 = arith.constant 1 : i32
    scf.for %scan3A_151 = %scan3A_83 to %scan3A_85 step %scan3A_86  : i32 {
      %mul3A_152 = arith.constant 2 : i32
      %mul3A_153 = arith.muli %mul3A_152, %scan3A_151 : i32
      %add3A_154 = arith.constant 2 : i32
      %add3A_155 = arith.addi %mul3A_153, %add3A_154 : i32
      %mul3A_156 = arith.constant 2 : i32
      %mul3A_157 = arith.muli %add3A_155, %mul3A_156 : i32
      %add3A_158 = arith.addi %mul3A_0, %mul3A_157 : i32
      %min3A = arith.constant 3998 : i32
      %min3A_159 = arith.minsi %add3A_158, %min3A : i32
      %add3A_160 = arith.constant 2 : i32
      %add3A_161 = arith.addi %min3A_159, %add3A_160 : i32
      %min3A_162 = arith.constant 3998 : i32
      %min3A_163 = arith.minsi %add3A_161, %min3A_162 : i32
      %dma_wait3A_164 = arith.constant 0 : i32
      %dma_wait3A_165 = arith.constant 0 : i32
      %dma_wait3A_166 = arith.constant 0 : i32
      %dma_wait3A_167 = tpu.memref_slice %arg7[%dma_wait3A_164, %dma_wait3A_165, %dma_wait3A_166] : memref<2x1x80xi32, #tpu.memory_space<vmem>> -> memref<1x1x80xi32, #tpu.memory_space<vmem>>
      %dma_wait3A_168 = tpu.memref_squeeze %dma_wait3A_167 : memref<1x1x80xi32, #tpu.memory_space<vmem>> -> memref<80xi32, #tpu.memory_space<vmem>>
      %dma_wait3A_169 = arith.constant 0 : i32
      %dma_wait3A_170 = arith.constant 0 : i32
      %dma_wait3A_171 = tpu.memref_slice %arg2[%dma_wait3A_169, %dma_wait3A_170] : memref<20000x128xf32, #tpu.memory_space<hbm>> -> memref<20000x128xf32, #tpu.memory_space<hbm>>
      tpu.wait_indirect_dma semaphore(%arg16 : memref<!tpu.dma_semaphore, #tpu.memory_space<semaphore_mem>>) src(%dma_wait3A_171 : memref<20000x128xf32, #tpu.memory_space<hbm>>) dst(%arg9 : memref<80x128xf32, #tpu.memory_space<vmem>>)
      %dma_wait3A_172 = arith.constant 1 : i32
      %dma_wait3A_173 = arith.constant 0 : i32
      %dma_wait3A_174 = arith.constant 0 : i32
      %dma_wait3A_175 = tpu.memref_slice %arg7[%dma_wait3A_172, %dma_wait3A_173, %dma_wait3A_174] : memref<2x1x80xi32, #tpu.memory_space<vmem>> -> memref<1x1x80xi32, #tpu.memory_space<vmem>>
      %dma_wait3A_176 = tpu.memref_squeeze %dma_wait3A_175 : memref<1x1x80xi32, #tpu.memory_space<vmem>> -> memref<80xi32, #tpu.memory_space<vmem>>
      %dma_wait3A_177 = arith.constant 0 : i32
      %dma_wait3A_178 = arith.constant 0 : i32
      %dma_wait3A_179 = tpu.memref_slice %arg2[%dma_wait3A_177, %dma_wait3A_178] : memref<20000x128xf32, #tpu.memory_space<hbm>> -> memref<20000x128xf32, #tpu.memory_space<hbm>>
      tpu.wait_indirect_dma semaphore(%arg16 : memref<!tpu.dma_semaphore, #tpu.memory_space<semaphore_mem>>) src(%dma_wait3A_179 : memref<20000x128xf32, #tpu.memory_space<hbm>>) dst(%arg10 : memref<80x128xf32, #tpu.memory_space<vmem>>)
      %dma_start3A_180 = arith.constant 0 : i32
      %dma_start3A_181 = arith.constant 0 : i32
      %dma_start3A_182 = arith.constant 0 : i32
      %dma_start3A_183 = tpu.memref_slice %arg8[%dma_start3A_180, %dma_start3A_181, %dma_start3A_182] : memref<2x1x80xi32, #tpu.memory_space<vmem>> -> memref<1x1x80xi32, #tpu.memory_space<vmem>>
      %dma_start3A_184 = tpu.memref_squeeze %dma_start3A_183 : memref<1x1x80xi32, #tpu.memory_space<vmem>> -> memref<80xi32, #tpu.memory_space<vmem>>
      %dma_start3A_185 = arith.constant 0 : i32
      %dma_start3A_186 = arith.constant 0 : i32
      %dma_start3A_187 = tpu.memref_slice %arg6[%dma_start3A_185, %dma_start3A_186] : memref<10000x128xf32, #tpu.memory_space<vmem_shared>> -> memref<10000x128xf32, #tpu.memory_space<vmem_shared>>
      tpu.enqueue_indirect_dma source(%arg9 : memref<80x128xf32, #tpu.memory_space<vmem>>) target(%dma_start3A_187 : memref<10000x128xf32, #tpu.memory_space<vmem_shared>>) offsets(%dma_start3A_184 : memref<80xi32, #tpu.memory_space<vmem>>) semaphore(%arg17 : memref<!tpu.dma_semaphore, #tpu.memory_space<semaphore_mem>>) {add = true}
      %dma_start3A_188 = arith.constant 1 : i32
      %dma_start3A_189 = arith.constant 0 : i32
      %dma_start3A_190 = arith.constant 0 : i32
      %dma_start3A_191 = tpu.memref_slice %arg8[%dma_start3A_188, %dma_start3A_189, %dma_start3A_190] : memref<2x1x80xi32, #tpu.memory_space<vmem>> -> memref<1x1x80xi32, #tpu.memory_space<vmem>>
      %dma_start3A_192 = tpu.memref_squeeze %dma_start3A_191 : memref<1x1x80xi32, #tpu.memory_space<vmem>> -> memref<80xi32, #tpu.memory_space<vmem>>
      %dma_start3A_193 = arith.constant 0 : i32
      %dma_start3A_194 = arith.constant 0 : i32
      %dma_start3A_195 = tpu.memref_slice %arg6[%dma_start3A_193, %dma_start3A_194] : memref<10000x128xf32, #tpu.memory_space<vmem_shared>> -> memref<10000x128xf32, #tpu.memory_space<vmem_shared>>
      tpu.enqueue_indirect_dma source(%arg10 : memref<80x128xf32, #tpu.memory_space<vmem>>) target(%dma_start3A_195 : memref<10000x128xf32, #tpu.memory_space<vmem_shared>>) offsets(%dma_start3A_192 : memref<80xi32, #tpu.memory_space<vmem>>) semaphore(%arg17 : memref<!tpu.dma_semaphore, #tpu.memory_space<semaphore_mem>>) {add = true}
      %dma_start3A_196 = arith.constant 0 : i32
      %dma_start3A_197 = arith.constant 0 : i32
      %dma_start3A_198 = arith.constant 0 : i32
      %dma_start3A_199 = tpu.memref_slice %arg11[%dma_start3A_196, %dma_start3A_197, %dma_start3A_198] : memref<2x1x80xi32, #tpu.memory_space<vmem>> -> memref<1x1x80xi32, #tpu.memory_space<vmem>>
      %dma_start3A_200 = tpu.memref_squeeze %dma_start3A_199 : memref<1x1x80xi32, #tpu.memory_space<vmem>> -> memref<80xi32, #tpu.memory_space<vmem>>
      %dma_start3A_201 = arith.constant 0 : i32
      %dma_start3A_202 = arith.constant 0 : i32
      %dma_start3A_203 = tpu.memref_slice %arg2[%dma_start3A_201, %dma_start3A_202] : memref<20000x128xf32, #tpu.memory_space<hbm>> -> memref<20000x128xf32, #tpu.memory_space<hbm>>
      tpu.enqueue_indirect_dma source(%dma_start3A_203 : memref<20000x128xf32, #tpu.memory_space<hbm>>) target(%arg13 : memref<80x128xf32, #tpu.memory_space<vmem>>) offsets(%dma_start3A_200 : memref<80xi32, #tpu.memory_space<vmem>>) semaphore(%arg16 : memref<!tpu.dma_semaphore, #tpu.memory_space<semaphore_mem>>)
      %dma_start3A_204 = arith.constant 1 : i32
      %dma_start3A_205 = arith.constant 0 : i32
      %dma_start3A_206 = arith.constant 0 : i32
      %dma_start3A_207 = tpu.memref_slice %arg11[%dma_start3A_204, %dma_start3A_205, %dma_start3A_206] : memref<2x1x80xi32, #tpu.memory_space<vmem>> -> memref<1x1x80xi32, #tpu.memory_space<vmem>>
      %dma_start3A_208 = tpu.memref_squeeze %dma_start3A_207 : memref<1x1x80xi32, #tpu.memory_space<vmem>> -> memref<80xi32, #tpu.memory_space<vmem>>
      %dma_start3A_209 = arith.constant 0 : i32
      %dma_start3A_210 = arith.constant 0 : i32
      %dma_start3A_211 = tpu.memref_slice %arg2[%dma_start3A_209, %dma_start3A_210] : memref<20000x128xf32, #tpu.memory_space<hbm>> -> memref<20000x128xf32, #tpu.memory_space<hbm>>
      tpu.enqueue_indirect_dma source(%dma_start3A_211 : memref<20000x128xf32, #tpu.memory_space<hbm>>) target(%arg14 : memref<80x128xf32, #tpu.memory_space<vmem>>) offsets(%dma_start3A_208 : memref<80xi32, #tpu.memory_space<vmem>>) semaphore(%arg16 : memref<!tpu.dma_semaphore, #tpu.memory_space<semaphore_mem>>)
      %dma_wait3A_212 = arith.constant 0 : i32
      %dma_wait3A_213 = arith.constant 0 : i32
      %dma_wait3A_214 = arith.constant 0 : i32
      %dma_wait3A_215 = tpu.memref_slice %arg8[%dma_wait3A_212, %dma_wait3A_213, %dma_wait3A_214] : memref<2x1x80xi32, #tpu.memory_space<vmem>> -> memref<1x1x80xi32, #tpu.memory_space<vmem>>
      %dma_wait3A_216 = tpu.memref_squeeze %dma_wait3A_215 : memref<1x1x80xi32, #tpu.memory_space<vmem>> -> memref<80xi32, #tpu.memory_space<vmem>>
      %dma_wait3A_217 = arith.constant 0 : i32
      %dma_wait3A_218 = arith.constant 0 : i32
      %dma_wait3A_219 = tpu.memref_slice %arg6[%dma_wait3A_217, %dma_wait3A_218] : memref<10000x128xf32, #tpu.memory_space<vmem_shared>> -> memref<10000x128xf32, #tpu.memory_space<vmem_shared>>
      tpu.wait_indirect_dma semaphore(%arg17 : memref<!tpu.dma_semaphore, #tpu.memory_space<semaphore_mem>>) src(%arg9 : memref<80x128xf32, #tpu.memory_space<vmem>>) dst(%dma_wait3A_219 : memref<10000x128xf32, #tpu.memory_space<vmem_shared>>)
      %dma_wait3A_220 = arith.constant 1 : i32
      %dma_wait3A_221 = arith.constant 0 : i32
      %dma_wait3A_222 = arith.constant 0 : i32
      %dma_wait3A_223 = tpu.memref_slice %arg8[%dma_wait3A_220, %dma_wait3A_221, %dma_wait3A_222] : memref<2x1x80xi32, #tpu.memory_space<vmem>> -> memref<1x1x80xi32, #tpu.memory_space<vmem>>
      %dma_wait3A_224 = tpu.memref_squeeze %dma_wait3A_223 : memref<1x1x80xi32, #tpu.memory_space<vmem>> -> memref<80xi32, #tpu.memory_space<vmem>>
      %dma_wait3A_225 = arith.constant 0 : i32
      %dma_wait3A_226 = arith.constant 0 : i32
      %dma_wait3A_227 = tpu.memref_slice %arg6[%dma_wait3A_225, %dma_wait3A_226] : memref<10000x128xf32, #tpu.memory_space<vmem_shared>> -> memref<10000x128xf32, #tpu.memory_space<vmem_shared>>
      tpu.wait_indirect_dma semaphore(%arg17 : memref<!tpu.dma_semaphore, #tpu.memory_space<semaphore_mem>>) src(%arg10 : memref<80x128xf32, #tpu.memory_space<vmem>>) dst(%dma_wait3A_227 : memref<10000x128xf32, #tpu.memory_space<vmem_shared>>)
      %dma_start3A_228 = arith.constant 0 : i32
      %dma_start3A_229 = arith.constant 0 : i32
      %dma_start3A_230 = tpu.memref_slice %arg3[%arg0, %min3A_159, %dma_start3A_228, %dma_start3A_229] : memref<2x4000x1x80xi32, #tpu.memory_space<hbm>> -> memref<1x2x1x80xi32, #tpu.memory_space<hbm>>
      %dma_start3A_231 = tpu.memref_squeeze %dma_start3A_230 : memref<1x2x1x80xi32, #tpu.memory_space<hbm>> -> memref<2x1x80xi32, #tpu.memory_space<hbm>>
      %dma_start3A_232 = arith.constant 0 : i32
      %dma_start3A_233 = arith.constant 0 : i32
      %dma_start3A_234 = tpu.memref_slice %arg3[%arg0, %min3A_159, %dma_start3A_232, %dma_start3A_233] : memref<2x4000x1x80xi32, #tpu.memory_space<hbm>> -> memref<1x2x1x80xi32, #tpu.memory_space<hbm>>
      %dma_start3A_235 = tpu.memref_squeeze %dma_start3A_234 : memref<1x2x1x80xi32, #tpu.memory_space<hbm>> -> memref<2x1x80xi32, #tpu.memory_space<hbm>>
      tpu.enqueue_dma source(%dma_start3A_235 : memref<2x1x80xi32, #tpu.memory_space<hbm>>) target(%arg7 : memref<2x1x80xi32, #tpu.memory_space<vmem>>) target_semaphore(%arg15 : memref<!tpu.dma_semaphore, #tpu.memory_space<semaphore_mem>>)
      %dma_start3A_236 = arith.constant 0 : i32
      %dma_start3A_237 = arith.constant 0 : i32
      %dma_start3A_238 = tpu.memref_slice %arg4[%min3A_159, %dma_start3A_236, %dma_start3A_237] : memref<4000x1x80xi32, #tpu.memory_space<hbm>> -> memref<2x1x80xi32, #tpu.memory_space<hbm>>
      %dma_start3A_239 = arith.constant 0 : i32
      %dma_start3A_240 = arith.constant 0 : i32
      %dma_start3A_241 = tpu.memref_slice %arg4[%min3A_159, %dma_start3A_239, %dma_start3A_240] : memref<4000x1x80xi32, #tpu.memory_space<hbm>> -> memref<2x1x80xi32, #tpu.memory_space<hbm>>
      tpu.enqueue_dma source(%dma_start3A_241 : memref<2x1x80xi32, #tpu.memory_space<hbm>>) target(%arg8 : memref<2x1x80xi32, #tpu.memory_space<vmem>>) target_semaphore(%arg15 : memref<!tpu.dma_semaphore, #tpu.memory_space<semaphore_mem>>)
      %dma_wait3A_242 = arith.constant 0 : i32
      %dma_wait3A_243 = arith.constant 0 : i32
      %dma_wait3A_244 = tpu.memref_slice %arg3[%arg0, %min3A_159, %dma_wait3A_242, %dma_wait3A_243] : memref<2x4000x1x80xi32, #tpu.memory_space<hbm>> -> memref<1x2x1x80xi32, #tpu.memory_space<hbm>>
      %dma_wait3A_245 = tpu.memref_squeeze %dma_wait3A_244 : memref<1x2x1x80xi32, #tpu.memory_space<hbm>> -> memref<2x1x80xi32, #tpu.memory_space<hbm>>
      %dma_wait3A_246 = arith.constant 0 : i32
      %dma_wait3A_247 = arith.constant 0 : i32
      %dma_wait3A_248 = tpu.memref_slice %arg3[%arg0, %min3A_159, %dma_wait3A_246, %dma_wait3A_247] : memref<2x4000x1x80xi32, #tpu.memory_space<hbm>> -> memref<1x2x1x80xi32, #tpu.memory_space<hbm>>
      %dma_wait3A_249 = tpu.memref_squeeze %dma_wait3A_248 : memref<1x2x1x80xi32, #tpu.memory_space<hbm>> -> memref<2x1x80xi32, #tpu.memory_space<hbm>>
      tpu.wait_dma2 semaphore(%arg15 : memref<!tpu.dma_semaphore, #tpu.memory_space<semaphore_mem>>) src(%dma_wait3A_249 : memref<2x1x80xi32, #tpu.memory_space<hbm>>) dst(%arg7 : memref<2x1x80xi32, #tpu.memory_space<vmem>>)
      %dma_wait3A_250 = arith.constant 0 : i32
      %dma_wait3A_251 = arith.constant 0 : i32
      %dma_wait3A_252 = tpu.memref_slice %arg4[%min3A_159, %dma_wait3A_250, %dma_wait3A_251] : memref<4000x1x80xi32, #tpu.memory_space<hbm>> -> memref<2x1x80xi32, #tpu.memory_space<hbm>>
      %dma_wait3A_253 = arith.constant 0 : i32
      %dma_wait3A_254 = arith.constant 0 : i32
      %dma_wait3A_255 = tpu.memref_slice %arg4[%min3A_159, %dma_wait3A_253, %dma_wait3A_254] : memref<4000x1x80xi32, #tpu.memory_space<hbm>> -> memref<2x1x80xi32, #tpu.memory_space<hbm>>
      tpu.wait_dma2 semaphore(%arg15 : memref<!tpu.dma_semaphore, #tpu.memory_space<semaphore_mem>>) src(%dma_wait3A_255 : memref<2x1x80xi32, #tpu.memory_space<hbm>>) dst(%arg8 : memref<2x1x80xi32, #tpu.memory_space<vmem>>)
      %dma_wait3A_256 = arith.constant 0 : i32
      %dma_wait3A_257 = arith.constant 0 : i32
      %dma_wait3A_258 = arith.constant 0 : i32
      %dma_wait3A_259 = tpu.memref_slice %arg11[%dma_wait3A_256, %dma_wait3A_257, %dma_wait3A_258] : memref<2x1x80xi32, #tpu.memory_space<vmem>> -> memref<1x1x80xi32, #tpu.memory_space<vmem>>
      %dma_wait3A_260 = tpu.memref_squeeze %dma_wait3A_259 : memref<1x1x80xi32, #tpu.memory_space<vmem>> -> memref<80xi32, #tpu.memory_space<vmem>>
      %dma_wait3A_261 = arith.constant 0 : i32
      %dma_wait3A_262 = arith.constant 0 : i32
      %dma_wait3A_263 = tpu.memref_slice %arg2[%dma_wait3A_261, %dma_wait3A_262] : memref<20000x128xf32, #tpu.memory_space<hbm>> -> memref<20000x128xf32, #tpu.memory_space<hbm>>
      tpu.wait_indirect_dma semaphore(%arg16 : memref<!tpu.dma_semaphore, #tpu.memory_space<semaphore_mem>>) src(%dma_wait3A_263 : memref<20000x128xf32, #tpu.memory_space<hbm>>) dst(%arg13 : memref<80x128xf32, #tpu.memory_space<vmem>>)
      %dma_wait3A_264 = arith.constant 1 : i32
      %dma_wait3A_265 = arith.constant 0 : i32
      %dma_wait3A_266 = arith.constant 0 : i32
      %dma_wait3A_267 = tpu.memref_slice %arg11[%dma_wait3A_264, %dma_wait3A_265, %dma_wait3A_266] : memref<2x1x80xi32, #tpu.memory_space<vmem>> -> memref<1x1x80xi32, #tpu.memory_space<vmem>>
      %dma_wait3A_268 = tpu.memref_squeeze %dma_wait3A_267 : memref<1x1x80xi32, #tpu.memory_space<vmem>> -> memref<80xi32, #tpu.memory_space<vmem>>
      %dma_wait3A_269 = arith.constant 0 : i32
      %dma_wait3A_270 = arith.constant 0 : i32
      %dma_wait3A_271 = tpu.memref_slice %arg2[%dma_wait3A_269, %dma_wait3A_270] : memref<20000x128xf32, #tpu.memory_space<hbm>> -> memref<20000x128xf32, #tpu.memory_space<hbm>>
      tpu.wait_indirect_dma semaphore(%arg16 : memref<!tpu.dma_semaphore, #tpu.memory_space<semaphore_mem>>) src(%dma_wait3A_271 : memref<20000x128xf32, #tpu.memory_space<hbm>>) dst(%arg14 : memref<80x128xf32, #tpu.memory_space<vmem>>)
      %dma_start3A_272 = arith.constant 0 : i32
      %dma_start3A_273 = arith.constant 0 : i32
      %dma_start3A_274 = arith.constant 0 : i32
      %dma_start3A_275 = tpu.memref_slice %arg12[%dma_start3A_272, %dma_start3A_273, %dma_start3A_274] : memref<2x1x80xi32, #tpu.memory_space<vmem>> -> memref<1x1x80xi32, #tpu.memory_space<vmem>>
      %dma_start3A_276 = tpu.memref_squeeze %dma_start3A_275 : memref<1x1x80xi32, #tpu.memory_space<vmem>> -> memref<80xi32, #tpu.memory_space<vmem>>
      %dma_start3A_277 = arith.constant 0 : i32
      %dma_start3A_278 = arith.constant 0 : i32
      %dma_start3A_279 = tpu.memref_slice %arg6[%dma_start3A_277, %dma_start3A_278] : memref<10000x128xf32, #tpu.memory_space<vmem_shared>> -> memref<10000x128xf32, #tpu.memory_space<vmem_shared>>
      tpu.enqueue_indirect_dma source(%arg13 : memref<80x128xf32, #tpu.memory_space<vmem>>) target(%dma_start3A_279 : memref<10000x128xf32, #tpu.memory_space<vmem_shared>>) offsets(%dma_start3A_276 : memref<80xi32, #tpu.memory_space<vmem>>) semaphore(%arg18 : memref<!tpu.dma_semaphore, #tpu.memory_space<semaphore_mem>>) {add = true}
      %dma_start3A_280 = arith.constant 1 : i32
      %dma_start3A_281 = arith.constant 0 : i32
      %dma_start3A_282 = arith.constant 0 : i32
      %dma_start3A_283 = tpu.memref_slice %arg12[%dma_start3A_280, %dma_start3A_281, %dma_start3A_282] : memref<2x1x80xi32, #tpu.memory_space<vmem>> -> memref<1x1x80xi32, #tpu.memory_space<vmem>>
      %dma_start3A_284 = tpu.memref_squeeze %dma_start3A_283 : memref<1x1x80xi32, #tpu.memory_space<vmem>> -> memref<80xi32, #tpu.memory_space<vmem>>
      %dma_start3A_285 = arith.constant 0 : i32
      %dma_start3A_286 = arith.constant 0 : i32
      %dma_start3A_287 = tpu.memref_slice %arg6[%dma_start3A_285, %dma_start3A_286] : memref<10000x128xf32, #tpu.memory_space<vmem_shared>> -> memref<10000x128xf32, #tpu.memory_space<vmem_shared>>
      tpu.enqueue_indirect_dma source(%arg14 : memref<80x128xf32, #tpu.memory_space<vmem>>) target(%dma_start3A_287 : memref<10000x128xf32, #tpu.memory_space<vmem_shared>>) offsets(%dma_start3A_284 : memref<80xi32, #tpu.memory_space<vmem>>) semaphore(%arg18 : memref<!tpu.dma_semaphore, #tpu.memory_space<semaphore_mem>>) {add = true}
      %dma_start3A_288 = arith.constant 0 : i32
      %dma_start3A_289 = arith.constant 0 : i32
      %dma_start3A_290 = arith.constant 0 : i32
      %dma_start3A_291 = tpu.memref_slice %arg7[%dma_start3A_288, %dma_start3A_289, %dma_start3A_290] : memref<2x1x80xi32, #tpu.memory_space<vmem>> -> memref<1x1x80xi32, #tpu.memory_space<vmem>>
      %dma_start3A_292 = tpu.memref_squeeze %dma_start3A_291 : memref<1x1x80xi32, #tpu.memory_space<vmem>> -> memref<80xi32, #tpu.memory_space<vmem>>
      %dma_start3A_293 = arith.constant 0 : i32
      %dma_start3A_294 = arith.constant 0 : i32
      %dma_start3A_295 = tpu.memref_slice %arg2[%dma_start3A_293, %dma_start3A_294] : memref<20000x128xf32, #tpu.memory_space<hbm>> -> memref<20000x128xf32, #tpu.memory_space<hbm>>
      tpu.enqueue_indirect_dma source(%dma_start3A_295 : memref<20000x128xf32, #tpu.memory_space<hbm>>) target(%arg9 : memref<80x128xf32, #tpu.memory_space<vmem>>) offsets(%dma_start3A_292 : memref<80xi32, #tpu.memory_space<vmem>>) semaphore(%arg16 : memref<!tpu.dma_semaphore, #tpu.memory_space<semaphore_mem>>)
      %dma_start3A_296 = arith.constant 1 : i32
      %dma_start3A_297 = arith.constant 0 : i32
      %dma_start3A_298 = arith.constant 0 : i32
      %dma_start3A_299 = tpu.memref_slice %arg7[%dma_start3A_296, %dma_start3A_297, %dma_start3A_298] : memref<2x1x80xi32, #tpu.memory_space<vmem>> -> memref<1x1x80xi32, #tpu.memory_space<vmem>>
      %dma_start3A_300 = tpu.memref_squeeze %dma_start3A_299 : memref<1x1x80xi32, #tpu.memory_space<vmem>> -> memref<80xi32, #tpu.memory_space<vmem>>
      %dma_start3A_301 = arith.constant 0 : i32
      %dma_start3A_302 = arith.constant 0 : i32
      %dma_start3A_303 = tpu.memref_slice %arg2[%dma_start3A_301, %dma_start3A_302] : memref<20000x128xf32, #tpu.memory_space<hbm>> -> memref<20000x128xf32, #tpu.memory_space<hbm>>
      tpu.enqueue_indirect_dma source(%dma_start3A_303 : memref<20000x128xf32, #tpu.memory_space<hbm>>) target(%arg10 : memref<80x128xf32, #tpu.memory_space<vmem>>) offsets(%dma_start3A_300 : memref<80xi32, #tpu.memory_space<vmem>>) semaphore(%arg16 : memref<!tpu.dma_semaphore, #tpu.memory_space<semaphore_mem>>)
      %dma_wait3A_304 = arith.constant 0 : i32
      %dma_wait3A_305 = arith.constant 0 : i32
      %dma_wait3A_306 = arith.constant 0 : i32
      %dma_wait3A_307 = tpu.memref_slice %arg12[%dma_wait3A_304, %dma_wait3A_305, %dma_wait3A_306] : memref<2x1x80xi32, #tpu.memory_space<vmem>> -> memref<1x1x80xi32, #tpu.memory_space<vmem>>
      %dma_wait3A_308 = tpu.memref_squeeze %dma_wait3A_307 : memref<1x1x80xi32, #tpu.memory_space<vmem>> -> memref<80xi32, #tpu.memory_space<vmem>>
      %dma_wait3A_309 = arith.constant 0 : i32
      %dma_wait3A_310 = arith.constant 0 : i32
      %dma_wait3A_311 = tpu.memref_slice %arg6[%dma_wait3A_309, %dma_wait3A_310] : memref<10000x128xf32, #tpu.memory_space<vmem_shared>> -> memref<10000x128xf32, #tpu.memory_space<vmem_shared>>
      tpu.wait_indirect_dma semaphore(%arg18 : memref<!tpu.dma_semaphore, #tpu.memory_space<semaphore_mem>>) src(%arg13 : memref<80x128xf32, #tpu.memory_space<vmem>>) dst(%dma_wait3A_311 : memref<10000x128xf32, #tpu.memory_space<vmem_shared>>)
      %dma_wait3A_312 = arith.constant 1 : i32
      %dma_wait3A_313 = arith.constant 0 : i32
      %dma_wait3A_314 = arith.constant 0 : i32
      %dma_wait3A_315 = tpu.memref_slice %arg12[%dma_wait3A_312, %dma_wait3A_313, %dma_wait3A_314] : memref<2x1x80xi32, #tpu.memory_space<vmem>> -> memref<1x1x80xi32, #tpu.memory_space<vmem>>
      %dma_wait3A_316 = tpu.memref_squeeze %dma_wait3A_315 : memref<1x1x80xi32, #tpu.memory_space<vmem>> -> memref<80xi32, #tpu.memory_space<vmem>>
      %dma_wait3A_317 = arith.constant 0 : i32
      %dma_wait3A_318 = arith.constant 0 : i32
      %dma_wait3A_319 = tpu.memref_slice %arg6[%dma_wait3A_317, %dma_wait3A_318] : memref<10000x128xf32, #tpu.memory_space<vmem_shared>> -> memref<10000x128xf32, #tpu.memory_space<vmem_shared>>
      tpu.wait_indirect_dma semaphore(%arg18 : memref<!tpu.dma_semaphore, #tpu.memory_space<semaphore_mem>>) src(%arg14 : memref<80x128xf32, #tpu.memory_space<vmem>>) dst(%dma_wait3A_319 : memref<10000x128xf32, #tpu.memory_space<vmem_shared>>)
      %dma_start3A_320 = arith.constant 0 : i32
      %dma_start3A_321 = arith.constant 0 : i32
      %dma_start3A_322 = tpu.memref_slice %arg3[%arg0, %min3A_163, %dma_start3A_320, %dma_start3A_321] : memref<2x4000x1x80xi32, #tpu.memory_space<hbm>> -> memref<1x2x1x80xi32, #tpu.memory_space<hbm>>
      %dma_start3A_323 = tpu.memref_squeeze %dma_start3A_322 : memref<1x2x1x80xi32, #tpu.memory_space<hbm>> -> memref<2x1x80xi32, #tpu.memory_space<hbm>>
      %dma_start3A_324 = arith.constant 0 : i32
      %dma_start3A_325 = arith.constant 0 : i32
      %dma_start3A_326 = tpu.memref_slice %arg3[%arg0, %min3A_163, %dma_start3A_324, %dma_start3A_325] : memref<2x4000x1x80xi32, #tpu.memory_space<hbm>> -> memref<1x2x1x80xi32, #tpu.memory_space<hbm>>
      %dma_start3A_327 = tpu.memref_squeeze %dma_start3A_326 : memref<1x2x1x80xi32, #tpu.memory_space<hbm>> -> memref<2x1x80xi32, #tpu.memory_space<hbm>>
      tpu.enqueue_dma source(%dma_start3A_327 : memref<2x1x80xi32, #tpu.memory_space<hbm>>) target(%arg11 : memref<2x1x80xi32, #tpu.memory_space<vmem>>) target_semaphore(%arg15 : memref<!tpu.dma_semaphore, #tpu.memory_space<semaphore_mem>>)
      %dma_start3A_328 = arith.constant 0 : i32
      %dma_start3A_329 = arith.constant 0 : i32
      %dma_start3A_330 = tpu.memref_slice %arg4[%min3A_163, %dma_start3A_328, %dma_start3A_329] : memref<4000x1x80xi32, #tpu.memory_space<hbm>> -> memref<2x1x80xi32, #tpu.memory_space<hbm>>
      %dma_start3A_331 = arith.constant 0 : i32
      %dma_start3A_332 = arith.constant 0 : i32
      %dma_start3A_333 = tpu.memref_slice %arg4[%min3A_163, %dma_start3A_331, %dma_start3A_332] : memref<4000x1x80xi32, #tpu.memory_space<hbm>> -> memref<2x1x80xi32, #tpu.memory_space<hbm>>
      tpu.enqueue_dma source(%dma_start3A_333 : memref<2x1x80xi32, #tpu.memory_space<hbm>>) target(%arg12 : memref<2x1x80xi32, #tpu.memory_space<vmem>>) target_semaphore(%arg15 : memref<!tpu.dma_semaphore, #tpu.memory_space<semaphore_mem>>)
      %dma_wait3A_334 = arith.constant 0 : i32
      %dma_wait3A_335 = arith.constant 0 : i32
      %dma_wait3A_336 = tpu.memref_slice %arg3[%arg0, %min3A_163, %dma_wait3A_334, %dma_wait3A_335] : memref<2x4000x1x80xi32, #tpu.memory_space<hbm>> -> memref<1x2x1x80xi32, #tpu.memory_space<hbm>>
      %dma_wait3A_337 = tpu.memref_squeeze %dma_wait3A_336 : memref<1x2x1x80xi32, #tpu.memory_space<hbm>> -> memref<2x1x80xi32, #tpu.memory_space<hbm>>
      %dma_wait3A_338 = arith.constant 0 : i32
      %dma_wait3A_339 = arith.constant 0 : i32
      %dma_wait3A_340 = tpu.memref_slice %arg3[%arg0, %min3A_163, %dma_wait3A_338, %dma_wait3A_339] : memref<2x4000x1x80xi32, #tpu.memory_space<hbm>> -> memref<1x2x1x80xi32, #tpu.memory_space<hbm>>
      %dma_wait3A_341 = tpu.memref_squeeze %dma_wait3A_340 : memref<1x2x1x80xi32, #tpu.memory_space<hbm>> -> memref<2x1x80xi32, #tpu.memory_space<hbm>>
      tpu.wait_dma2 semaphore(%arg15 : memref<!tpu.dma_semaphore, #tpu.memory_space<semaphore_mem>>) src(%dma_wait3A_341 : memref<2x1x80xi32, #tpu.memory_space<hbm>>) dst(%arg11 : memref<2x1x80xi32, #tpu.memory_space<vmem>>)
      %dma_wait3A_342 = arith.constant 0 : i32
      %dma_wait3A_343 = arith.constant 0 : i32
      %dma_wait3A_344 = tpu.memref_slice %arg4[%min3A_163, %dma_wait3A_342, %dma_wait3A_343] : memref<4000x1x80xi32, #tpu.memory_space<hbm>> -> memref<2x1x80xi32, #tpu.memory_space<hbm>>
      %dma_wait3A_345 = arith.constant 0 : i32
      %dma_wait3A_346 = arith.constant 0 : i32
      %dma_wait3A_347 = tpu.memref_slice %arg4[%min3A_163, %dma_wait3A_345, %dma_wait3A_346] : memref<4000x1x80xi32, #tpu.memory_space<hbm>> -> memref<2x1x80xi32, #tpu.memory_space<hbm>>
      tpu.wait_dma2 semaphore(%arg15 : memref<!tpu.dma_semaphore, #tpu.memory_space<semaphore_mem>>) src(%dma_wait3A_347 : memref<2x1x80xi32, #tpu.memory_space<hbm>>) dst(%arg12 : memref<2x1x80xi32, #tpu.memory_space<vmem>>)
    }
    %scan3A_87 = arith.constant 62 : i32
    %dma_wait3A_88 = arith.constant 0 : i32
    %dma_wait3A_89 = arith.constant 0 : i32
    %dma_wait3A_90 = arith.constant 0 : i32
    %dma_wait3A_91 = tpu.memref_slice %arg7[%dma_wait3A_88, %dma_wait3A_89, %dma_wait3A_90] : memref<2x1x80xi32, #tpu.memory_space<vmem>> -> memref<1x1x80xi32, #tpu.memory_space<vmem>>
    %dma_wait3A_92 = tpu.memref_squeeze %dma_wait3A_91 : memref<1x1x80xi32, #tpu.memory_space<vmem>> -> memref<80xi32, #tpu.memory_space<vmem>>
    %dma_wait3A_93 = arith.constant 0 : i32
    %dma_wait3A_94 = arith.constant 0 : i32
    %dma_wait3A_95 = tpu.memref_slice %arg2[%dma_wait3A_93, %dma_wait3A_94] : memref<20000x128xf32, #tpu.memory_space<hbm>> -> memref<20000x128xf32, #tpu.memory_space<hbm>>
    tpu.wait_indirect_dma semaphore(%arg16 : memref<!tpu.dma_semaphore, #tpu.memory_space<semaphore_mem>>) src(%dma_wait3A_95 : memref<20000x128xf32, #tpu.memory_space<hbm>>) dst(%arg9 : memref<80x128xf32, #tpu.memory_space<vmem>>)
    %dma_wait3A_96 = arith.constant 1 : i32
    %dma_wait3A_97 = arith.constant 0 : i32
    %dma_wait3A_98 = arith.constant 0 : i32
    %dma_wait3A_99 = tpu.memref_slice %arg7[%dma_wait3A_96, %dma_wait3A_97, %dma_wait3A_98] : memref<2x1x80xi32, #tpu.memory_space<vmem>> -> memref<1x1x80xi32, #tpu.memory_space<vmem>>
    %dma_wait3A_100 = tpu.memref_squeeze %dma_wait3A_99 : memref<1x1x80xi32, #tpu.memory_space<vmem>> -> memref<80xi32, #tpu.memory_space<vmem>>
    %dma_wait3A_101 = arith.constant 0 : i32
    %dma_wait3A_102 = arith.constant 0 : i32
    %dma_wait3A_103 = tpu.memref_slice %arg2[%dma_wait3A_101, %dma_wait3A_102] : memref<20000x128xf32, #tpu.memory_space<hbm>> -> memref<20000x128xf32, #tpu.memory_space<hbm>>
    tpu.wait_indirect_dma semaphore(%arg16 : memref<!tpu.dma_semaphore, #tpu.memory_space<semaphore_mem>>) src(%dma_wait3A_103 : memref<20000x128xf32, #tpu.memory_space<hbm>>) dst(%arg10 : memref<80x128xf32, #tpu.memory_space<vmem>>)
    %dma_start3A_104 = arith.constant 0 : i32
    %dma_start3A_105 = arith.constant 0 : i32
    %dma_start3A_106 = arith.constant 0 : i32
    %dma_start3A_107 = tpu.memref_slice %arg8[%dma_start3A_104, %dma_start3A_105, %dma_start3A_106] : memref<2x1x80xi32, #tpu.memory_space<vmem>> -> memref<1x1x80xi32, #tpu.memory_space<vmem>>
    %dma_start3A_108 = tpu.memref_squeeze %dma_start3A_107 : memref<1x1x80xi32, #tpu.memory_space<vmem>> -> memref<80xi32, #tpu.memory_space<vmem>>
    %dma_start3A_109 = arith.constant 0 : i32
    %dma_start3A_110 = arith.constant 0 : i32
    %dma_start3A_111 = tpu.memref_slice %arg6[%dma_start3A_109, %dma_start3A_110] : memref<10000x128xf32, #tpu.memory_space<vmem_shared>> -> memref<10000x128xf32, #tpu.memory_space<vmem_shared>>
    tpu.enqueue_indirect_dma source(%arg9 : memref<80x128xf32, #tpu.memory_space<vmem>>) target(%dma_start3A_111 : memref<10000x128xf32, #tpu.memory_space<vmem_shared>>) offsets(%dma_start3A_108 : memref<80xi32, #tpu.memory_space<vmem>>) semaphore(%arg17 : memref<!tpu.dma_semaphore, #tpu.memory_space<semaphore_mem>>) {add = true}
    %dma_start3A_112 = arith.constant 1 : i32
    %dma_start3A_113 = arith.constant 0 : i32
    %dma_start3A_114 = arith.constant 0 : i32
    %dma_start3A_115 = tpu.memref_slice %arg8[%dma_start3A_112, %dma_start3A_113, %dma_start3A_114] : memref<2x1x80xi32, #tpu.memory_space<vmem>> -> memref<1x1x80xi32, #tpu.memory_space<vmem>>
    %dma_start3A_116 = tpu.memref_squeeze %dma_start3A_115 : memref<1x1x80xi32, #tpu.memory_space<vmem>> -> memref<80xi32, #tpu.memory_space<vmem>>
    %dma_start3A_117 = arith.constant 0 : i32
    %dma_start3A_118 = arith.constant 0 : i32
    %dma_start3A_119 = tpu.memref_slice %arg6[%dma_start3A_117, %dma_start3A_118] : memref<10000x128xf32, #tpu.memory_space<vmem_shared>> -> memref<10000x128xf32, #tpu.memory_space<vmem_shared>>
    tpu.enqueue_indirect_dma source(%arg10 : memref<80x128xf32, #tpu.memory_space<vmem>>) target(%dma_start3A_119 : memref<10000x128xf32, #tpu.memory_space<vmem_shared>>) offsets(%dma_start3A_116 : memref<80xi32, #tpu.memory_space<vmem>>) semaphore(%arg17 : memref<!tpu.dma_semaphore, #tpu.memory_space<semaphore_mem>>) {add = true}
    %dma_wait3A_120 = arith.constant 0 : i32
    %dma_wait3A_121 = arith.constant 0 : i32
    %dma_wait3A_122 = arith.constant 0 : i32
    %dma_wait3A_123 = tpu.memref_slice %arg8[%dma_wait3A_120, %dma_wait3A_121, %dma_wait3A_122] : memref<2x1x80xi32, #tpu.memory_space<vmem>> -> memref<1x1x80xi32, #tpu.memory_space<vmem>>
    %dma_wait3A_124 = tpu.memref_squeeze %dma_wait3A_123 : memref<1x1x80xi32, #tpu.memory_space<vmem>> -> memref<80xi32, #tpu.memory_space<vmem>>
    %dma_wait3A_125 = arith.constant 0 : i32
    %dma_wait3A_126 = arith.constant 0 : i32
    %dma_wait3A_127 = tpu.memref_slice %arg6[%dma_wait3A_125, %dma_wait3A_126] : memref<10000x128xf32, #tpu.memory_space<vmem_shared>> -> memref<10000x128xf32, #tpu.memory_space<vmem_shared>>
    tpu.wait_indirect_dma semaphore(%arg17 : memref<!tpu.dma_semaphore, #tpu.memory_space<semaphore_mem>>) src(%arg9 : memref<80x128xf32, #tpu.memory_space<vmem>>) dst(%dma_wait3A_127 : memref<10000x128xf32, #tpu.memory_space<vmem_shared>>)
    %dma_wait3A_128 = arith.constant 1 : i32
    %dma_wait3A_129 = arith.constant 0 : i32
    %dma_wait3A_130 = arith.constant 0 : i32
    %dma_wait3A_131 = tpu.memref_slice %arg8[%dma_wait3A_128, %dma_wait3A_129, %dma_wait3A_130] : memref<2x1x80xi32, #tpu.memory_space<vmem>> -> memref<1x1x80xi32, #tpu.memory_space<vmem>>
    %dma_wait3A_132 = tpu.memref_squeeze %dma_wait3A_131 : memref<1x1x80xi32, #tpu.memory_space<vmem>> -> memref<80xi32, #tpu.memory_space<vmem>>
    %dma_wait3A_133 = arith.constant 0 : i32
    %dma_wait3A_134 = arith.constant 0 : i32
    %dma_wait3A_135 = tpu.memref_slice %arg6[%dma_wait3A_133, %dma_wait3A_134] : memref<10000x128xf32, #tpu.memory_space<vmem_shared>> -> memref<10000x128xf32, #tpu.memory_space<vmem_shared>>
    tpu.wait_indirect_dma semaphore(%arg17 : memref<!tpu.dma_semaphore, #tpu.memory_space<semaphore_mem>>) src(%arg10 : memref<80x128xf32, #tpu.memory_space<vmem>>) dst(%dma_wait3A_135 : memref<10000x128xf32, #tpu.memory_space<vmem_shared>>)
    %barrier3A_136 = arith.constant 0 : index
    tpu.barrier barrier_id(%barrier3A_136)
    %mul3A_137 = arith.constant 10000 : i32
    %mul3A_138 = arith.muli %arg0, %mul3A_137 : i32
    %mul3A_139 = arith.constant 624 : i32
    %mul3A_140 = arith.muli %arg1, %mul3A_139 : i32
    %add3A_141 = arith.constant 0 : i32
    %add3A_142 = arith.addi %add3A_141, %mul3A_140 : i32
    %mul3A_143 = arith.constant 624 : i32
    %mul3A_144 = arith.muli %arg1, %mul3A_143 : i32
    %add3A_145 = arith.addi %mul3A_138, %mul3A_144 : i32
    "tpu.region"() ({
      %run_scoped3A = tpu.sem_alloc : memref<!tpu.dma_semaphore, #tpu.memory_space<semaphore_mem>>
      %dma_start3A_151 = arith.constant 0 : i32
      %dma_start3A_152 = tpu.memref_slice %arg5[%add3A_145, %dma_start3A_151] : memref<20000x128xf32, #tpu.memory_space<hbm>> -> memref<624x128xf32, #tpu.memory_space<hbm>>
      %dma_start3A_153 = arith.constant 0 : i32
      %dma_start3A_154 = tpu.memref_slice %arg6[%add3A_142, %dma_start3A_153] : memref<10000x128xf32, #tpu.memory_space<vmem_shared>> -> memref<624x128xf32, #tpu.memory_space<vmem_shared>>
      tpu.enqueue_dma source(%dma_start3A_154 : memref<624x128xf32, #tpu.memory_space<vmem_shared>>) target(%dma_start3A_152 : memref<624x128xf32, #tpu.memory_space<hbm>>) target_semaphore(%run_scoped3A : memref<!tpu.dma_semaphore, #tpu.memory_space<semaphore_mem>>)
      %dma_wait3A_155 = arith.constant 0 : i32
      %dma_wait3A_156 = tpu.memref_slice %arg5[%add3A_145, %dma_wait3A_155] : memref<20000x128xf32, #tpu.memory_space<hbm>> -> memref<624x128xf32, #tpu.memory_space<hbm>>
      %dma_wait3A_157 = arith.constant 0 : i32
      %dma_wait3A_158 = tpu.memref_slice %arg6[%add3A_142, %dma_wait3A_157] : memref<10000x128xf32, #tpu.memory_space<vmem_shared>> -> memref<624x128xf32, #tpu.memory_space<vmem_shared>>
      tpu.wait_dma2 semaphore(%run_scoped3A : memref<!tpu.dma_semaphore, #tpu.memory_space<semaphore_mem>>) src(%dma_wait3A_158 : memref<624x128xf32, #tpu.memory_space<vmem_shared>>) dst(%dma_wait3A_156 : memref<624x128xf32, #tpu.memory_space<hbm>>)
      tpu.yield
    }) : () -> ()
    %eq3A_146 = arith.constant 15 : i32
    %eq3A_147 = arith.cmpi eq, %arg1, %eq3A_146 : i32
    %convert_element_type3A_148 = arith.extui %eq3A_147 : i1 to i32
    %cond3A_149 = arith.constant 0 : i32
    %cond3A_150 = arith.cmpi ne, %convert_element_type3A_148, %cond3A_149 : i32
    scf.if %cond3A_150 {
      %add3A_151 = arith.constant 9984 : i32
      %add3A_152 = arith.addi %mul3A_138, %add3A_151 : i32
      "tpu.region"() ({
        %run_scoped3A = tpu.sem_alloc : memref<!tpu.dma_semaphore, #tpu.memory_space<semaphore_mem>>
        %dma_start3A_153 = arith.constant 0 : i32
        %dma_start3A_154 = tpu.memref_slice %arg5[%add3A_152, %dma_start3A_153] : memref<20000x128xf32, #tpu.memory_space<hbm>> -> memref<16x128xf32, #tpu.memory_space<hbm>>
        %dma_start3A_155 = arith.constant 9984 : i32
        %dma_start3A_156 = arith.constant 0 : i32
        %dma_start3A_157 = tpu.memref_slice %arg6[%dma_start3A_155, %dma_start3A_156] : memref<10000x128xf32, #tpu.memory_space<vmem_shared>> -> memref<16x128xf32, #tpu.memory_space<vmem_shared>>
        tpu.enqueue_dma source(%dma_start3A_157 : memref<16x128xf32, #tpu.memory_space<vmem_shared>>) target(%dma_start3A_154 : memref<16x128xf32, #tpu.memory_space<hbm>>) target_semaphore(%run_scoped3A : memref<!tpu.dma_semaphore, #tpu.memory_space<semaphore_mem>>)
        %dma_wait3A_158 = arith.constant 0 : i32
        %dma_wait3A_159 = tpu.memref_slice %arg5[%add3A_152, %dma_wait3A_158] : memref<20000x128xf32, #tpu.memory_space<hbm>> -> memref<16x128xf32, #tpu.memory_space<hbm>>
        %dma_wait3A_160 = arith.constant 9984 : i32
        %dma_wait3A_161 = arith.constant 0 : i32
        %dma_wait3A_162 = tpu.memref_slice %arg6[%dma_wait3A_160, %dma_wait3A_161] : memref<10000x128xf32, #tpu.memory_space<vmem_shared>> -> memref<16x128xf32, #tpu.memory_space<vmem_shared>>
        tpu.wait_dma2 semaphore(%run_scoped3A : memref<!tpu.dma_semaphore, #tpu.memory_space<semaphore_mem>>) src(%dma_wait3A_162 : memref<16x128xf32, #tpu.memory_space<vmem_shared>>) dst(%dma_wait3A_159 : memref<16x128xf32, #tpu.memory_space<hbm>>)
        tpu.yield
      }) : () -> ()
    } else {
    }
    return
  }
}

#map = affine_map<(d0, d1) -> (0, 0, 0)>
#map1 = affine_map<(d0, d1) -> (0, 0)>
module attributes {stable_mosaic.version = 14 : i64} {
  func.func @_deg_body(%arg0: i32, %arg1: i32, %arg2: memref<2560x1x125xi32, #tpu.memory_space<hbm>>, %arg3: memref<10000x16xf32, #tpu.memory_space<hbm>>, %arg4: memref<125x16xf32, #tpu.memory_space<hbm>>, %arg5: memref<20000x16xf32, #tpu.memory_space<hbm>>, %arg6: memref<10000x16xf32, #tpu.memory_space<vmem_shared>>, %arg7: memref<125x16xf32, #tpu.memory_space<vmem>>, %arg8: memref<20x1x125xi32, #tpu.memory_space<vmem>>, %arg9: memref<!tpu.dma_semaphore, #tpu.memory_space<semaphore_mem>>, %arg10: memref<!tpu.dma_semaphore, #tpu.memory_space<semaphore_mem>>) attributes {dimension_semantics = [#tpu.dimension_semantics<core_parallel>, #tpu.dimension_semantics<subcore_parallel>], iteration_bounds = array<i64: 2, 16>, scalar_prefetch = 0 : i64, scratch_operands = 5 : i64, tpu.core_type = #tpu.core_type<sc_vector_subcore>, window_params = [{transform_indices = #map}, {transform_indices = #map1}, {transform_indices = #map1}, {transform_indices = #map1}]} {
    %mul3A = arith.constant 16 : i32
    %mul3A_0 = arith.muli %arg0, %mul3A : i32
    %add3A = arith.addi %mul3A_0, %arg1 : i32
    %mul3A_1 = arith.constant 624 : i32
    %mul3A_2 = arith.muli %arg1, %mul3A_1 : i32
    %add3A_3 = arith.constant 0 : i32
    %add3A_4 = arith.addi %add3A_3, %mul3A_2 : i32
    %mul3A_5 = arith.constant 624 : i32
    %mul3A_6 = arith.muli %arg1, %mul3A_5 : i32
    %add3A_7 = arith.constant 0 : i32
    %add3A_8 = arith.addi %add3A_7, %mul3A_6 : i32
    "tpu.region"() ({
      %run_scoped3A = tpu.sem_alloc : memref<!tpu.dma_semaphore, #tpu.memory_space<semaphore_mem>>
      %dma_start3A = arith.constant 0 : i32
      %dma_start3A_31 = tpu.memref_slice %arg6[%add3A_8, %dma_start3A] : memref<10000x16xf32, #tpu.memory_space<vmem_shared>> -> memref<624x16xf32, #tpu.memory_space<vmem_shared>>
      %dma_start3A_32 = arith.constant 0 : i32
      %dma_start3A_33 = tpu.memref_slice %arg3[%add3A_4, %dma_start3A_32] : memref<10000x16xf32, #tpu.memory_space<hbm>> -> memref<624x16xf32, #tpu.memory_space<hbm>>
      tpu.enqueue_dma source(%dma_start3A_33 : memref<624x16xf32, #tpu.memory_space<hbm>>) target(%dma_start3A_31 : memref<624x16xf32, #tpu.memory_space<vmem_shared>>) target_semaphore(%run_scoped3A : memref<!tpu.dma_semaphore, #tpu.memory_space<semaphore_mem>>)
      %dma_wait3A = arith.constant 0 : i32
      %dma_wait3A_34 = tpu.memref_slice %arg6[%add3A_8, %dma_wait3A] : memref<10000x16xf32, #tpu.memory_space<vmem_shared>> -> memref<624x16xf32, #tpu.memory_space<vmem_shared>>
      %dma_wait3A_35 = arith.constant 0 : i32
      %dma_wait3A_36 = tpu.memref_slice %arg3[%add3A_4, %dma_wait3A_35] : memref<10000x16xf32, #tpu.memory_space<hbm>> -> memref<624x16xf32, #tpu.memory_space<hbm>>
      tpu.wait_dma2 semaphore(%run_scoped3A : memref<!tpu.dma_semaphore, #tpu.memory_space<semaphore_mem>>) src(%dma_wait3A_36 : memref<624x16xf32, #tpu.memory_space<hbm>>) dst(%dma_wait3A_34 : memref<624x16xf32, #tpu.memory_space<vmem_shared>>)
      tpu.yield
    }) : () -> ()
    %eq3A = arith.constant 15 : i32
    %eq3A_9 = arith.cmpi eq, %arg1, %eq3A : i32
    %convert_element_type3A = arith.extui %eq3A_9 : i1 to i32
    %cond3A = arith.constant 0 : i32
    %cond3A_10 = arith.cmpi ne, %convert_element_type3A, %cond3A : i32
    scf.if %cond3A_10 {
      "tpu.region"() ({
        %run_scoped3A = tpu.sem_alloc : memref<!tpu.dma_semaphore, #tpu.memory_space<semaphore_mem>>
        %dma_start3A = arith.constant 9984 : i32
        %dma_start3A_31 = arith.constant 0 : i32
        %dma_start3A_32 = tpu.memref_slice %arg6[%dma_start3A, %dma_start3A_31] : memref<10000x16xf32, #tpu.memory_space<vmem_shared>> -> memref<16x16xf32, #tpu.memory_space<vmem_shared>>
        %dma_start3A_33 = arith.constant 9984 : i32
        %dma_start3A_34 = arith.constant 0 : i32
        %dma_start3A_35 = tpu.memref_slice %arg3[%dma_start3A_33, %dma_start3A_34] : memref<10000x16xf32, #tpu.memory_space<hbm>> -> memref<16x16xf32, #tpu.memory_space<hbm>>
        tpu.enqueue_dma source(%dma_start3A_35 : memref<16x16xf32, #tpu.memory_space<hbm>>) target(%dma_start3A_32 : memref<16x16xf32, #tpu.memory_space<vmem_shared>>) target_semaphore(%run_scoped3A : memref<!tpu.dma_semaphore, #tpu.memory_space<semaphore_mem>>)
        %dma_wait3A = arith.constant 9984 : i32
        %dma_wait3A_36 = arith.constant 0 : i32
        %dma_wait3A_37 = tpu.memref_slice %arg6[%dma_wait3A, %dma_wait3A_36] : memref<10000x16xf32, #tpu.memory_space<vmem_shared>> -> memref<16x16xf32, #tpu.memory_space<vmem_shared>>
        %dma_wait3A_38 = arith.constant 9984 : i32
        %dma_wait3A_39 = arith.constant 0 : i32
        %dma_wait3A_40 = tpu.memref_slice %arg3[%dma_wait3A_38, %dma_wait3A_39] : memref<10000x16xf32, #tpu.memory_space<hbm>> -> memref<16x16xf32, #tpu.memory_space<hbm>>
        tpu.wait_dma2 semaphore(%run_scoped3A : memref<!tpu.dma_semaphore, #tpu.memory_space<semaphore_mem>>) src(%dma_wait3A_40 : memref<16x16xf32, #tpu.memory_space<hbm>>) dst(%dma_wait3A_37 : memref<16x16xf32, #tpu.memory_space<vmem_shared>>)
        tpu.yield
      }) : () -> ()
    } else {
    }
    "tpu.region"() ({
      %run_scoped3A = tpu.sem_alloc : memref<!tpu.dma_semaphore, #tpu.memory_space<semaphore_mem>>
      tpu.enqueue_dma source(%arg4 : memref<125x16xf32, #tpu.memory_space<hbm>>) target(%arg7 : memref<125x16xf32, #tpu.memory_space<vmem>>) target_semaphore(%run_scoped3A : memref<!tpu.dma_semaphore, #tpu.memory_space<semaphore_mem>>)
      tpu.wait_dma2 semaphore(%run_scoped3A : memref<!tpu.dma_semaphore, #tpu.memory_space<semaphore_mem>>) src(%arg4 : memref<125x16xf32, #tpu.memory_space<hbm>>) dst(%arg7 : memref<125x16xf32, #tpu.memory_space<vmem>>)
      tpu.yield
    }) : () -> ()
    %barrier3A = arith.constant 0 : index
    tpu.barrier barrier_id(%barrier3A)
    %scan3A = arith.constant 0 : i32
    %scan3A_11 = arith.constant 0 : i32
    %scan3A_12 = arith.constant 4 : i32
    %scan3A_13 = arith.addi %scan3A_11, %scan3A_12 : i32
    %scan3A_14 = arith.constant 1 : i32
    scf.for %scan3A_31 = %scan3A_11 to %scan3A_13 step %scan3A_14  : i32 {
      %mul3A_32 = arith.constant 80 : i32
      %mul3A_33 = arith.muli %add3A, %mul3A_32 : i32
      %mul3A_34 = arith.constant 20 : i32
      %mul3A_35 = arith.muli %scan3A_31, %mul3A_34 : i32
      %add3A_36 = arith.addi %mul3A_33, %mul3A_35 : i32
      %dma_start3A = arith.constant 0 : i32
      %dma_start3A_37 = arith.constant 0 : i32
      %dma_start3A_38 = tpu.memref_slice %arg2[%add3A_36, %dma_start3A, %dma_start3A_37] : memref<2560x1x125xi32, #tpu.memory_space<hbm>> -> memref<20x1x125xi32, #tpu.memory_space<hbm>>
      %dma_start3A_39 = arith.constant 0 : i32
      %dma_start3A_40 = arith.constant 0 : i32
      %dma_start3A_41 = tpu.memref_slice %arg2[%add3A_36, %dma_start3A_39, %dma_start3A_40] : memref<2560x1x125xi32, #tpu.memory_space<hbm>> -> memref<20x1x125xi32, #tpu.memory_space<hbm>>
      tpu.enqueue_dma source(%dma_start3A_41 : memref<20x1x125xi32, #tpu.memory_space<hbm>>) target(%arg8 : memref<20x1x125xi32, #tpu.memory_space<vmem>>) target_semaphore(%arg9 : memref<!tpu.dma_semaphore, #tpu.memory_space<semaphore_mem>>)
      %dma_wait3A = arith.constant 0 : i32
      %dma_wait3A_42 = arith.constant 0 : i32
      %dma_wait3A_43 = tpu.memref_slice %arg2[%add3A_36, %dma_wait3A, %dma_wait3A_42] : memref<2560x1x125xi32, #tpu.memory_space<hbm>> -> memref<20x1x125xi32, #tpu.memory_space<hbm>>
      %dma_wait3A_44 = arith.constant 0 : i32
      %dma_wait3A_45 = arith.constant 0 : i32
      %dma_wait3A_46 = tpu.memref_slice %arg2[%add3A_36, %dma_wait3A_44, %dma_wait3A_45] : memref<2560x1x125xi32, #tpu.memory_space<hbm>> -> memref<20x1x125xi32, #tpu.memory_space<hbm>>
      tpu.wait_dma2 semaphore(%arg9 : memref<!tpu.dma_semaphore, #tpu.memory_space<semaphore_mem>>) src(%dma_wait3A_46 : memref<20x1x125xi32, #tpu.memory_space<hbm>>) dst(%arg8 : memref<20x1x125xi32, #tpu.memory_space<vmem>>)
      %dma_start3A_47 = arith.constant 0 : i32
      %dma_start3A_48 = arith.constant 0 : i32
      %dma_start3A_49 = arith.constant 0 : i32
      %dma_start3A_50 = tpu.memref_slice %arg8[%dma_start3A_47, %dma_start3A_48, %dma_start3A_49] : memref<20x1x125xi32, #tpu.memory_space<vmem>> -> memref<1x1x125xi32, #tpu.memory_space<vmem>>
      %dma_start3A_51 = tpu.memref_squeeze %dma_start3A_50 : memref<1x1x125xi32, #tpu.memory_space<vmem>> -> memref<125xi32, #tpu.memory_space<vmem>>
      %dma_start3A_52 = arith.constant 0 : i32
      %dma_start3A_53 = arith.constant 0 : i32
      %dma_start3A_54 = tpu.memref_slice %arg6[%dma_start3A_52, %dma_start3A_53] : memref<10000x16xf32, #tpu.memory_space<vmem_shared>> -> memref<10000x16xf32, #tpu.memory_space<vmem_shared>>
      tpu.enqueue_indirect_dma source(%arg7 : memref<125x16xf32, #tpu.memory_space<vmem>>) target(%dma_start3A_54 : memref<10000x16xf32, #tpu.memory_space<vmem_shared>>) offsets(%dma_start3A_51 : memref<125xi32, #tpu.memory_space<vmem>>) semaphore(%arg10 : memref<!tpu.dma_semaphore, #tpu.memory_space<semaphore_mem>>) {add = true}
      %dma_start3A_55 = arith.constant 1 : i32
      %dma_start3A_56 = arith.constant 0 : i32
      %dma_start3A_57 = arith.constant 0 : i32
      %dma_start3A_58 = tpu.memref_slice %arg8[%dma_start3A_55, %dma_start3A_56, %dma_start3A_57] : memref<20x1x125xi32, #tpu.memory_space<vmem>> -> memref<1x1x125xi32, #tpu.memory_space<vmem>>
      %dma_start3A_59 = tpu.memref_squeeze %dma_start3A_58 : memref<1x1x125xi32, #tpu.memory_space<vmem>> -> memref<125xi32, #tpu.memory_space<vmem>>
      %dma_start3A_60 = arith.constant 0 : i32
      %dma_start3A_61 = arith.constant 0 : i32
      %dma_start3A_62 = tpu.memref_slice %arg6[%dma_start3A_60, %dma_start3A_61] : memref<10000x16xf32, #tpu.memory_space<vmem_shared>> -> memref<10000x16xf32, #tpu.memory_space<vmem_shared>>
      tpu.enqueue_indirect_dma source(%arg7 : memref<125x16xf32, #tpu.memory_space<vmem>>) target(%dma_start3A_62 : memref<10000x16xf32, #tpu.memory_space<vmem_shared>>) offsets(%dma_start3A_59 : memref<125xi32, #tpu.memory_space<vmem>>) semaphore(%arg10 : memref<!tpu.dma_semaphore, #tpu.memory_space<semaphore_mem>>) {add = true}
      %dma_start3A_63 = arith.constant 2 : i32
      %dma_start3A_64 = arith.constant 0 : i32
      %dma_start3A_65 = arith.constant 0 : i32
      %dma_start3A_66 = tpu.memref_slice %arg8[%dma_start3A_63, %dma_start3A_64, %dma_start3A_65] : memref<20x1x125xi32, #tpu.memory_space<vmem>> -> memref<1x1x125xi32, #tpu.memory_space<vmem>>
      %dma_start3A_67 = tpu.memref_squeeze %dma_start3A_66 : memref<1x1x125xi32, #tpu.memory_space<vmem>> -> memref<125xi32, #tpu.memory_space<vmem>>
      %dma_start3A_68 = arith.constant 0 : i32
      %dma_start3A_69 = arith.constant 0 : i32
      %dma_start3A_70 = tpu.memref_slice %arg6[%dma_start3A_68, %dma_start3A_69] : memref<10000x16xf32, #tpu.memory_space<vmem_shared>> -> memref<10000x16xf32, #tpu.memory_space<vmem_shared>>
      tpu.enqueue_indirect_dma source(%arg7 : memref<125x16xf32, #tpu.memory_space<vmem>>) target(%dma_start3A_70 : memref<10000x16xf32, #tpu.memory_space<vmem_shared>>) offsets(%dma_start3A_67 : memref<125xi32, #tpu.memory_space<vmem>>) semaphore(%arg10 : memref<!tpu.dma_semaphore, #tpu.memory_space<semaphore_mem>>) {add = true}
      %dma_start3A_71 = arith.constant 3 : i32
      %dma_start3A_72 = arith.constant 0 : i32
      %dma_start3A_73 = arith.constant 0 : i32
      %dma_start3A_74 = tpu.memref_slice %arg8[%dma_start3A_71, %dma_start3A_72, %dma_start3A_73] : memref<20x1x125xi32, #tpu.memory_space<vmem>> -> memref<1x1x125xi32, #tpu.memory_space<vmem>>
      %dma_start3A_75 = tpu.memref_squeeze %dma_start3A_74 : memref<1x1x125xi32, #tpu.memory_space<vmem>> -> memref<125xi32, #tpu.memory_space<vmem>>
      %dma_start3A_76 = arith.constant 0 : i32
      %dma_start3A_77 = arith.constant 0 : i32
      %dma_start3A_78 = tpu.memref_slice %arg6[%dma_start3A_76, %dma_start3A_77] : memref<10000x16xf32, #tpu.memory_space<vmem_shared>> -> memref<10000x16xf32, #tpu.memory_space<vmem_shared>>
      tpu.enqueue_indirect_dma source(%arg7 : memref<125x16xf32, #tpu.memory_space<vmem>>) target(%dma_start3A_78 : memref<10000x16xf32, #tpu.memory_space<vmem_shared>>) offsets(%dma_start3A_75 : memref<125xi32, #tpu.memory_space<vmem>>) semaphore(%arg10 : memref<!tpu.dma_semaphore, #tpu.memory_space<semaphore_mem>>) {add = true}
      %dma_start3A_79 = arith.constant 4 : i32
      %dma_start3A_80 = arith.constant 0 : i32
      %dma_start3A_81 = arith.constant 0 : i32
      %dma_start3A_82 = tpu.memref_slice %arg8[%dma_start3A_79, %dma_start3A_80, %dma_start3A_81] : memref<20x1x125xi32, #tpu.memory_space<vmem>> -> memref<1x1x125xi32, #tpu.memory_space<vmem>>
      %dma_start3A_83 = tpu.memref_squeeze %dma_start3A_82 : memref<1x1x125xi32, #tpu.memory_space<vmem>> -> memref<125xi32, #tpu.memory_space<vmem>>
      %dma_start3A_84 = arith.constant 0 : i32
      %dma_start3A_85 = arith.constant 0 : i32
      %dma_start3A_86 = tpu.memref_slice %arg6[%dma_start3A_84, %dma_start3A_85] : memref<10000x16xf32, #tpu.memory_space<vmem_shared>> -> memref<10000x16xf32, #tpu.memory_space<vmem_shared>>
      tpu.enqueue_indirect_dma source(%arg7 : memref<125x16xf32, #tpu.memory_space<vmem>>) target(%dma_start3A_86 : memref<10000x16xf32, #tpu.memory_space<vmem_shared>>) offsets(%dma_start3A_83 : memref<125xi32, #tpu.memory_space<vmem>>) semaphore(%arg10 : memref<!tpu.dma_semaphore, #tpu.memory_space<semaphore_mem>>) {add = true}
      %dma_start3A_87 = arith.constant 5 : i32
      %dma_start3A_88 = arith.constant 0 : i32
      %dma_start3A_89 = arith.constant 0 : i32
      %dma_start3A_90 = tpu.memref_slice %arg8[%dma_start3A_87, %dma_start3A_88, %dma_start3A_89] : memref<20x1x125xi32, #tpu.memory_space<vmem>> -> memref<1x1x125xi32, #tpu.memory_space<vmem>>
      %dma_start3A_91 = tpu.memref_squeeze %dma_start3A_90 : memref<1x1x125xi32, #tpu.memory_space<vmem>> -> memref<125xi32, #tpu.memory_space<vmem>>
      %dma_start3A_92 = arith.constant 0 : i32
      %dma_start3A_93 = arith.constant 0 : i32
      %dma_start3A_94 = tpu.memref_slice %arg6[%dma_start3A_92, %dma_start3A_93] : memref<10000x16xf32, #tpu.memory_space<vmem_shared>> -> memref<10000x16xf32, #tpu.memory_space<vmem_shared>>
      tpu.enqueue_indirect_dma source(%arg7 : memref<125x16xf32, #tpu.memory_space<vmem>>) target(%dma_start3A_94 : memref<10000x16xf32, #tpu.memory_space<vmem_shared>>) offsets(%dma_start3A_91 : memref<125xi32, #tpu.memory_space<vmem>>) semaphore(%arg10 : memref<!tpu.dma_semaphore, #tpu.memory_space<semaphore_mem>>) {add = true}
      %dma_start3A_95 = arith.constant 6 : i32
      %dma_start3A_96 = arith.constant 0 : i32
      %dma_start3A_97 = arith.constant 0 : i32
      %dma_start3A_98 = tpu.memref_slice %arg8[%dma_start3A_95, %dma_start3A_96, %dma_start3A_97] : memref<20x1x125xi32, #tpu.memory_space<vmem>> -> memref<1x1x125xi32, #tpu.memory_space<vmem>>
      %dma_start3A_99 = tpu.memref_squeeze %dma_start3A_98 : memref<1x1x125xi32, #tpu.memory_space<vmem>> -> memref<125xi32, #tpu.memory_space<vmem>>
      %dma_start3A_100 = arith.constant 0 : i32
      %dma_start3A_101 = arith.constant 0 : i32
      %dma_start3A_102 = tpu.memref_slice %arg6[%dma_start3A_100, %dma_start3A_101] : memref<10000x16xf32, #tpu.memory_space<vmem_shared>> -> memref<10000x16xf32, #tpu.memory_space<vmem_shared>>
      tpu.enqueue_indirect_dma source(%arg7 : memref<125x16xf32, #tpu.memory_space<vmem>>) target(%dma_start3A_102 : memref<10000x16xf32, #tpu.memory_space<vmem_shared>>) offsets(%dma_start3A_99 : memref<125xi32, #tpu.memory_space<vmem>>) semaphore(%arg10 : memref<!tpu.dma_semaphore, #tpu.memory_space<semaphore_mem>>) {add = true}
      %dma_start3A_103 = arith.constant 7 : i32
      %dma_start3A_104 = arith.constant 0 : i32
      %dma_start3A_105 = arith.constant 0 : i32
      %dma_start3A_106 = tpu.memref_slice %arg8[%dma_start3A_103, %dma_start3A_104, %dma_start3A_105] : memref<20x1x125xi32, #tpu.memory_space<vmem>> -> memref<1x1x125xi32, #tpu.memory_space<vmem>>
      %dma_start3A_107 = tpu.memref_squeeze %dma_start3A_106 : memref<1x1x125xi32, #tpu.memory_space<vmem>> -> memref<125xi32, #tpu.memory_space<vmem>>
      %dma_start3A_108 = arith.constant 0 : i32
      %dma_start3A_109 = arith.constant 0 : i32
      %dma_start3A_110 = tpu.memref_slice %arg6[%dma_start3A_108, %dma_start3A_109] : memref<10000x16xf32, #tpu.memory_space<vmem_shared>> -> memref<10000x16xf32, #tpu.memory_space<vmem_shared>>
      tpu.enqueue_indirect_dma source(%arg7 : memref<125x16xf32, #tpu.memory_space<vmem>>) target(%dma_start3A_110 : memref<10000x16xf32, #tpu.memory_space<vmem_shared>>) offsets(%dma_start3A_107 : memref<125xi32, #tpu.memory_space<vmem>>) semaphore(%arg10 : memref<!tpu.dma_semaphore, #tpu.memory_space<semaphore_mem>>) {add = true}
      %dma_start3A_111 = arith.constant 8 : i32
      %dma_start3A_112 = arith.constant 0 : i32
      %dma_start3A_113 = arith.constant 0 : i32
      %dma_start3A_114 = tpu.memref_slice %arg8[%dma_start3A_111, %dma_start3A_112, %dma_start3A_113] : memref<20x1x125xi32, #tpu.memory_space<vmem>> -> memref<1x1x125xi32, #tpu.memory_space<vmem>>
      %dma_start3A_115 = tpu.memref_squeeze %dma_start3A_114 : memref<1x1x125xi32, #tpu.memory_space<vmem>> -> memref<125xi32, #tpu.memory_space<vmem>>
      %dma_start3A_116 = arith.constant 0 : i32
      %dma_start3A_117 = arith.constant 0 : i32
      %dma_start3A_118 = tpu.memref_slice %arg6[%dma_start3A_116, %dma_start3A_117] : memref<10000x16xf32, #tpu.memory_space<vmem_shared>> -> memref<10000x16xf32, #tpu.memory_space<vmem_shared>>
      tpu.enqueue_indirect_dma source(%arg7 : memref<125x16xf32, #tpu.memory_space<vmem>>) target(%dma_start3A_118 : memref<10000x16xf32, #tpu.memory_space<vmem_shared>>) offsets(%dma_start3A_115 : memref<125xi32, #tpu.memory_space<vmem>>) semaphore(%arg10 : memref<!tpu.dma_semaphore, #tpu.memory_space<semaphore_mem>>) {add = true}
      %dma_start3A_119 = arith.constant 9 : i32
      %dma_start3A_120 = arith.constant 0 : i32
      %dma_start3A_121 = arith.constant 0 : i32
      %dma_start3A_122 = tpu.memref_slice %arg8[%dma_start3A_119, %dma_start3A_120, %dma_start3A_121] : memref<20x1x125xi32, #tpu.memory_space<vmem>> -> memref<1x1x125xi32, #tpu.memory_space<vmem>>
      %dma_start3A_123 = tpu.memref_squeeze %dma_start3A_122 : memref<1x1x125xi32, #tpu.memory_space<vmem>> -> memref<125xi32, #tpu.memory_space<vmem>>
      %dma_start3A_124 = arith.constant 0 : i32
      %dma_start3A_125 = arith.constant 0 : i32
      %dma_start3A_126 = tpu.memref_slice %arg6[%dma_start3A_124, %dma_start3A_125] : memref<10000x16xf32, #tpu.memory_space<vmem_shared>> -> memref<10000x16xf32, #tpu.memory_space<vmem_shared>>
      tpu.enqueue_indirect_dma source(%arg7 : memref<125x16xf32, #tpu.memory_space<vmem>>) target(%dma_start3A_126 : memref<10000x16xf32, #tpu.memory_space<vmem_shared>>) offsets(%dma_start3A_123 : memref<125xi32, #tpu.memory_space<vmem>>) semaphore(%arg10 : memref<!tpu.dma_semaphore, #tpu.memory_space<semaphore_mem>>) {add = true}
      %dma_start3A_127 = arith.constant 10 : i32
      %dma_start3A_128 = arith.constant 0 : i32
      %dma_start3A_129 = arith.constant 0 : i32
      %dma_start3A_130 = tpu.memref_slice %arg8[%dma_start3A_127, %dma_start3A_128, %dma_start3A_129] : memref<20x1x125xi32, #tpu.memory_space<vmem>> -> memref<1x1x125xi32, #tpu.memory_space<vmem>>
      %dma_start3A_131 = tpu.memref_squeeze %dma_start3A_130 : memref<1x1x125xi32, #tpu.memory_space<vmem>> -> memref<125xi32, #tpu.memory_space<vmem>>
      %dma_start3A_132 = arith.constant 0 : i32
      %dma_start3A_133 = arith.constant 0 : i32
      %dma_start3A_134 = tpu.memref_slice %arg6[%dma_start3A_132, %dma_start3A_133] : memref<10000x16xf32, #tpu.memory_space<vmem_shared>> -> memref<10000x16xf32, #tpu.memory_space<vmem_shared>>
      tpu.enqueue_indirect_dma source(%arg7 : memref<125x16xf32, #tpu.memory_space<vmem>>) target(%dma_start3A_134 : memref<10000x16xf32, #tpu.memory_space<vmem_shared>>) offsets(%dma_start3A_131 : memref<125xi32, #tpu.memory_space<vmem>>) semaphore(%arg10 : memref<!tpu.dma_semaphore, #tpu.memory_space<semaphore_mem>>) {add = true}
      %dma_start3A_135 = arith.constant 11 : i32
      %dma_start3A_136 = arith.constant 0 : i32
      %dma_start3A_137 = arith.constant 0 : i32
      %dma_start3A_138 = tpu.memref_slice %arg8[%dma_start3A_135, %dma_start3A_136, %dma_start3A_137] : memref<20x1x125xi32, #tpu.memory_space<vmem>> -> memref<1x1x125xi32, #tpu.memory_space<vmem>>
      %dma_start3A_139 = tpu.memref_squeeze %dma_start3A_138 : memref<1x1x125xi32, #tpu.memory_space<vmem>> -> memref<125xi32, #tpu.memory_space<vmem>>
      %dma_start3A_140 = arith.constant 0 : i32
      %dma_start3A_141 = arith.constant 0 : i32
      %dma_start3A_142 = tpu.memref_slice %arg6[%dma_start3A_140, %dma_start3A_141] : memref<10000x16xf32, #tpu.memory_space<vmem_shared>> -> memref<10000x16xf32, #tpu.memory_space<vmem_shared>>
      tpu.enqueue_indirect_dma source(%arg7 : memref<125x16xf32, #tpu.memory_space<vmem>>) target(%dma_start3A_142 : memref<10000x16xf32, #tpu.memory_space<vmem_shared>>) offsets(%dma_start3A_139 : memref<125xi32, #tpu.memory_space<vmem>>) semaphore(%arg10 : memref<!tpu.dma_semaphore, #tpu.memory_space<semaphore_mem>>) {add = true}
      %dma_start3A_143 = arith.constant 12 : i32
      %dma_start3A_144 = arith.constant 0 : i32
      %dma_start3A_145 = arith.constant 0 : i32
      %dma_start3A_146 = tpu.memref_slice %arg8[%dma_start3A_143, %dma_start3A_144, %dma_start3A_145] : memref<20x1x125xi32, #tpu.memory_space<vmem>> -> memref<1x1x125xi32, #tpu.memory_space<vmem>>
      %dma_start3A_147 = tpu.memref_squeeze %dma_start3A_146 : memref<1x1x125xi32, #tpu.memory_space<vmem>> -> memref<125xi32, #tpu.memory_space<vmem>>
      %dma_start3A_148 = arith.constant 0 : i32
      %dma_start3A_149 = arith.constant 0 : i32
      %dma_start3A_150 = tpu.memref_slice %arg6[%dma_start3A_148, %dma_start3A_149] : memref<10000x16xf32, #tpu.memory_space<vmem_shared>> -> memref<10000x16xf32, #tpu.memory_space<vmem_shared>>
      tpu.enqueue_indirect_dma source(%arg7 : memref<125x16xf32, #tpu.memory_space<vmem>>) target(%dma_start3A_150 : memref<10000x16xf32, #tpu.memory_space<vmem_shared>>) offsets(%dma_start3A_147 : memref<125xi32, #tpu.memory_space<vmem>>) semaphore(%arg10 : memref<!tpu.dma_semaphore, #tpu.memory_space<semaphore_mem>>) {add = true}
      %dma_start3A_151 = arith.constant 13 : i32
      %dma_start3A_152 = arith.constant 0 : i32
      %dma_start3A_153 = arith.constant 0 : i32
      %dma_start3A_154 = tpu.memref_slice %arg8[%dma_start3A_151, %dma_start3A_152, %dma_start3A_153] : memref<20x1x125xi32, #tpu.memory_space<vmem>> -> memref<1x1x125xi32, #tpu.memory_space<vmem>>
      %dma_start3A_155 = tpu.memref_squeeze %dma_start3A_154 : memref<1x1x125xi32, #tpu.memory_space<vmem>> -> memref<125xi32, #tpu.memory_space<vmem>>
      %dma_start3A_156 = arith.constant 0 : i32
      %dma_start3A_157 = arith.constant 0 : i32
      %dma_start3A_158 = tpu.memref_slice %arg6[%dma_start3A_156, %dma_start3A_157] : memref<10000x16xf32, #tpu.memory_space<vmem_shared>> -> memref<10000x16xf32, #tpu.memory_space<vmem_shared>>
      tpu.enqueue_indirect_dma source(%arg7 : memref<125x16xf32, #tpu.memory_space<vmem>>) target(%dma_start3A_158 : memref<10000x16xf32, #tpu.memory_space<vmem_shared>>) offsets(%dma_start3A_155 : memref<125xi32, #tpu.memory_space<vmem>>) semaphore(%arg10 : memref<!tpu.dma_semaphore, #tpu.memory_space<semaphore_mem>>) {add = true}
      %dma_start3A_159 = arith.constant 14 : i32
      %dma_start3A_160 = arith.constant 0 : i32
      %dma_start3A_161 = arith.constant 0 : i32
      %dma_start3A_162 = tpu.memref_slice %arg8[%dma_start3A_159, %dma_start3A_160, %dma_start3A_161] : memref<20x1x125xi32, #tpu.memory_space<vmem>> -> memref<1x1x125xi32, #tpu.memory_space<vmem>>
      %dma_start3A_163 = tpu.memref_squeeze %dma_start3A_162 : memref<1x1x125xi32, #tpu.memory_space<vmem>> -> memref<125xi32, #tpu.memory_space<vmem>>
      %dma_start3A_164 = arith.constant 0 : i32
      %dma_start3A_165 = arith.constant 0 : i32
      %dma_start3A_166 = tpu.memref_slice %arg6[%dma_start3A_164, %dma_start3A_165] : memref<10000x16xf32, #tpu.memory_space<vmem_shared>> -> memref<10000x16xf32, #tpu.memory_space<vmem_shared>>
      tpu.enqueue_indirect_dma source(%arg7 : memref<125x16xf32, #tpu.memory_space<vmem>>) target(%dma_start3A_166 : memref<10000x16xf32, #tpu.memory_space<vmem_shared>>) offsets(%dma_start3A_163 : memref<125xi32, #tpu.memory_space<vmem>>) semaphore(%arg10 : memref<!tpu.dma_semaphore, #tpu.memory_space<semaphore_mem>>) {add = true}
      %dma_start3A_167 = arith.constant 15 : i32
      %dma_start3A_168 = arith.constant 0 : i32
      %dma_start3A_169 = arith.constant 0 : i32
      %dma_start3A_170 = tpu.memref_slice %arg8[%dma_start3A_167, %dma_start3A_168, %dma_start3A_169] : memref<20x1x125xi32, #tpu.memory_space<vmem>> -> memref<1x1x125xi32, #tpu.memory_space<vmem>>
      %dma_start3A_171 = tpu.memref_squeeze %dma_start3A_170 : memref<1x1x125xi32, #tpu.memory_space<vmem>> -> memref<125xi32, #tpu.memory_space<vmem>>
      %dma_start3A_172 = arith.constant 0 : i32
      %dma_start3A_173 = arith.constant 0 : i32
      %dma_start3A_174 = tpu.memref_slice %arg6[%dma_start3A_172, %dma_start3A_173] : memref<10000x16xf32, #tpu.memory_space<vmem_shared>> -> memref<10000x16xf32, #tpu.memory_space<vmem_shared>>
      tpu.enqueue_indirect_dma source(%arg7 : memref<125x16xf32, #tpu.memory_space<vmem>>) target(%dma_start3A_174 : memref<10000x16xf32, #tpu.memory_space<vmem_shared>>) offsets(%dma_start3A_171 : memref<125xi32, #tpu.memory_space<vmem>>) semaphore(%arg10 : memref<!tpu.dma_semaphore, #tpu.memory_space<semaphore_mem>>) {add = true}
      %dma_start3A_175 = arith.constant 16 : i32
      %dma_start3A_176 = arith.constant 0 : i32
      %dma_start3A_177 = arith.constant 0 : i32
      %dma_start3A_178 = tpu.memref_slice %arg8[%dma_start3A_175, %dma_start3A_176, %dma_start3A_177] : memref<20x1x125xi32, #tpu.memory_space<vmem>> -> memref<1x1x125xi32, #tpu.memory_space<vmem>>
      %dma_start3A_179 = tpu.memref_squeeze %dma_start3A_178 : memref<1x1x125xi32, #tpu.memory_space<vmem>> -> memref<125xi32, #tpu.memory_space<vmem>>
      %dma_start3A_180 = arith.constant 0 : i32
      %dma_start3A_181 = arith.constant 0 : i32
      %dma_start3A_182 = tpu.memref_slice %arg6[%dma_start3A_180, %dma_start3A_181] : memref<10000x16xf32, #tpu.memory_space<vmem_shared>> -> memref<10000x16xf32, #tpu.memory_space<vmem_shared>>
      tpu.enqueue_indirect_dma source(%arg7 : memref<125x16xf32, #tpu.memory_space<vmem>>) target(%dma_start3A_182 : memref<10000x16xf32, #tpu.memory_space<vmem_shared>>) offsets(%dma_start3A_179 : memref<125xi32, #tpu.memory_space<vmem>>) semaphore(%arg10 : memref<!tpu.dma_semaphore, #tpu.memory_space<semaphore_mem>>) {add = true}
      %dma_start3A_183 = arith.constant 17 : i32
      %dma_start3A_184 = arith.constant 0 : i32
      %dma_start3A_185 = arith.constant 0 : i32
      %dma_start3A_186 = tpu.memref_slice %arg8[%dma_start3A_183, %dma_start3A_184, %dma_start3A_185] : memref<20x1x125xi32, #tpu.memory_space<vmem>> -> memref<1x1x125xi32, #tpu.memory_space<vmem>>
      %dma_start3A_187 = tpu.memref_squeeze %dma_start3A_186 : memref<1x1x125xi32, #tpu.memory_space<vmem>> -> memref<125xi32, #tpu.memory_space<vmem>>
      %dma_start3A_188 = arith.constant 0 : i32
      %dma_start3A_189 = arith.constant 0 : i32
      %dma_start3A_190 = tpu.memref_slice %arg6[%dma_start3A_188, %dma_start3A_189] : memref<10000x16xf32, #tpu.memory_space<vmem_shared>> -> memref<10000x16xf32, #tpu.memory_space<vmem_shared>>
      tpu.enqueue_indirect_dma source(%arg7 : memref<125x16xf32, #tpu.memory_space<vmem>>) target(%dma_start3A_190 : memref<10000x16xf32, #tpu.memory_space<vmem_shared>>) offsets(%dma_start3A_187 : memref<125xi32, #tpu.memory_space<vmem>>) semaphore(%arg10 : memref<!tpu.dma_semaphore, #tpu.memory_space<semaphore_mem>>) {add = true}
      %dma_start3A_191 = arith.constant 18 : i32
      %dma_start3A_192 = arith.constant 0 : i32
      %dma_start3A_193 = arith.constant 0 : i32
      %dma_start3A_194 = tpu.memref_slice %arg8[%dma_start3A_191, %dma_start3A_192, %dma_start3A_193] : memref<20x1x125xi32, #tpu.memory_space<vmem>> -> memref<1x1x125xi32, #tpu.memory_space<vmem>>
      %dma_start3A_195 = tpu.memref_squeeze %dma_start3A_194 : memref<1x1x125xi32, #tpu.memory_space<vmem>> -> memref<125xi32, #tpu.memory_space<vmem>>
      %dma_start3A_196 = arith.constant 0 : i32
      %dma_start3A_197 = arith.constant 0 : i32
      %dma_start3A_198 = tpu.memref_slice %arg6[%dma_start3A_196, %dma_start3A_197] : memref<10000x16xf32, #tpu.memory_space<vmem_shared>> -> memref<10000x16xf32, #tpu.memory_space<vmem_shared>>
      tpu.enqueue_indirect_dma source(%arg7 : memref<125x16xf32, #tpu.memory_space<vmem>>) target(%dma_start3A_198 : memref<10000x16xf32, #tpu.memory_space<vmem_shared>>) offsets(%dma_start3A_195 : memref<125xi32, #tpu.memory_space<vmem>>) semaphore(%arg10 : memref<!tpu.dma_semaphore, #tpu.memory_space<semaphore_mem>>) {add = true}
      %dma_start3A_199 = arith.constant 19 : i32
      %dma_start3A_200 = arith.constant 0 : i32
      %dma_start3A_201 = arith.constant 0 : i32
      %dma_start3A_202 = tpu.memref_slice %arg8[%dma_start3A_199, %dma_start3A_200, %dma_start3A_201] : memref<20x1x125xi32, #tpu.memory_space<vmem>> -> memref<1x1x125xi32, #tpu.memory_space<vmem>>
      %dma_start3A_203 = tpu.memref_squeeze %dma_start3A_202 : memref<1x1x125xi32, #tpu.memory_space<vmem>> -> memref<125xi32, #tpu.memory_space<vmem>>
      %dma_start3A_204 = arith.constant 0 : i32
      %dma_start3A_205 = arith.constant 0 : i32
      %dma_start3A_206 = tpu.memref_slice %arg6[%dma_start3A_204, %dma_start3A_205] : memref<10000x16xf32, #tpu.memory_space<vmem_shared>> -> memref<10000x16xf32, #tpu.memory_space<vmem_shared>>
      tpu.enqueue_indirect_dma source(%arg7 : memref<125x16xf32, #tpu.memory_space<vmem>>) target(%dma_start3A_206 : memref<10000x16xf32, #tpu.memory_space<vmem_shared>>) offsets(%dma_start3A_203 : memref<125xi32, #tpu.memory_space<vmem>>) semaphore(%arg10 : memref<!tpu.dma_semaphore, #tpu.memory_space<semaphore_mem>>) {add = true}
      %dma_wait3A_207 = arith.constant 0 : i32
      %dma_wait3A_208 = arith.constant 0 : i32
      %dma_wait3A_209 = arith.constant 0 : i32
      %dma_wait3A_210 = tpu.memref_slice %arg8[%dma_wait3A_207, %dma_wait3A_208, %dma_wait3A_209] : memref<20x1x125xi32, #tpu.memory_space<vmem>> -> memref<1x1x125xi32, #tpu.memory_space<vmem>>
      %dma_wait3A_211 = tpu.memref_squeeze %dma_wait3A_210 : memref<1x1x125xi32, #tpu.memory_space<vmem>> -> memref<125xi32, #tpu.memory_space<vmem>>
      %dma_wait3A_212 = arith.constant 0 : i32
      %dma_wait3A_213 = arith.constant 0 : i32
      %dma_wait3A_214 = tpu.memref_slice %arg6[%dma_wait3A_212, %dma_wait3A_213] : memref<10000x16xf32, #tpu.memory_space<vmem_shared>> -> memref<10000x16xf32, #tpu.memory_space<vmem_shared>>
      tpu.wait_indirect_dma semaphore(%arg10 : memref<!tpu.dma_semaphore, #tpu.memory_space<semaphore_mem>>) src(%arg7 : memref<125x16xf32, #tpu.memory_space<vmem>>) dst(%dma_wait3A_214 : memref<10000x16xf32, #tpu.memory_space<vmem_shared>>)
      %dma_wait3A_215 = arith.constant 1 : i32
      %dma_wait3A_216 = arith.constant 0 : i32
      %dma_wait3A_217 = arith.constant 0 : i32
      %dma_wait3A_218 = tpu.memref_slice %arg8[%dma_wait3A_215, %dma_wait3A_216, %dma_wait3A_217] : memref<20x1x125xi32, #tpu.memory_space<vmem>> -> memref<1x1x125xi32, #tpu.memory_space<vmem>>
      %dma_wait3A_219 = tpu.memref_squeeze %dma_wait3A_218 : memref<1x1x125xi32, #tpu.memory_space<vmem>> -> memref<125xi32, #tpu.memory_space<vmem>>
      %dma_wait3A_220 = arith.constant 0 : i32
      %dma_wait3A_221 = arith.constant 0 : i32
      %dma_wait3A_222 = tpu.memref_slice %arg6[%dma_wait3A_220, %dma_wait3A_221] : memref<10000x16xf32, #tpu.memory_space<vmem_shared>> -> memref<10000x16xf32, #tpu.memory_space<vmem_shared>>
      tpu.wait_indirect_dma semaphore(%arg10 : memref<!tpu.dma_semaphore, #tpu.memory_space<semaphore_mem>>) src(%arg7 : memref<125x16xf32, #tpu.memory_space<vmem>>) dst(%dma_wait3A_222 : memref<10000x16xf32, #tpu.memory_space<vmem_shared>>)
      %dma_wait3A_223 = arith.constant 2 : i32
      %dma_wait3A_224 = arith.constant 0 : i32
      %dma_wait3A_225 = arith.constant 0 : i32
      %dma_wait3A_226 = tpu.memref_slice %arg8[%dma_wait3A_223, %dma_wait3A_224, %dma_wait3A_225] : memref<20x1x125xi32, #tpu.memory_space<vmem>> -> memref<1x1x125xi32, #tpu.memory_space<vmem>>
      %dma_wait3A_227 = tpu.memref_squeeze %dma_wait3A_226 : memref<1x1x125xi32, #tpu.memory_space<vmem>> -> memref<125xi32, #tpu.memory_space<vmem>>
      %dma_wait3A_228 = arith.constant 0 : i32
      %dma_wait3A_229 = arith.constant 0 : i32
      %dma_wait3A_230 = tpu.memref_slice %arg6[%dma_wait3A_228, %dma_wait3A_229] : memref<10000x16xf32, #tpu.memory_space<vmem_shared>> -> memref<10000x16xf32, #tpu.memory_space<vmem_shared>>
      tpu.wait_indirect_dma semaphore(%arg10 : memref<!tpu.dma_semaphore, #tpu.memory_space<semaphore_mem>>) src(%arg7 : memref<125x16xf32, #tpu.memory_space<vmem>>) dst(%dma_wait3A_230 : memref<10000x16xf32, #tpu.memory_space<vmem_shared>>)
      %dma_wait3A_231 = arith.constant 3 : i32
      %dma_wait3A_232 = arith.constant 0 : i32
      %dma_wait3A_233 = arith.constant 0 : i32
      %dma_wait3A_234 = tpu.memref_slice %arg8[%dma_wait3A_231, %dma_wait3A_232, %dma_wait3A_233] : memref<20x1x125xi32, #tpu.memory_space<vmem>> -> memref<1x1x125xi32, #tpu.memory_space<vmem>>
      %dma_wait3A_235 = tpu.memref_squeeze %dma_wait3A_234 : memref<1x1x125xi32, #tpu.memory_space<vmem>> -> memref<125xi32, #tpu.memory_space<vmem>>
      %dma_wait3A_236 = arith.constant 0 : i32
      %dma_wait3A_237 = arith.constant 0 : i32
      %dma_wait3A_238 = tpu.memref_slice %arg6[%dma_wait3A_236, %dma_wait3A_237] : memref<10000x16xf32, #tpu.memory_space<vmem_shared>> -> memref<10000x16xf32, #tpu.memory_space<vmem_shared>>
      tpu.wait_indirect_dma semaphore(%arg10 : memref<!tpu.dma_semaphore, #tpu.memory_space<semaphore_mem>>) src(%arg7 : memref<125x16xf32, #tpu.memory_space<vmem>>) dst(%dma_wait3A_238 : memref<10000x16xf32, #tpu.memory_space<vmem_shared>>)
      %dma_wait3A_239 = arith.constant 4 : i32
      %dma_wait3A_240 = arith.constant 0 : i32
      %dma_wait3A_241 = arith.constant 0 : i32
      %dma_wait3A_242 = tpu.memref_slice %arg8[%dma_wait3A_239, %dma_wait3A_240, %dma_wait3A_241] : memref<20x1x125xi32, #tpu.memory_space<vmem>> -> memref<1x1x125xi32, #tpu.memory_space<vmem>>
      %dma_wait3A_243 = tpu.memref_squeeze %dma_wait3A_242 : memref<1x1x125xi32, #tpu.memory_space<vmem>> -> memref<125xi32, #tpu.memory_space<vmem>>
      %dma_wait3A_244 = arith.constant 0 : i32
      %dma_wait3A_245 = arith.constant 0 : i32
      %dma_wait3A_246 = tpu.memref_slice %arg6[%dma_wait3A_244, %dma_wait3A_245] : memref<10000x16xf32, #tpu.memory_space<vmem_shared>> -> memref<10000x16xf32, #tpu.memory_space<vmem_shared>>
      tpu.wait_indirect_dma semaphore(%arg10 : memref<!tpu.dma_semaphore, #tpu.memory_space<semaphore_mem>>) src(%arg7 : memref<125x16xf32, #tpu.memory_space<vmem>>) dst(%dma_wait3A_246 : memref<10000x16xf32, #tpu.memory_space<vmem_shared>>)
      %dma_wait3A_247 = arith.constant 5 : i32
      %dma_wait3A_248 = arith.constant 0 : i32
      %dma_wait3A_249 = arith.constant 0 : i32
      %dma_wait3A_250 = tpu.memref_slice %arg8[%dma_wait3A_247, %dma_wait3A_248, %dma_wait3A_249] : memref<20x1x125xi32, #tpu.memory_space<vmem>> -> memref<1x1x125xi32, #tpu.memory_space<vmem>>
      %dma_wait3A_251 = tpu.memref_squeeze %dma_wait3A_250 : memref<1x1x125xi32, #tpu.memory_space<vmem>> -> memref<125xi32, #tpu.memory_space<vmem>>
      %dma_wait3A_252 = arith.constant 0 : i32
      %dma_wait3A_253 = arith.constant 0 : i32
      %dma_wait3A_254 = tpu.memref_slice %arg6[%dma_wait3A_252, %dma_wait3A_253] : memref<10000x16xf32, #tpu.memory_space<vmem_shared>> -> memref<10000x16xf32, #tpu.memory_space<vmem_shared>>
      tpu.wait_indirect_dma semaphore(%arg10 : memref<!tpu.dma_semaphore, #tpu.memory_space<semaphore_mem>>) src(%arg7 : memref<125x16xf32, #tpu.memory_space<vmem>>) dst(%dma_wait3A_254 : memref<10000x16xf32, #tpu.memory_space<vmem_shared>>)
      %dma_wait3A_255 = arith.constant 6 : i32
      %dma_wait3A_256 = arith.constant 0 : i32
      %dma_wait3A_257 = arith.constant 0 : i32
      %dma_wait3A_258 = tpu.memref_slice %arg8[%dma_wait3A_255, %dma_wait3A_256, %dma_wait3A_257] : memref<20x1x125xi32, #tpu.memory_space<vmem>> -> memref<1x1x125xi32, #tpu.memory_space<vmem>>
      %dma_wait3A_259 = tpu.memref_squeeze %dma_wait3A_258 : memref<1x1x125xi32, #tpu.memory_space<vmem>> -> memref<125xi32, #tpu.memory_space<vmem>>
      %dma_wait3A_260 = arith.constant 0 : i32
      %dma_wait3A_261 = arith.constant 0 : i32
      %dma_wait3A_262 = tpu.memref_slice %arg6[%dma_wait3A_260, %dma_wait3A_261] : memref<10000x16xf32, #tpu.memory_space<vmem_shared>> -> memref<10000x16xf32, #tpu.memory_space<vmem_shared>>
      tpu.wait_indirect_dma semaphore(%arg10 : memref<!tpu.dma_semaphore, #tpu.memory_space<semaphore_mem>>) src(%arg7 : memref<125x16xf32, #tpu.memory_space<vmem>>) dst(%dma_wait3A_262 : memref<10000x16xf32, #tpu.memory_space<vmem_shared>>)
      %dma_wait3A_263 = arith.constant 7 : i32
      %dma_wait3A_264 = arith.constant 0 : i32
      %dma_wait3A_265 = arith.constant 0 : i32
      %dma_wait3A_266 = tpu.memref_slice %arg8[%dma_wait3A_263, %dma_wait3A_264, %dma_wait3A_265] : memref<20x1x125xi32, #tpu.memory_space<vmem>> -> memref<1x1x125xi32, #tpu.memory_space<vmem>>
      %dma_wait3A_267 = tpu.memref_squeeze %dma_wait3A_266 : memref<1x1x125xi32, #tpu.memory_space<vmem>> -> memref<125xi32, #tpu.memory_space<vmem>>
      %dma_wait3A_268 = arith.constant 0 : i32
      %dma_wait3A_269 = arith.constant 0 : i32
      %dma_wait3A_270 = tpu.memref_slice %arg6[%dma_wait3A_268, %dma_wait3A_269] : memref<10000x16xf32, #tpu.memory_space<vmem_shared>> -> memref<10000x16xf32, #tpu.memory_space<vmem_shared>>
      tpu.wait_indirect_dma semaphore(%arg10 : memref<!tpu.dma_semaphore, #tpu.memory_space<semaphore_mem>>) src(%arg7 : memref<125x16xf32, #tpu.memory_space<vmem>>) dst(%dma_wait3A_270 : memref<10000x16xf32, #tpu.memory_space<vmem_shared>>)
      %dma_wait3A_271 = arith.constant 8 : i32
      %dma_wait3A_272 = arith.constant 0 : i32
      %dma_wait3A_273 = arith.constant 0 : i32
      %dma_wait3A_274 = tpu.memref_slice %arg8[%dma_wait3A_271, %dma_wait3A_272, %dma_wait3A_273] : memref<20x1x125xi32, #tpu.memory_space<vmem>> -> memref<1x1x125xi32, #tpu.memory_space<vmem>>
      %dma_wait3A_275 = tpu.memref_squeeze %dma_wait3A_274 : memref<1x1x125xi32, #tpu.memory_space<vmem>> -> memref<125xi32, #tpu.memory_space<vmem>>
      %dma_wait3A_276 = arith.constant 0 : i32
      %dma_wait3A_277 = arith.constant 0 : i32
      %dma_wait3A_278 = tpu.memref_slice %arg6[%dma_wait3A_276, %dma_wait3A_277] : memref<10000x16xf32, #tpu.memory_space<vmem_shared>> -> memref<10000x16xf32, #tpu.memory_space<vmem_shared>>
      tpu.wait_indirect_dma semaphore(%arg10 : memref<!tpu.dma_semaphore, #tpu.memory_space<semaphore_mem>>) src(%arg7 : memref<125x16xf32, #tpu.memory_space<vmem>>) dst(%dma_wait3A_278 : memref<10000x16xf32, #tpu.memory_space<vmem_shared>>)
      %dma_wait3A_279 = arith.constant 9 : i32
      %dma_wait3A_280 = arith.constant 0 : i32
      %dma_wait3A_281 = arith.constant 0 : i32
      %dma_wait3A_282 = tpu.memref_slice %arg8[%dma_wait3A_279, %dma_wait3A_280, %dma_wait3A_281] : memref<20x1x125xi32, #tpu.memory_space<vmem>> -> memref<1x1x125xi32, #tpu.memory_space<vmem>>
      %dma_wait3A_283 = tpu.memref_squeeze %dma_wait3A_282 : memref<1x1x125xi32, #tpu.memory_space<vmem>> -> memref<125xi32, #tpu.memory_space<vmem>>
      %dma_wait3A_284 = arith.constant 0 : i32
      %dma_wait3A_285 = arith.constant 0 : i32
      %dma_wait3A_286 = tpu.memref_slice %arg6[%dma_wait3A_284, %dma_wait3A_285] : memref<10000x16xf32, #tpu.memory_space<vmem_shared>> -> memref<10000x16xf32, #tpu.memory_space<vmem_shared>>
      tpu.wait_indirect_dma semaphore(%arg10 : memref<!tpu.dma_semaphore, #tpu.memory_space<semaphore_mem>>) src(%arg7 : memref<125x16xf32, #tpu.memory_space<vmem>>) dst(%dma_wait3A_286 : memref<10000x16xf32, #tpu.memory_space<vmem_shared>>)
      %dma_wait3A_287 = arith.constant 10 : i32
      %dma_wait3A_288 = arith.constant 0 : i32
      %dma_wait3A_289 = arith.constant 0 : i32
      %dma_wait3A_290 = tpu.memref_slice %arg8[%dma_wait3A_287, %dma_wait3A_288, %dma_wait3A_289] : memref<20x1x125xi32, #tpu.memory_space<vmem>> -> memref<1x1x125xi32, #tpu.memory_space<vmem>>
      %dma_wait3A_291 = tpu.memref_squeeze %dma_wait3A_290 : memref<1x1x125xi32, #tpu.memory_space<vmem>> -> memref<125xi32, #tpu.memory_space<vmem>>
      %dma_wait3A_292 = arith.constant 0 : i32
      %dma_wait3A_293 = arith.constant 0 : i32
      %dma_wait3A_294 = tpu.memref_slice %arg6[%dma_wait3A_292, %dma_wait3A_293] : memref<10000x16xf32, #tpu.memory_space<vmem_shared>> -> memref<10000x16xf32, #tpu.memory_space<vmem_shared>>
      tpu.wait_indirect_dma semaphore(%arg10 : memref<!tpu.dma_semaphore, #tpu.memory_space<semaphore_mem>>) src(%arg7 : memref<125x16xf32, #tpu.memory_space<vmem>>) dst(%dma_wait3A_294 : memref<10000x16xf32, #tpu.memory_space<vmem_shared>>)
      %dma_wait3A_295 = arith.constant 11 : i32
      %dma_wait3A_296 = arith.constant 0 : i32
      %dma_wait3A_297 = arith.constant 0 : i32
      %dma_wait3A_298 = tpu.memref_slice %arg8[%dma_wait3A_295, %dma_wait3A_296, %dma_wait3A_297] : memref<20x1x125xi32, #tpu.memory_space<vmem>> -> memref<1x1x125xi32, #tpu.memory_space<vmem>>
      %dma_wait3A_299 = tpu.memref_squeeze %dma_wait3A_298 : memref<1x1x125xi32, #tpu.memory_space<vmem>> -> memref<125xi32, #tpu.memory_space<vmem>>
      %dma_wait3A_300 = arith.constant 0 : i32
      %dma_wait3A_301 = arith.constant 0 : i32
      %dma_wait3A_302 = tpu.memref_slice %arg6[%dma_wait3A_300, %dma_wait3A_301] : memref<10000x16xf32, #tpu.memory_space<vmem_shared>> -> memref<10000x16xf32, #tpu.memory_space<vmem_shared>>
      tpu.wait_indirect_dma semaphore(%arg10 : memref<!tpu.dma_semaphore, #tpu.memory_space<semaphore_mem>>) src(%arg7 : memref<125x16xf32, #tpu.memory_space<vmem>>) dst(%dma_wait3A_302 : memref<10000x16xf32, #tpu.memory_space<vmem_shared>>)
      %dma_wait3A_303 = arith.constant 12 : i32
      %dma_wait3A_304 = arith.constant 0 : i32
      %dma_wait3A_305 = arith.constant 0 : i32
      %dma_wait3A_306 = tpu.memref_slice %arg8[%dma_wait3A_303, %dma_wait3A_304, %dma_wait3A_305] : memref<20x1x125xi32, #tpu.memory_space<vmem>> -> memref<1x1x125xi32, #tpu.memory_space<vmem>>
      %dma_wait3A_307 = tpu.memref_squeeze %dma_wait3A_306 : memref<1x1x125xi32, #tpu.memory_space<vmem>> -> memref<125xi32, #tpu.memory_space<vmem>>
      %dma_wait3A_308 = arith.constant 0 : i32
      %dma_wait3A_309 = arith.constant 0 : i32
      %dma_wait3A_310 = tpu.memref_slice %arg6[%dma_wait3A_308, %dma_wait3A_309] : memref<10000x16xf32, #tpu.memory_space<vmem_shared>> -> memref<10000x16xf32, #tpu.memory_space<vmem_shared>>
      tpu.wait_indirect_dma semaphore(%arg10 : memref<!tpu.dma_semaphore, #tpu.memory_space<semaphore_mem>>) src(%arg7 : memref<125x16xf32, #tpu.memory_space<vmem>>) dst(%dma_wait3A_310 : memref<10000x16xf32, #tpu.memory_space<vmem_shared>>)
      %dma_wait3A_311 = arith.constant 13 : i32
      %dma_wait3A_312 = arith.constant 0 : i32
      %dma_wait3A_313 = arith.constant 0 : i32
      %dma_wait3A_314 = tpu.memref_slice %arg8[%dma_wait3A_311, %dma_wait3A_312, %dma_wait3A_313] : memref<20x1x125xi32, #tpu.memory_space<vmem>> -> memref<1x1x125xi32, #tpu.memory_space<vmem>>
      %dma_wait3A_315 = tpu.memref_squeeze %dma_wait3A_314 : memref<1x1x125xi32, #tpu.memory_space<vmem>> -> memref<125xi32, #tpu.memory_space<vmem>>
      %dma_wait3A_316 = arith.constant 0 : i32
      %dma_wait3A_317 = arith.constant 0 : i32
      %dma_wait3A_318 = tpu.memref_slice %arg6[%dma_wait3A_316, %dma_wait3A_317] : memref<10000x16xf32, #tpu.memory_space<vmem_shared>> -> memref<10000x16xf32, #tpu.memory_space<vmem_shared>>
      tpu.wait_indirect_dma semaphore(%arg10 : memref<!tpu.dma_semaphore, #tpu.memory_space<semaphore_mem>>) src(%arg7 : memref<125x16xf32, #tpu.memory_space<vmem>>) dst(%dma_wait3A_318 : memref<10000x16xf32, #tpu.memory_space<vmem_shared>>)
      %dma_wait3A_319 = arith.constant 14 : i32
      %dma_wait3A_320 = arith.constant 0 : i32
      %dma_wait3A_321 = arith.constant 0 : i32
      %dma_wait3A_322 = tpu.memref_slice %arg8[%dma_wait3A_319, %dma_wait3A_320, %dma_wait3A_321] : memref<20x1x125xi32, #tpu.memory_space<vmem>> -> memref<1x1x125xi32, #tpu.memory_space<vmem>>
      %dma_wait3A_323 = tpu.memref_squeeze %dma_wait3A_322 : memref<1x1x125xi32, #tpu.memory_space<vmem>> -> memref<125xi32, #tpu.memory_space<vmem>>
      %dma_wait3A_324 = arith.constant 0 : i32
      %dma_wait3A_325 = arith.constant 0 : i32
      %dma_wait3A_326 = tpu.memref_slice %arg6[%dma_wait3A_324, %dma_wait3A_325] : memref<10000x16xf32, #tpu.memory_space<vmem_shared>> -> memref<10000x16xf32, #tpu.memory_space<vmem_shared>>
      tpu.wait_indirect_dma semaphore(%arg10 : memref<!tpu.dma_semaphore, #tpu.memory_space<semaphore_mem>>) src(%arg7 : memref<125x16xf32, #tpu.memory_space<vmem>>) dst(%dma_wait3A_326 : memref<10000x16xf32, #tpu.memory_space<vmem_shared>>)
      %dma_wait3A_327 = arith.constant 15 : i32
      %dma_wait3A_328 = arith.constant 0 : i32
      %dma_wait3A_329 = arith.constant 0 : i32
      %dma_wait3A_330 = tpu.memref_slice %arg8[%dma_wait3A_327, %dma_wait3A_328, %dma_wait3A_329] : memref<20x1x125xi32, #tpu.memory_space<vmem>> -> memref<1x1x125xi32, #tpu.memory_space<vmem>>
      %dma_wait3A_331 = tpu.memref_squeeze %dma_wait3A_330 : memref<1x1x125xi32, #tpu.memory_space<vmem>> -> memref<125xi32, #tpu.memory_space<vmem>>
      %dma_wait3A_332 = arith.constant 0 : i32
      %dma_wait3A_333 = arith.constant 0 : i32
      %dma_wait3A_334 = tpu.memref_slice %arg6[%dma_wait3A_332, %dma_wait3A_333] : memref<10000x16xf32, #tpu.memory_space<vmem_shared>> -> memref<10000x16xf32, #tpu.memory_space<vmem_shared>>
      tpu.wait_indirect_dma semaphore(%arg10 : memref<!tpu.dma_semaphore, #tpu.memory_space<semaphore_mem>>) src(%arg7 : memref<125x16xf32, #tpu.memory_space<vmem>>) dst(%dma_wait3A_334 : memref<10000x16xf32, #tpu.memory_space<vmem_shared>>)
      %dma_wait3A_335 = arith.constant 16 : i32
      %dma_wait3A_336 = arith.constant 0 : i32
      %dma_wait3A_337 = arith.constant 0 : i32
      %dma_wait3A_338 = tpu.memref_slice %arg8[%dma_wait3A_335, %dma_wait3A_336, %dma_wait3A_337] : memref<20x1x125xi32, #tpu.memory_space<vmem>> -> memref<1x1x125xi32, #tpu.memory_space<vmem>>
      %dma_wait3A_339 = tpu.memref_squeeze %dma_wait3A_338 : memref<1x1x125xi32, #tpu.memory_space<vmem>> -> memref<125xi32, #tpu.memory_space<vmem>>
      %dma_wait3A_340 = arith.constant 0 : i32
      %dma_wait3A_341 = arith.constant 0 : i32
      %dma_wait3A_342 = tpu.memref_slice %arg6[%dma_wait3A_340, %dma_wait3A_341] : memref<10000x16xf32, #tpu.memory_space<vmem_shared>> -> memref<10000x16xf32, #tpu.memory_space<vmem_shared>>
      tpu.wait_indirect_dma semaphore(%arg10 : memref<!tpu.dma_semaphore, #tpu.memory_space<semaphore_mem>>) src(%arg7 : memref<125x16xf32, #tpu.memory_space<vmem>>) dst(%dma_wait3A_342 : memref<10000x16xf32, #tpu.memory_space<vmem_shared>>)
      %dma_wait3A_343 = arith.constant 17 : i32
      %dma_wait3A_344 = arith.constant 0 : i32
      %dma_wait3A_345 = arith.constant 0 : i32
      %dma_wait3A_346 = tpu.memref_slice %arg8[%dma_wait3A_343, %dma_wait3A_344, %dma_wait3A_345] : memref<20x1x125xi32, #tpu.memory_space<vmem>> -> memref<1x1x125xi32, #tpu.memory_space<vmem>>
      %dma_wait3A_347 = tpu.memref_squeeze %dma_wait3A_346 : memref<1x1x125xi32, #tpu.memory_space<vmem>> -> memref<125xi32, #tpu.memory_space<vmem>>
      %dma_wait3A_348 = arith.constant 0 : i32
      %dma_wait3A_349 = arith.constant 0 : i32
      %dma_wait3A_350 = tpu.memref_slice %arg6[%dma_wait3A_348, %dma_wait3A_349] : memref<10000x16xf32, #tpu.memory_space<vmem_shared>> -> memref<10000x16xf32, #tpu.memory_space<vmem_shared>>
      tpu.wait_indirect_dma semaphore(%arg10 : memref<!tpu.dma_semaphore, #tpu.memory_space<semaphore_mem>>) src(%arg7 : memref<125x16xf32, #tpu.memory_space<vmem>>) dst(%dma_wait3A_350 : memref<10000x16xf32, #tpu.memory_space<vmem_shared>>)
      %dma_wait3A_351 = arith.constant 18 : i32
      %dma_wait3A_352 = arith.constant 0 : i32
      %dma_wait3A_353 = arith.constant 0 : i32
      %dma_wait3A_354 = tpu.memref_slice %arg8[%dma_wait3A_351, %dma_wait3A_352, %dma_wait3A_353] : memref<20x1x125xi32, #tpu.memory_space<vmem>> -> memref<1x1x125xi32, #tpu.memory_space<vmem>>
      %dma_wait3A_355 = tpu.memref_squeeze %dma_wait3A_354 : memref<1x1x125xi32, #tpu.memory_space<vmem>> -> memref<125xi32, #tpu.memory_space<vmem>>
      %dma_wait3A_356 = arith.constant 0 : i32
      %dma_wait3A_357 = arith.constant 0 : i32
      %dma_wait3A_358 = tpu.memref_slice %arg6[%dma_wait3A_356, %dma_wait3A_357] : memref<10000x16xf32, #tpu.memory_space<vmem_shared>> -> memref<10000x16xf32, #tpu.memory_space<vmem_shared>>
      tpu.wait_indirect_dma semaphore(%arg10 : memref<!tpu.dma_semaphore, #tpu.memory_space<semaphore_mem>>) src(%arg7 : memref<125x16xf32, #tpu.memory_space<vmem>>) dst(%dma_wait3A_358 : memref<10000x16xf32, #tpu.memory_space<vmem_shared>>)
      %dma_wait3A_359 = arith.constant 19 : i32
      %dma_wait3A_360 = arith.constant 0 : i32
      %dma_wait3A_361 = arith.constant 0 : i32
      %dma_wait3A_362 = tpu.memref_slice %arg8[%dma_wait3A_359, %dma_wait3A_360, %dma_wait3A_361] : memref<20x1x125xi32, #tpu.memory_space<vmem>> -> memref<1x1x125xi32, #tpu.memory_space<vmem>>
      %dma_wait3A_363 = tpu.memref_squeeze %dma_wait3A_362 : memref<1x1x125xi32, #tpu.memory_space<vmem>> -> memref<125xi32, #tpu.memory_space<vmem>>
      %dma_wait3A_364 = arith.constant 0 : i32
      %dma_wait3A_365 = arith.constant 0 : i32
      %dma_wait3A_366 = tpu.memref_slice %arg6[%dma_wait3A_364, %dma_wait3A_365] : memref<10000x16xf32, #tpu.memory_space<vmem_shared>> -> memref<10000x16xf32, #tpu.memory_space<vmem_shared>>
      tpu.wait_indirect_dma semaphore(%arg10 : memref<!tpu.dma_semaphore, #tpu.memory_space<semaphore_mem>>) src(%arg7 : memref<125x16xf32, #tpu.memory_space<vmem>>) dst(%dma_wait3A_366 : memref<10000x16xf32, #tpu.memory_space<vmem_shared>>)
    }
    %scan3A_15 = arith.constant 4 : i32
    %barrier3A_16 = arith.constant 0 : index
    tpu.barrier barrier_id(%barrier3A_16)
    %mul3A_17 = arith.constant 10000 : i32
    %mul3A_18 = arith.muli %arg0, %mul3A_17 : i32
    %mul3A_19 = arith.constant 624 : i32
    %mul3A_20 = arith.muli %arg1, %mul3A_19 : i32
    %add3A_21 = arith.constant 0 : i32
    %add3A_22 = arith.addi %add3A_21, %mul3A_20 : i32
    %mul3A_23 = arith.constant 624 : i32
    %mul3A_24 = arith.muli %arg1, %mul3A_23 : i32
    %add3A_25 = arith.addi %mul3A_18, %mul3A_24 : i32
    "tpu.region"() ({
      %run_scoped3A = tpu.sem_alloc : memref<!tpu.dma_semaphore, #tpu.memory_space<semaphore_mem>>
      %dma_start3A = arith.constant 0 : i32
      %dma_start3A_31 = tpu.memref_slice %arg5[%add3A_25, %dma_start3A] : memref<20000x16xf32, #tpu.memory_space<hbm>> -> memref<624x16xf32, #tpu.memory_space<hbm>>
      %dma_start3A_32 = arith.constant 0 : i32
      %dma_start3A_33 = tpu.memref_slice %arg6[%add3A_22, %dma_start3A_32] : memref<10000x16xf32, #tpu.memory_space<vmem_shared>> -> memref<624x16xf32, #tpu.memory_space<vmem_shared>>
      tpu.enqueue_dma source(%dma_start3A_33 : memref<624x16xf32, #tpu.memory_space<vmem_shared>>) target(%dma_start3A_31 : memref<624x16xf32, #tpu.memory_space<hbm>>) target_semaphore(%run_scoped3A : memref<!tpu.dma_semaphore, #tpu.memory_space<semaphore_mem>>)
      %dma_wait3A = arith.constant 0 : i32
      %dma_wait3A_34 = tpu.memref_slice %arg5[%add3A_25, %dma_wait3A] : memref<20000x16xf32, #tpu.memory_space<hbm>> -> memref<624x16xf32, #tpu.memory_space<hbm>>
      %dma_wait3A_35 = arith.constant 0 : i32
      %dma_wait3A_36 = tpu.memref_slice %arg6[%add3A_22, %dma_wait3A_35] : memref<10000x16xf32, #tpu.memory_space<vmem_shared>> -> memref<624x16xf32, #tpu.memory_space<vmem_shared>>
      tpu.wait_dma2 semaphore(%run_scoped3A : memref<!tpu.dma_semaphore, #tpu.memory_space<semaphore_mem>>) src(%dma_wait3A_36 : memref<624x16xf32, #tpu.memory_space<vmem_shared>>) dst(%dma_wait3A_34 : memref<624x16xf32, #tpu.memory_space<hbm>>)
      tpu.yield
    }) : () -> ()
    %eq3A_26 = arith.constant 15 : i32
    %eq3A_27 = arith.cmpi eq, %arg1, %eq3A_26 : i32
    %convert_element_type3A_28 = arith.extui %eq3A_27 : i1 to i32
    %cond3A_29 = arith.constant 0 : i32
    %cond3A_30 = arith.cmpi ne, %convert_element_type3A_28, %cond3A_29 : i32
    scf.if %cond3A_30 {
      %add3A_31 = arith.constant 9984 : i32
      %add3A_32 = arith.addi %mul3A_18, %add3A_31 : i32
      "tpu.region"() ({
        %run_scoped3A = tpu.sem_alloc : memref<!tpu.dma_semaphore, #tpu.memory_space<semaphore_mem>>
        %dma_start3A = arith.constant 0 : i32
        %dma_start3A_33 = tpu.memref_slice %arg5[%add3A_32, %dma_start3A] : memref<20000x16xf32, #tpu.memory_space<hbm>> -> memref<16x16xf32, #tpu.memory_space<hbm>>
        %dma_start3A_34 = arith.constant 9984 : i32
        %dma_start3A_35 = arith.constant 0 : i32
        %dma_start3A_36 = tpu.memref_slice %arg6[%dma_start3A_34, %dma_start3A_35] : memref<10000x16xf32, #tpu.memory_space<vmem_shared>> -> memref<16x16xf32, #tpu.memory_space<vmem_shared>>
        tpu.enqueue_dma source(%dma_start3A_36 : memref<16x16xf32, #tpu.memory_space<vmem_shared>>) target(%dma_start3A_33 : memref<16x16xf32, #tpu.memory_space<hbm>>) target_semaphore(%run_scoped3A : memref<!tpu.dma_semaphore, #tpu.memory_space<semaphore_mem>>)
        %dma_wait3A = arith.constant 0 : i32
        %dma_wait3A_37 = tpu.memref_slice %arg5[%add3A_32, %dma_wait3A] : memref<20000x16xf32, #tpu.memory_space<hbm>> -> memref<16x16xf32, #tpu.memory_space<hbm>>
        %dma_wait3A_38 = arith.constant 9984 : i32
        %dma_wait3A_39 = arith.constant 0 : i32
        %dma_wait3A_40 = tpu.memref_slice %arg6[%dma_wait3A_38, %dma_wait3A_39] : memref<10000x16xf32, #tpu.memory_space<vmem_shared>> -> memref<16x16xf32, #tpu.memory_space<vmem_shared>>
        tpu.wait_dma2 semaphore(%run_scoped3A : memref<!tpu.dma_semaphore, #tpu.memory_space<semaphore_mem>>) src(%dma_wait3A_40 : memref<16x16xf32, #tpu.memory_space<vmem_shared>>) dst(%dma_wait3A_37 : memref<16x16xf32, #tpu.memory_space<hbm>>)
        tpu.yield
      }) : () -> ()
    } else {
    }
    return
  }
}

#map = affine_map<(d0, d1) -> (0, 0)>
#map1 = affine_map<(d0, d1) -> (0, 0, 0, 0)>
#map2 = affine_map<(d0, d1) -> (0, 0, 0)>
module attributes {stable_mosaic.version = 14 : i64} {
  func.func @_scat_body(%arg0: i32, %arg1: i32, %arg2: memref<20000x128xf32, #tpu.memory_space<hbm>>, %arg3: memref<2x4000x1x80xi32, #tpu.memory_space<hbm>>, %arg4: memref<4000x1x80xi32, #tpu.memory_space<hbm>>, %arg5: memref<20000x128xf32, #tpu.memory_space<hbm>>, %arg6: memref<10000x128xf32, #tpu.memory_space<vmem_shared>>, %arg7: memref<2x1x80xi32, #tpu.memory_space<vmem>>, %arg8: memref<2x1x80xi32, #tpu.memory_space<vmem>>, %arg9: memref<80x128xf32, #tpu.memory_space<vmem>>, %arg10: memref<80x128xf32, #tpu.memory_space<vmem>>, %arg11: memref<2x1x80xi32, #tpu.memory_space<vmem>>, %arg12: memref<2x1x80xi32, #tpu.memory_space<vmem>>, %arg13: memref<80x128xf32, #tpu.memory_space<vmem>>, %arg14: memref<80x128xf32, #tpu.memory_space<vmem>>, %arg15: memref<!tpu.dma_semaphore, #tpu.memory_space<semaphore_mem>>, %arg16: memref<!tpu.dma_semaphore, #tpu.memory_space<semaphore_mem>>, %arg17: memref<!tpu.dma_semaphore, #tpu.memory_space<semaphore_mem>>, %arg18: memref<!tpu.dma_semaphore, #tpu.memory_space<semaphore_mem>>) attributes {dimension_semantics = [#tpu.dimension_semantics<core_parallel>, #tpu.dimension_semantics<subcore_parallel>], iteration_bounds = array<i64: 2, 16>, scalar_prefetch = 0 : i64, scratch_operands = 13 : i64, tpu.core_type = #tpu.core_type<sc_vector_subcore>, window_params = [{transform_indices = #map}, {transform_indices = #map1}, {transform_indices = #map2}, {transform_indices = #map}]} {
    %mul3A = arith.constant 250 : i32
    %mul3A_0 = arith.muli %arg1, %mul3A : i32
    %dma_start3A = arith.constant 0 : i32
    %dma_start3A_1 = arith.constant 0 : i32
    %dma_start3A_2 = tpu.memref_slice %arg3[%arg0, %mul3A_0, %dma_start3A, %dma_start3A_1] : memref<2x4000x1x80xi32, #tpu.memory_space<hbm>> -> memref<1x2x1x80xi32, #tpu.memory_space<hbm>>
    %dma_start3A_3 = tpu.memref_squeeze %dma_start3A_2 : memref<1x2x1x80xi32, #tpu.memory_space<hbm>> -> memref<2x1x80xi32, #tpu.memory_space<hbm>>
    %dma_start3A_4 = arith.constant 0 : i32
    %dma_start3A_5 = arith.constant 0 : i32
    %dma_start3A_6 = tpu.memref_slice %arg3[%arg0, %mul3A_0, %dma_start3A_4, %dma_start3A_5] : memref<2x4000x1x80xi32, #tpu.memory_space<hbm>> -> memref<1x2x1x80xi32, #tpu.memory_space<hbm>>
    %dma_start3A_7 = tpu.memref_squeeze %dma_start3A_6 : memref<1x2x1x80xi32, #tpu.memory_space<hbm>> -> memref<2x1x80xi32, #tpu.memory_space<hbm>>
    tpu.enqueue_dma source(%dma_start3A_7 : memref<2x1x80xi32, #tpu.memory_space<hbm>>) target(%arg7 : memref<2x1x80xi32, #tpu.memory_space<vmem>>) target_semaphore(%arg15 : memref<!tpu.dma_semaphore, #tpu.memory_space<semaphore_mem>>)
    %dma_start3A_8 = arith.constant 0 : i32
    %dma_start3A_9 = arith.constant 0 : i32
    %dma_start3A_10 = tpu.memref_slice %arg4[%mul3A_0, %dma_start3A_8, %dma_start3A_9] : memref<4000x1x80xi32, #tpu.memory_space<hbm>> -> memref<2x1x80xi32, #tpu.memory_space<hbm>>
    %dma_start3A_11 = arith.constant 0 : i32
    %dma_start3A_12 = arith.constant 0 : i32
    %dma_start3A_13 = tpu.memref_slice %arg4[%mul3A_0, %dma_start3A_11, %dma_start3A_12] : memref<4000x1x80xi32, #tpu.memory_space<hbm>> -> memref<2x1x80xi32, #tpu.memory_space<hbm>>
    tpu.enqueue_dma source(%dma_start3A_13 : memref<2x1x80xi32, #tpu.memory_space<hbm>>) target(%arg8 : memref<2x1x80xi32, #tpu.memory_space<vmem>>) target_semaphore(%arg15 : memref<!tpu.dma_semaphore, #tpu.memory_space<semaphore_mem>>)
    %dma_wait3A = arith.constant 0 : i32
    %dma_wait3A_14 = arith.constant 0 : i32
    %dma_wait3A_15 = tpu.memref_slice %arg3[%arg0, %mul3A_0, %dma_wait3A, %dma_wait3A_14] : memref<2x4000x1x80xi32, #tpu.memory_space<hbm>> -> memref<1x2x1x80xi32, #tpu.memory_space<hbm>>
    %dma_wait3A_16 = tpu.memref_squeeze %dma_wait3A_15 : memref<1x2x1x80xi32, #tpu.memory_space<hbm>> -> memref<2x1x80xi32, #tpu.memory_space<hbm>>
    %dma_wait3A_17 = arith.constant 0 : i32
    %dma_wait3A_18 = arith.constant 0 : i32
    %dma_wait3A_19 = tpu.memref_slice %arg3[%arg0, %mul3A_0, %dma_wait3A_17, %dma_wait3A_18] : memref<2x4000x1x80xi32, #tpu.memory_space<hbm>> -> memref<1x2x1x80xi32, #tpu.memory_space<hbm>>
    %dma_wait3A_20 = tpu.memref_squeeze %dma_wait3A_19 : memref<1x2x1x80xi32, #tpu.memory_space<hbm>> -> memref<2x1x80xi32, #tpu.memory_space<hbm>>
    tpu.wait_dma2 semaphore(%arg15 : memref<!tpu.dma_semaphore, #tpu.memory_space<semaphore_mem>>) src(%dma_wait3A_20 : memref<2x1x80xi32, #tpu.memory_space<hbm>>) dst(%arg7 : memref<2x1x80xi32, #tpu.memory_space<vmem>>)
    %dma_wait3A_21 = arith.constant 0 : i32
    %dma_wait3A_22 = arith.constant 0 : i32
    %dma_wait3A_23 = tpu.memref_slice %arg4[%mul3A_0, %dma_wait3A_21, %dma_wait3A_22] : memref<4000x1x80xi32, #tpu.memory_space<hbm>> -> memref<2x1x80xi32, #tpu.memory_space<hbm>>
    %dma_wait3A_24 = arith.constant 0 : i32
    %dma_wait3A_25 = arith.constant 0 : i32
    %dma_wait3A_26 = tpu.memref_slice %arg4[%mul3A_0, %dma_wait3A_24, %dma_wait3A_25] : memref<4000x1x80xi32, #tpu.memory_space<hbm>> -> memref<2x1x80xi32, #tpu.memory_space<hbm>>
    tpu.wait_dma2 semaphore(%arg15 : memref<!tpu.dma_semaphore, #tpu.memory_space<semaphore_mem>>) src(%dma_wait3A_26 : memref<2x1x80xi32, #tpu.memory_space<hbm>>) dst(%arg8 : memref<2x1x80xi32, #tpu.memory_space<vmem>>)
    %dma_start3A_27 = arith.constant 0 : i32
    %dma_start3A_28 = arith.constant 0 : i32
    %dma_start3A_29 = arith.constant 0 : i32
    %dma_start3A_30 = tpu.memref_slice %arg7[%dma_start3A_27, %dma_start3A_28, %dma_start3A_29] : memref<2x1x80xi32, #tpu.memory_space<vmem>> -> memref<1x1x80xi32, #tpu.memory_space<vmem>>
    %dma_start3A_31 = tpu.memref_squeeze %dma_start3A_30 : memref<1x1x80xi32, #tpu.memory_space<vmem>> -> memref<80xi32, #tpu.memory_space<vmem>>
    %dma_start3A_32 = arith.constant 0 : i32
    %dma_start3A_33 = arith.constant 0 : i32
    %dma_start3A_34 = tpu.memref_slice %arg2[%dma_start3A_32, %dma_start3A_33] : memref<20000x128xf32, #tpu.memory_space<hbm>> -> memref<20000x128xf32, #tpu.memory_space<hbm>>
    tpu.enqueue_indirect_dma source(%dma_start3A_34 : memref<20000x128xf32, #tpu.memory_space<hbm>>) target(%arg9 : memref<80x128xf32, #tpu.memory_space<vmem>>) offsets(%dma_start3A_31 : memref<80xi32, #tpu.memory_space<vmem>>) semaphore(%arg16 : memref<!tpu.dma_semaphore, #tpu.memory_space<semaphore_mem>>)
    %dma_start3A_35 = arith.constant 1 : i32
    %dma_start3A_36 = arith.constant 0 : i32
    %dma_start3A_37 = arith.constant 0 : i32
    %dma_start3A_38 = tpu.memref_slice %arg7[%dma_start3A_35, %dma_start3A_36, %dma_start3A_37] : memref<2x1x80xi32, #tpu.memory_space<vmem>> -> memref<1x1x80xi32, #tpu.memory_space<vmem>>
    %dma_start3A_39 = tpu.memref_squeeze %dma_start3A_38 : memref<1x1x80xi32, #tpu.memory_space<vmem>> -> memref<80xi32, #tpu.memory_space<vmem>>
    %dma_start3A_40 = arith.constant 0 : i32
    %dma_start3A_41 = arith.constant 0 : i32
    %dma_start3A_42 = tpu.memref_slice %arg2[%dma_start3A_40, %dma_start3A_41] : memref<20000x128xf32, #tpu.memory_space<hbm>> -> memref<20000x128xf32, #tpu.memory_space<hbm>>
    tpu.enqueue_indirect_dma source(%dma_start3A_42 : memref<20000x128xf32, #tpu.memory_space<hbm>>) target(%arg10 : memref<80x128xf32, #tpu.memory_space<vmem>>) offsets(%dma_start3A_39 : memref<80xi32, #tpu.memory_space<vmem>>) semaphore(%arg16 : memref<!tpu.dma_semaphore, #tpu.memory_space<semaphore_mem>>)
    %add3A = arith.constant 2 : i32
    %add3A_43 = arith.addi %mul3A_0, %add3A : i32
    %dma_start3A_44 = arith.constant 0 : i32
    %dma_start3A_45 = arith.constant 0 : i32
    %dma_start3A_46 = tpu.memref_slice %arg3[%arg0, %add3A_43, %dma_start3A_44, %dma_start3A_45] : memref<2x4000x1x80xi32, #tpu.memory_space<hbm>> -> memref<1x2x1x80xi32, #tpu.memory_space<hbm>>
    %dma_start3A_47 = tpu.memref_squeeze %dma_start3A_46 : memref<1x2x1x80xi32, #tpu.memory_space<hbm>> -> memref<2x1x80xi32, #tpu.memory_space<hbm>>
    %dma_start3A_48 = arith.constant 0 : i32
    %dma_start3A_49 = arith.constant 0 : i32
    %dma_start3A_50 = tpu.memref_slice %arg3[%arg0, %add3A_43, %dma_start3A_48, %dma_start3A_49] : memref<2x4000x1x80xi32, #tpu.memory_space<hbm>> -> memref<1x2x1x80xi32, #tpu.memory_space<hbm>>
    %dma_start3A_51 = tpu.memref_squeeze %dma_start3A_50 : memref<1x2x1x80xi32, #tpu.memory_space<hbm>> -> memref<2x1x80xi32, #tpu.memory_space<hbm>>
    tpu.enqueue_dma source(%dma_start3A_51 : memref<2x1x80xi32, #tpu.memory_space<hbm>>) target(%arg11 : memref<2x1x80xi32, #tpu.memory_space<vmem>>) target_semaphore(%arg15 : memref<!tpu.dma_semaphore, #tpu.memory_space<semaphore_mem>>)
    %dma_start3A_52 = arith.constant 0 : i32
    %dma_start3A_53 = arith.constant 0 : i32
    %dma_start3A_54 = tpu.memref_slice %arg4[%add3A_43, %dma_start3A_52, %dma_start3A_53] : memref<4000x1x80xi32, #tpu.memory_space<hbm>> -> memref<2x1x80xi32, #tpu.memory_space<hbm>>
    %dma_start3A_55 = arith.constant 0 : i32
    %dma_start3A_56 = arith.constant 0 : i32
    %dma_start3A_57 = tpu.memref_slice %arg4[%add3A_43, %dma_start3A_55, %dma_start3A_56] : memref<4000x1x80xi32, #tpu.memory_space<hbm>> -> memref<2x1x80xi32, #tpu.memory_space<hbm>>
    tpu.enqueue_dma source(%dma_start3A_57 : memref<2x1x80xi32, #tpu.memory_space<hbm>>) target(%arg12 : memref<2x1x80xi32, #tpu.memory_space<vmem>>) target_semaphore(%arg15 : memref<!tpu.dma_semaphore, #tpu.memory_space<semaphore_mem>>)
    %dma_wait3A_58 = arith.constant 0 : i32
    %dma_wait3A_59 = arith.constant 0 : i32
    %dma_wait3A_60 = tpu.memref_slice %arg3[%arg0, %add3A_43, %dma_wait3A_58, %dma_wait3A_59] : memref<2x4000x1x80xi32, #tpu.memory_space<hbm>> -> memref<1x2x1x80xi32, #tpu.memory_space<hbm>>
    %dma_wait3A_61 = tpu.memref_squeeze %dma_wait3A_60 : memref<1x2x1x80xi32, #tpu.memory_space<hbm>> -> memref<2x1x80xi32, #tpu.memory_space<hbm>>
    %dma_wait3A_62 = arith.constant 0 : i32
    %dma_wait3A_63 = arith.constant 0 : i32
    %dma_wait3A_64 = tpu.memref_slice %arg3[%arg0, %add3A_43, %dma_wait3A_62, %dma_wait3A_63] : memref<2x4000x1x80xi32, #tpu.memory_space<hbm>> -> memref<1x2x1x80xi32, #tpu.memory_space<hbm>>
    %dma_wait3A_65 = tpu.memref_squeeze %dma_wait3A_64 : memref<1x2x1x80xi32, #tpu.memory_space<hbm>> -> memref<2x1x80xi32, #tpu.memory_space<hbm>>
    tpu.wait_dma2 semaphore(%arg15 : memref<!tpu.dma_semaphore, #tpu.memory_space<semaphore_mem>>) src(%dma_wait3A_65 : memref<2x1x80xi32, #tpu.memory_space<hbm>>) dst(%arg11 : memref<2x1x80xi32, #tpu.memory_space<vmem>>)
    %dma_wait3A_66 = arith.constant 0 : i32
    %dma_wait3A_67 = arith.constant 0 : i32
    %dma_wait3A_68 = tpu.memref_slice %arg4[%add3A_43, %dma_wait3A_66, %dma_wait3A_67] : memref<4000x1x80xi32, #tpu.memory_space<hbm>> -> memref<2x1x80xi32, #tpu.memory_space<hbm>>
    %dma_wait3A_69 = arith.constant 0 : i32
    %dma_wait3A_70 = arith.constant 0 : i32
    %dma_wait3A_71 = tpu.memref_slice %arg4[%add3A_43, %dma_wait3A_69, %dma_wait3A_70] : memref<4000x1x80xi32, #tpu.memory_space<hbm>> -> memref<2x1x80xi32, #tpu.memory_space<hbm>>
    tpu.wait_dma2 semaphore(%arg15 : memref<!tpu.dma_semaphore, #tpu.memory_space<semaphore_mem>>) src(%dma_wait3A_71 : memref<2x1x80xi32, #tpu.memory_space<hbm>>) dst(%arg12 : memref<2x1x80xi32, #tpu.memory_space<vmem>>)
    %mul3A_72 = arith.constant 10000 : i32
    %mul3A_73 = arith.muli %arg0, %mul3A_72 : i32
    %mul3A_74 = arith.constant 624 : i32
    %mul3A_75 = arith.muli %arg1, %mul3A_74 : i32
    %add3A_76 = arith.addi %mul3A_73, %mul3A_75 : i32
    %mul3A_77 = arith.constant 624 : i32
    %mul3A_78 = arith.muli %arg1, %mul3A_77 : i32
    %add3A_79 = arith.constant 0 : i32
    %add3A_80 = arith.addi %add3A_79, %mul3A_78 : i32
    "tpu.region"() ({
      %run_scoped3A = tpu.sem_alloc : memref<!tpu.dma_semaphore, #tpu.memory_space<semaphore_mem>>
      %dma_start3A_151 = arith.constant 0 : i32
      %dma_start3A_152 = tpu.memref_slice %arg6[%add3A_80, %dma_start3A_151] : memref<10000x128xf32, #tpu.memory_space<vmem_shared>> -> memref<624x128xf32, #tpu.memory_space<vmem_shared>>
      %dma_start3A_153 = arith.constant 0 : i32
      %dma_start3A_154 = tpu.memref_slice %arg2[%add3A_76, %dma_start3A_153] : memref<20000x128xf32, #tpu.memory_space<hbm>> -> memref<624x128xf32, #tpu.memory_space<hbm>>
      tpu.enqueue_dma source(%dma_start3A_154 : memref<624x128xf32, #tpu.memory_space<hbm>>) target(%dma_start3A_152 : memref<624x128xf32, #tpu.memory_space<vmem_shared>>) target_semaphore(%run_scoped3A : memref<!tpu.dma_semaphore, #tpu.memory_space<semaphore_mem>>)
      %dma_wait3A_155 = arith.constant 0 : i32
      %dma_wait3A_156 = tpu.memref_slice %arg6[%add3A_80, %dma_wait3A_155] : memref<10000x128xf32, #tpu.memory_space<vmem_shared>> -> memref<624x128xf32, #tpu.memory_space<vmem_shared>>
      %dma_wait3A_157 = arith.constant 0 : i32
      %dma_wait3A_158 = tpu.memref_slice %arg2[%add3A_76, %dma_wait3A_157] : memref<20000x128xf32, #tpu.memory_space<hbm>> -> memref<624x128xf32, #tpu.memory_space<hbm>>
      tpu.wait_dma2 semaphore(%run_scoped3A : memref<!tpu.dma_semaphore, #tpu.memory_space<semaphore_mem>>) src(%dma_wait3A_158 : memref<624x128xf32, #tpu.memory_space<hbm>>) dst(%dma_wait3A_156 : memref<624x128xf32, #tpu.memory_space<vmem_shared>>)
      tpu.yield
    }) : () -> ()
    %eq3A = arith.constant 15 : i32
    %eq3A_81 = arith.cmpi eq, %arg1, %eq3A : i32
    %convert_element_type3A = arith.extui %eq3A_81 : i1 to i32
    %cond3A = arith.constant 0 : i32
    %cond3A_82 = arith.cmpi ne, %convert_element_type3A, %cond3A : i32
    scf.if %cond3A_82 {
      %add3A_151 = arith.constant 9984 : i32
      %add3A_152 = arith.addi %mul3A_73, %add3A_151 : i32
      "tpu.region"() ({
        %run_scoped3A = tpu.sem_alloc : memref<!tpu.dma_semaphore, #tpu.memory_space<semaphore_mem>>
        %dma_start3A_153 = arith.constant 9984 : i32
        %dma_start3A_154 = arith.constant 0 : i32
        %dma_start3A_155 = tpu.memref_slice %arg6[%dma_start3A_153, %dma_start3A_154] : memref<10000x128xf32, #tpu.memory_space<vmem_shared>> -> memref<16x128xf32, #tpu.memory_space<vmem_shared>>
        %dma_start3A_156 = arith.constant 0 : i32
        %dma_start3A_157 = tpu.memref_slice %arg2[%add3A_152, %dma_start3A_156] : memref<20000x128xf32, #tpu.memory_space<hbm>> -> memref<16x128xf32, #tpu.memory_space<hbm>>
        tpu.enqueue_dma source(%dma_start3A_157 : memref<16x128xf32, #tpu.memory_space<hbm>>) target(%dma_start3A_155 : memref<16x128xf32, #tpu.memory_space<vmem_shared>>) target_semaphore(%run_scoped3A : memref<!tpu.dma_semaphore, #tpu.memory_space<semaphore_mem>>)
        %dma_wait3A_158 = arith.constant 9984 : i32
        %dma_wait3A_159 = arith.constant 0 : i32
        %dma_wait3A_160 = tpu.memref_slice %arg6[%dma_wait3A_158, %dma_wait3A_159] : memref<10000x128xf32, #tpu.memory_space<vmem_shared>> -> memref<16x128xf32, #tpu.memory_space<vmem_shared>>
        %dma_wait3A_161 = arith.constant 0 : i32
        %dma_wait3A_162 = tpu.memref_slice %arg2[%add3A_152, %dma_wait3A_161] : memref<20000x128xf32, #tpu.memory_space<hbm>> -> memref<16x128xf32, #tpu.memory_space<hbm>>
        tpu.wait_dma2 semaphore(%run_scoped3A : memref<!tpu.dma_semaphore, #tpu.memory_space<semaphore_mem>>) src(%dma_wait3A_162 : memref<16x128xf32, #tpu.memory_space<hbm>>) dst(%dma_wait3A_160 : memref<16x128xf32, #tpu.memory_space<vmem_shared>>)
        tpu.yield
      }) : () -> ()
    } else {
    }
    %barrier3A = arith.constant 0 : index
    tpu.barrier barrier_id(%barrier3A)
    %scan3A = arith.constant 0 : i32
    %scan3A_83 = arith.constant 0 : i32
    %scan3A_84 = arith.constant 62 : i32
    %scan3A_85 = arith.addi %scan3A_83, %scan3A_84 : i32
    %scan3A_86 = arith.constant 1 : i32
    scf.for %scan3A_151 = %scan3A_83 to %scan3A_85 step %scan3A_86  : i32 {
      %mul3A_152 = arith.constant 2 : i32
      %mul3A_153 = arith.muli %mul3A_152, %scan3A_151 : i32
      %add3A_154 = arith.constant 2 : i32
      %add3A_155 = arith.addi %mul3A_153, %add3A_154 : i32
      %mul3A_156 = arith.constant 2 : i32
      %mul3A_157 = arith.muli %add3A_155, %mul3A_156 : i32
      %add3A_158 = arith.addi %mul3A_0, %mul3A_157 : i32
      %min3A = arith.constant 3998 : i32
      %min3A_159 = arith.minsi %add3A_158, %min3A : i32
      %add3A_160 = arith.constant 2 : i32
      %add3A_161 = arith.addi %min3A_159, %add3A_160 : i32
      %min3A_162 = arith.constant 3998 : i32
      %min3A_163 = arith.minsi %add3A_161, %min3A_162 : i32
      %dma_wait3A_164 = arith.constant 0 : i32
      %dma_wait3A_165 = arith.constant 0 : i32
      %dma_wait3A_166 = arith.constant 0 : i32
      %dma_wait3A_167 = tpu.memref_slice %arg7[%dma_wait3A_164, %dma_wait3A_165, %dma_wait3A_166] : memref<2x1x80xi32, #tpu.memory_space<vmem>> -> memref<1x1x80xi32, #tpu.memory_space<vmem>>
      %dma_wait3A_168 = tpu.memref_squeeze %dma_wait3A_167 : memref<1x1x80xi32, #tpu.memory_space<vmem>> -> memref<80xi32, #tpu.memory_space<vmem>>
      %dma_wait3A_169 = arith.constant 0 : i32
      %dma_wait3A_170 = arith.constant 0 : i32
      %dma_wait3A_171 = tpu.memref_slice %arg2[%dma_wait3A_169, %dma_wait3A_170] : memref<20000x128xf32, #tpu.memory_space<hbm>> -> memref<20000x128xf32, #tpu.memory_space<hbm>>
      tpu.wait_indirect_dma semaphore(%arg16 : memref<!tpu.dma_semaphore, #tpu.memory_space<semaphore_mem>>) src(%dma_wait3A_171 : memref<20000x128xf32, #tpu.memory_space<hbm>>) dst(%arg9 : memref<80x128xf32, #tpu.memory_space<vmem>>)
      %dma_wait3A_172 = arith.constant 1 : i32
      %dma_wait3A_173 = arith.constant 0 : i32
      %dma_wait3A_174 = arith.constant 0 : i32
      %dma_wait3A_175 = tpu.memref_slice %arg7[%dma_wait3A_172, %dma_wait3A_173, %dma_wait3A_174] : memref<2x1x80xi32, #tpu.memory_space<vmem>> -> memref<1x1x80xi32, #tpu.memory_space<vmem>>
      %dma_wait3A_176 = tpu.memref_squeeze %dma_wait3A_175 : memref<1x1x80xi32, #tpu.memory_space<vmem>> -> memref<80xi32, #tpu.memory_space<vmem>>
      %dma_wait3A_177 = arith.constant 0 : i32
      %dma_wait3A_178 = arith.constant 0 : i32
      %dma_wait3A_179 = tpu.memref_slice %arg2[%dma_wait3A_177, %dma_wait3A_178] : memref<20000x128xf32, #tpu.memory_space<hbm>> -> memref<20000x128xf32, #tpu.memory_space<hbm>>
      tpu.wait_indirect_dma semaphore(%arg16 : memref<!tpu.dma_semaphore, #tpu.memory_space<semaphore_mem>>) src(%dma_wait3A_179 : memref<20000x128xf32, #tpu.memory_space<hbm>>) dst(%arg10 : memref<80x128xf32, #tpu.memory_space<vmem>>)
      %dma_start3A_180 = arith.constant 0 : i32
      %dma_start3A_181 = arith.constant 0 : i32
      %dma_start3A_182 = arith.constant 0 : i32
      %dma_start3A_183 = tpu.memref_slice %arg8[%dma_start3A_180, %dma_start3A_181, %dma_start3A_182] : memref<2x1x80xi32, #tpu.memory_space<vmem>> -> memref<1x1x80xi32, #tpu.memory_space<vmem>>
      %dma_start3A_184 = tpu.memref_squeeze %dma_start3A_183 : memref<1x1x80xi32, #tpu.memory_space<vmem>> -> memref<80xi32, #tpu.memory_space<vmem>>
      %dma_start3A_185 = arith.constant 0 : i32
      %dma_start3A_186 = arith.constant 0 : i32
      %dma_start3A_187 = tpu.memref_slice %arg6[%dma_start3A_185, %dma_start3A_186] : memref<10000x128xf32, #tpu.memory_space<vmem_shared>> -> memref<10000x128xf32, #tpu.memory_space<vmem_shared>>
      tpu.enqueue_indirect_dma source(%arg9 : memref<80x128xf32, #tpu.memory_space<vmem>>) target(%dma_start3A_187 : memref<10000x128xf32, #tpu.memory_space<vmem_shared>>) offsets(%dma_start3A_184 : memref<80xi32, #tpu.memory_space<vmem>>) semaphore(%arg17 : memref<!tpu.dma_semaphore, #tpu.memory_space<semaphore_mem>>) {add = true}
      %dma_start3A_188 = arith.constant 1 : i32
      %dma_start3A_189 = arith.constant 0 : i32
      %dma_start3A_190 = arith.constant 0 : i32
      %dma_start3A_191 = tpu.memref_slice %arg8[%dma_start3A_188, %dma_start3A_189, %dma_start3A_190] : memref<2x1x80xi32, #tpu.memory_space<vmem>> -> memref<1x1x80xi32, #tpu.memory_space<vmem>>
      %dma_start3A_192 = tpu.memref_squeeze %dma_start3A_191 : memref<1x1x80xi32, #tpu.memory_space<vmem>> -> memref<80xi32, #tpu.memory_space<vmem>>
      %dma_start3A_193 = arith.constant 0 : i32
      %dma_start3A_194 = arith.constant 0 : i32
      %dma_start3A_195 = tpu.memref_slice %arg6[%dma_start3A_193, %dma_start3A_194] : memref<10000x128xf32, #tpu.memory_space<vmem_shared>> -> memref<10000x128xf32, #tpu.memory_space<vmem_shared>>
      tpu.enqueue_indirect_dma source(%arg10 : memref<80x128xf32, #tpu.memory_space<vmem>>) target(%dma_start3A_195 : memref<10000x128xf32, #tpu.memory_space<vmem_shared>>) offsets(%dma_start3A_192 : memref<80xi32, #tpu.memory_space<vmem>>) semaphore(%arg17 : memref<!tpu.dma_semaphore, #tpu.memory_space<semaphore_mem>>) {add = true}
      %dma_start3A_196 = arith.constant 0 : i32
      %dma_start3A_197 = arith.constant 0 : i32
      %dma_start3A_198 = arith.constant 0 : i32
      %dma_start3A_199 = tpu.memref_slice %arg11[%dma_start3A_196, %dma_start3A_197, %dma_start3A_198] : memref<2x1x80xi32, #tpu.memory_space<vmem>> -> memref<1x1x80xi32, #tpu.memory_space<vmem>>
      %dma_start3A_200 = tpu.memref_squeeze %dma_start3A_199 : memref<1x1x80xi32, #tpu.memory_space<vmem>> -> memref<80xi32, #tpu.memory_space<vmem>>
      %dma_start3A_201 = arith.constant 0 : i32
      %dma_start3A_202 = arith.constant 0 : i32
      %dma_start3A_203 = tpu.memref_slice %arg2[%dma_start3A_201, %dma_start3A_202] : memref<20000x128xf32, #tpu.memory_space<hbm>> -> memref<20000x128xf32, #tpu.memory_space<hbm>>
      tpu.enqueue_indirect_dma source(%dma_start3A_203 : memref<20000x128xf32, #tpu.memory_space<hbm>>) target(%arg13 : memref<80x128xf32, #tpu.memory_space<vmem>>) offsets(%dma_start3A_200 : memref<80xi32, #tpu.memory_space<vmem>>) semaphore(%arg16 : memref<!tpu.dma_semaphore, #tpu.memory_space<semaphore_mem>>)
      %dma_start3A_204 = arith.constant 1 : i32
      %dma_start3A_205 = arith.constant 0 : i32
      %dma_start3A_206 = arith.constant 0 : i32
      %dma_start3A_207 = tpu.memref_slice %arg11[%dma_start3A_204, %dma_start3A_205, %dma_start3A_206] : memref<2x1x80xi32, #tpu.memory_space<vmem>> -> memref<1x1x80xi32, #tpu.memory_space<vmem>>
      %dma_start3A_208 = tpu.memref_squeeze %dma_start3A_207 : memref<1x1x80xi32, #tpu.memory_space<vmem>> -> memref<80xi32, #tpu.memory_space<vmem>>
      %dma_start3A_209 = arith.constant 0 : i32
      %dma_start3A_210 = arith.constant 0 : i32
      %dma_start3A_211 = tpu.memref_slice %arg2[%dma_start3A_209, %dma_start3A_210] : memref<20000x128xf32, #tpu.memory_space<hbm>> -> memref<20000x128xf32, #tpu.memory_space<hbm>>
      tpu.enqueue_indirect_dma source(%dma_start3A_211 : memref<20000x128xf32, #tpu.memory_space<hbm>>) target(%arg14 : memref<80x128xf32, #tpu.memory_space<vmem>>) offsets(%dma_start3A_208 : memref<80xi32, #tpu.memory_space<vmem>>) semaphore(%arg16 : memref<!tpu.dma_semaphore, #tpu.memory_space<semaphore_mem>>)
      %dma_wait3A_212 = arith.constant 0 : i32
      %dma_wait3A_213 = arith.constant 0 : i32
      %dma_wait3A_214 = arith.constant 0 : i32
      %dma_wait3A_215 = tpu.memref_slice %arg8[%dma_wait3A_212, %dma_wait3A_213, %dma_wait3A_214] : memref<2x1x80xi32, #tpu.memory_space<vmem>> -> memref<1x1x80xi32, #tpu.memory_space<vmem>>
      %dma_wait3A_216 = tpu.memref_squeeze %dma_wait3A_215 : memref<1x1x80xi32, #tpu.memory_space<vmem>> -> memref<80xi32, #tpu.memory_space<vmem>>
      %dma_wait3A_217 = arith.constant 0 : i32
      %dma_wait3A_218 = arith.constant 0 : i32
      %dma_wait3A_219 = tpu.memref_slice %arg6[%dma_wait3A_217, %dma_wait3A_218] : memref<10000x128xf32, #tpu.memory_space<vmem_shared>> -> memref<10000x128xf32, #tpu.memory_space<vmem_shared>>
      tpu.wait_indirect_dma semaphore(%arg17 : memref<!tpu.dma_semaphore, #tpu.memory_space<semaphore_mem>>) src(%arg9 : memref<80x128xf32, #tpu.memory_space<vmem>>) dst(%dma_wait3A_219 : memref<10000x128xf32, #tpu.memory_space<vmem_shared>>)
      %dma_wait3A_220 = arith.constant 1 : i32
      %dma_wait3A_221 = arith.constant 0 : i32
      %dma_wait3A_222 = arith.constant 0 : i32
      %dma_wait3A_223 = tpu.memref_slice %arg8[%dma_wait3A_220, %dma_wait3A_221, %dma_wait3A_222] : memref<2x1x80xi32, #tpu.memory_space<vmem>> -> memref<1x1x80xi32, #tpu.memory_space<vmem>>
      %dma_wait3A_224 = tpu.memref_squeeze %dma_wait3A_223 : memref<1x1x80xi32, #tpu.memory_space<vmem>> -> memref<80xi32, #tpu.memory_space<vmem>>
      %dma_wait3A_225 = arith.constant 0 : i32
      %dma_wait3A_226 = arith.constant 0 : i32
      %dma_wait3A_227 = tpu.memref_slice %arg6[%dma_wait3A_225, %dma_wait3A_226] : memref<10000x128xf32, #tpu.memory_space<vmem_shared>> -> memref<10000x128xf32, #tpu.memory_space<vmem_shared>>
      tpu.wait_indirect_dma semaphore(%arg17 : memref<!tpu.dma_semaphore, #tpu.memory_space<semaphore_mem>>) src(%arg10 : memref<80x128xf32, #tpu.memory_space<vmem>>) dst(%dma_wait3A_227 : memref<10000x128xf32, #tpu.memory_space<vmem_shared>>)
      %dma_start3A_228 = arith.constant 0 : i32
      %dma_start3A_229 = arith.constant 0 : i32
      %dma_start3A_230 = tpu.memref_slice %arg3[%arg0, %min3A_159, %dma_start3A_228, %dma_start3A_229] : memref<2x4000x1x80xi32, #tpu.memory_space<hbm>> -> memref<1x2x1x80xi32, #tpu.memory_space<hbm>>
      %dma_start3A_231 = tpu.memref_squeeze %dma_start3A_230 : memref<1x2x1x80xi32, #tpu.memory_space<hbm>> -> memref<2x1x80xi32, #tpu.memory_space<hbm>>
      %dma_start3A_232 = arith.constant 0 : i32
      %dma_start3A_233 = arith.constant 0 : i32
      %dma_start3A_234 = tpu.memref_slice %arg3[%arg0, %min3A_159, %dma_start3A_232, %dma_start3A_233] : memref<2x4000x1x80xi32, #tpu.memory_space<hbm>> -> memref<1x2x1x80xi32, #tpu.memory_space<hbm>>
      %dma_start3A_235 = tpu.memref_squeeze %dma_start3A_234 : memref<1x2x1x80xi32, #tpu.memory_space<hbm>> -> memref<2x1x80xi32, #tpu.memory_space<hbm>>
      tpu.enqueue_dma source(%dma_start3A_235 : memref<2x1x80xi32, #tpu.memory_space<hbm>>) target(%arg7 : memref<2x1x80xi32, #tpu.memory_space<vmem>>) target_semaphore(%arg15 : memref<!tpu.dma_semaphore, #tpu.memory_space<semaphore_mem>>)
      %dma_start3A_236 = arith.constant 0 : i32
      %dma_start3A_237 = arith.constant 0 : i32
      %dma_start3A_238 = tpu.memref_slice %arg4[%min3A_159, %dma_start3A_236, %dma_start3A_237] : memref<4000x1x80xi32, #tpu.memory_space<hbm>> -> memref<2x1x80xi32, #tpu.memory_space<hbm>>
      %dma_start3A_239 = arith.constant 0 : i32
      %dma_start3A_240 = arith.constant 0 : i32
      %dma_start3A_241 = tpu.memref_slice %arg4[%min3A_159, %dma_start3A_239, %dma_start3A_240] : memref<4000x1x80xi32, #tpu.memory_space<hbm>> -> memref<2x1x80xi32, #tpu.memory_space<hbm>>
      tpu.enqueue_dma source(%dma_start3A_241 : memref<2x1x80xi32, #tpu.memory_space<hbm>>) target(%arg8 : memref<2x1x80xi32, #tpu.memory_space<vmem>>) target_semaphore(%arg15 : memref<!tpu.dma_semaphore, #tpu.memory_space<semaphore_mem>>)
      %dma_wait3A_242 = arith.constant 0 : i32
      %dma_wait3A_243 = arith.constant 0 : i32
      %dma_wait3A_244 = tpu.memref_slice %arg3[%arg0, %min3A_159, %dma_wait3A_242, %dma_wait3A_243] : memref<2x4000x1x80xi32, #tpu.memory_space<hbm>> -> memref<1x2x1x80xi32, #tpu.memory_space<hbm>>
      %dma_wait3A_245 = tpu.memref_squeeze %dma_wait3A_244 : memref<1x2x1x80xi32, #tpu.memory_space<hbm>> -> memref<2x1x80xi32, #tpu.memory_space<hbm>>
      %dma_wait3A_246 = arith.constant 0 : i32
      %dma_wait3A_247 = arith.constant 0 : i32
      %dma_wait3A_248 = tpu.memref_slice %arg3[%arg0, %min3A_159, %dma_wait3A_246, %dma_wait3A_247] : memref<2x4000x1x80xi32, #tpu.memory_space<hbm>> -> memref<1x2x1x80xi32, #tpu.memory_space<hbm>>
      %dma_wait3A_249 = tpu.memref_squeeze %dma_wait3A_248 : memref<1x2x1x80xi32, #tpu.memory_space<hbm>> -> memref<2x1x80xi32, #tpu.memory_space<hbm>>
      tpu.wait_dma2 semaphore(%arg15 : memref<!tpu.dma_semaphore, #tpu.memory_space<semaphore_mem>>) src(%dma_wait3A_249 : memref<2x1x80xi32, #tpu.memory_space<hbm>>) dst(%arg7 : memref<2x1x80xi32, #tpu.memory_space<vmem>>)
      %dma_wait3A_250 = arith.constant 0 : i32
      %dma_wait3A_251 = arith.constant 0 : i32
      %dma_wait3A_252 = tpu.memref_slice %arg4[%min3A_159, %dma_wait3A_250, %dma_wait3A_251] : memref<4000x1x80xi32, #tpu.memory_space<hbm>> -> memref<2x1x80xi32, #tpu.memory_space<hbm>>
      %dma_wait3A_253 = arith.constant 0 : i32
      %dma_wait3A_254 = arith.constant 0 : i32
      %dma_wait3A_255 = tpu.memref_slice %arg4[%min3A_159, %dma_wait3A_253, %dma_wait3A_254] : memref<4000x1x80xi32, #tpu.memory_space<hbm>> -> memref<2x1x80xi32, #tpu.memory_space<hbm>>
      tpu.wait_dma2 semaphore(%arg15 : memref<!tpu.dma_semaphore, #tpu.memory_space<semaphore_mem>>) src(%dma_wait3A_255 : memref<2x1x80xi32, #tpu.memory_space<hbm>>) dst(%arg8 : memref<2x1x80xi32, #tpu.memory_space<vmem>>)
      %dma_wait3A_256 = arith.constant 0 : i32
      %dma_wait3A_257 = arith.constant 0 : i32
      %dma_wait3A_258 = arith.constant 0 : i32
      %dma_wait3A_259 = tpu.memref_slice %arg11[%dma_wait3A_256, %dma_wait3A_257, %dma_wait3A_258] : memref<2x1x80xi32, #tpu.memory_space<vmem>> -> memref<1x1x80xi32, #tpu.memory_space<vmem>>
      %dma_wait3A_260 = tpu.memref_squeeze %dma_wait3A_259 : memref<1x1x80xi32, #tpu.memory_space<vmem>> -> memref<80xi32, #tpu.memory_space<vmem>>
      %dma_wait3A_261 = arith.constant 0 : i32
      %dma_wait3A_262 = arith.constant 0 : i32
      %dma_wait3A_263 = tpu.memref_slice %arg2[%dma_wait3A_261, %dma_wait3A_262] : memref<20000x128xf32, #tpu.memory_space<hbm>> -> memref<20000x128xf32, #tpu.memory_space<hbm>>
      tpu.wait_indirect_dma semaphore(%arg16 : memref<!tpu.dma_semaphore, #tpu.memory_space<semaphore_mem>>) src(%dma_wait3A_263 : memref<20000x128xf32, #tpu.memory_space<hbm>>) dst(%arg13 : memref<80x128xf32, #tpu.memory_space<vmem>>)
      %dma_wait3A_264 = arith.constant 1 : i32
      %dma_wait3A_265 = arith.constant 0 : i32
      %dma_wait3A_266 = arith.constant 0 : i32
      %dma_wait3A_267 = tpu.memref_slice %arg11[%dma_wait3A_264, %dma_wait3A_265, %dma_wait3A_266] : memref<2x1x80xi32, #tpu.memory_space<vmem>> -> memref<1x1x80xi32, #tpu.memory_space<vmem>>
      %dma_wait3A_268 = tpu.memref_squeeze %dma_wait3A_267 : memref<1x1x80xi32, #tpu.memory_space<vmem>> -> memref<80xi32, #tpu.memory_space<vmem>>
      %dma_wait3A_269 = arith.constant 0 : i32
      %dma_wait3A_270 = arith.constant 0 : i32
      %dma_wait3A_271 = tpu.memref_slice %arg2[%dma_wait3A_269, %dma_wait3A_270] : memref<20000x128xf32, #tpu.memory_space<hbm>> -> memref<20000x128xf32, #tpu.memory_space<hbm>>
      tpu.wait_indirect_dma semaphore(%arg16 : memref<!tpu.dma_semaphore, #tpu.memory_space<semaphore_mem>>) src(%dma_wait3A_271 : memref<20000x128xf32, #tpu.memory_space<hbm>>) dst(%arg14 : memref<80x128xf32, #tpu.memory_space<vmem>>)
      %dma_start3A_272 = arith.constant 0 : i32
      %dma_start3A_273 = arith.constant 0 : i32
      %dma_start3A_274 = arith.constant 0 : i32
      %dma_start3A_275 = tpu.memref_slice %arg12[%dma_start3A_272, %dma_start3A_273, %dma_start3A_274] : memref<2x1x80xi32, #tpu.memory_space<vmem>> -> memref<1x1x80xi32, #tpu.memory_space<vmem>>
      %dma_start3A_276 = tpu.memref_squeeze %dma_start3A_275 : memref<1x1x80xi32, #tpu.memory_space<vmem>> -> memref<80xi32, #tpu.memory_space<vmem>>
      %dma_start3A_277 = arith.constant 0 : i32
      %dma_start3A_278 = arith.constant 0 : i32
      %dma_start3A_279 = tpu.memref_slice %arg6[%dma_start3A_277, %dma_start3A_278] : memref<10000x128xf32, #tpu.memory_space<vmem_shared>> -> memref<10000x128xf32, #tpu.memory_space<vmem_shared>>
      tpu.enqueue_indirect_dma source(%arg13 : memref<80x128xf32, #tpu.memory_space<vmem>>) target(%dma_start3A_279 : memref<10000x128xf32, #tpu.memory_space<vmem_shared>>) offsets(%dma_start3A_276 : memref<80xi32, #tpu.memory_space<vmem>>) semaphore(%arg18 : memref<!tpu.dma_semaphore, #tpu.memory_space<semaphore_mem>>) {add = true}
      %dma_start3A_280 = arith.constant 1 : i32
      %dma_start3A_281 = arith.constant 0 : i32
      %dma_start3A_282 = arith.constant 0 : i32
      %dma_start3A_283 = tpu.memref_slice %arg12[%dma_start3A_280, %dma_start3A_281, %dma_start3A_282] : memref<2x1x80xi32, #tpu.memory_space<vmem>> -> memref<1x1x80xi32, #tpu.memory_space<vmem>>
      %dma_start3A_284 = tpu.memref_squeeze %dma_start3A_283 : memref<1x1x80xi32, #tpu.memory_space<vmem>> -> memref<80xi32, #tpu.memory_space<vmem>>
      %dma_start3A_285 = arith.constant 0 : i32
      %dma_start3A_286 = arith.constant 0 : i32
      %dma_start3A_287 = tpu.memref_slice %arg6[%dma_start3A_285, %dma_start3A_286] : memref<10000x128xf32, #tpu.memory_space<vmem_shared>> -> memref<10000x128xf32, #tpu.memory_space<vmem_shared>>
      tpu.enqueue_indirect_dma source(%arg14 : memref<80x128xf32, #tpu.memory_space<vmem>>) target(%dma_start3A_287 : memref<10000x128xf32, #tpu.memory_space<vmem_shared>>) offsets(%dma_start3A_284 : memref<80xi32, #tpu.memory_space<vmem>>) semaphore(%arg18 : memref<!tpu.dma_semaphore, #tpu.memory_space<semaphore_mem>>) {add = true}
      %dma_start3A_288 = arith.constant 0 : i32
      %dma_start3A_289 = arith.constant 0 : i32
      %dma_start3A_290 = arith.constant 0 : i32
      %dma_start3A_291 = tpu.memref_slice %arg7[%dma_start3A_288, %dma_start3A_289, %dma_start3A_290] : memref<2x1x80xi32, #tpu.memory_space<vmem>> -> memref<1x1x80xi32, #tpu.memory_space<vmem>>
      %dma_start3A_292 = tpu.memref_squeeze %dma_start3A_291 : memref<1x1x80xi32, #tpu.memory_space<vmem>> -> memref<80xi32, #tpu.memory_space<vmem>>
      %dma_start3A_293 = arith.constant 0 : i32
      %dma_start3A_294 = arith.constant 0 : i32
      %dma_start3A_295 = tpu.memref_slice %arg2[%dma_start3A_293, %dma_start3A_294] : memref<20000x128xf32, #tpu.memory_space<hbm>> -> memref<20000x128xf32, #tpu.memory_space<hbm>>
      tpu.enqueue_indirect_dma source(%dma_start3A_295 : memref<20000x128xf32, #tpu.memory_space<hbm>>) target(%arg9 : memref<80x128xf32, #tpu.memory_space<vmem>>) offsets(%dma_start3A_292 : memref<80xi32, #tpu.memory_space<vmem>>) semaphore(%arg16 : memref<!tpu.dma_semaphore, #tpu.memory_space<semaphore_mem>>)
      %dma_start3A_296 = arith.constant 1 : i32
      %dma_start3A_297 = arith.constant 0 : i32
      %dma_start3A_298 = arith.constant 0 : i32
      %dma_start3A_299 = tpu.memref_slice %arg7[%dma_start3A_296, %dma_start3A_297, %dma_start3A_298] : memref<2x1x80xi32, #tpu.memory_space<vmem>> -> memref<1x1x80xi32, #tpu.memory_space<vmem>>
      %dma_start3A_300 = tpu.memref_squeeze %dma_start3A_299 : memref<1x1x80xi32, #tpu.memory_space<vmem>> -> memref<80xi32, #tpu.memory_space<vmem>>
      %dma_start3A_301 = arith.constant 0 : i32
      %dma_start3A_302 = arith.constant 0 : i32
      %dma_start3A_303 = tpu.memref_slice %arg2[%dma_start3A_301, %dma_start3A_302] : memref<20000x128xf32, #tpu.memory_space<hbm>> -> memref<20000x128xf32, #tpu.memory_space<hbm>>
      tpu.enqueue_indirect_dma source(%dma_start3A_303 : memref<20000x128xf32, #tpu.memory_space<hbm>>) target(%arg10 : memref<80x128xf32, #tpu.memory_space<vmem>>) offsets(%dma_start3A_300 : memref<80xi32, #tpu.memory_space<vmem>>) semaphore(%arg16 : memref<!tpu.dma_semaphore, #tpu.memory_space<semaphore_mem>>)
      %dma_wait3A_304 = arith.constant 0 : i32
      %dma_wait3A_305 = arith.constant 0 : i32
      %dma_wait3A_306 = arith.constant 0 : i32
      %dma_wait3A_307 = tpu.memref_slice %arg12[%dma_wait3A_304, %dma_wait3A_305, %dma_wait3A_306] : memref<2x1x80xi32, #tpu.memory_space<vmem>> -> memref<1x1x80xi32, #tpu.memory_space<vmem>>
      %dma_wait3A_308 = tpu.memref_squeeze %dma_wait3A_307 : memref<1x1x80xi32, #tpu.memory_space<vmem>> -> memref<80xi32, #tpu.memory_space<vmem>>
      %dma_wait3A_309 = arith.constant 0 : i32
      %dma_wait3A_310 = arith.constant 0 : i32
      %dma_wait3A_311 = tpu.memref_slice %arg6[%dma_wait3A_309, %dma_wait3A_310] : memref<10000x128xf32, #tpu.memory_space<vmem_shared>> -> memref<10000x128xf32, #tpu.memory_space<vmem_shared>>
      tpu.wait_indirect_dma semaphore(%arg18 : memref<!tpu.dma_semaphore, #tpu.memory_space<semaphore_mem>>) src(%arg13 : memref<80x128xf32, #tpu.memory_space<vmem>>) dst(%dma_wait3A_311 : memref<10000x128xf32, #tpu.memory_space<vmem_shared>>)
      %dma_wait3A_312 = arith.constant 1 : i32
      %dma_wait3A_313 = arith.constant 0 : i32
      %dma_wait3A_314 = arith.constant 0 : i32
      %dma_wait3A_315 = tpu.memref_slice %arg12[%dma_wait3A_312, %dma_wait3A_313, %dma_wait3A_314] : memref<2x1x80xi32, #tpu.memory_space<vmem>> -> memref<1x1x80xi32, #tpu.memory_space<vmem>>
      %dma_wait3A_316 = tpu.memref_squeeze %dma_wait3A_315 : memref<1x1x80xi32, #tpu.memory_space<vmem>> -> memref<80xi32, #tpu.memory_space<vmem>>
      %dma_wait3A_317 = arith.constant 0 : i32
      %dma_wait3A_318 = arith.constant 0 : i32
      %dma_wait3A_319 = tpu.memref_slice %arg6[%dma_wait3A_317, %dma_wait3A_318] : memref<10000x128xf32, #tpu.memory_space<vmem_shared>> -> memref<10000x128xf32, #tpu.memory_space<vmem_shared>>
      tpu.wait_indirect_dma semaphore(%arg18 : memref<!tpu.dma_semaphore, #tpu.memory_space<semaphore_mem>>) src(%arg14 : memref<80x128xf32, #tpu.memory_space<vmem>>) dst(%dma_wait3A_319 : memref<10000x128xf32, #tpu.memory_space<vmem_shared>>)
      %dma_start3A_320 = arith.constant 0 : i32
      %dma_start3A_321 = arith.constant 0 : i32
      %dma_start3A_322 = tpu.memref_slice %arg3[%arg0, %min3A_163, %dma_start3A_320, %dma_start3A_321] : memref<2x4000x1x80xi32, #tpu.memory_space<hbm>> -> memref<1x2x1x80xi32, #tpu.memory_space<hbm>>
      %dma_start3A_323 = tpu.memref_squeeze %dma_start3A_322 : memref<1x2x1x80xi32, #tpu.memory_space<hbm>> -> memref<2x1x80xi32, #tpu.memory_space<hbm>>
      %dma_start3A_324 = arith.constant 0 : i32
      %dma_start3A_325 = arith.constant 0 : i32
      %dma_start3A_326 = tpu.memref_slice %arg3[%arg0, %min3A_163, %dma_start3A_324, %dma_start3A_325] : memref<2x4000x1x80xi32, #tpu.memory_space<hbm>> -> memref<1x2x1x80xi32, #tpu.memory_space<hbm>>
      %dma_start3A_327 = tpu.memref_squeeze %dma_start3A_326 : memref<1x2x1x80xi32, #tpu.memory_space<hbm>> -> memref<2x1x80xi32, #tpu.memory_space<hbm>>
      tpu.enqueue_dma source(%dma_start3A_327 : memref<2x1x80xi32, #tpu.memory_space<hbm>>) target(%arg11 : memref<2x1x80xi32, #tpu.memory_space<vmem>>) target_semaphore(%arg15 : memref<!tpu.dma_semaphore, #tpu.memory_space<semaphore_mem>>)
      %dma_start3A_328 = arith.constant 0 : i32
      %dma_start3A_329 = arith.constant 0 : i32
      %dma_start3A_330 = tpu.memref_slice %arg4[%min3A_163, %dma_start3A_328, %dma_start3A_329] : memref<4000x1x80xi32, #tpu.memory_space<hbm>> -> memref<2x1x80xi32, #tpu.memory_space<hbm>>
      %dma_start3A_331 = arith.constant 0 : i32
      %dma_start3A_332 = arith.constant 0 : i32
      %dma_start3A_333 = tpu.memref_slice %arg4[%min3A_163, %dma_start3A_331, %dma_start3A_332] : memref<4000x1x80xi32, #tpu.memory_space<hbm>> -> memref<2x1x80xi32, #tpu.memory_space<hbm>>
      tpu.enqueue_dma source(%dma_start3A_333 : memref<2x1x80xi32, #tpu.memory_space<hbm>>) target(%arg12 : memref<2x1x80xi32, #tpu.memory_space<vmem>>) target_semaphore(%arg15 : memref<!tpu.dma_semaphore, #tpu.memory_space<semaphore_mem>>)
      %dma_wait3A_334 = arith.constant 0 : i32
      %dma_wait3A_335 = arith.constant 0 : i32
      %dma_wait3A_336 = tpu.memref_slice %arg3[%arg0, %min3A_163, %dma_wait3A_334, %dma_wait3A_335] : memref<2x4000x1x80xi32, #tpu.memory_space<hbm>> -> memref<1x2x1x80xi32, #tpu.memory_space<hbm>>
      %dma_wait3A_337 = tpu.memref_squeeze %dma_wait3A_336 : memref<1x2x1x80xi32, #tpu.memory_space<hbm>> -> memref<2x1x80xi32, #tpu.memory_space<hbm>>
      %dma_wait3A_338 = arith.constant 0 : i32
      %dma_wait3A_339 = arith.constant 0 : i32
      %dma_wait3A_340 = tpu.memref_slice %arg3[%arg0, %min3A_163, %dma_wait3A_338, %dma_wait3A_339] : memref<2x4000x1x80xi32, #tpu.memory_space<hbm>> -> memref<1x2x1x80xi32, #tpu.memory_space<hbm>>
      %dma_wait3A_341 = tpu.memref_squeeze %dma_wait3A_340 : memref<1x2x1x80xi32, #tpu.memory_space<hbm>> -> memref<2x1x80xi32, #tpu.memory_space<hbm>>
      tpu.wait_dma2 semaphore(%arg15 : memref<!tpu.dma_semaphore, #tpu.memory_space<semaphore_mem>>) src(%dma_wait3A_341 : memref<2x1x80xi32, #tpu.memory_space<hbm>>) dst(%arg11 : memref<2x1x80xi32, #tpu.memory_space<vmem>>)
      %dma_wait3A_342 = arith.constant 0 : i32
      %dma_wait3A_343 = arith.constant 0 : i32
      %dma_wait3A_344 = tpu.memref_slice %arg4[%min3A_163, %dma_wait3A_342, %dma_wait3A_343] : memref<4000x1x80xi32, #tpu.memory_space<hbm>> -> memref<2x1x80xi32, #tpu.memory_space<hbm>>
      %dma_wait3A_345 = arith.constant 0 : i32
      %dma_wait3A_346 = arith.constant 0 : i32
      %dma_wait3A_347 = tpu.memref_slice %arg4[%min3A_163, %dma_wait3A_345, %dma_wait3A_346] : memref<4000x1x80xi32, #tpu.memory_space<hbm>> -> memref<2x1x80xi32, #tpu.memory_space<hbm>>
      tpu.wait_dma2 semaphore(%arg15 : memref<!tpu.dma_semaphore, #tpu.memory_space<semaphore_mem>>) src(%dma_wait3A_347 : memref<2x1x80xi32, #tpu.memory_space<hbm>>) dst(%arg12 : memref<2x1x80xi32, #tpu.memory_space<vmem>>)
    }
    %scan3A_87 = arith.constant 62 : i32
    %dma_wait3A_88 = arith.constant 0 : i32
    %dma_wait3A_89 = arith.constant 0 : i32
    %dma_wait3A_90 = arith.constant 0 : i32
    %dma_wait3A_91 = tpu.memref_slice %arg7[%dma_wait3A_88, %dma_wait3A_89, %dma_wait3A_90] : memref<2x1x80xi32, #tpu.memory_space<vmem>> -> memref<1x1x80xi32, #tpu.memory_space<vmem>>
    %dma_wait3A_92 = tpu.memref_squeeze %dma_wait3A_91 : memref<1x1x80xi32, #tpu.memory_space<vmem>> -> memref<80xi32, #tpu.memory_space<vmem>>
    %dma_wait3A_93 = arith.constant 0 : i32
    %dma_wait3A_94 = arith.constant 0 : i32
    %dma_wait3A_95 = tpu.memref_slice %arg2[%dma_wait3A_93, %dma_wait3A_94] : memref<20000x128xf32, #tpu.memory_space<hbm>> -> memref<20000x128xf32, #tpu.memory_space<hbm>>
    tpu.wait_indirect_dma semaphore(%arg16 : memref<!tpu.dma_semaphore, #tpu.memory_space<semaphore_mem>>) src(%dma_wait3A_95 : memref<20000x128xf32, #tpu.memory_space<hbm>>) dst(%arg9 : memref<80x128xf32, #tpu.memory_space<vmem>>)
    %dma_wait3A_96 = arith.constant 1 : i32
    %dma_wait3A_97 = arith.constant 0 : i32
    %dma_wait3A_98 = arith.constant 0 : i32
    %dma_wait3A_99 = tpu.memref_slice %arg7[%dma_wait3A_96, %dma_wait3A_97, %dma_wait3A_98] : memref<2x1x80xi32, #tpu.memory_space<vmem>> -> memref<1x1x80xi32, #tpu.memory_space<vmem>>
    %dma_wait3A_100 = tpu.memref_squeeze %dma_wait3A_99 : memref<1x1x80xi32, #tpu.memory_space<vmem>> -> memref<80xi32, #tpu.memory_space<vmem>>
    %dma_wait3A_101 = arith.constant 0 : i32
    %dma_wait3A_102 = arith.constant 0 : i32
    %dma_wait3A_103 = tpu.memref_slice %arg2[%dma_wait3A_101, %dma_wait3A_102] : memref<20000x128xf32, #tpu.memory_space<hbm>> -> memref<20000x128xf32, #tpu.memory_space<hbm>>
    tpu.wait_indirect_dma semaphore(%arg16 : memref<!tpu.dma_semaphore, #tpu.memory_space<semaphore_mem>>) src(%dma_wait3A_103 : memref<20000x128xf32, #tpu.memory_space<hbm>>) dst(%arg10 : memref<80x128xf32, #tpu.memory_space<vmem>>)
    %dma_start3A_104 = arith.constant 0 : i32
    %dma_start3A_105 = arith.constant 0 : i32
    %dma_start3A_106 = arith.constant 0 : i32
    %dma_start3A_107 = tpu.memref_slice %arg8[%dma_start3A_104, %dma_start3A_105, %dma_start3A_106] : memref<2x1x80xi32, #tpu.memory_space<vmem>> -> memref<1x1x80xi32, #tpu.memory_space<vmem>>
    %dma_start3A_108 = tpu.memref_squeeze %dma_start3A_107 : memref<1x1x80xi32, #tpu.memory_space<vmem>> -> memref<80xi32, #tpu.memory_space<vmem>>
    %dma_start3A_109 = arith.constant 0 : i32
    %dma_start3A_110 = arith.constant 0 : i32
    %dma_start3A_111 = tpu.memref_slice %arg6[%dma_start3A_109, %dma_start3A_110] : memref<10000x128xf32, #tpu.memory_space<vmem_shared>> -> memref<10000x128xf32, #tpu.memory_space<vmem_shared>>
    tpu.enqueue_indirect_dma source(%arg9 : memref<80x128xf32, #tpu.memory_space<vmem>>) target(%dma_start3A_111 : memref<10000x128xf32, #tpu.memory_space<vmem_shared>>) offsets(%dma_start3A_108 : memref<80xi32, #tpu.memory_space<vmem>>) semaphore(%arg17 : memref<!tpu.dma_semaphore, #tpu.memory_space<semaphore_mem>>) {add = true}
    %dma_start3A_112 = arith.constant 1 : i32
    %dma_start3A_113 = arith.constant 0 : i32
    %dma_start3A_114 = arith.constant 0 : i32
    %dma_start3A_115 = tpu.memref_slice %arg8[%dma_start3A_112, %dma_start3A_113, %dma_start3A_114] : memref<2x1x80xi32, #tpu.memory_space<vmem>> -> memref<1x1x80xi32, #tpu.memory_space<vmem>>
    %dma_start3A_116 = tpu.memref_squeeze %dma_start3A_115 : memref<1x1x80xi32, #tpu.memory_space<vmem>> -> memref<80xi32, #tpu.memory_space<vmem>>
    %dma_start3A_117 = arith.constant 0 : i32
    %dma_start3A_118 = arith.constant 0 : i32
    %dma_start3A_119 = tpu.memref_slice %arg6[%dma_start3A_117, %dma_start3A_118] : memref<10000x128xf32, #tpu.memory_space<vmem_shared>> -> memref<10000x128xf32, #tpu.memory_space<vmem_shared>>
    tpu.enqueue_indirect_dma source(%arg10 : memref<80x128xf32, #tpu.memory_space<vmem>>) target(%dma_start3A_119 : memref<10000x128xf32, #tpu.memory_space<vmem_shared>>) offsets(%dma_start3A_116 : memref<80xi32, #tpu.memory_space<vmem>>) semaphore(%arg17 : memref<!tpu.dma_semaphore, #tpu.memory_space<semaphore_mem>>) {add = true}
    %dma_wait3A_120 = arith.constant 0 : i32
    %dma_wait3A_121 = arith.constant 0 : i32
    %dma_wait3A_122 = arith.constant 0 : i32
    %dma_wait3A_123 = tpu.memref_slice %arg8[%dma_wait3A_120, %dma_wait3A_121, %dma_wait3A_122] : memref<2x1x80xi32, #tpu.memory_space<vmem>> -> memref<1x1x80xi32, #tpu.memory_space<vmem>>
    %dma_wait3A_124 = tpu.memref_squeeze %dma_wait3A_123 : memref<1x1x80xi32, #tpu.memory_space<vmem>> -> memref<80xi32, #tpu.memory_space<vmem>>
    %dma_wait3A_125 = arith.constant 0 : i32
    %dma_wait3A_126 = arith.constant 0 : i32
    %dma_wait3A_127 = tpu.memref_slice %arg6[%dma_wait3A_125, %dma_wait3A_126] : memref<10000x128xf32, #tpu.memory_space<vmem_shared>> -> memref<10000x128xf32, #tpu.memory_space<vmem_shared>>
    tpu.wait_indirect_dma semaphore(%arg17 : memref<!tpu.dma_semaphore, #tpu.memory_space<semaphore_mem>>) src(%arg9 : memref<80x128xf32, #tpu.memory_space<vmem>>) dst(%dma_wait3A_127 : memref<10000x128xf32, #tpu.memory_space<vmem_shared>>)
    %dma_wait3A_128 = arith.constant 1 : i32
    %dma_wait3A_129 = arith.constant 0 : i32
    %dma_wait3A_130 = arith.constant 0 : i32
    %dma_wait3A_131 = tpu.memref_slice %arg8[%dma_wait3A_128, %dma_wait3A_129, %dma_wait3A_130] : memref<2x1x80xi32, #tpu.memory_space<vmem>> -> memref<1x1x80xi32, #tpu.memory_space<vmem>>
    %dma_wait3A_132 = tpu.memref_squeeze %dma_wait3A_131 : memref<1x1x80xi32, #tpu.memory_space<vmem>> -> memref<80xi32, #tpu.memory_space<vmem>>
    %dma_wait3A_133 = arith.constant 0 : i32
    %dma_wait3A_134 = arith.constant 0 : i32
    %dma_wait3A_135 = tpu.memref_slice %arg6[%dma_wait3A_133, %dma_wait3A_134] : memref<10000x128xf32, #tpu.memory_space<vmem_shared>> -> memref<10000x128xf32, #tpu.memory_space<vmem_shared>>
    tpu.wait_indirect_dma semaphore(%arg17 : memref<!tpu.dma_semaphore, #tpu.memory_space<semaphore_mem>>) src(%arg10 : memref<80x128xf32, #tpu.memory_space<vmem>>) dst(%dma_wait3A_135 : memref<10000x128xf32, #tpu.memory_space<vmem_shared>>)
    %barrier3A_136 = arith.constant 0 : index
    tpu.barrier barrier_id(%barrier3A_136)
    %mul3A_137 = arith.constant 10000 : i32
    %mul3A_138 = arith.muli %arg0, %mul3A_137 : i32
    %mul3A_139 = arith.constant 624 : i32
    %mul3A_140 = arith.muli %arg1, %mul3A_139 : i32
    %add3A_141 = arith.constant 0 : i32
    %add3A_142 = arith.addi %add3A_141, %mul3A_140 : i32
    %mul3A_143 = arith.constant 624 : i32
    %mul3A_144 = arith.muli %arg1, %mul3A_143 : i32
    %add3A_145 = arith.addi %mul3A_138, %mul3A_144 : i32
    "tpu.region"() ({
      %run_scoped3A = tpu.sem_alloc : memref<!tpu.dma_semaphore, #tpu.memory_space<semaphore_mem>>
      %dma_start3A_151 = arith.constant 0 : i32
      %dma_start3A_152 = tpu.memref_slice %arg5[%add3A_145, %dma_start3A_151] : memref<20000x128xf32, #tpu.memory_space<hbm>> -> memref<624x128xf32, #tpu.memory_space<hbm>>
      %dma_start3A_153 = arith.constant 0 : i32
      %dma_start3A_154 = tpu.memref_slice %arg6[%add3A_142, %dma_start3A_153] : memref<10000x128xf32, #tpu.memory_space<vmem_shared>> -> memref<624x128xf32, #tpu.memory_space<vmem_shared>>
      tpu.enqueue_dma source(%dma_start3A_154 : memref<624x128xf32, #tpu.memory_space<vmem_shared>>) target(%dma_start3A_152 : memref<624x128xf32, #tpu.memory_space<hbm>>) target_semaphore(%run_scoped3A : memref<!tpu.dma_semaphore, #tpu.memory_space<semaphore_mem>>)
      %dma_wait3A_155 = arith.constant 0 : i32
      %dma_wait3A_156 = tpu.memref_slice %arg5[%add3A_145, %dma_wait3A_155] : memref<20000x128xf32, #tpu.memory_space<hbm>> -> memref<624x128xf32, #tpu.memory_space<hbm>>
      %dma_wait3A_157 = arith.constant 0 : i32
      %dma_wait3A_158 = tpu.memref_slice %arg6[%add3A_142, %dma_wait3A_157] : memref<10000x128xf32, #tpu.memory_space<vmem_shared>> -> memref<624x128xf32, #tpu.memory_space<vmem_shared>>
      tpu.wait_dma2 semaphore(%run_scoped3A : memref<!tpu.dma_semaphore, #tpu.memory_space<semaphore_mem>>) src(%dma_wait3A_158 : memref<624x128xf32, #tpu.memory_space<vmem_shared>>) dst(%dma_wait3A_156 : memref<624x128xf32, #tpu.memory_space<hbm>>)
      tpu.yield
    }) : () -> ()
    %eq3A_146 = arith.constant 15 : i32
    %eq3A_147 = arith.cmpi eq, %arg1, %eq3A_146 : i32
    %convert_element_type3A_148 = arith.extui %eq3A_147 : i1 to i32
    %cond3A_149 = arith.constant 0 : i32
    %cond3A_150 = arith.cmpi ne, %convert_element_type3A_148, %cond3A_149 : i32
    scf.if %cond3A_150 {
      %add3A_151 = arith.constant 9984 : i32
      %add3A_152 = arith.addi %mul3A_138, %add3A_151 : i32
      "tpu.region"() ({
        %run_scoped3A = tpu.sem_alloc : memref<!tpu.dma_semaphore, #tpu.memory_space<semaphore_mem>>
        %dma_start3A_153 = arith.constant 0 : i32
        %dma_start3A_154 = tpu.memref_slice %arg5[%add3A_152, %dma_start3A_153] : memref<20000x128xf32, #tpu.memory_space<hbm>> -> memref<16x128xf32, #tpu.memory_space<hbm>>
        %dma_start3A_155 = arith.constant 9984 : i32
        %dma_start3A_156 = arith.constant 0 : i32
        %dma_start3A_157 = tpu.memref_slice %arg6[%dma_start3A_155, %dma_start3A_156] : memref<10000x128xf32, #tpu.memory_space<vmem_shared>> -> memref<16x128xf32, #tpu.memory_space<vmem_shared>>
        tpu.enqueue_dma source(%dma_start3A_157 : memref<16x128xf32, #tpu.memory_space<vmem_shared>>) target(%dma_start3A_154 : memref<16x128xf32, #tpu.memory_space<hbm>>) target_semaphore(%run_scoped3A : memref<!tpu.dma_semaphore, #tpu.memory_space<semaphore_mem>>)
        %dma_wait3A_158 = arith.constant 0 : i32
        %dma_wait3A_159 = tpu.memref_slice %arg5[%add3A_152, %dma_wait3A_158] : memref<20000x128xf32, #tpu.memory_space<hbm>> -> memref<16x128xf32, #tpu.memory_space<hbm>>
        %dma_wait3A_160 = arith.constant 9984 : i32
        %dma_wait3A_161 = arith.constant 0 : i32
        %dma_wait3A_162 = tpu.memref_slice %arg6[%dma_wait3A_160, %dma_wait3A_161] : memref<10000x128xf32, #tpu.memory_space<vmem_shared>> -> memref<16x128xf32, #tpu.memory_space<vmem_shared>>
        tpu.wait_dma2 semaphore(%run_scoped3A : memref<!tpu.dma_semaphore, #tpu.memory_space<semaphore_mem>>) src(%dma_wait3A_162 : memref<16x128xf32, #tpu.memory_space<vmem_shared>>) dst(%dma_wait3A_159 : memref<16x128xf32, #tpu.memory_space<hbm>>)
        tpu.yield
      }) : () -> ()
    } else {
    }
    return
  }
}

module attributes {stable_mosaic.version = 14 : i64} {
  func.func @_tc1_body(%arg0: i32, %arg1: memref<1000x128xf32, #tpu.memory_space<vmem>>, %arg2: memref<1000x16xf32, #tpu.memory_space<vmem>>, %arg3: memref<1000x16xf32, #tpu.memory_space<vmem>>, %arg4: memref<128x256xf32, #tpu.memory_space<vmem>>, %arg5: memref<2x1000x128xf32, #tpu.memory_space<vmem>>, %arg6: memref<1000x128xf32, #tpu.memory_space<vmem>>) attributes {dimension_semantics = [#tpu.dimension_semantics<arbitrary>], iteration_bounds = array<i64: 10>, scalar_prefetch = 0 : i64, scratch_operands = 0 : i64, tpu.core_type = #tpu.core_type<tc>, window_params = [{transform_indices = @transform_0, window_bounds = array<i64: 1000, 128>}, {transform_indices = @transform_1, window_bounds = array<i64: 1000, 16>}, {transform_indices = @transform_2, window_bounds = array<i64: 1000, 16>}, {pipeline_mode = #tpu.pipeline_mode<synchronous>, transform_indices = @transform_3, window_bounds = array<i64: 128, 256>}, {transform_indices = @transform_4, window_bounds = array<i64: 2, 1000, 128>}, {transform_indices = @transform_5, window_bounds = array<i64: 1000, 128>}]} {
    %get3A = arith.constant 0 : index
    %get3A_0 = arith.constant 0 : index
    %get3A_1 = vector.load %arg2[%get3A, %get3A_0] : memref<1000x16xf32, #tpu.memory_space<vmem>>, vector<1000x1xf32>
    %get3A_2 = arith.constant 0 : index
    %get3A_3 = arith.constant 0 : index
    %get3A_4 = vector.load %arg3[%get3A_2, %get3A_3] : memref<1000x16xf32, #tpu.memory_space<vmem>>, vector<1000x1xf32>
    %add3A = arith.addf %get3A_1, %get3A_4 : vector<1000x1xf32>
    %add3A_5 = arith.constant 1.000000e+00 : f32
    %add3A_6 = vector.broadcast %add3A_5 : f32 to vector<1000x1xf32>
    %add3A_7 = arith.addf %add3A, %add3A_6 : vector<1000x1xf32>
    %rsqrt3A = math.rsqrt %add3A_7 : vector<1000x1xf32>
    %get3A_8 = arith.constant 0 : index
    %get3A_9 = arith.constant 0 : index
    %get3A_10 = vector.load %arg1[%get3A_8, %get3A_9] : memref<1000x128xf32, #tpu.memory_space<vmem>>, vector<1000x128xf32>
    %get3A_11 = arith.constant 0 : index
    %get3A_12 = arith.constant 0 : index
    %get3A_13 = vector.load %arg4[%get3A_11, %get3A_12] : memref<128x256xf32, #tpu.memory_space<vmem>>, vector<128x256xf32>
    %dot_general3A = arith.constant dense<0.000000e+00> : vector<1000x256xf32>
    %dot_general3A_14 = tpu.matmul %get3A_10, %get3A_13, %dot_general3A {dimension_numbers = #tpu.dot_dimension_numbers<[1], [0], [0], [1], [0, 0, 1, 1], [], []>, transpose_lhs_hint = false} : vector<1000x128xf32>, vector<128x256xf32>, vector<1000x256xf32> -> vector<1000x256xf32>
    %mul3A = vector.broadcast %rsqrt3A : vector<1000x1xf32> to vector<1000x256xf32>
    %mul3A_15 = arith.mulf %dot_general3A_14, %mul3A : vector<1000x256xf32>
    %slice3A = vector.extract_strided_slice %mul3A_15 {offsets = [0, 0], sizes = [1000, 128], strides = [1, 1]} : vector<1000x256xf32> to vector<1000x128xf32>
    %swap3A = arith.constant 0 : index
    %swap3A_16 = arith.constant 0 : index
    %swap3A_17 = arith.constant 0 : index
    %swap3A_18 = vector.load %arg5[%swap3A, %swap3A_16, %swap3A_17] : memref<2x1000x128xf32, #tpu.memory_space<vmem>>, vector<1x1000x128xf32>
    %swap3A_19 = vector.shape_cast %swap3A_18 : vector<1x1000x128xf32> to vector<1000x128xf32>
    %swap3A_20 = vector.shape_cast %slice3A : vector<1000x128xf32> to vector<1x1000x128xf32>
    tpu.vector_store %arg5[%swap3A, %swap3A_16, %swap3A_17], %swap3A_20 {strides = array<i32>} : memref<2x1000x128xf32, #tpu.memory_space<vmem>>, vector<1x1000x128xf32>,
    %slice3A_21 = vector.extract_strided_slice %mul3A_15 {offsets = [0, 128], sizes = [1000, 128], strides = [1, 1]} : vector<1000x256xf32> to vector<1000x128xf32>
    %swap3A_22 = arith.constant 1 : index
    %swap3A_23 = arith.constant 0 : index
    %swap3A_24 = arith.constant 0 : index
    %swap3A_25 = vector.load %arg5[%swap3A_22, %swap3A_23, %swap3A_24] : memref<2x1000x128xf32, #tpu.memory_space<vmem>>, vector<1x1000x128xf32>
    %swap3A_26 = vector.shape_cast %swap3A_25 : vector<1x1000x128xf32> to vector<1000x128xf32>
    %swap3A_27 = vector.shape_cast %slice3A_21 : vector<1000x128xf32> to vector<1x1000x128xf32>
    tpu.vector_store %arg5[%swap3A_22, %swap3A_23, %swap3A_24], %swap3A_27 {strides = array<i32>} : memref<2x1000x128xf32, #tpu.memory_space<vmem>>, vector<1x1000x128xf32>,
    %broadcast_in_dim3A = vector.shape_cast %rsqrt3A : vector<1000x1xf32> to vector<1000x1xf32>
    %broadcast_in_dim3A_28 = vector.broadcast %broadcast_in_dim3A : vector<1000x1xf32> to vector<1000x128xf32>
    %swap3A_29 = arith.constant 0 : index
    %swap3A_30 = arith.constant 0 : index
    %swap3A_31 = vector.load %arg6[%swap3A_29, %swap3A_30] : memref<1000x128xf32, #tpu.memory_space<vmem>>, vector<1000x128xf32>
    tpu.vector_store %arg6[%swap3A_29, %swap3A_30], %broadcast_in_dim3A_28 {strides = array<i32>} : memref<1000x128xf32, #tpu.memory_space<vmem>>, vector<1000x128xf32>,
    return
  }
  func.func @transform_0(%arg0: i32) -> (i32, i32) {
    %c0_i32 = arith.constant 0 : i32
    %c0_i32_0 = arith.constant 0 : i32
    return %arg0, %c0_i32 : i32, i32
  }
  func.func @transform_1(%arg0: i32) -> (i32, i32) {
    %c0_i32 = arith.constant 0 : i32
    %c0_i32_0 = arith.constant 0 : i32
    return %arg0, %c0_i32 : i32, i32
  }
  func.func @transform_2(%arg0: i32) -> (i32, i32) {
    %add3A = arith.constant 10 : i32
    %add3A_0 = arith.addi %arg0, %add3A : i32
    %c0_i32 = arith.constant 0 : i32
    %c0_i32_1 = arith.constant 0 : i32
    return %add3A_0, %c0_i32 : i32, i32
  }
  func.func @transform_3(%arg0: i32) -> (i32, i32) {
    %c0_i32 = arith.constant 0 : i32
    %c0_i32_0 = arith.constant 0 : i32
    %c0_i32_1 = arith.constant 0 : i32
    return %c0_i32, %c0_i32_0 : i32, i32
  }
  func.func @transform_4(%arg0: i32) -> (i32, i32, i32) {
    %c0_i32 = arith.constant 0 : i32
    %c0_i32_0 = arith.constant 0 : i32
    %c0_i32_1 = arith.constant 0 : i32
    return %c0_i32, %arg0, %c0_i32_0 : i32, i32, i32
  }
  func.func @transform_5(%arg0: i32) -> (i32, i32) {
    %c0_i32 = arith.constant 0 : i32
    %c0_i32_0 = arith.constant 0 : i32
    return %arg0, %c0_i32 : i32, i32
  }
}

module attributes {stable_mosaic.version = 14 : i64} {
  func.func @_tcmid_body(%arg0: i32, %arg1: memref<2x1000x128xf32, #tpu.memory_space<vmem>>, %arg2: memref<1000x128xf32, #tpu.memory_space<vmem>>, %arg3: memref<1x256xf32, #tpu.memory_space<vmem>>, %arg4: memref<1x256xf32, #tpu.memory_space<vmem>>, %arg5: memref<256x256xf32, #tpu.memory_space<vmem>>, %arg6: memref<2x1000x128xf32, #tpu.memory_space<vmem>>) attributes {dimension_semantics = [#tpu.dimension_semantics<arbitrary>], iteration_bounds = array<i64: 10>, scalar_prefetch = 0 : i64, scratch_operands = 0 : i64, tpu.core_type = #tpu.core_type<tc>, window_params = [{transform_indices = @transform_0, window_bounds = array<i64: 2, 1000, 128>}, {transform_indices = @transform_1, window_bounds = array<i64: 1000, 128>}, {pipeline_mode = #tpu.pipeline_mode<synchronous>, transform_indices = @transform_2, window_bounds = array<i64: 1, 256>}, {pipeline_mode = #tpu.pipeline_mode<synchronous>, transform_indices = @transform_3, window_bounds = array<i64: 1, 256>}, {pipeline_mode = #tpu.pipeline_mode<synchronous>, transform_indices = @transform_4, window_bounds = array<i64: 256, 256>}, {transform_indices = @transform_5, window_bounds = array<i64: 2, 1000, 128>}]} {
    %get3A = arith.constant 0 : index
    %get3A_0 = arith.constant 0 : index
    %get3A_1 = vector.load %arg2[%get3A, %get3A_0] : memref<1000x128xf32, #tpu.memory_space<vmem>>, vector<1000x1xf32>
    %get3A_2 = arith.constant 0 : index
    %get3A_3 = arith.constant 0 : index
    %get3A_4 = arith.constant 0 : index
    %get3A_5 = vector.load %arg1[%get3A_2, %get3A_3, %get3A_4] : memref<2x1000x128xf32, #tpu.memory_space<vmem>>, vector<1x1000x128xf32>
    %get3A_6 = vector.shape_cast %get3A_5 : vector<1x1000x128xf32> to vector<1000x128xf32>
    %mul3A = vector.broadcast %get3A_1 : vector<1000x1xf32> to vector<1000x128xf32>
    %mul3A_7 = arith.mulf %get3A_6, %mul3A : vector<1000x128xf32>
    %get3A_8 = arith.constant 0 : index
    %get3A_9 = arith.constant 0 : index
    %get3A_10 = vector.load %arg3[%get3A_8, %get3A_9] : memref<1x256xf32, #tpu.memory_space<vmem>>, vector<1x128xf32>
    %mul3A_11 = vector.broadcast %get3A_10 : vector<1x128xf32> to vector<1000x128xf32>
    %mul3A_12 = arith.mulf %mul3A_7, %mul3A_11 : vector<1000x128xf32>
    %get3A_13 = arith.constant 0 : index
    %get3A_14 = arith.constant 0 : index
    %get3A_15 = vector.load %arg4[%get3A_13, %get3A_14] : memref<1x256xf32, #tpu.memory_space<vmem>>, vector<1x128xf32>
    %add3A = vector.broadcast %get3A_15 : vector<1x128xf32> to vector<1000x128xf32>
    %add3A_16 = arith.addf %mul3A_12, %add3A : vector<1000x128xf32>
    %get3A_17 = arith.constant 1 : index
    %get3A_18 = arith.constant 0 : index
    %get3A_19 = arith.constant 0 : index
    %get3A_20 = vector.load %arg1[%get3A_17, %get3A_18, %get3A_19] : memref<2x1000x128xf32, #tpu.memory_space<vmem>>, vector<1x1000x128xf32>
    %get3A_21 = vector.shape_cast %get3A_20 : vector<1x1000x128xf32> to vector<1000x128xf32>
    %mul3A_22 = vector.broadcast %get3A_1 : vector<1000x1xf32> to vector<1000x128xf32>
    %mul3A_23 = arith.mulf %get3A_21, %mul3A_22 : vector<1000x128xf32>
    %get3A_24 = arith.constant 0 : index
    %get3A_25 = arith.constant 128 : index
    %get3A_26 = vector.load %arg3[%get3A_24, %get3A_25] : memref<1x256xf32, #tpu.memory_space<vmem>>, vector<1x128xf32>
    %mul3A_27 = vector.broadcast %get3A_26 : vector<1x128xf32> to vector<1000x128xf32>
    %mul3A_28 = arith.mulf %mul3A_23, %mul3A_27 : vector<1000x128xf32>
    %get3A_29 = arith.constant 0 : index
    %get3A_30 = arith.constant 128 : index
    %get3A_31 = vector.load %arg4[%get3A_29, %get3A_30] : memref<1x256xf32, #tpu.memory_space<vmem>>, vector<1x128xf32>
    %add3A_32 = vector.broadcast %get3A_31 : vector<1x128xf32> to vector<1000x128xf32>
    %add3A_33 = arith.addf %mul3A_28, %add3A_32 : vector<1000x128xf32>
    %concatenate3A = tpu.concatenate %add3A_16, %add3A_33 in 1 : vector<1000x128xf32>, vector<1000x128xf32> -> vector<1000x256xf32>
    %max3A = arith.constant 0.000000e+00 : f32
    %max3A_34 = vector.broadcast %max3A : f32 to vector<1000x256xf32>
    %max3A_35 = arith.maximumf %concatenate3A, %max3A_34 : vector<1000x256xf32>
    %get3A_36 = arith.constant 0 : index
    %get3A_37 = arith.constant 0 : index
    %get3A_38 = vector.load %arg5[%get3A_36, %get3A_37] : memref<256x256xf32, #tpu.memory_space<vmem>>, vector<256x256xf32>
    %dot_general3A = arith.constant dense<0.000000e+00> : vector<1000x256xf32>
    %dot_general3A_39 = tpu.matmul %max3A_35, %get3A_38, %dot_general3A {dimension_numbers = #tpu.dot_dimension_numbers<[1], [0], [0], [1], [0, 0, 1, 1], [], []>, transpose_lhs_hint = false} : vector<1000x256xf32>, vector<256x256xf32>, vector<1000x256xf32> -> vector<1000x256xf32>
    %mul3A_40 = vector.broadcast %get3A_1 : vector<1000x1xf32> to vector<1000x256xf32>
    %mul3A_41 = arith.mulf %dot_general3A_39, %mul3A_40 : vector<1000x256xf32>
    %slice3A = vector.extract_strided_slice %mul3A_41 {offsets = [0, 0], sizes = [1000, 128], strides = [1, 1]} : vector<1000x256xf32> to vector<1000x128xf32>
    %swap3A = arith.constant 0 : index
    %swap3A_42 = arith.constant 0 : index
    %swap3A_43 = arith.constant 0 : index
    %swap3A_44 = vector.load %arg6[%swap3A, %swap3A_42, %swap3A_43] : memref<2x1000x128xf32, #tpu.memory_space<vmem>>, vector<1x1000x128xf32>
    %swap3A_45 = vector.shape_cast %swap3A_44 : vector<1x1000x128xf32> to vector<1000x128xf32>
    %swap3A_46 = vector.shape_cast %slice3A : vector<1000x128xf32> to vector<1x1000x128xf32>
    tpu.vector_store %arg6[%swap3A, %swap3A_42, %swap3A_43], %swap3A_46 {strides = array<i32>} : memref<2x1000x128xf32, #tpu.memory_space<vmem>>, vector<1x1000x128xf32>,
    %slice3A_47 = vector.extract_strided_slice %mul3A_41 {offsets = [0, 128], sizes = [1000, 128], strides = [1, 1]} : vector<1000x256xf32> to vector<1000x128xf32>
    %swap3A_48 = arith.constant 1 : index
    %swap3A_49 = arith.constant 0 : index
    %swap3A_50 = arith.constant 0 : index
    %swap3A_51 = vector.load %arg6[%swap3A_48, %swap3A_49, %swap3A_50] : memref<2x1000x128xf32, #tpu.memory_space<vmem>>, vector<1x1000x128xf32>
    %swap3A_52 = vector.shape_cast %swap3A_51 : vector<1x1000x128xf32> to vector<1000x128xf32>
    %swap3A_53 = vector.shape_cast %slice3A_47 : vector<1000x128xf32> to vector<1x1000x128xf32>
    tpu.vector_store %arg6[%swap3A_48, %swap3A_49, %swap3A_50], %swap3A_53 {strides = array<i32>} : memref<2x1000x128xf32, #tpu.memory_space<vmem>>, vector<1x1000x128xf32>,
    return
  }
  func.func @transform_0(%arg0: i32) -> (i32, i32, i32) {
    %c0_i32 = arith.constant 0 : i32
    %c0_i32_0 = arith.constant 0 : i32
    %c0_i32_1 = arith.constant 0 : i32
    return %c0_i32, %arg0, %c0_i32_0 : i32, i32, i32
  }
  func.func @transform_1(%arg0: i32) -> (i32, i32) {
    %c0_i32 = arith.constant 0 : i32
    %c0_i32_0 = arith.constant 0 : i32
    return %arg0, %c0_i32 : i32, i32
  }
  func.func @transform_2(%arg0: i32) -> (i32, i32) {
    %c0_i32 = arith.constant 0 : i32
    %c0_i32_0 = arith.constant 0 : i32
    %c0_i32_1 = arith.constant 0 : i32
    return %c0_i32, %c0_i32_0 : i32, i32
  }
  func.func @transform_3(%arg0: i32) -> (i32, i32) {
    %c0_i32 = arith.constant 0 : i32
    %c0_i32_0 = arith.constant 0 : i32
    %c0_i32_1 = arith.constant 0 : i32
    return %c0_i32, %c0_i32_0 : i32, i32
  }
  func.func @transform_4(%arg0: i32) -> (i32, i32) {
    %c0_i32 = arith.constant 0 : i32
    %c0_i32_0 = arith.constant 0 : i32
    %c0_i32_1 = arith.constant 0 : i32
    return %c0_i32, %c0_i32_0 : i32, i32
  }
  func.func @transform_5(%arg0: i32) -> (i32, i32, i32) {
    %c0_i32 = arith.constant 0 : i32
    %c0_i32_0 = arith.constant 0 : i32
    %c0_i32_1 = arith.constant 0 : i32
    return %c0_i32, %arg0, %c0_i32_0 : i32, i32, i32
  }
}

module attributes {stable_mosaic.version = 14 : i64} {
  func.func @_pool_body(%arg0: i32, %arg1: memref<2x1000x128xf32, #tpu.memory_space<vmem>>, %arg2: memref<1000x128xf32, #tpu.memory_space<vmem>>, %arg3: memref<1x256xf32, #tpu.memory_space<vmem>>, %arg4: memref<1x1x1000xi32, #tpu.memory_space<vmem>>, %arg5: memref<64x256xf32, #tpu.memory_space<vmem>>, %arg6: memref<64x256xf32, #tpu.memory_space<vmem>>, %arg7: memref<64x128xf32, #tpu.memory_space<vmem>>) attributes {dimension_semantics = [#tpu.dimension_semantics<arbitrary>], iteration_bounds = array<i64: 10>, scalar_prefetch = 0 : i64, scratch_operands = 2 : i64, tpu.core_type = #tpu.core_type<tc>, window_params = [{transform_indices = @transform_0, window_bounds = array<i64: 2, 1000, 128>}, {transform_indices = @transform_1, window_bounds = array<i64: 1000, 128>}, {pipeline_mode = #tpu.pipeline_mode<synchronous>, transform_indices = @transform_2, window_bounds = array<i64: 1, 256>}, {transform_indices = @transform_3, window_bounds = array<i64: 1, 1, 1000>}, {pipeline_mode = #tpu.pipeline_mode<synchronous>, transform_indices = @transform_4, window_bounds = array<i64: 64, 256>}]} {
    %get3A = arith.constant 0 : index
    %get3A_0 = arith.constant 0 : index
    %get3A_1 = vector.load %arg2[%get3A, %get3A_0] : memref<1000x128xf32, #tpu.memory_space<vmem>>, vector<1000x1xf32>
    %get3A_2 = arith.constant 0 : index
    %get3A_3 = arith.constant 0 : index
    %get3A_4 = arith.constant 0 : index
    %get3A_5 = vector.load %arg1[%get3A_2, %get3A_3, %get3A_4] : memref<2x1000x128xf32, #tpu.memory_space<vmem>>, vector<1x1000x128xf32>
    %get3A_6 = vector.shape_cast %get3A_5 : vector<1x1000x128xf32> to vector<1000x128xf32>
    %mul3A = vector.broadcast %get3A_1 : vector<1000x1xf32> to vector<1000x128xf32>
    %mul3A_7 = arith.mulf %get3A_6, %mul3A : vector<1000x128xf32>
    %get3A_8 = arith.constant 0 : index
    %get3A_9 = arith.constant 0 : index
    %get3A_10 = vector.load %arg3[%get3A_8, %get3A_9] : memref<1x256xf32, #tpu.memory_space<vmem>>, vector<1x128xf32>
    %add3A = vector.broadcast %get3A_10 : vector<1x128xf32> to vector<1000x128xf32>
    %add3A_11 = arith.addf %mul3A_7, %add3A : vector<1000x128xf32>
    %get3A_12 = arith.constant 1 : index
    %get3A_13 = arith.constant 0 : index
    %get3A_14 = arith.constant 0 : index
    %get3A_15 = vector.load %arg1[%get3A_12, %get3A_13, %get3A_14] : memref<2x1000x128xf32, #tpu.memory_space<vmem>>, vector<1x1000x128xf32>
    %get3A_16 = vector.shape_cast %get3A_15 : vector<1x1000x128xf32> to vector<1000x128xf32>
    %mul3A_17 = vector.broadcast %get3A_1 : vector<1000x1xf32> to vector<1000x128xf32>
    %mul3A_18 = arith.mulf %get3A_16, %mul3A_17 : vector<1000x128xf32>
    %get3A_19 = arith.constant 0 : index
    %get3A_20 = arith.constant 128 : index
    %get3A_21 = vector.load %arg3[%get3A_19, %get3A_20] : memref<1x256xf32, #tpu.memory_space<vmem>>, vector<1x128xf32>
    %add3A_22 = vector.broadcast %get3A_21 : vector<1x128xf32> to vector<1000x128xf32>
    %add3A_23 = arith.addf %mul3A_18, %add3A_22 : vector<1000x128xf32>
    %concatenate3A = tpu.concatenate %add3A_11, %add3A_23 in 1 : vector<1000x128xf32>, vector<1000x128xf32> -> vector<1000x256xf32>
    %get3A_24 = arith.constant 0 : index
    %get3A_25 = arith.constant 0 : index
    %get3A_26 = arith.constant 0 : index
    %get3A_27 = vector.load %arg4[%get3A_24, %get3A_25, %get3A_26] : memref<1x1x1000xi32, #tpu.memory_space<vmem>>, vector<1x1x1000xi32>
    %get3A_28 = vector.shape_cast %get3A_27 : vector<1x1x1000xi32> to vector<1000xi32>
    %iota3A = tpu.iota {dimensions = array<i32: 0>} : vector<64x1000xi32>
    %broadcast_in_dim3A = vector.shape_cast %get3A_28 : vector<1000xi32> to vector<1x1000xi32>
    %broadcast_in_dim3A_29 = vector.shape_cast %broadcast_in_dim3A : vector<1x1000xi32> to vector<1x1000xi32>
    %broadcast_in_dim3A_30 = vector.broadcast %broadcast_in_dim3A_29 : vector<1x1000xi32> to vector<64x1000xi32>
    %eq3A = arith.cmpi eq, %iota3A, %broadcast_in_dim3A_30 : vector<64x1000xi32>
    %convert_element_type3A = arith.extui %eq3A : vector<64x1000xi1> to vector<64x1000xi32>
    %convert_element_type3A_31 = arith.sitofp %convert_element_type3A : vector<64x1000xi32> to vector<64x1000xf32>
    %eq3A_32 = arith.constant 0 : i32
    %eq3A_33 = arith.cmpi eq, %arg0, %eq3A_32 : i32
    %convert_element_type3A_34 = arith.extui %eq3A_33 : i1 to i32
    %cond3A = arith.constant 0 : i32
    %cond3A_35 = arith.cmpi ne, %convert_element_type3A_34, %cond3A : i32
    scf.if %cond3A_35 {
      %broadcast_in_dim3A_59 = arith.constant 0.000000e+00 : f32
      %broadcast_in_dim3A_60 = vector.broadcast %broadcast_in_dim3A_59 : f32 to vector<64x256xf32>
      %swap3A_61 = arith.constant 0 : index
      %swap3A_62 = arith.constant 0 : index
      %swap3A_63 = vector.load %arg6[%swap3A_61, %swap3A_62] : memref<64x256xf32, #tpu.memory_space<vmem>>, vector<64x256xf32>
      tpu.vector_store %arg6[%swap3A_61, %swap3A_62], %broadcast_in_dim3A_60 {strides = array<i32>} : memref<64x256xf32, #tpu.memory_space<vmem>>, vector<64x256xf32>,
      %broadcast_in_dim3A_64 = arith.constant 0.000000e+00 : f32
      %broadcast_in_dim3A_65 = vector.broadcast %broadcast_in_dim3A_64 : f32 to vector<64x128xf32>
      %swap3A_66 = arith.constant 0 : index
      %swap3A_67 = arith.constant 0 : index
      %swap3A_68 = vector.load %arg7[%swap3A_66, %swap3A_67] : memref<64x128xf32, #tpu.memory_space<vmem>>, vector<64x128xf32>
      tpu.vector_store %arg7[%swap3A_66, %swap3A_67], %broadcast_in_dim3A_65 {strides = array<i32>} : memref<64x128xf32, #tpu.memory_space<vmem>>, vector<64x128xf32>,
    } else {
    }
    %get3A_36 = arith.constant 0 : index
    %get3A_37 = arith.constant 0 : index
    %get3A_38 = vector.load %arg6[%get3A_36, %get3A_37] : memref<64x256xf32, #tpu.memory_space<vmem>>, vector<64x256xf32>
    %dot_general3A = arith.constant dense<0.000000e+00> : vector<64x256xf32>
    %dot_general3A_39 = tpu.matmul %convert_element_type3A_31, %concatenate3A, %dot_general3A {dimension_numbers = #tpu.dot_dimension_numbers<[1], [0], [0], [1], [0, 0, 1, 1], [], []>, transpose_lhs_hint = false} : vector<64x1000xf32>, vector<1000x256xf32>, vector<64x256xf32> -> vector<64x256xf32>
    %add3A_40 = arith.addf %get3A_38, %dot_general3A_39 : vector<64x256xf32>
    %swap3A = arith.constant 0 : index
    %swap3A_41 = arith.constant 0 : index
    %swap3A_42 = vector.load %arg6[%swap3A, %swap3A_41] : memref<64x256xf32, #tpu.memory_space<vmem>>, vector<64x256xf32>
    tpu.vector_store %arg6[%swap3A, %swap3A_41], %add3A_40 {strides = array<i32>} : memref<64x256xf32, #tpu.memory_space<vmem>>, vector<64x256xf32>,
    %get3A_43 = arith.constant 0 : index
    %get3A_44 = arith.constant 0 : index
    %get3A_45 = vector.load %arg7[%get3A_43, %get3A_44] : memref<64x128xf32, #tpu.memory_space<vmem>>, vector<64x128xf32>
    %reduce_sum3A = arith.constant dense<0.000000e+00> : vector<64xf32>
    %reduce_sum3A_46 = vector.multi_reduction <add>, %convert_element_type3A_31, %reduce_sum3A [1] : vector<64x1000xf32> to vector<64xf32>
    %broadcast_in_dim3A_47 = vector.shape_cast %reduce_sum3A_46 : vector<64xf32> to vector<64x1xf32>
    %broadcast_in_dim3A_48 = vector.shape_cast %broadcast_in_dim3A_47 : vector<64x1xf32> to vector<64x1xf32>
    %broadcast_in_dim3A_49 = vector.broadcast %broadcast_in_dim3A_48 : vector<64x1xf32> to vector<64x128xf32>
    %add3A_50 = arith.addf %get3A_45, %broadcast_in_dim3A_49 : vector<64x128xf32>
    %swap3A_51 = arith.constant 0 : index
    %swap3A_52 = arith.constant 0 : index
    %swap3A_53 = vector.load %arg7[%swap3A_51, %swap3A_52] : memref<64x128xf32, #tpu.memory_space<vmem>>, vector<64x128xf32>
    tpu.vector_store %arg7[%swap3A_51, %swap3A_52], %add3A_50 {strides = array<i32>} : memref<64x128xf32, #tpu.memory_space<vmem>>, vector<64x128xf32>,
    %eq3A_54 = arith.constant 9 : i32
    %eq3A_55 = arith.cmpi eq, %arg0, %eq3A_54 : i32
    %convert_element_type3A_56 = arith.extui %eq3A_55 : i1 to i32
    %cond3A_57 = arith.constant 0 : i32
    %cond3A_58 = arith.cmpi ne, %convert_element_type3A_56, %cond3A_57 : i32
    scf.if %cond3A_58 {
      %get3A_59 = arith.constant 0 : index
      %get3A_60 = arith.constant 0 : index
      %get3A_61 = vector.load %arg6[%get3A_59, %get3A_60] : memref<64x256xf32, #tpu.memory_space<vmem>>, vector<64x256xf32>
      %get3A_62 = arith.constant 0 : index
      %get3A_63 = arith.constant 0 : index
      %get3A_64 = vector.load %arg7[%get3A_62, %get3A_63] : memref<64x128xf32, #tpu.memory_space<vmem>>, vector<64x1xf32>
      %max3A = arith.constant 1.000000e+00 : f32
      %max3A_65 = vector.broadcast %max3A : f32 to vector<64x1xf32>
      %max3A_66 = arith.maximumf %get3A_64, %max3A_65 : vector<64x1xf32>
      %div3A = vector.broadcast %max3A_66 : vector<64x1xf32> to vector<64x256xf32>
      %div3A_67 = arith.divf %get3A_61, %div3A : vector<64x256xf32>
      %swap3A_68 = arith.constant 0 : index
      %swap3A_69 = arith.constant 0 : index
      %swap3A_70 = vector.load %arg5[%swap3A_68, %swap3A_69] : memref<64x256xf32, #tpu.memory_space<vmem>>, vector<64x256xf32>
      tpu.vector_store %arg5[%swap3A_68, %swap3A_69], %div3A_67 {strides = array<i32>} : memref<64x256xf32, #tpu.memory_space<vmem>>, vector<64x256xf32>,
    } else {
    }
    return
  }
  func.func @transform_0(%arg0: i32) -> (i32, i32, i32) {
    %c0_i32 = arith.constant 0 : i32
    %c0_i32_0 = arith.constant 0 : i32
    %c0_i32_1 = arith.constant 0 : i32
    return %c0_i32, %arg0, %c0_i32_0 : i32, i32, i32
  }
  func.func @transform_1(%arg0: i32) -> (i32, i32) {
    %c0_i32 = arith.constant 0 : i32
    %c0_i32_0 = arith.constant 0 : i32
    return %arg0, %c0_i32 : i32, i32
  }
  func.func @transform_2(%arg0: i32) -> (i32, i32) {
    %c0_i32 = arith.constant 0 : i32
    %c0_i32_0 = arith.constant 0 : i32
    %c0_i32_1 = arith.constant 0 : i32
    return %c0_i32, %c0_i32_0 : i32, i32
  }
  func.func @transform_3(%arg0: i32) -> (i32, i32, i32) {
    %c0_i32 = arith.constant 0 : i32
    %c0_i32_0 = arith.constant 0 : i32
    %c0_i32_1 = arith.constant 0 : i32
    return %arg0, %c0_i32, %c0_i32_0 : i32, i32, i32
  }
  func.func @transform_4(%arg0: i32) -> (i32, i32) {
    %c0_i32 = arith.constant 0 : i32
    %c0_i32_0 = arith.constant 0 : i32
    %c0_i32_1 = arith.constant 0 : i32
    return %c0_i32, %c0_i32_0 : i32, i32
  }
}

</mosaic_0001>

<sc_bundles>
// kernel: kernel.10.cloned.1.call-start
scs
__scs_entry_jumppad:
0x0: {  	(pc) =	sbr.rel $0x88, $3  }
0x1: {  	(tag) =	ssettag $0x0;
	lr =	simm.s32 $0x1  }
0x2: {  	[smem:$0x3F90] =	sst lr;
	_ =	strace $0xD0000000  }
0x3: {  	_ = 	snop  }
0x4: {  	_ = 	snop  }
0x5: {  	_ = 	snop  }
0x6: {  	_ = 	snop  }
0x7: {  	_ = 	snop  }
__scs_overlays_trampoline_lowered:
0x8: {  	[smem:$0x3F9F] =	sst s0  }
0x9: {  	[smem:$0x3FA0] =	sst s1  }
0xa: {  	[smem:$0x3FA1] =	sst s2  }
0xb: {  	[smem:$0x3FA2] =	sst s3  }
0xc: {  	[smem:$0x3FA3] =	sst s4  }
0xd: {  	[smem:$0x3FA4] =	sst s5  }
0xe: {  	[smem:$0x3FA5] =	sst s6  }
0xf: {  	[smem:$0x3FA6] =	sst s7  }
0x10: {  	[smem:$0x3FA7] =	sst s8  }
0x11: {  	[smem:$0x3FA8] =	sst s9;
	s0 =	simm.s32 @!p0 $0x0  }
0x12: {  	s1 =	sld [smem:$0x3F8E];
	s0 =	simm.s32 @p0 $0x1  }
0x13: {  	[smem:$0x3FA9] =	sst s0;
	s0 =	simm.s32 @!p1 $0x0  }
0x14: {  	s2 =	sld [smem:$0x3F8D];
	s0 =	simm.s32 @p1 $0x1  }
0x15: {  	[smem:$0x3FAA] =	sst s0;
	s0 =	simm.s32 @!p2 $0x0  }
0x16: {  	s3 =	sld [smem:$0x3FDB];
	s0 =	simm.s32 @p2 $0x1  }
0x17: {  	s4 =	simm.s32 $0x1BF5;
	[smem:$0x3FAC] =	sst s0  }
0x18: {  	s0 =	sld [smem:$0x3F8F];
	_ =	swait.ge [sflag:s4], $0x0  }
0x19: {  	s7 =	sld [smem:$0x3F90]  }
0x1a: {  	s8 =	sadd.s32 $0xFFFFE003, lr  }
0x1b: {  	s9 =	sadd.s32 $0xFFFFFEF7, lr;
	s5 =	simm.s32 $0xFFFFFFFF;
	p2 =	slt.u32 s8, $0xFFFFF086  }
0x1c: {  	p1 =	slt.u32 s9, $0xF7A;
	s5 =	simm.s32 @!p2 $0x0  }
0x1d: {  	s5 =	simm.s32 @p1 $0x1;
	p0 =	seq.s32 s7, s2  }
0x1e: {  	s7 =	smul.u32 @!p0 $0xF7A, s2;
	p2 =	seq.s32 @!p0 s5, $0x0  }
0x1f: {  	s9 =	smul.u32 $0xF7A, s1;
	s8 =	simm.s32 @!p0 $0x1BF5;
	p2 =	por !p2, p0  }
0x20: {  	[sflag:s8] =	ssyncset.s32 @!p0 $0xFFFFF086;
	s6 =	sadd.s32 @!p0 s3, s7;
	s7 =	simm.s32 @!p0 $0x108  }
0x21: {  	s3 =	sadd.s32 s3, s9;
	s6 =	sadd.s32 @!p0 $0x88, s6;
	s7 =	simm.s32 @p2 $0x1082  }
0x22: {  	[simem:s7], [sflag:s8] =	dma.local @!p0 [hbm:s6], $0xF7A  }
0x23: {  	s9 =	sor.u32 $0xD0000000, s2;
	s6 =	simm.s32 $0x108;
	_ =	swait.ge @!p0 [sflag:s8], $0x0  }
0x24: {  	s3 =	sadd.s32 $0x88, s3;
	s6 =	simm.s32 @!p1 $0x1082;
	[sflag:s4] =	ssyncset.s32 $0xFFFFF086  }
0x25: {  	[simem:s6], [sflag:s4] =	dma.local [hbm:s3], $0xF7A  }
0x26: {  	[smem:$0x3F90] =	sst s1;
	(tag) =	ssettag s2;
	_ =	strace s9  }
0x27: {  	s1 =	sld [smem:$0x3FA0]  }
0x28: {  	s2 =	sld [smem:$0x3FA1]  }
0x29: {  	s4 =	sld [smem:$0x3FA3]  }
0x2a: {  	p0 =	seq.s32 s5, $0x0;
	s5 =	sld [smem:$0x3FA4]  }
0x2b: {  	s6 =	sld [smem:$0x3FA5]  }
0x2c: {  	s7 =	sld [smem:$0x3FA6]  }
0x2d: {  	s3 =	simm.s32 $0x108;
	s8 =	sld [smem:$0x3FA7]  }
0x2e: {  	s3 =	simm.s32 @!p0 $0x1082;
	s9 =	sld [smem:$0x3FA8]  }
0x2f: {  	lr =	sadd.s32 s0, s3;
	s0 =	sld [smem:$0x3F9F]  }
0x30: {  	s3 =	sld [smem:$0x3FA2]  }
0x31: {  	[smem:$0x3FAB] =	sst s10  }
0x32: {  	s10 =	sld [smem:$0x3FA9];
	_ =	sdelay $0x3  }
0x33: {  	p0 =	seq.s32 s10, $0x1;
	s10 =	sld [smem:$0x3FAB];
	_ =	sdelay $0x3  }
0x34: {  	[smem:$0x3FAB] =	sst s10  }
0x35: {  	s10 =	sld [smem:$0x3FAA];
	_ =	sdelay $0x3  }
0x36: {  	p1 =	seq.s32 s10, $0x1;
	s10 =	sld [smem:$0x3FAB];
	_ =	sdelay $0x3  }
0x37: {  	[smem:$0x3FAB] =	sst s10  }
0x38: {  	s10 =	sld [smem:$0x3FAC]  }
0x39: {  	_ = 	snop;
	(pc) =	sbr.ind lr, $3  }
0x3a: {  	_ = 	snop  }
0x3b: {  	_ = 	snop  }
0x3c: {  	p2 =	seq.s32 s10, $0x1;
	s10 =	sld [smem:$0x3FAB]  }
0x3d: {  	_ =	shalt  }
0x3e: {  	_ =	shalt  }
0x3f: {  	_ =	shalt  }
0x40: {  	_ =	shalt  }
0x41: {  	_ =	shalt  }
0x42: {  	_ =	shalt  }
0x43: {  	_ =	shalt  }
0x44: {  	_ =	shalt  }
0x45: {  	_ =	shalt  }
0x46: {  	_ =	shalt  }
0x47: {  	_ =	shalt  }
0x48: {  	_ =	shalt  }
0x49: {  	_ =	shalt  }
0x4a: {  	_ =	shalt  }
0x4b: {  	_ =	shalt  }
0x4c: {  	_ =	shalt  }
0x4d: {  	_ =	shalt  }
0x4e: {  	_ =	shalt  }
0x4f: {  	_ =	shalt  }
0x50: {  	_ =	shalt  }
0x51: {  	_ =	shalt  }
0x52: {  	_ =	shalt  }
0x53: {  	_ =	shalt  }
0x54: {  	_ =	shalt  }
0x55: {  	_ =	shalt  }
0x56: {  	_ =	shalt  }
0x57: {  	_ =	shalt  }
0x58: {  	_ =	shalt  }
0x59: {  	_ =	shalt  }
0x5a: {  	_ =	shalt  }
0x5b: {  	_ =	shalt  }
0x5c: {  	_ =	shalt  }
0x5d: {  	_ =	shalt  }
0x5e: {  	_ =	shalt  }
0x5f: {  	_ =	shalt  }
0x60: {  	_ =	shalt  }
0x61: {  	_ =	shalt  }
0x62: {  	_ =	shalt  }
0x63: {  	_ =	shalt  }
0x64: {  	_ =	shalt  }
0x65: {  	_ =	shalt  }
0x66: {  	_ =	shalt  }
0x67: {  	_ =	shalt  }
0x68: {  	_ =	shalt  }
0x69: {  	_ =	shalt  }
0x6a: {  	_ =	shalt  }
0x6b: {  	_ =	shalt  }
0x6c: {  	_ =	shalt  }
0x6d: {  	_ =	shalt  }
0x6e: {  	_ =	shalt  }
0x6f: {  	_ =	shalt  }
0x70: {  	_ =	shalt  }
0x71: {  	_ =	shalt  }
0x72: {  	_ =	shalt  }
0x73: {  	_ =	shalt  }
0x74: {  	_ =	shalt  }
0x75: {  	_ =	shalt  }
0x76: {  	_ =	shalt  }
0x77: {  	_ =	shalt  }
0x78: {  	_ =	shalt  }
0x79: {  	_ =	shalt  }
0x7a: {  	_ =	shalt  }
0x7b: {  	_ =	shalt  }
0x7c: {  	_ =	shalt  }
0x7d: {  	_ =	shalt  }
0x7e: {  	_ =	shalt  }
0x7f: {  	_ =	shalt  }
0x80: {  	_ =	shalt  }
0x81: {  	_ =	shalt  }
0x82: {  	_ =	shalt  }
0x83: {  	_ =	shalt  }
0x84: {  	_ =	shalt  }
0x85: {  	_ =	shalt  }
0x86: {  	_ =	shalt  }
0x87: {  	_ =	shalt  }
.Lfunc_end0:
.L_simem_size_0:
called_computation_lowered:
.L_overlay_start_0:
0x88: {  	s2 =	sld [smem:$0x3FD9]  }
0x89: {  	s3 =	sld [smem:$0x3FFE];
	_ =	sdelay $0x1  }
0x8a: {  	s1 =	srdreg.scid  }
0x8b: {  	s0 =	sand.u32 $0x1, s1  }
0x8c: {  	s17 =	sshll.u32 s0, $0xA;
	s2 =	sadd.s32 s3, s2  }
0x8d: {  	s2 =	sadd.s32 s2, s17  }
0x8e: {  	[smem:$0x3FB7] =	sst s2  }
0x8f: {  	_ = 	snop  }
0x90: {  	s2 =	sld [smem:$0x3FD0];
	(tm) =	ssettm $0x1  }
0x91: {  	s18 =	sld [smem:$0x3FFB];
	_ =	sdelay $0x3  }
0x92: {  	_ =	strace s18  }
0x93: {  	s3 =	sld [smem:$0x3FFC];
	_ =	sdelay $0x3  }
0x94: {  	_ =	strace s3  }
0x95: {  	s3 =	sld [smem:$0x3FFD];
	_ =	sdelay $0x3  }
0x96: {  	_ =	strace s3  }
0x97: {  	_ =	strace $0x8FFFFFFF  }
0x98: {  	s19 =	sld [smem:$0x3FDB];
	_ =	sdelay $0x1  }
0x99: {  	s4 =	simm.s32 $_scs_section_size  }
0x9a: {  	s5 =	simm.s32 $_size__tile_overlayer_lowered;
	s6 =	simm.s32 $_tile_overlayer_lowered  }
0x9b: {  	s22 =	simm.s32 $0x1BFF;
	s21 =	sshll.u32 s6, $0x1;
	s3 =	sadd.s32 s4, s19  }
0x9c: {  	s7 =	simm.s32 $0x0;
	s20 =	sshll.u32 s5, $0x1;
	s5 =	sadd.s32 s21, s3  }
0x9d: {  	[timem:s7], [sflag:s22] =	dma.local [hbm:s5], s20  }
0x9e: {  	_ =	swait.ge [sflag:s22], s20  }
0x9f: {  	s4 =	ssub.s32 $0x0, s20;
	[sflag:s22] =	ssyncset.done $0x0  }
0xa0: {  	[sflag:s22] =	ssyncadd.s32 s4;
	_ =	sdelay $0x1  }
0xa1: {  	s23 =	simm.s32 $0x1B8B  }
0xa2: {  	_ =	swait.ge [sflag:s23], $0x1  }
0xa3: {  	[sflag:s23] =	ssyncset.done $0x0  }
0xa4: {  	s25 =	simm.s32 $0x1B8E;
	s24 =	sld [smem:$0x3FFE];
	[sflag:s23] =	ssyncadd.s32 $0xFFFFFFFF  }
0xa5: {  	s26 =	simm.s32 $execute0_lowered;
	[smem:$0x3FD2] =	sst s25  }
0xa6: {  	s5 =	sshll.u32 s26, $0x1;
	_ =	strace $0x80000046;
	[dreg:$0x1] =	wrdreg $0xFFFFFFFF  }
0xa7: {  	s28 =	simm.s32 $_size_execute0_lowered;
	s3 =	sadd.s32 s3, s5;
	[dreg:$0x0] =	wrdreg $0x0  }
0xa8: {  	s5 =	sshll.u32 s28, $0x1;
	[dreg:$0x2] =	wrdreg s3  }
0xa9: {  	[dreg:$0x3] =	wrdreg s5  }
0xaa: {  	[dreg:$0x4] =	wrdreg $0xC0  }
0xab: {  	_ =	task [dreg:s7], $0x5FFFF  }
0xac: {  	[dreg:$0x1] =	wrdreg $0xFFFFFFFF  }
0xad: {  	[dreg:$0x0] =	wrdreg $0x60  }
0xae: {  	[dreg:$0x2] =	wrdreg s24  }
0xaf: {  	[dreg:$0x3] =	wrdreg s2  }
0xb0: {  	[dreg:$0x4] =	wrdreg $0x0  }
0xb1: {  	[dreg:$0x5] =	wrdreg $0x9  }
0xb2: {  	_ =	task.clear_ibuf [dreg:s7], $0x6FFFF;
	_ =	strace $0x90000046  }
0xb3: {  	s29 =	simm.s32 $0x9;
	_ =	strace $0x80000048  }
0xb4: {  	_ =	swait.ge [sflag:s29], $0x1  }
0xb5: {  	[sflag:s29] =	ssyncadd.s32 $0xFFFFFFFF  }
0xb6: {  	_ =	strace $0x90000048  }
0xb7: {  	_ =	sfence  }
0xb8: {  	s30 =	sld [smem:$0x0];
	_ =	sdelay $0x2  }
0xb9: {  	s31 =	sshll.u32 s1, $0xD;
	s1 =	sshrl.u32 s1, $0x2  }
0xba: {  	s3 =	sand.u32 $0x4000, s31;
	s1 =	sadd.s32 s1, s30  }
0xbb: {  	s0 =	sor.u32 s3, s0;
	s1 =	sshll.u32 s1, $0x11  }
0xbc: {  	s0 =	sor.u32 s1, s0  }
0xbd: {  	s0 =	sadd.s32 $0x8F2B, s0  }
0xbe: {  	[sflag:s0] =	ssyncadd.remote.s32 $0x1  }
0xbf: {  	_ =	sfence.sel $0xFFFF  }
0xc0: {  	[dreg:$0x0] =	wrdreg $0xFFFFFFFF;
	(pc) =	sbr.abs _section_cstart, $3  }
0xc1: {  	[dreg:$0x1] =	wrdreg $0xFFFFFFFF  }
0xc2: {  	_ =	task.clear_ibuf [dreg:s7], $0x2FFFF;
	_ =	strace $0x9FFFFFFF  }
0xc3: {  	(tm) =	ssettm $0x7FFFFFFF  }
tec
execute0_lowered:
.L_overlay_start_1:
0x0: {  	(tag) =	ssettag $0x1  }
0x1: {  	s0 =	rddreg [dreg:$0x0]  }
0x2: {  	s2 =	rddreg [dreg:$0x2];
	s1 =	srdreg.scid;
	s4 =	simm.s32 $0x0  }
0x3: {  	s12 =	stileid.u32;
	s15 =	simm.s32 $0x2710;
	s16 =	simm.s32 $0x2EE0  }
0x4: {  	s17 =	simm.s32 $0x1;
	s18 =	simm.s32 $0x7D;
	s19 =	simm.s32 $0x2F60  }
0x5: {  	s28 =	simm.s32 $0x3360;
	s29 =	simm.s32 $0x33E0;
	s5 =	smul.u32 $0x2700, s12  }
0x6: {  	s30 =	simm.s32 $0x3460;
	s31 =	simm.s32 $0x34E0;
	s9 =	smul.u32 $0x4E0, s12  }
0x7: {  	s1 =	sand.u32 $0x1, s1;
	[smem:$0x7FF] =	sst s4;
	s21 =	smul.u32 $0x500, s12  }
0x8: {  	s10 =	sadd.s32 $0x12C00, s0;
	s11 =	sshll.u32 s12, $0x6;
	s3 =	smul.u32 $0x5000, s1  }
0x9: {  	p0 =	sne.s32 s12, $0xF;
	s12 =	simm.s32 $0x3;
	s20 =	smul.u32 $0x4E20, s1  }
0xa: {  	_ =	strace $0x80000047;
	s7 =	ssub.s32 $0x2, s1;
	s1 =	smul.u32 $0x27100, s1  }
0xb: {  	s13 =	sor.u32 $0x1C03, s11;
	s6 =	sshrl.u32 s5, $0x3;
	s8 =	sshrl.u32 s7, $0x1  }
0xc: {  	s5 =	sadd.s32 s5, s2;
	[dreg:$0x5] =	wrdreg s13;
	s3 =	sadd.s32 s3, s0  }
0xd: {  	s6 =	sadd.s32 s6, s0;
	s7 =	ssub.s32 s7, s8;
	s8 =	sadd.s32 s9, s20  }
0xe: {  	s1 =	sshrl.u32 s1, $0x3;
	s0 =	sadd.s32 $0x12A00, s0;
	s26 =	sshrl.u32 s5, $0x3  }
0xf: {  	s20 =	simm.s32 $0x2FE0;
	s5 =	simm.s32 $0x36E0;
	s9 =	simm.s32 $0x3860  }
0x10: {  	s6 =	sadd.s32 $0xDC00, s6;
	[dreg:$0x6] =	wrdreg s0;
	s22 =	sadd.s32 s10, s8  }
0x11: {  	s23 =	sadd.s32 s10, s1;
	s24 =	smax.u32 s7, $0x1;
	s25 =	sadd.s32 s21, s3  }
0x12: {  	[dreg:$0xa] =	wrdreg s26;
	s21 =	simm.s32 $0x3060;
	s26 =	simm.s32 $0x32E0  }
0x13: {  	s3 =	simm.s32 $0x35E0;
	s1 =	simm.s32 $0x3660;
	s7 =	simm.s32 $0x3760  }
0x14: {  	s8 =	simm.s32 $0x37E0;
	s10 =	simm.s32 $0x2;
	[dreg:$0x4] =	wrdreg s6  }
0x15: {  	s6 =	sadd.s32 $0x27000, s2;
	[dreg:$0x7] =	wrdreg s22;
	s0 =	sadd.s32 $0x4E00, s23  }
0x16: {  	[dreg:$0x9] =	wrdreg s24;
	s11 =	sadd.s32 $0x3C00, s25;
	s22 =	simm.s32 $0x30E0  }
0x17: {  	[dreg:$0x8] =	wrdreg s0;
	s14 =	sshrl.u32 @!p0 s6, $0x3;
	s6 =	simm.s32 $0x0  }
0x18: {  	s23 =	simm.s32 $0x3160;
	s24 =	simm.s32 $0x31E0;
	[dreg:$0xc] =	wrdreg s6  }
0x19: {  	s25 =	simm.s32 $0x3260;
	s0 =	simm.s32 $0x3560;
	[dreg:$0xb] =	wrdreg s14  }
.LBB2_1:
0x1a: {  	s6 =	rddreg [dreg:$0x4]  }
0x1b: {  	s14 =	rddreg [dreg:$0xa]  }
0x1c: {  	[spmem:s14], [sflag:s13] =	dma.local [hbm:s6], $0x4E0  }
0x1d: {  	_ =	swait.ge [sflag:s12], $0x4E0  }
0x1e: {  	[sflag:s12] =	ssyncset.done $0x0;
	s6 =	rddreg [dreg:$0x6]  }
0x1f: {  	s14 =	rddreg [dreg:$0xb];
	[sflag:s12] =	ssyncadd.s32 $0xFFFFFB20  }
0x20: {  	[spmem:s14], [sflag:s13] =	dma.local @!p0 [hbm:s6], $0x20  }
0x21: {  	s6 =	simm.s32 @!p0 $0x3  }
0x22: {  	_ =	swait.ge @!p0 [sflag:s6], $0x20  }
0x23: {  	[sflag:s6] =	ssyncset.done @!p0 $0x0  }
0x24: {  	[sflag:s6] =	ssyncadd.s32 @!p0 $0xFFFFFFE0  }
0x25: {  	s6 =	rddreg [dreg:$0x1]  }
0x26: {  	[tilespmem:s15], [sflag:$0x3] =	stream.linear.gather [hbm4b:s6+s4], $0x7D0, $0x38;
	[tilespmem:$0x38E0] =	vst v63  }
0x27: {  	_ =	swait.ge [sflag:s12], $0x7D0  }
0x28: {  	[sflag:s12] =	ssyncset.done $0x0  }
0x29: {  	[sflag:s12] =	ssyncadd.s32 $0xFFFFF830  }
0x2a: {  	s14 =	sadd.s32 $0x0, s11;
	[bflag:$0x0] =	sbarrier.arrive $0xFFFF  }
0x2b: {  	[tilespmem:s16], [sflag:$0x1] =	stream.linear.gather [hbm4b:s14+s4], $0xA00, $0x38;
	[tilespmem:$0x38E0] =	vst v63  }
0x2c: {  	_ =	swait.ge [sflag:s17], $0xA00  }
0x2d: {  	[sflag:s17] =	ssyncset.done $0x0  }
0x2e: {  	[sflag:s17] =	ssyncadd.s32 $0xFFFFF600  }
0x2f: {  	[spmem:s2] =	stream.indirect.scatter.add.f32 [tilespmem:s15], [sflag:$0x2], $0x10, s16, s18, $0xb8;
	[tilespmem:$0x38E0] =	vst v63  }
0x30: {  	_ = 	snop  }
0x31: {  	[spmem:s2] =	stream.indirect.scatter.add.f32 [tilespmem:s15], [sflag:$0x2], $0x10, s19, s18, $0xb8;
	[tilespmem:$0x38E0] =	vst v63  }
0x32: {  	_ = 	snop  }
0x33: {  	[spmem:s2] =	stream.indirect.scatter.add.f32 [tilespmem:s15], [sflag:$0x2], $0x10, s20, s18, $0xb8;
	[tilespmem:$0x38E0] =	vst v63  }
0x34: {  	_ = 	snop  }
0x35: {  	[spmem:s2] =	stream.indirect.scatter.add.f32 [tilespmem:s15], [sflag:$0x2], $0x10, s21, s18, $0xb8;
	[tilespmem:$0x38E0] =	vst v63  }
0x36: {  	_ = 	snop  }
0x37: {  	[spmem:s2] =	stream.indirect.scatter.add.f32 [tilespmem:s15], [sflag:$0x2], $0x10, s22, s18, $0xb8;
	[tilespmem:$0x38E0] =	vst v63  }
0x38: {  	_ = 	snop  }
0x39: {  	[spmem:s2] =	stream.indirect.scatter.add.f32 [tilespmem:s15], [sflag:$0x2], $0x10, s23, s18, $0xb8;
	[tilespmem:$0x38E0] =	vst v63  }
0x3a: {  	_ = 	snop  }
0x3b: {  	[spmem:s2] =	stream.indirect.scatter.add.f32 [tilespmem:s15], [sflag:$0x2], $0x10, s24, s18, $0xb8;
	[tilespmem:$0x38E0] =	vst v63  }
0x3c: {  	_ = 	snop  }
0x3d: {  	[spmem:s2] =	stream.indirect.scatter.add.f32 [tilespmem:s15], [sflag:$0x2], $0x10, s25, s18, $0xb8;
	[tilespmem:$0x38E0] =	vst v63  }
0x3e: {  	_ = 	snop  }
0x3f: {  	[spmem:s2] =	stream.indirect.scatter.add.f32 [tilespmem:s15], [sflag:$0x2], $0x10, s26, s18, $0xb8;
	[tilespmem:$0x38E0] =	vst v63  }
0x40: {  	_ = 	snop  }
0x41: {  	[spmem:s2] =	stream.indirect.scatter.add.f32 [tilespmem:s15], [sflag:$0x2], $0x10, s28, s18, $0xb8;
	[tilespmem:$0x38E0] =	vst v63  }
0x42: {  	_ = 	snop  }
0x43: {  	[spmem:s2] =	stream.indirect.scatter.add.f32 [tilespmem:s15], [sflag:$0x2], $0x10, s29, s18, $0xb8;
	[tilespmem:$0x38E0] =	vst v63  }
0x44: {  	_ = 	snop  }
0x45: {  	[spmem:s2] =	stream.indirect.scatter.add.f32 [tilespmem:s15], [sflag:$0x2], $0x10, s30, s18, $0xb8;
	[tilespmem:$0x38E0] =	vst v63  }
0x46: {  	_ = 	snop  }
0x47: {  	[spmem:s2] =	stream.indirect.scatter.add.f32 [tilespmem:s15], [sflag:$0x2], $0x10, s31, s18, $0xb8;
	[tilespmem:$0x38E0] =	vst v63  }
0x48: {  	_ = 	snop  }
0x49: {  	[spmem:s2] =	stream.indirect.scatter.add.f32 [tilespmem:s15], [sflag:$0x2], $0x10, s0, s18, $0xb8;
	[tilespmem:$0x38E0] =	vst v63  }
0x4a: {  	_ = 	snop  }
0x4b: {  	[spmem:s2] =	stream.indirect.scatter.add.f32 [tilespmem:s15], [sflag:$0x2], $0x10, s3, s18, $0xb8;
	[tilespmem:$0x38E0] =	vst v63  }
0x4c: {  	_ = 	snop  }
0x4d: {  	[spmem:s2] =	stream.indirect.scatter.add.f32 [tilespmem:s15], [sflag:$0x2], $0x10, s1, s18, $0xb8;
	[tilespmem:$0x38E0] =	vst v63  }
0x4e: {  	_ = 	snop  }
0x4f: {  	[spmem:s2] =	stream.indirect.scatter.add.f32 [tilespmem:s15], [sflag:$0x2], $0x10, s5, s18, $0xb8;
	[tilespmem:$0x38E0] =	vst v63  }
0x50: {  	_ = 	snop  }
0x51: {  	[spmem:s2] =	stream.indirect.scatter.add.f32 [tilespmem:s15], [sflag:$0x2], $0x10, s7, s18, $0xb8;
	[tilespmem:$0x38E0] =	vst v63  }
0x52: {  	_ = 	snop  }
0x53: {  	[spmem:s2] =	stream.indirect.scatter.add.f32 [tilespmem:s15], [sflag:$0x2], $0x10, s8, s18, $0xb8;
	[tilespmem:$0x38E0] =	vst v63  }
0x54: {  	_ = 	snop  }
0x55: {  	[spmem:s2] =	stream.indirect.scatter.add.f32 [tilespmem:s15], [sflag:$0x2], $0x10, s9, s18, $0xb8;
	[tilespmem:$0x38E0] =	vst v63  }
0x56: {  	_ =	swait.ge [sflag:s10], $0x7D0  }
0x57: {  	[sflag:s10] =	ssyncset.done $0x0  }
0x58: {  	[sflag:s10] =	ssyncadd.s32 $0xFFFFF830  }
0x59: {  	_ =	swait.ge [sflag:s10], $0x7D0  }
0x5a: {  	[sflag:s10] =	ssyncset.done $0x0  }
0x5b: {  	[sflag:s10] =	ssyncadd.s32 $0xFFFFF830  }
0x5c: {  	_ =	swait.ge [sflag:s10], $0x7D0  }
0x5d: {  	[sflag:s10] =	ssyncset.done $0x0  }
0x5e: {  	[sflag:s10] =	ssyncadd.s32 $0xFFFFF830  }
0x5f: {  	_ =	swait.ge [sflag:s10], $0x7D0  }
0x60: {  	[sflag:s10] =	ssyncset.done $0x0  }
0x61: {  	[sflag:s10] =	ssyncadd.s32 $0xFFFFF830  }
0x62: {  	_ =	swait.ge [sflag:s10], $0x7D0  }
0x63: {  	[sflag:s10] =	ssyncset.done $0x0  }
0x64: {  	[sflag:s10] =	ssyncadd.s32 $0xFFFFF830  }
0x65: {  	_ =	swait.ge [sflag:s10], $0x7D0  }
0x66: {  	[sflag:s10] =	ssyncset.done $0x0  }
0x67: {  	[sflag:s10] =	ssyncadd.s32 $0xFFFFF830  }
0x68: {  	_ =	swait.ge [sflag:s10], $0x7D0  }
0x69: {  	[sflag:s10] =	ssyncset.done $0x0  }
0x6a: {  	[sflag:s10] =	ssyncadd.s32 $0xFFFFF830  }
0x6b: {  	_ =	swait.ge [sflag:s10], $0x7D0  }
0x6c: {  	[sflag:s10] =	ssyncset.done $0x0  }
0x6d: {  	[sflag:s10] =	ssyncadd.s32 $0xFFFFF830  }
0x6e: {  	_ =	swait.ge [sflag:s10], $0x7D0  }
0x6f: {  	[sflag:s10] =	ssyncset.done $0x0  }
0x70: {  	[sflag:s10] =	ssyncadd.s32 $0xFFFFF830  }
0x71: {  	_ =	swait.ge [sflag:s10], $0x7D0  }
0x72: {  	[sflag:s10] =	ssyncset.done $0x0  }
0x73: {  	[sflag:s10] =	ssyncadd.s32 $0xFFFFF830  }
0x74: {  	_ =	swait.ge [sflag:s10], $0x7D0  }
0x75: {  	[sflag:s10] =	ssyncset.done $0x0  }
0x76: {  	[sflag:s10] =	ssyncadd.s32 $0xFFFFF830  }
0x77: {  	_ =	swait.ge [sflag:s10], $0x7D0  }
0x78: {  	[sflag:s10] =	ssyncset.done $0x0  }
0x79: {  	[sflag:s10] =	ssyncadd.s32 $0xFFFFF830  }
0x7a: {  	_ =	swait.ge [sflag:s10], $0x7D0  }
0x7b: {  	[sflag:s10] =	ssyncset.done $0x0  }
0x7c: {  	[sflag:s10] =	ssyncadd.s32 $0xFFFFF830  }
0x7d: {  	_ =	swait.ge [sflag:s10], $0x7D0  }
0x7e: {  	[sflag:s10] =	ssyncset.done $0x0  }
0x7f: {  	[sflag:s10] =	ssyncadd.s32 $0xFFFFF830  }
0x80: {  	_ =	swait.ge [sflag:s10], $0x7D0  }
0x81: {  	[sflag:s10] =	ssyncset.done $0x0  }
0x82: {  	[sflag:s10] =	ssyncadd.s32 $0xFFFFF830  }
0x83: {  	_ =	swait.ge [sflag:s10], $0x7D0  }
0x84: {  	[sflag:s10] =	ssyncset.done $0x0  }
0x85: {  	[sflag:s10] =	ssyncadd.s32 $0xFFFFF830  }
0x86: {  	_ =	swait.ge [sflag:s10], $0x7D0  }
0x87: {  	[sflag:s10] =	ssyncset.done $0x0  }
0x88: {  	[sflag:s10] =	ssyncadd.s32 $0xFFFFF830  }
0x89: {  	_ =	swait.ge [sflag:s10], $0x7D0  }
0x8a: {  	[sflag:s10] =	ssyncset.done $0x0  }
0x8b: {  	[sflag:s10] =	ssyncadd.s32 $0xFFFFF830  }
0x8c: {  	_ =	swait.ge [sflag:s10], $0x7D0  }
0x8d: {  	[sflag:s10] =	ssyncset.done $0x0  }
0x8e: {  	[sflag:s10] =	ssyncadd.s32 $0xFFFFF830  }
0x8f: {  	_ =	swait.ge [sflag:s10], $0x7D0  }
0x90: {  	s6 =	simm.s32 $0x280;
	s14 =	simm.s32 $0x140;
	[sflag:s10] =	ssyncset.done $0x0  }
.LBB2_2:
0x91: {  	s12 =	sadd.s32 s14, s11  }
0x92: {  	[sflag:s10] =	ssyncadd.s32 $0xFFFFF830;
	s14 =	smov.u32 s6;
	s13 =	sadd.s32 $0x140, s6  }
0x93: {  	[tilespmem:s16], [sflag:$0x1] =	stream.linear.gather [hbm4b:s12+s4], $0xA00, $0x38;
	[tilespmem:$0x38E0] =	vst v63  }
0x94: {  	p1 =	sne.s32 s6, $0x3C0;
	_ =	swait.ge [sflag:s17], $0xA00  }
0x95: {  	[sflag:s17] =	ssyncset.done $0x0  }
0x96: {  	[sflag:s17] =	ssyncadd.s32 $0xFFFFF600  }
0x97: {  	[spmem:s2] =	stream.indirect.scatter.add.f32 [tilespmem:s15], [sflag:$0x2], $0x10, s16, s18, $0xb8;
	[tilespmem:$0x38E0] =	vst v63  }
0x98: {  	_ = 	snop  }
0x99: {  	[spmem:s2] =	stream.indirect.scatter.add.f32 [tilespmem:s15], [sflag:$0x2], $0x10, s19, s18, $0xb8;
	[tilespmem:$0x38E0] =	vst v63  }
0x9a: {  	_ = 	snop  }
0x9b: {  	[spmem:s2] =	stream.indirect.scatter.add.f32 [tilespmem:s15], [sflag:$0x2], $0x10, s20, s18, $0xb8;
	[tilespmem:$0x38E0] =	vst v63  }
0x9c: {  	_ = 	snop  }
0x9d: {  	[spmem:s2] =	stream.indirect.scatter.add.f32 [tilespmem:s15], [sflag:$0x2], $0x10, s21, s18, $0xb8;
	[tilespmem:$0x38E0] =	vst v63  }
0x9e: {  	_ = 	snop  }
0x9f: {  	[spmem:s2] =	stream.indirect.scatter.add.f32 [tilespmem:s15], [sflag:$0x2], $0x10, s22, s18, $0xb8;
	[tilespmem:$0x38E0] =	vst v63  }
0xa0: {  	_ = 	snop  }
0xa1: {  	[spmem:s2] =	stream.indirect.scatter.add.f32 [tilespmem:s15], [sflag:$0x2], $0x10, s23, s18, $0xb8;
	[tilespmem:$0x38E0] =	vst v63  }
0xa2: {  	_ = 	snop  }
0xa3: {  	[spmem:s2] =	stream.indirect.scatter.add.f32 [tilespmem:s15], [sflag:$0x2], $0x10, s24, s18, $0xb8;
	[tilespmem:$0x38E0] =	vst v63  }
0xa4: {  	_ = 	snop  }
0xa5: {  	[spmem:s2] =	stream.indirect.scatter.add.f32 [tilespmem:s15], [sflag:$0x2], $0x10, s25, s18, $0xb8;
	[tilespmem:$0x38E0] =	vst v63  }
0xa6: {  	_ = 	snop  }
0xa7: {  	[spmem:s2] =	stream.indirect.scatter.add.f32 [tilespmem:s15], [sflag:$0x2], $0x10, s26, s18, $0xb8;
	[tilespmem:$0x38E0] =	vst v63  }
0xa8: {  	_ = 	snop  }
0xa9: {  	[spmem:s2] =	stream.indirect.scatter.add.f32 [tilespmem:s15], [sflag:$0x2], $0x10, s28, s18, $0xb8;
	[tilespmem:$0x38E0] =	vst v63  }
0xaa: {  	_ = 	snop  }
0xab: {  	[spmem:s2] =	stream.indirect.scatter.add.f32 [tilespmem:s15], [sflag:$0x2], $0x10, s29, s18, $0xb8;
	[tilespmem:$0x38E0] =	vst v63  }
0xac: {  	_ = 	snop  }
0xad: {  	[spmem:s2] =	stream.indirect.scatter.add.f32 [tilespmem:s15], [sflag:$0x2], $0x10, s30, s18, $0xb8;
	[tilespmem:$0x38E0] =	vst v63  }
0xae: {  	_ = 	snop  }
0xaf: {  	[spmem:s2] =	stream.indirect.scatter.add.f32 [tilespmem:s15], [sflag:$0x2], $0x10, s31, s18, $0xb8;
	[tilespmem:$0x38E0] =	vst v63  }
0xb0: {  	_ = 	snop  }
0xb1: {  	[spmem:s2] =	stream.indirect.scatter.add.f32 [tilespmem:s15], [sflag:$0x2], $0x10, s0, s18, $0xb8;
	[tilespmem:$0x38E0] =	vst v63  }
0xb2: {  	_ = 	snop  }
0xb3: {  	[spmem:s2] =	stream.indirect.scatter.add.f32 [tilespmem:s15], [sflag:$0x2], $0x10, s3, s18, $0xb8;
	[tilespmem:$0x38E0] =	vst v63  }
0xb4: {  	_ = 	snop  }
0xb5: {  	[spmem:s2] =	stream.indirect.scatter.add.f32 [tilespmem:s15], [sflag:$0x2], $0x10, s1, s18, $0xb8;
	[tilespmem:$0x38E0] =	vst v63  }
0xb6: {  	_ = 	snop  }
0xb7: {  	[spmem:s2] =	stream.indirect.scatter.add.f32 [tilespmem:s15], [sflag:$0x2], $0x10, s5, s18, $0xb8;
	[tilespmem:$0x38E0] =	vst v63  }
0xb8: {  	_ = 	snop  }
0xb9: {  	[spmem:s2] =	stream.indirect.scatter.add.f32 [tilespmem:s15], [sflag:$0x2], $0x10, s7, s18, $0xb8;
	[tilespmem:$0x38E0] =	vst v63  }
0xba: {  	_ = 	snop  }
0xbb: {  	[spmem:s2] =	stream.indirect.scatter.add.f32 [tilespmem:s15], [sflag:$0x2], $0x10, s8, s18, $0xb8;
	[tilespmem:$0x38E0] =	vst v63  }
0xbc: {  	_ = 	snop  }
0xbd: {  	[spmem:s2] =	stream.indirect.scatter.add.f32 [tilespmem:s15], [sflag:$0x2], $0x10, s9, s18, $0xb8;
	[tilespmem:$0x38E0] =	vst v63  }
0xbe: {  	_ =	swait.ge [sflag:s10], $0x7D0  }
0xbf: {  	[sflag:s10] =	ssyncset.done $0x0  }
0xc0: {  	[sflag:s10] =	ssyncadd.s32 $0xFFFFF830  }
0xc1: {  	_ =	swait.ge [sflag:s10], $0x7D0  }
0xc2: {  	[sflag:s10] =	ssyncset.done $0x0  }
0xc3: {  	[sflag:s10] =	ssyncadd.s32 $0xFFFFF830  }
0xc4: {  	_ =	swait.ge [sflag:s10], $0x7D0  }
0xc5: {  	[sflag:s10] =	ssyncset.done $0x0  }
0xc6: {  	[sflag:s10] =	ssyncadd.s32 $0xFFFFF830  }
0xc7: {  	_ =	swait.ge [sflag:s10], $0x7D0  }
0xc8: {  	[sflag:s10] =	ssyncset.done $0x0  }
0xc9: {  	[sflag:s10] =	ssyncadd.s32 $0xFFFFF830  }
0xca: {  	_ =	swait.ge [sflag:s10], $0x7D0  }
0xcb: {  	[sflag:s10] =	ssyncset.done $0x0  }
0xcc: {  	[sflag:s10] =	ssyncadd.s32 $0xFFFFF830  }
0xcd: {  	_ =	swait.ge [sflag:s10], $0x7D0  }
0xce: {  	[sflag:s10] =	ssyncset.done $0x0  }
0xcf: {  	[sflag:s10] =	ssyncadd.s32 $0xFFFFF830  }
0xd0: {  	_ =	swait.ge [sflag:s10], $0x7D0  }
0xd1: {  	[sflag:s10] =	ssyncset.done $0x0  }
0xd2: {  	[sflag:s10] =	ssyncadd.s32 $0xFFFFF830  }
0xd3: {  	_ =	swait.ge [sflag:s10], $0x7D0  }
0xd4: {  	[sflag:s10] =	ssyncset.done $0x0  }
0xd5: {  	[sflag:s10] =	ssyncadd.s32 $0xFFFFF830  }
0xd6: {  	_ =	swait.ge [sflag:s10], $0x7D0  }
0xd7: {  	[sflag:s10] =	ssyncset.done $0x0  }
0xd8: {  	[sflag:s10] =	ssyncadd.s32 $0xFFFFF830  }
0xd9: {  	_ =	swait.ge [sflag:s10], $0x7D0  }
0xda: {  	[sflag:s10] =	ssyncset.done $0x0  }
0xdb: {  	[sflag:s10] =	ssyncadd.s32 $0xFFFFF830  }
0xdc: {  	_ =	swait.ge [sflag:s10], $0x7D0  }
0xdd: {  	[sflag:s10] =	ssyncset.done $0x0  }
0xde: {  	[sflag:s10] =	ssyncadd.s32 $0xFFFFF830  }
0xdf: {  	_ =	swait.ge [sflag:s10], $0x7D0  }
0xe0: {  	[sflag:s10] =	ssyncset.done $0x0  }
0xe1: {  	[sflag:s10] =	ssyncadd.s32 $0xFFFFF830  }
0xe2: {  	_ =	swait.ge [sflag:s10], $0x7D0  }
0xe3: {  	[sflag:s10] =	ssyncset.done $0x0  }
0xe4: {  	[sflag:s10] =	ssyncadd.s32 $0xFFFFF830  }
0xe5: {  	_ =	swait.ge [sflag:s10], $0x7D0  }
0xe6: {  	[sflag:s10] =	ssyncset.done $0x0  }
0xe7: {  	[sflag:s10] =	ssyncadd.s32 $0xFFFFF830  }
0xe8: {  	_ =	swait.ge [sflag:s10], $0x7D0  }
0xe9: {  	[sflag:s10] =	ssyncset.done $0x0  }
0xea: {  	[sflag:s10] =	ssyncadd.s32 $0xFFFFF830  }
0xeb: {  	_ =	swait.ge [sflag:s10], $0x7D0  }
0xec: {  	[sflag:s10] =	ssyncset.done $0x0  }
0xed: {  	[sflag:s10] =	ssyncadd.s32 $0xFFFFF830  }
0xee: {  	_ =	swait.ge [sflag:s10], $0x7D0  }
0xef: {  	[sflag:s10] =	ssyncset.done $0x0  }
0xf0: {  	[sflag:s10] =	ssyncadd.s32 $0xFFFFF830  }
0xf1: {  	_ =	swait.ge [sflag:s10], $0x7D0  }
0xf2: {  	[sflag:s10] =	ssyncset.done $0x0  }
0xf3: {  	[sflag:s10] =	ssyncadd.s32 $0xFFFFF830  }
.Ltmp0:
0xf4: {  	_ =	swait.ge [sflag:s10], $0x7D0;
	(pc) =	sbr.rel @p1 .LBB2_2-.Ltmp0, $4  }
0xf5: {  	[sflag:s10] =	ssyncset.done $0x0  }
0xf6: {  	[sflag:s10] =	ssyncadd.s32 $0xFFFFF830  }
0xf7: {  	_ =	swait.ge [sflag:s10], $0x7D0  }
0xf8: {  	s6 =	smov.u32 s13;
	[sflag:s10] =	ssyncset.done $0x0  }
0xf9: {  	s6 =	sadd.s32 s14, s11;
	[sflag:s10] =	ssyncadd.s32 $0xFFFFF830  }
0xfa: {  	[tilespmem:s16], [sflag:$0x1] =	stream.linear.gather [hbm4b:s6+s4], $0xA00, $0x38;
	[tilespmem:$0x38E0] =	vst v63  }
0xfb: {  	_ =	swait.ge [sflag:s17], $0xA00  }
0xfc: {  	[sflag:s17] =	ssyncset.done $0x0  }
0xfd: {  	[sflag:s17] =	ssyncadd.s32 $0xFFFFF600  }
0xfe: {  	[spmem:s2] =	stream.indirect.scatter.add.f32 [tilespmem:s15], [sflag:$0x2], $0x10, s16, s18, $0xb8;
	[tilespmem:$0x38E0] =	vst v63  }
0xff: {  	_ = 	snop  }
0x100: {  	[spmem:s2] =	stream.indirect.scatter.add.f32 [tilespmem:s15], [sflag:$0x2], $0x10, s19, s18, $0xb8;
	[tilespmem:$0x38E0] =	vst v63  }
0x101: {  	_ = 	snop  }
0x102: {  	[spmem:s2] =	stream.indirect.scatter.add.f32 [tilespmem:s15], [sflag:$0x2], $0x10, s20, s18, $0xb8;
	[tilespmem:$0x38E0] =	vst v63  }
0x103: {  	_ = 	snop  }
0x104: {  	[spmem:s2] =	stream.indirect.scatter.add.f32 [tilespmem:s15], [sflag:$0x2], $0x10, s21, s18, $0xb8;
	[tilespmem:$0x38E0] =	vst v63  }
0x105: {  	_ = 	snop  }
0x106: {  	[spmem:s2] =	stream.indirect.scatter.add.f32 [tilespmem:s15], [sflag:$0x2], $0x10, s22, s18, $0xb8;
	[tilespmem:$0x38E0] =	vst v63  }
0x107: {  	_ = 	snop  }
0x108: {  	[spmem:s2] =	stream.indirect.scatter.add.f32 [tilespmem:s15], [sflag:$0x2], $0x10, s23, s18, $0xb8;
	[tilespmem:$0x38E0] =	vst v63  }
0x109: {  	_ = 	snop  }
0x10a: {  	[spmem:s2] =	stream.indirect.scatter.add.f32 [tilespmem:s15], [sflag:$0x2], $0x10, s24, s18, $0xb8;
	[tilespmem:$0x38E0] =	vst v63  }
0x10b: {  	_ = 	snop  }
0x10c: {  	[spmem:s2] =	stream.indirect.scatter.add.f32 [tilespmem:s15], [sflag:$0x2], $0x10, s25, s18, $0xb8;
	[tilespmem:$0x38E0] =	vst v63  }
0x10d: {  	_ = 	snop  }
0x10e: {  	[spmem:s2] =	stream.indirect.scatter.add.f32 [tilespmem:s15], [sflag:$0x2], $0x10, s26, s18, $0xb8;
	[tilespmem:$0x38E0] =	vst v63  }
0x10f: {  	_ = 	snop  }
0x110: {  	[spmem:s2] =	stream.indirect.scatter.add.f32 [tilespmem:s15], [sflag:$0x2], $0x10, s28, s18, $0xb8;
	[tilespmem:$0x38E0] =	vst v63  }
0x111: {  	_ = 	snop  }
0x112: {  	[spmem:s2] =	stream.indirect.scatter.add.f32 [tilespmem:s15], [sflag:$0x2], $0x10, s29, s18, $0xb8;
	[tilespmem:$0x38E0] =	vst v63  }
0x113: {  	_ = 	snop  }
0x114: {  	[spmem:s2] =	stream.indirect.scatter.add.f32 [tilespmem:s15], [sflag:$0x2], $0x10, s30, s18, $0xb8;
	[tilespmem:$0x38E0] =	vst v63  }
0x115: {  	_ = 	snop  }
0x116: {  	[spmem:s2] =	stream.indirect.scatter.add.f32 [tilespmem:s15], [sflag:$0x2], $0x10, s31, s18, $0xb8;
	[tilespmem:$0x38E0] =	vst v63  }
0x117: {  	_ = 	snop  }
0x118: {  	[spmem:s2] =	stream.indirect.scatter.add.f32 [tilespmem:s15], [sflag:$0x2], $0x10, s0, s18, $0xb8;
	[tilespmem:$0x38E0] =	vst v63  }
0x119: {  	_ = 	snop  }
0x11a: {  	[spmem:s2] =	stream.indirect.scatter.add.f32 [tilespmem:s15], [sflag:$0x2], $0x10, s3, s18, $0xb8;
	[tilespmem:$0x38E0] =	vst v63  }
0x11b: {  	_ = 	snop  }
0x11c: {  	[spmem:s2] =	stream.indirect.scatter.add.f32 [tilespmem:s15], [sflag:$0x2], $0x10, s1, s18, $0xb8;
	[tilespmem:$0x38E0] =	vst v63  }
0x11d: {  	_ = 	snop  }
0x11e: {  	[spmem:s2] =	stream.indirect.scatter.add.f32 [tilespmem:s15], [sflag:$0x2], $0x10, s5, s18, $0xb8;
	[tilespmem:$0x38E0] =	vst v63  }
0x11f: {  	_ = 	snop  }
0x120: {  	[spmem:s2] =	stream.indirect.scatter.add.f32 [tilespmem:s15], [sflag:$0x2], $0x10, s7, s18, $0xb8;
	[tilespmem:$0x38E0] =	vst v63  }
0x121: {  	_ = 	snop  }
0x122: {  	[spmem:s2] =	stream.indirect.scatter.add.f32 [tilespmem:s15], [sflag:$0x2], $0x10, s8, s18, $0xb8;
	[tilespmem:$0x38E0] =	vst v63  }
0x123: {  	_ = 	snop  }
0x124: {  	[spmem:s2] =	stream.indirect.scatter.add.f32 [tilespmem:s15], [sflag:$0x2], $0x10, s9, s18, $0xb8;
	[tilespmem:$0x38E0] =	vst v63  }
0x125: {  	_ =	swait.ge [sflag:s10], $0x7D0  }
0x126: {  	[sflag:s10] =	ssyncset.done $0x0  }
0x127: {  	[sflag:s10] =	ssyncadd.s32 $0xFFFFF830  }
0x128: {  	_ =	swait.ge [sflag:s10], $0x7D0  }
0x129: {  	[sflag:s10] =	ssyncset.done $0x0  }
0x12a: {  	[sflag:s10] =	ssyncadd.s32 $0xFFFFF830  }
0x12b: {  	_ =	swait.ge [sflag:s10], $0x7D0  }
0x12c: {  	[sflag:s10] =	ssyncset.done $0x0  }
0x12d: {  	[sflag:s10] =	ssyncadd.s32 $0xFFFFF830  }
0x12e: {  	_ =	swait.ge [sflag:s10], $0x7D0  }
0x12f: {  	[sflag:s10] =	ssyncset.done $0x0  }
0x130: {  	[sflag:s10] =	ssyncadd.s32 $0xFFFFF830  }
0x131: {  	_ =	swait.ge [sflag:s10], $0x7D0  }
0x132: {  	[sflag:s10] =	ssyncset.done $0x0  }
0x133: {  	[sflag:s10] =	ssyncadd.s32 $0xFFFFF830  }
0x134: {  	_ =	swait.ge [sflag:s10], $0x7D0  }
0x135: {  	[sflag:s10] =	ssyncset.done $0x0  }
0x136: {  	[sflag:s10] =	ssyncadd.s32 $0xFFFFF830  }
0x137: {  	_ =	swait.ge [sflag:s10], $0x7D0  }
0x138: {  	[sflag:s10] =	ssyncset.done $0x0  }
0x139: {  	[sflag:s10] =	ssyncadd.s32 $0xFFFFF830  }
0x13a: {  	_ =	swait.ge [sflag:s10], $0x7D0  }
0x13b: {  	[sflag:s10] =	ssyncset.done $0x0  }
0x13c: {  	[sflag:s10] =	ssyncadd.s32 $0xFFFFF830  }
0x13d: {  	_ =	swait.ge [sflag:s10], $0x7D0  }
0x13e: {  	[sflag:s10] =	ssyncset.done $0x0  }
0x13f: {  	[sflag:s10] =	ssyncadd.s32 $0xFFFFF830  }
0x140: {  	_ =	swait.ge [sflag:s10], $0x7D0  }
0x141: {  	[sflag:s10] =	ssyncset.done $0x0  }
0x142: {  	[sflag:s10] =	ssyncadd.s32 $0xFFFFF830  }
0x143: {  	_ =	swait.ge [sflag:s10], $0x7D0  }
0x144: {  	[sflag:s10] =	ssyncset.done $0x0  }
0x145: {  	[sflag:s10] =	ssyncadd.s32 $0xFFFFF830  }
0x146: {  	_ =	swait.ge [sflag:s10], $0x7D0  }
0x147: {  	[sflag:s10] =	ssyncset.done $0x0  }
0x148: {  	[sflag:s10] =	ssyncadd.s32 $0xFFFFF830  }
0x149: {  	_ =	swait.ge [sflag:s10], $0x7D0  }
0x14a: {  	[sflag:s10] =	ssyncset.done $0x0  }
0x14b: {  	[sflag:s10] =	ssyncadd.s32 $0xFFFFF830  }
0x14c: {  	_ =	swait.ge [sflag:s10], $0x7D0  }
0x14d: {  	[sflag:s10] =	ssyncset.done $0x0  }
0x14e: {  	[sflag:s10] =	ssyncadd.s32 $0xFFFFF830  }
0x14f: {  	_ =	swait.ge [sflag:s10], $0x7D0  }
0x150: {  	[sflag:s10] =	ssyncset.done $0x0  }
0x151: {  	[sflag:s10] =	ssyncadd.s32 $0xFFFFF830  }
0x152: {  	_ =	swait.ge [sflag:s10], $0x7D0  }
0x153: {  	[sflag:s10] =	ssyncset.done $0x0  }
0x154: {  	[sflag:s10] =	ssyncadd.s32 $0xFFFFF830  }
0x155: {  	_ =	swait.ge [sflag:s10], $0x7D0  }
0x156: {  	[sflag:s10] =	ssyncset.done $0x0  }
0x157: {  	[sflag:s10] =	ssyncadd.s32 $0xFFFFF830  }
0x158: {  	_ =	swait.ge [sflag:s10], $0x7D0  }
0x159: {  	[sflag:s10] =	ssyncset.done $0x0  }
0x15a: {  	[sflag:s10] =	ssyncadd.s32 $0xFFFFF830  }
0x15b: {  	_ =	swait.ge [sflag:s10], $0x7D0  }
0x15c: {  	[sflag:s10] =	ssyncset.done $0x0  }
0x15d: {  	[sflag:s10] =	ssyncadd.s32 $0xFFFFF830  }
0x15e: {  	_ =	swait.ge [sflag:s10], $0x7D0  }
0x15f: {  	[sflag:s10] =	ssyncset.done $0x0  }
0x160: {  	[sflag:s10] =	ssyncadd.s32 $0xFFFFF830  }
0x161: {  	[bflag:$0x0] =	sbarrier.arrive $0xFFFF  }
0x162: {  	s13 =	rddreg [dreg:$0x5]  }
0x163: {  	s14 =	rddreg [dreg:$0x7]  }
0x164: {  	s12 =	rddreg [dreg:$0xa]  }
0x165: {  	[hbm:s14], [sflag:s13] =	dma.local [spmem:s12], $0x4E0  }
0x166: {  	s12 =	simm.s32 $0x3  }
0x167: {  	_ =	swait.ge [sflag:s12], $0x4E0  }
0x168: {  	[sflag:s12] =	ssyncset.done $0x0;
	s6 =	rddreg [dreg:$0x8]  }
0x169: {  	s14 =	rddreg [dreg:$0xb];
	[sflag:s12] =	ssyncadd.s32 $0xFFFFFB20;
	s12 =	simm.s32 @!p0 $0x3  }
0x16a: {  	[hbm:s6], [sflag:s13] =	dma.local @!p0 [spmem:s14], $0x20  }
0x16b: {  	_ =	swait.ge @!p0 [sflag:s12], $0x20  }
0x16c: {  	s14 =	rddreg [dreg:$0xc]  }
0x16d: {  	s6 =	sadd.s32 $0x1, s14;
	s14 =	rddreg [dreg:$0x9]  }
0x16e: {  	p1 =	sne.s32 s6, s14  }
.Ltmp1:
0x16f: {  	_ = 	snop;
	(pc) =	sbr.rel @p1 .LBB2_1-.Ltmp1, $3  }
0x170: {  	_ =	sdelay $0x1  }
0x171: {  	[sflag:s12] =	ssyncset.done @!p0 $0x0;
	[dreg:$0xc] =	wrdreg s6;
	s6 =	simm.s32 @!p0 $0x3  }
0x172: {  	s12 =	simm.s32 $0x3;
	[sflag:s6] =	ssyncadd.s32 @!p0 $0xFFFFFFE0  }
0x173: {  	_ =	sfence.sel $0x180000  }
0x174: {  	[bflag:$0x0] =	sbarrier.arrive $0xFFFF  }
0x175: {  	_ =	strace $0x90000047  }
0x176: {  	s0 =	stileid.u32;
	[bflag:$0x2] =	sbarrier.arrive $0xFFFF  }
0x177: {  	p0 =	sne.s32 s0, $0x0;
	s0 =	rddreg [dreg:$0x3]  }
0x178: {  	s0 =	sadd.s32 @!p0 $0x100000, s0  }
0x179: {  	[sflag:s0] =	ssyncadd.tile.s32 @!p0 $0x1;
	_ =	shalt  }
.Lfunc_end2:
_tile_overlayer_lowered:
.L_overlay_start_2:
0x17a: {  	(tag) =	ssettag $0x2  }
0x17b: {  	s0 =	rddreg [dreg:$0x0];
	s2 =	stileid.u32  }
0x17c: {  	s1 =	rddreg [dreg:$0x1];
	p0 =	sne.s32 s2, $0x0  }
0x17d: {  	s3 =	rddreg [dreg:$0x2];
	[bflag:$0x3] =	sbarrier.arrive $0xFFFF;
	s2 =	simm.s32 @!p0 $0x1C03  }
0x17e: {  	[timem:s3], [sflag:s2] =	dma.local @!p0 [hbm:s0], s1  }
0x17f: {  	s0 =	simm.s32 @!p0 $0x3  }
0x180: {  	_ =	swait.ge @!p0 [sflag:s0], s1  }
0x181: {  	s1 =	ssub.s32 @!p0 $0x0, s1;
	[sflag:s0] =	ssyncset.done @!p0 $0x0  }
0x182: {  	[sflag:s0] =	ssyncadd.s32 @!p0 s1  }
0x183: {  	[bflag:$0x3] =	sbarrier.arrive $0xFFFF  }
0x184: {  	_ =	shalt  }

// kernel: kernel.13.cloned.1.call-start
scs
__scs_entry_jumppad:
0x0: {  	(pc) =	sbr.rel $0x88, $3  }
0x1: {  	(tag) =	ssettag $0x0;
	lr =	simm.s32 $0x1  }
0x2: {  	[smem:$0x3F90] =	sst lr;
	_ =	strace $0xD0000000  }
0x3: {  	_ = 	snop  }
0x4: {  	_ = 	snop  }
0x5: {  	_ = 	snop  }
0x6: {  	_ = 	snop  }
0x7: {  	_ = 	snop  }
__scs_overlays_trampoline_lowered:
0x8: {  	[smem:$0x3F9F] =	sst s0  }
0x9: {  	[smem:$0x3FA0] =	sst s1  }
0xa: {  	[smem:$0x3FA1] =	sst s2  }
0xb: {  	[smem:$0x3FA2] =	sst s3  }
0xc: {  	[smem:$0x3FA3] =	sst s4  }
0xd: {  	[smem:$0x3FA4] =	sst s5  }
0xe: {  	[smem:$0x3FA5] =	sst s6  }
0xf: {  	[smem:$0x3FA6] =	sst s7  }
0x10: {  	[smem:$0x3FA7] =	sst s8  }
0x11: {  	[smem:$0x3FA8] =	sst s9;
	s0 =	simm.s32 @!p0 $0x0  }
0x12: {  	s1 =	sld [smem:$0x3F8E];
	s0 =	simm.s32 @p0 $0x1  }
0x13: {  	[smem:$0x3FA9] =	sst s0;
	s0 =	simm.s32 @!p1 $0x0  }
0x14: {  	s2 =	sld [smem:$0x3F8D];
	s0 =	simm.s32 @p1 $0x1  }
0x15: {  	[smem:$0x3FAA] =	sst s0;
	s0 =	simm.s32 @!p2 $0x0  }
0x16: {  	s3 =	sld [smem:$0x3FDB];
	s0 =	simm.s32 @p2 $0x1  }
0x17: {  	s4 =	simm.s32 $0x1BF5;
	[smem:$0x3FAC] =	sst s0  }
0x18: {  	s0 =	sld [smem:$0x3F8F];
	_ =	swait.ge [sflag:s4], $0x0  }
0x19: {  	s7 =	sld [smem:$0x3F90]  }
0x1a: {  	s8 =	sadd.s32 $0xFFFFE003, lr  }
0x1b: {  	s9 =	sadd.s32 $0xFFFFFEF7, lr;
	s5 =	simm.s32 $0xFFFFFFFF;
	p2 =	slt.u32 s8, $0xFFFFF086  }
0x1c: {  	p1 =	slt.u32 s9, $0xF7A;
	s5 =	simm.s32 @!p2 $0x0  }
0x1d: {  	s5 =	simm.s32 @p1 $0x1;
	p0 =	seq.s32 s7, s2  }
0x1e: {  	s7 =	smul.u32 @!p0 $0xF7A, s2;
	p2 =	seq.s32 @!p0 s5, $0x0  }
0x1f: {  	s9 =	smul.u32 $0xF7A, s1;
	s8 =	simm.s32 @!p0 $0x1BF5;
	p2 =	por !p2, p0  }
0x20: {  	[sflag:s8] =	ssyncset.s32 @!p0 $0xFFFFF086;
	s6 =	sadd.s32 @!p0 s3, s7;
	s7 =	simm.s32 @!p0 $0x108  }
0x21: {  	s3 =	sadd.s32 s3, s9;
	s6 =	sadd.s32 @!p0 $0x88, s6;
	s7 =	simm.s32 @p2 $0x1082  }
0x22: {  	[simem:s7], [sflag:s8] =	dma.local @!p0 [hbm:s6], $0xF7A  }
0x23: {  	s9 =	sor.u32 $0xD0000000, s2;
	s6 =	simm.s32 $0x108;
	_ =	swait.ge @!p0 [sflag:s8], $0x0  }
0x24: {  	s3 =	sadd.s32 $0x88, s3;
	s6 =	simm.s32 @!p1 $0x1082;
	[sflag:s4] =	ssyncset.s32 $0xFFFFF086  }
0x25: {  	[simem:s6], [sflag:s4] =	dma.local [hbm:s3], $0xF7A  }
0x26: {  	[smem:$0x3F90] =	sst s1;
	(tag) =	ssettag s2;
	_ =	strace s9  }
0x27: {  	s1 =	sld [smem:$0x3FA0]  }
0x28: {  	s2 =	sld [smem:$0x3FA1]  }
0x29: {  	s4 =	sld [smem:$0x3FA3]  }
0x2a: {  	p0 =	seq.s32 s5, $0x0;
	s5 =	sld [smem:$0x3FA4]  }
0x2b: {  	s6 =	sld [smem:$0x3FA5]  }
0x2c: {  	s7 =	sld [smem:$0x3FA6]  }
0x2d: {  	s3 =	simm.s32 $0x108;
	s8 =	sld [smem:$0x3FA7]  }
0x2e: {  	s3 =	simm.s32 @!p0 $0x1082;
	s9 =	sld [smem:$0x3FA8]  }
0x2f: {  	lr =	sadd.s32 s0, s3;
	s0 =	sld [smem:$0x3F9F]  }
0x30: {  	s3 =	sld [smem:$0x3FA2]  }
0x31: {  	[smem:$0x3FAB] =	sst s10  }
0x32: {  	s10 =	sld [smem:$0x3FA9];
	_ =	sdelay $0x3  }
0x33: {  	p0 =	seq.s32 s10, $0x1;
	s10 =	sld [smem:$0x3FAB];
	_ =	sdelay $0x3  }
0x34: {  	[smem:$0x3FAB] =	sst s10  }
0x35: {  	s10 =	sld [smem:$0x3FAA];
	_ =	sdelay $0x3  }
0x36: {  	p1 =	seq.s32 s10, $0x1;
	s10 =	sld [smem:$0x3FAB];
	_ =	sdelay $0x3  }
0x37: {  	[smem:$0x3FAB] =	sst s10  }
0x38: {  	s10 =	sld [smem:$0x3FAC]  }
0x39: {  	_ = 	snop;
	(pc) =	sbr.ind lr, $3  }
0x3a: {  	_ = 	snop  }
0x3b: {  	_ = 	snop  }
0x3c: {  	p2 =	seq.s32 s10, $0x1;
	s10 =	sld [smem:$0x3FAB]  }
0x3d: {  	_ =	shalt  }
0x3e: {  	_ =	shalt  }
0x3f: {  	_ =	shalt  }
0x40: {  	_ =	shalt  }
0x41: {  	_ =	shalt  }
0x42: {  	_ =	shalt  }
0x43: {  	_ =	shalt  }
0x44: {  	_ =	shalt  }
0x45: {  	_ =	shalt  }
0x46: {  	_ =	shalt  }
0x47: {  	_ =	shalt  }
0x48: {  	_ =	shalt  }
0x49: {  	_ =	shalt  }
0x4a: {  	_ =	shalt  }
0x4b: {  	_ =	shalt  }
0x4c: {  	_ =	shalt  }
0x4d: {  	_ =	shalt  }
0x4e: {  	_ =	shalt  }
0x4f: {  	_ =	shalt  }
0x50: {  	_ =	shalt  }
0x51: {  	_ =	shalt  }
0x52: {  	_ =	shalt  }
0x53: {  	_ =	shalt  }
0x54: {  	_ =	shalt  }
0x55: {  	_ =	shalt  }
0x56: {  	_ =	shalt  }
0x57: {  	_ =	shalt  }
0x58: {  	_ =	shalt  }
0x59: {  	_ =	shalt  }
0x5a: {  	_ =	shalt  }
0x5b: {  	_ =	shalt  }
0x5c: {  	_ =	shalt  }
0x5d: {  	_ =	shalt  }
0x5e: {  	_ =	shalt  }
0x5f: {  	_ =	shalt  }
0x60: {  	_ =	shalt  }
0x61: {  	_ =	shalt  }
0x62: {  	_ =	shalt  }
0x63: {  	_ =	shalt  }
0x64: {  	_ =	shalt  }
0x65: {  	_ =	shalt  }
0x66: {  	_ =	shalt  }
0x67: {  	_ =	shalt  }
0x68: {  	_ =	shalt  }
0x69: {  	_ =	shalt  }
0x6a: {  	_ =	shalt  }
0x6b: {  	_ =	shalt  }
0x6c: {  	_ =	shalt  }
0x6d: {  	_ =	shalt  }
0x6e: {  	_ =	shalt  }
0x6f: {  	_ =	shalt  }
0x70: {  	_ =	shalt  }
0x71: {  	_ =	shalt  }
0x72: {  	_ =	shalt  }
0x73: {  	_ =	shalt  }
0x74: {  	_ =	shalt  }
0x75: {  	_ =	shalt  }
0x76: {  	_ =	shalt  }
0x77: {  	_ =	shalt  }
0x78: {  	_ =	shalt  }
0x79: {  	_ =	shalt  }
0x7a: {  	_ =	shalt  }
0x7b: {  	_ =	shalt  }
0x7c: {  	_ =	shalt  }
0x7d: {  	_ =	shalt  }
0x7e: {  	_ =	shalt  }
0x7f: {  	_ =	shalt  }
0x80: {  	_ =	shalt  }
0x81: {  	_ =	shalt  }
0x82: {  	_ =	shalt  }
0x83: {  	_ =	shalt  }
0x84: {  	_ =	shalt  }
0x85: {  	_ =	shalt  }
0x86: {  	_ =	shalt  }
0x87: {  	_ =	shalt  }
.Lfunc_end0:
.L_simem_size_0:
called_computation.1_lowered:
.L_overlay_start_0:
0x88: {  	s2 =	sld [smem:$0x3FD9]  }
0x89: {  	s3 =	sld [smem:$0x3FFE];
	_ =	sdelay $0x1  }
0x8a: {  	s1 =	srdreg.scid  }
0x8b: {  	s0 =	sand.u32 $0x1, s1  }
0x8c: {  	s16 =	sshll.u32 s0, $0xA;
	s2 =	sadd.s32 s3, s2  }
0x8d: {  	s2 =	sadd.s32 s2, s16  }
0x8e: {  	[smem:$0x3FB7] =	sst s2  }
0x8f: {  	_ = 	snop  }
0x90: {  	(tm) =	ssettm $0x1  }
0x91: {  	s17 =	sld [smem:$0x3FFB];
	_ =	sdelay $0x3  }
0x92: {  	_ =	strace s17  }
0x93: {  	s2 =	sld [smem:$0x3FFC];
	_ =	sdelay $0x3  }
0x94: {  	_ =	strace s2  }
0x95: {  	s2 =	sld [smem:$0x3FFD];
	_ =	sdelay $0x3  }
0x96: {  	_ =	strace s2  }
0x97: {  	_ =	strace $0x8FFFFFFF  }
0x98: {  	s18 =	sld [smem:$0x3FDB];
	_ =	sdelay $0x1  }
0x99: {  	s19 =	simm.s32 $_scs_section_size  }
0x9a: {  	s4 =	simm.s32 $_size__tile_overlayer_lowered;
	s5 =	simm.s32 $_tile_overlayer_lowered  }
0x9b: {  	s22 =	simm.s32 $0x1BFF;
	s21 =	sshll.u32 s5, $0x1;
	s2 =	sadd.s32 s19, s18  }
0x9c: {  	s6 =	simm.s32 $0x0;
	s20 =	sshll.u32 s4, $0x1;
	s4 =	sadd.s32 s21, s2  }
0x9d: {  	[timem:s6], [sflag:s22] =	dma.local [hbm:s4], s20  }
0x9e: {  	_ =	swait.ge [sflag:s22], s20  }
0x9f: {  	s3 =	ssub.s32 $0x0, s20;
	[sflag:s22] =	ssyncset.done $0x0  }
0xa0: {  	[sflag:s22] =	ssyncadd.s32 s3;
	_ =	sdelay $0x1  }
0xa1: {  	s23 =	simm.s32 $0x1B8B  }
0xa2: {  	_ =	swait.ge [sflag:s23], $0x1  }
0xa3: {  	[sflag:s23] =	ssyncset.done $0x0  }
0xa4: {  	s25 =	simm.s32 $0x1B8E;
	s24 =	sld [smem:$0x3FFE];
	[sflag:s23] =	ssyncadd.s32 $0xFFFFFFFF  }
0xa5: {  	s26 =	simm.s32 $execute0_lowered;
	[smem:$0x3FD2] =	sst s25  }
0xa6: {  	s4 =	sshll.u32 s26, $0x1;
	_ =	strace $0x80000049;
	[dreg:$0x1] =	wrdreg $0xFFFFFFFF  }
0xa7: {  	s28 =	simm.s32 $_size_execute0_lowered;
	s2 =	sadd.s32 s2, s4;
	[dreg:$0x0] =	wrdreg $0x0  }
0xa8: {  	s4 =	sshll.u32 s28, $0x1;
	[dreg:$0x2] =	wrdreg s2  }
0xa9: {  	[dreg:$0x3] =	wrdreg s4  }
0xaa: {  	[dreg:$0x4] =	wrdreg $0xC0  }
0xab: {  	_ =	task [dreg:s6], $0x5FFFF  }
0xac: {  	[dreg:$0x1] =	wrdreg $0xFFFFFFFF  }
0xad: {  	[dreg:$0x0] =	wrdreg $0x60  }
0xae: {  	[dreg:$0x2] =	wrdreg s24  }
0xaf: {  	[dreg:$0x3] =	wrdreg $0x0  }
0xb0: {  	[dreg:$0x4] =	wrdreg $0x9  }
0xb1: {  	_ =	task.clear_ibuf [dreg:s6], $0x5FFFF;
	_ =	strace $0x90000049  }
0xb2: {  	s29 =	simm.s32 $0x9;
	_ =	strace $0x8000004B  }
0xb3: {  	_ =	swait.ge [sflag:s29], $0x1  }
0xb4: {  	[sflag:s29] =	ssyncadd.s32 $0xFFFFFFFF  }
0xb5: {  	_ =	strace $0x9000004B  }
0xb6: {  	_ =	sfence  }
0xb7: {  	s30 =	sld [smem:$0x0];
	_ =	sdelay $0x2  }
0xb8: {  	s31 =	sshll.u32 s1, $0xD;
	s1 =	sshrl.u32 s1, $0x2  }
0xb9: {  	s3 =	sand.u32 $0x4000, s31;
	s1 =	sadd.s32 s1, s30  }
0xba: {  	s0 =	sor.u32 s3, s0;
	s1 =	sshll.u32 s1, $0x11  }
0xbb: {  	s0 =	sor.u32 s1, s0  }
0xbc: {  	s0 =	sadd.s32 $0x8F2B, s0  }
0xbd: {  	[sflag:s0] =	ssyncadd.remote.s32 $0x1  }
0xbe: {  	_ =	sfence.sel $0xFFFF  }
0xbf: {  	[dreg:$0x0] =	wrdreg $0xFFFFFFFF;
	(pc) =	sbr.abs _section_cstart, $3  }
0xc0: {  	[dreg:$0x1] =	wrdreg $0xFFFFFFFF  }
0xc1: {  	_ =	task.clear_ibuf [dreg:s6], $0x2FFFF;
	_ =	strace $0x9FFFFFFF  }
0xc2: {  	(tm) =	ssettm $0x7FFFFFFF  }
0xc3: {  	_ =	shalt  }
tec
execute0_lowered:
.L_overlay_start_1:
0x0: {  	(tag) =	ssettag $0x1  }
0x1: {  	s0 =	rddreg [dreg:$0x0]  }
0x2: {  	s1 =	rddreg [dreg:$0x1];
	s2 =	simm.s32 $0x0;
	s15 =	stileid.u32  }
0x3: {  	s3 =	srdreg.scid;
	s28 =	simm.s32 $0x16280;
	s8 =	smul.u32 $0x7D00, s15  }
0x4: {  	s29 =	simm.s32 $0x18A80;
	s30 =	simm.s32 $0x18B80;
	s10 =	smul.u32 $0xFA, s15  }
0x5: {  	[smem:$0x7FF] =	sst s2;
	s3 =	sand.u32 $0x1, s3;
	s25 =	smul.u32 $0x4E000, s15  }
0x6: {  	s5 =	sadd.s32 $0x4B800, s0;
	s6 =	sadd.s32 $0x2C400, s0;
	s31 =	smul.u32 $0x270, s15  }
0x7: {  	s7 =	sadd.s32 $0x1CA00, s0;
	s0 =	sadd.s32 $0x99A00, s0;
	s20 =	smul.u32 $0xFA0, s15  }
0x8: {  	s21 =	sadd.s32 $0x138000, s1;
	p0 =	sne.s32 s15, $0xF;
	s4 =	smul.u32 $0x7D000, s3  }
0x9: {  	_ =	strace $0x8000004A;
	s9 =	ssub.s32 $0x2, s3;
	s14 =	smul.u32 $0x2710, s3  }
0xa: {  	s3 =	smul.u32 $0x138800, s3;
	[dreg:$0xc] =	wrdreg s21;
	s21 =	simm.s32 $0x13880  }
0xb: {  	s11 =	sshrl.u32 s9, $0x1;
	[dreg:$0x3] =	wrdreg s10;
	s24 =	sadd.s32 $0x100, s8  }
0xc: {  	s17 =	sshrl.u32 s25, $0x2;
	s12 =	sadd.s32 s8, s4;
	s9 =	ssub.s32 s9, s11  }
0xd: {  	s8 =	sshrl.u32 s8, $0x3;
	s13 =	sadd.s32 s4, s24;
	s16 =	sshrl.u32 s24, $0x3  }
0xe: {  	s18 =	sadd.s32 s31, s14;
	s3 =	sshrl.u32 s3, $0x3;
	s24 =	sadd.s32 s20, s7  }
0xf: {  	s31 =	simm.s32 $0x18C00;
	s11 =	simm.s32 $0x4;
	s23 =	sshrl.u32 s12, $0x3  }
0x10: {  	s8 =	sadd.s32 s7, s8;
	s26 =	sshrl.u32 s13, $0x3;
	[dreg:$0x5] =	wrdreg s31  }
0x11: {  	s19 =	sshll.u32 s18, $0x4;
	s25 =	sadd.s32 $0x200, s12;
	[dreg:$0x7] =	wrdreg s8  }
0x12: {  	s3 =	sadd.s32 $0x27000, s3;
	s10 =	sadd.s32 s6, s23;
	[dreg:$0x11] =	wrdreg s25  }
0x13: {  	s12 =	simm.s32 $0x0;
	s8 =	sadd.s32 s6, s26;
	[dreg:$0x6] =	wrdreg s10  }
0x14: {  	s22 =	sadd.s32 s5, s3;
	s23 =	smax.u32 s9, $0x1;
	[dreg:$0x8] =	wrdreg s8  }
0x15: {  	s26 =	simm.s32 $0x18B00;
	s25 =	simm.s32 $0x13A80;
	[dreg:$0xd] =	wrdreg s22  }
0x16: {  	s9 =	simm.s32 $0x1B480;
	s8 =	sadd.s32 s7, s16;
	[dreg:$0x10] =	wrdreg s23  }
0x17: {  	s10 =	sadd.s32 s5, s19;
	s22 =	simm.s32 $0x13980;
	[dreg:$0x4] =	wrdreg s26  }
0x18: {  	s23 =	simm.s32 $0x1;
	s26 =	simm.s32 $0x13900;
	[dreg:$0x9] =	wrdreg s8  }
0x19: {  	s16 =	simm.s32 $0x5;
	s8 =	sadd.s32 s17, s1;
	[dreg:$0xb] =	wrdreg s10  }
0x1a: {  	s10 =	simm.s32 $0x3;
	[dreg:$0xa] =	wrdreg s8;
	s8 =	sadd.s32 s0, s19  }
0x1b: {  	s0 =	sadd.s32 s0, s3;
	s3 =	simm.s32 $0x13A00;
	[dreg:$0xe] =	wrdreg s8  }
0x1c: {  	[dreg:$0xf] =	wrdreg s0;
	s0 =	sadd.s32 $0x40, s24;
	s24 =	simm.s32 $0x50  }
0x1d: {  	s8 =	simm.s32 $0x18C80;
	[dreg:$0x12] =	wrdreg s0;
	s0 =	simm.s32 $0x2  }
.LBB2_1:
0x1e: {  	s13 =	rddreg [dreg:$0x6]  }
0x1f: {  	[tilespmem:s21], [sflag:$0x1] =	stream.linear.gather [hbm4b:s13+s2], $0x100, $0x38;
	[tilespmem:$0x1DC80] =	vst v63  }
0x20: {  	s15 =	rddreg [dreg:$0x7]  }
0x21: {  	[tilespmem:s22], [sflag:$0x1] =	stream.linear.gather [hbm4b:s15+s2], $0x100, $0x38;
	[tilespmem:$0x1DC80] =	vst v63  }
0x22: {  	_ =	swait.ge [sflag:s23], $0x100  }
0x23: {  	[sflag:s23] =	ssyncset.done $0x0  }
0x24: {  	[sflag:s23] =	ssyncadd.s32 $0xFFFFFF00  }
0x25: {  	_ =	swait.ge [sflag:s23], $0x100  }
0x26: {  	[sflag:s23] =	ssyncset.done $0x0  }
0x27: {  	[sflag:s23] =	ssyncadd.s32 $0xFFFFFF00  }
0x28: {  	[tilespmem:s25], [sflag:$0x2] =	stream.indirect.gather [hbm4b:s5+s24], $0x80, s21, s24, $0xb8;
	[tilespmem:$0x1DC80] =	vst v63  }
0x29: {  	_ = 	snop  }
0x2a: {  	[tilespmem:s28], [sflag:$0x2] =	stream.indirect.gather [hbm4b:s5+s24], $0x80, s26, s24, $0xb8;
	[tilespmem:$0x1DC80] =	vst v63  }
0x2b: {  	s17 =	rddreg [dreg:$0x8]  }
0x2c: {  	[tilespmem:s29], [sflag:$0x1] =	stream.linear.gather [hbm4b:s17+s2], $0x100, $0x38;
	[tilespmem:$0x1DC80] =	vst v63  }
0x2d: {  	s18 =	rddreg [dreg:$0x9]  }
0x2e: {  	[tilespmem:s30], [sflag:$0x1] =	stream.linear.gather [hbm4b:s18+s2], $0x100, $0x38;
	[tilespmem:$0x1DC80] =	vst v63  }
0x2f: {  	_ =	swait.ge [sflag:s23], $0x100  }
0x30: {  	[sflag:s23] =	ssyncset.done $0x0  }
0x31: {  	[sflag:s23] =	ssyncadd.s32 $0xFFFFFF00  }
0x32: {  	s19 =	stileid.u32;
	_ =	swait.ge [sflag:s23], $0x100  }
0x33: {  	s13 =	sshll.u32 s19, $0x6;
	s14 =	rddreg [dreg:$0xa]  }
0x34: {  	[sflag:s23] =	ssyncset.done $0x0;
	s20 =	rddreg [dreg:$0xb];
	s15 =	sshrl.u32 s14, $0x3  }
0x35: {  	s13 =	sor.u32 $0x1C05, s13;
	[sflag:s23] =	ssyncadd.s32 $0xFFFFFF00;
	[dreg:$0x13] =	wrdreg s15  }
0x36: {  	[spmem:s15], [sflag:s13] =	dma.local [hbm:s20], $0x2700  }
0x37: {  	_ =	swait.ge [sflag:s16], $0x2700  }
0x38: {  	[sflag:s16] =	ssyncset.done $0x0  }
0x39: {  	s14 =	rddreg [dreg:$0xc];
	[sflag:s16] =	ssyncadd.s32 $0xFFFFD900  }
0x3a: {  	s15 =	sshrl.u32 @!p0 s14, $0x3;
	s14 =	rddreg [dreg:$0xd];
	s16 =	simm.s32 @!p0 $0x5  }
0x3b: {  	[spmem:s15], [sflag:s13] =	dma.local @!p0 [hbm:s14], $0x100  }
0x3c: {  	_ =	swait.ge @!p0 [sflag:s16], $0x100  }
0x3d: {  	[sflag:s16] =	ssyncset.done @!p0 $0x0  }
0x3e: {  	[sflag:s16] =	ssyncadd.s32 @!p0 $0xFFFFFF00  }
0x3f: {  	[bflag:$0x0] =	sbarrier.arrive $0xFFFF  }
0x40: {  	s31 =	rddreg [dreg:$0x3];
	_ =	swait.ge [sflag:s0], $0x2800  }
0x41: {  	[sflag:s0] =	ssyncset.done $0x0  }
0x42: {  	[sflag:s0] =	ssyncadd.s32 $0xFFFFD800  }
0x43: {  	_ =	swait.ge [sflag:s0], $0x2800  }
0x44: {  	[sflag:s0] =	ssyncset.done $0x0  }
0x45: {  	[sflag:s0] =	ssyncadd.s32 $0xFFFFD800  }
0x46: {  	[spmem:s1] =	stream.indirect.scatter.add.f32 [tilespmem:s25], [sflag:$0x3], $0x80, s22, s24, $0xb8;
	[tilespmem:$0x1DC80] =	vst v63  }
0x47: {  	_ = 	snop  }
0x48: {  	[spmem:s1] =	stream.indirect.scatter.add.f32 [tilespmem:s28], [sflag:$0x3], $0x80, s3, s24, $0xb8;
	[tilespmem:$0x1DC80] =	vst v63  }
0x49: {  	_ = 	snop  }
0x4a: {  	[tilespmem:s8], [sflag:$0x2] =	stream.indirect.gather [hbm4b:s5+s24], $0x80, s29, s24, $0xb8;
	[tilespmem:$0x1DC80] =	vst v63  }
0x4b: {  	s17 =	rddreg [dreg:$0x4]  }
0x4c: {  	[tilespmem:s9], [sflag:$0x2] =	stream.indirect.gather [hbm4b:s5+s24], $0x80, s17, s24, $0xb8;
	[tilespmem:$0x1DC80] =	vst v63  }
0x4d: {  	_ =	swait.ge [sflag:s10], $0x2800  }
0x4e: {  	[sflag:s10] =	ssyncset.done $0x0  }
0x4f: {  	[sflag:s10] =	ssyncadd.s32 $0xFFFFD800  }
0x50: {  	_ =	swait.ge [sflag:s10], $0x2800  }
0x51: {  	s19 =	rddreg [dreg:$0x11]  }
0x52: {  	[sflag:s10] =	ssyncset.done $0x0;
	s14 =	sshrl.u32 s19, $0x3  }
0x53: {  	[sflag:s10] =	ssyncadd.s32 $0xFFFFD800;
	s17 =	sadd.s32 s6, s14  }
0x54: {  	[tilespmem:s21], [sflag:$0x1] =	stream.linear.gather [hbm4b:s17+s2], $0x100, $0x38;
	[tilespmem:$0x1DC80] =	vst v63  }
0x55: {  	s18 =	rddreg [dreg:$0x12]  }
0x56: {  	[tilespmem:s22], [sflag:$0x1] =	stream.linear.gather [hbm4b:s18+s2], $0x100, $0x38;
	[tilespmem:$0x1DC80] =	vst v63  }
0x57: {  	_ =	swait.ge [sflag:s23], $0x100  }
0x58: {  	[sflag:s23] =	ssyncset.done $0x0  }
0x59: {  	[sflag:s23] =	ssyncadd.s32 $0xFFFFFF00  }
0x5a: {  	_ =	swait.ge [sflag:s23], $0x100  }
0x5b: {  	[sflag:s23] =	ssyncset.done $0x0  }
0x5c: {  	[sflag:s23] =	ssyncadd.s32 $0xFFFFFF00  }
0x5d: {  	_ =	swait.ge [sflag:s0], $0x2800  }
0x5e: {  	[sflag:s0] =	ssyncset.done $0x0  }
0x5f: {  	[sflag:s0] =	ssyncadd.s32 $0xFFFFD800  }
0x60: {  	_ =	swait.ge [sflag:s0], $0x2800  }
0x61: {  	[sflag:s0] =	ssyncset.done $0x0  }
0x62: {  	[sflag:s0] =	ssyncadd.s32 $0xFFFFD800  }
0x63: {  	[spmem:s1] =	stream.indirect.scatter.add.f32 [tilespmem:s8], [sflag:$0x4], $0x80, s30, s24, $0xb8;
	[tilespmem:$0x1DC80] =	vst v63  }
0x64: {  	s20 =	rddreg [dreg:$0x5]  }
0x65: {  	[spmem:s1] =	stream.indirect.scatter.add.f32 [tilespmem:s9], [sflag:$0x4], $0x80, s20, s24, $0xb8;
	[tilespmem:$0x1DC80] =	vst v63  }
0x66: {  	s16 =	sadd.s32 $0x4, s31  }
0x67: {  	[tilespmem:s25], [sflag:$0x2] =	stream.indirect.gather [hbm4b:s5+s24], $0x80, s21, s24, $0xb8;
	[tilespmem:$0x1DC80] =	vst v63  }
0x68: {  	p1 =	slt.s32 s16, $0xF9C  }
0x69: {  	[tilespmem:s28], [sflag:$0x2] =	stream.indirect.gather [hbm4b:s5+s24], $0x80, s26, s24, $0xb8;
	[tilespmem:$0x1DC80] =	vst v63  }
0x6a: {  	s16 =	simm.s32 @!p1 $0xF9C;
	_ =	swait.ge [sflag:s11], $0x2800  }
0x6b: {  	s16 =	sshll.u32 s16, $0x7;
	[sflag:s11] =	ssyncset.done $0x0  }
0x6c: {  	s16 =	sadd.s32 $0x100, s16;
	[sflag:s11] =	ssyncadd.s32 $0xFFFFD800  }
0x6d: {  	s31 =	sadd.s32 s4, s16;
	_ =	swait.ge [sflag:s11], $0x2800  }
0x6e: {  	s17 =	sshrl.u32 s31, $0x3;
	[sflag:s11] =	ssyncset.done $0x0  }
0x6f: {  	s16 =	sshrl.u32 s16, $0x3;
	s17 =	sadd.s32 s6, s17;
	[sflag:s11] =	ssyncadd.s32 $0xFFFFD800  }
0x70: {  	[tilespmem:s29], [sflag:$0x1] =	stream.linear.gather [hbm4b:s17+s2], $0x100, $0x38;
	[tilespmem:$0x1DC80] =	vst v63  }
0x71: {  	s16 =	sadd.s32 s7, s16  }
0x72: {  	[tilespmem:s30], [sflag:$0x1] =	stream.linear.gather [hbm4b:s16+s2], $0x100, $0x38;
	[tilespmem:$0x1DC80] =	vst v63  }
0x73: {  	_ =	swait.ge [sflag:s23], $0x100  }
0x74: {  	[sflag:s23] =	ssyncset.done $0x0  }
0x75: {  	[sflag:s23] =	ssyncadd.s32 $0xFFFFFF00  }
0x76: {  	s20 =	simm.s32 $0xC;
	_ =	swait.ge [sflag:s23], $0x100  }
0x77: {  	s17 =	sadd.s32 $0x40, s18;
	s16 =	simm.s32 $0x8;
	[sflag:s23] =	ssyncset.done $0x0  }
.LBB2_2:
0x78: {  	[sflag:s23] =	ssyncadd.s32 $0xFFFFFF00  }
0x79: {  	s18 =	rddreg [dreg:$0x3];
	_ =	swait.ge [sflag:s0], $0x2800  }
0x7a: {  	[sflag:s0] =	ssyncset.done $0x0  }
0x7b: {  	[sflag:s0] =	ssyncadd.s32 $0xFFFFD800  }
0x7c: {  	_ =	swait.ge [sflag:s0], $0x2800  }
0x7d: {  	[sflag:s0] =	ssyncset.done $0x0  }
0x7e: {  	[sflag:s0] =	ssyncadd.s32 $0xFFFFD800  }
0x7f: {  	[spmem:s1] =	stream.indirect.scatter.add.f32 [tilespmem:s25], [sflag:$0x3], $0x80, s22, s24, $0xb8;
	[tilespmem:$0x1DC80] =	vst v63  }
0x80: {  	_ = 	snop  }
0x81: {  	[spmem:s1] =	stream.indirect.scatter.add.f32 [tilespmem:s28], [sflag:$0x3], $0x80, s3, s24, $0xb8;
	[tilespmem:$0x1DC80] =	vst v63  }
0x82: {  	_ = 	snop  }
0x83: {  	[tilespmem:s8], [sflag:$0x2] =	stream.indirect.gather [hbm4b:s5+s24], $0x80, s29, s24, $0xb8;
	[tilespmem:$0x1DC80] =	vst v63  }
0x84: {  	s14 =	rddreg [dreg:$0x4]  }
0x85: {  	[tilespmem:s9], [sflag:$0x2] =	stream.indirect.gather [hbm4b:s5+s24], $0x80, s14, s24, $0xb8;
	[tilespmem:$0x1DC80] =	vst v63  }
0x86: {  	_ =	swait.ge [sflag:s10], $0x2800  }
0x87: {  	[sflag:s10] =	ssyncset.done $0x0  }
0x88: {  	[sflag:s10] =	ssyncadd.s32 $0xFFFFD800  }
0x89: {  	s19 =	sadd.s32 $0x200, s19;
	_ =	swait.ge [sflag:s10], $0x2800  }
0x8a: {  	s14 =	sshrl.u32 s19, $0x3;
	[sflag:s10] =	ssyncset.done $0x0  }
0x8b: {  	s14 =	sadd.s32 s6, s14;
	[sflag:s10] =	ssyncadd.s32 $0xFFFFD800  }
0x8c: {  	[tilespmem:s21], [sflag:$0x1] =	stream.linear.gather [hbm4b:s14+s2], $0x100, $0x38;
	[tilespmem:$0x1DC80] =	vst v63  }
0x8d: {  	_ = 	snop  }
0x8e: {  	[tilespmem:s22], [sflag:$0x1] =	stream.linear.gather [hbm4b:s17+s2], $0x100, $0x38;
	[tilespmem:$0x1DC80] =	vst v63  }
0x8f: {  	_ =	swait.ge [sflag:s23], $0x100  }
0x90: {  	[sflag:s23] =	ssyncset.done $0x0  }
0x91: {  	[sflag:s23] =	ssyncadd.s32 $0xFFFFFF00  }
0x92: {  	_ =	swait.ge [sflag:s23], $0x100  }
0x93: {  	[sflag:s23] =	ssyncset.done $0x0  }
0x94: {  	[sflag:s23] =	ssyncadd.s32 $0xFFFFFF00  }
0x95: {  	_ =	swait.ge [sflag:s0], $0x2800  }
0x96: {  	[sflag:s0] =	ssyncset.done $0x0  }
0x97: {  	[sflag:s0] =	ssyncadd.s32 $0xFFFFD800  }
0x98: {  	_ =	swait.ge [sflag:s0], $0x2800  }
0x99: {  	[sflag:s0] =	ssyncset.done $0x0  }
0x9a: {  	[sflag:s0] =	ssyncadd.s32 $0xFFFFD800  }
0x9b: {  	[spmem:s1] =	stream.indirect.scatter.add.f32 [tilespmem:s8], [sflag:$0x4], $0x80, s30, s24, $0xb8;
	[tilespmem:$0x1DC80] =	vst v63  }
0x9c: {  	s14 =	rddreg [dreg:$0x5]  }
0x9d: {  	[spmem:s1] =	stream.indirect.scatter.add.f32 [tilespmem:s9], [sflag:$0x4], $0x80, s14, s24, $0xb8;
	[tilespmem:$0x1DC80] =	vst v63  }
0x9e: {  	s18 =	sadd.s32 s16, s18  }
0x9f: {  	[tilespmem:s25], [sflag:$0x2] =	stream.indirect.gather [hbm4b:s5+s24], $0x80, s21, s24, $0xb8;
	[tilespmem:$0x1DC80] =	vst v63  }
0xa0: {  	p2 =	slt.s32 s18, $0xF9C  }
0xa1: {  	[tilespmem:s28], [sflag:$0x2] =	stream.indirect.gather [hbm4b:s5+s24], $0x80, s26, s24, $0xb8;
	[tilespmem:$0x1DC80] =	vst v63  }
0xa2: {  	s18 =	simm.s32 @!p2 $0xF9C;
	_ =	swait.ge [sflag:s11], $0x2800  }
0xa3: {  	s18 =	sshll.u32 s18, $0x7;
	[sflag:s11] =	ssyncset.done $0x0  }
0xa4: {  	s31 =	smov.u32 s20;
	s18 =	sadd.s32 $0x100, s18;
	[sflag:s11] =	ssyncadd.s32 $0xFFFFD800  }
0xa5: {  	s16 =	smov.u32 s31;
	s31 =	sadd.s32 s4, s18;
	_ =	swait.ge [sflag:s11], $0x2800  }
0xa6: {  	s31 =	sshrl.u32 s31, $0x3;
	[sflag:s11] =	ssyncset.done $0x0  }
0xa7: {  	s18 =	sshrl.u32 s18, $0x3;
	s31 =	sadd.s32 s6, s31;
	[sflag:s11] =	ssyncadd.s32 $0xFFFFD800  }
0xa8: {  	[tilespmem:s29], [sflag:$0x1] =	stream.linear.gather [hbm4b:s31+s2], $0x100, $0x38;
	[tilespmem:$0x1DC80] =	vst v63  }
0xa9: {  	p1 =	sne.s32 s20, $0xF8;
	s31 =	sadd.s32 s7, s18  }
0xaa: {  	[tilespmem:s30], [sflag:$0x1] =	stream.linear.gather [hbm4b:s31+s2], $0x100, $0x38;
	[tilespmem:$0x1DC80] =	vst v63  }
.Ltmp0:
0xab: {  	_ =	swait.ge [sflag:s23], $0x100;
	(pc) =	sbr.rel @p1 .LBB2_2-.Ltmp0, $4  }
0xac: {  	[sflag:s23] =	ssyncset.done $0x0  }
0xad: {  	[sflag:s23] =	ssyncadd.s32 $0xFFFFFF00  }
0xae: {  	_ =	swait.ge [sflag:s23], $0x100  }
0xaf: {  	s20 =	sadd.s32 $0x4, s20;
	s17 =	sadd.s32 $0x40, s17;
	[sflag:s23] =	ssyncset.done $0x0  }
0xb0: {  	[sflag:s23] =	ssyncadd.s32 $0xFFFFFF00  }
0xb1: {  	s14 =	rddreg [dreg:$0x3];
	_ =	swait.ge [sflag:s0], $0x2800  }
0xb2: {  	[sflag:s0] =	ssyncset.done $0x0  }
0xb3: {  	[sflag:s0] =	ssyncadd.s32 $0xFFFFD800  }
0xb4: {  	_ =	swait.ge [sflag:s0], $0x2800  }
0xb5: {  	[sflag:s0] =	ssyncset.done $0x0  }
0xb6: {  	[sflag:s0] =	ssyncadd.s32 $0xFFFFD800  }
0xb7: {  	[spmem:s1] =	stream.indirect.scatter.add.f32 [tilespmem:s25], [sflag:$0x3], $0x80, s22, s24, $0xb8;
	[tilespmem:$0x1DC80] =	vst v63  }
0xb8: {  	_ = 	snop  }
0xb9: {  	[spmem:s1] =	stream.indirect.scatter.add.f32 [tilespmem:s28], [sflag:$0x3], $0x80, s3, s24, $0xb8;
	[tilespmem:$0x1DC80] =	vst v63  }
0xba: {  	_ = 	snop  }
0xbb: {  	[tilespmem:s8], [sflag:$0x2] =	stream.indirect.gather [hbm4b:s5+s24], $0x80, s29, s24, $0xb8;
	[tilespmem:$0x1DC80] =	vst v63  }
0xbc: {  	s18 =	rddreg [dreg:$0x4]  }
0xbd: {  	[tilespmem:s9], [sflag:$0x2] =	stream.indirect.gather [hbm4b:s5+s24], $0x80, s18, s24, $0xb8;
	[tilespmem:$0x1DC80] =	vst v63  }
0xbe: {  	_ =	swait.ge [sflag:s10], $0x2800  }
0xbf: {  	[sflag:s10] =	ssyncset.done $0x0  }
0xc0: {  	[sflag:s10] =	ssyncadd.s32 $0xFFFFD800  }
0xc1: {  	s20 =	sadd.s32 $0x200, s19;
	_ =	swait.ge [sflag:s10], $0x2800  }
0xc2: {  	s18 =	sshrl.u32 s20, $0x3;
	[sflag:s10] =	ssyncset.done $0x0  }
0xc3: {  	s18 =	sadd.s32 s6, s18;
	[sflag:s10] =	ssyncadd.s32 $0xFFFFD800  }
0xc4: {  	[tilespmem:s21], [sflag:$0x1] =	stream.linear.gather [hbm4b:s18+s2], $0x100, $0x38;
	[tilespmem:$0x1DC80] =	vst v63  }
0xc5: {  	_ = 	snop  }
0xc6: {  	[tilespmem:s22], [sflag:$0x1] =	stream.linear.gather [hbm4b:s17+s2], $0x100, $0x38;
	[tilespmem:$0x1DC80] =	vst v63  }
0xc7: {  	_ =	swait.ge [sflag:s23], $0x100  }
0xc8: {  	[sflag:s23] =	ssyncset.done $0x0  }
0xc9: {  	[sflag:s23] =	ssyncadd.s32 $0xFFFFFF00  }
0xca: {  	_ =	swait.ge [sflag:s23], $0x100  }
0xcb: {  	[sflag:s23] =	ssyncset.done $0x0  }
0xcc: {  	[sflag:s23] =	ssyncadd.s32 $0xFFFFFF00  }
0xcd: {  	_ =	swait.ge [sflag:s0], $0x2800  }
0xce: {  	[sflag:s0] =	ssyncset.done $0x0  }
0xcf: {  	[sflag:s0] =	ssyncadd.s32 $0xFFFFD800  }
0xd0: {  	_ =	swait.ge [sflag:s0], $0x2800  }
0xd1: {  	[sflag:s0] =	ssyncset.done $0x0  }
0xd2: {  	[sflag:s0] =	ssyncadd.s32 $0xFFFFD800  }
0xd3: {  	[spmem:s1] =	stream.indirect.scatter.add.f32 [tilespmem:s8], [sflag:$0x4], $0x80, s30, s24, $0xb8;
	[tilespmem:$0x1DC80] =	vst v63  }
0xd4: {  	s31 =	rddreg [dreg:$0x5]  }
0xd5: {  	[spmem:s1] =	stream.indirect.scatter.add.f32 [tilespmem:s9], [sflag:$0x4], $0x80, s31, s24, $0xb8;
	[tilespmem:$0x1DC80] =	vst v63  }
0xd6: {  	s14 =	sadd.s32 s16, s14  }
0xd7: {  	[tilespmem:s25], [sflag:$0x2] =	stream.indirect.gather [hbm4b:s5+s24], $0x80, s21, s24, $0xb8;
	[tilespmem:$0x1DC80] =	vst v63  }
0xd8: {  	p1 =	slt.s32 s14, $0xF9C  }
0xd9: {  	[tilespmem:s28], [sflag:$0x2] =	stream.indirect.gather [hbm4b:s5+s24], $0x80, s26, s24, $0xb8;
	[tilespmem:$0x1DC80] =	vst v63  }
0xda: {  	s14 =	simm.s32 @!p1 $0xF9C;
	_ =	swait.ge [sflag:s11], $0x2800  }
0xdb: {  	s14 =	sshll.u32 s14, $0x7;
	[sflag:s11] =	ssyncset.done $0x0  }
0xdc: {  	s14 =	sadd.s32 $0x100, s14;
	[sflag:s11] =	ssyncadd.s32 $0xFFFFD800  }
0xdd: {  	s18 =	sadd.s32 s4, s14;
	_ =	swait.ge [sflag:s11], $0x2800  }
0xde: {  	s16 =	sshrl.u32 s18, $0x3;
	[sflag:s11] =	ssyncset.done $0x0  }
0xdf: {  	s14 =	sshrl.u32 s14, $0x3;
	s16 =	sadd.s32 s6, s16;
	[sflag:s11] =	ssyncadd.s32 $0xFFFFD800  }
0xe0: {  	[tilespmem:s29], [sflag:$0x1] =	stream.linear.gather [hbm4b:s16+s2], $0x100, $0x38;
	[tilespmem:$0x1DC80] =	vst v63  }
0xe1: {  	s14 =	sadd.s32 s7, s14  }
0xe2: {  	[tilespmem:s30], [sflag:$0x1] =	stream.linear.gather [hbm4b:s14+s2], $0x100, $0x38;
	[tilespmem:$0x1DC80] =	vst v63  }
0xe3: {  	_ =	swait.ge [sflag:s23], $0x100  }
0xe4: {  	[sflag:s23] =	ssyncset.done $0x0  }
0xe5: {  	[sflag:s23] =	ssyncadd.s32 $0xFFFFFF00  }
0xe6: {  	_ =	swait.ge [sflag:s23], $0x100  }
0xe7: {  	[sflag:s23] =	ssyncset.done $0x0  }
0xe8: {  	[sflag:s23] =	ssyncadd.s32 $0xFFFFFF00  }
0xe9: {  	_ =	swait.ge [sflag:s0], $0x2800  }
0xea: {  	[sflag:s0] =	ssyncset.done $0x0  }
0xeb: {  	[sflag:s0] =	ssyncadd.s32 $0xFFFFD800  }
0xec: {  	_ =	swait.ge [sflag:s0], $0x2800  }
0xed: {  	[sflag:s0] =	ssyncset.done $0x0  }
0xee: {  	[sflag:s0] =	ssyncadd.s32 $0xFFFFD800  }
0xef: {  	[spmem:s1] =	stream.indirect.scatter.add.f32 [tilespmem:s25], [sflag:$0x3], $0x80, s22, s24, $0xb8;
	[tilespmem:$0x1DC80] =	vst v63  }
0xf0: {  	_ = 	snop  }
0xf1: {  	[spmem:s1] =	stream.indirect.scatter.add.f32 [tilespmem:s28], [sflag:$0x3], $0x80, s3, s24, $0xb8;
	[tilespmem:$0x1DC80] =	vst v63  }
0xf2: {  	_ =	swait.ge [sflag:s10], $0x2800  }
0xf3: {  	[sflag:s10] =	ssyncset.done $0x0  }
0xf4: {  	[sflag:s10] =	ssyncadd.s32 $0xFFFFD800  }
0xf5: {  	_ =	swait.ge [sflag:s10], $0x2800  }
0xf6: {  	[sflag:s10] =	ssyncset.done $0x0  }
0xf7: {  	[sflag:s10] =	ssyncadd.s32 $0xFFFFD800  }
0xf8: {  	[bflag:$0x0] =	sbarrier.arrive $0xFFFF  }
0xf9: {  	s19 =	rddreg [dreg:$0xe]  }
0xfa: {  	s16 =	simm.s32 $0x5;
	s20 =	rddreg [dreg:$0x13]  }
0xfb: {  	[hbm:s19], [sflag:s13] =	dma.local [spmem:s20], $0x2700  }
0xfc: {  	_ =	swait.ge [sflag:s16], $0x2700  }
0xfd: {  	[sflag:s16] =	ssyncset.done $0x0  }
0xfe: {  	s14 =	rddreg [dreg:$0xf];
	[sflag:s16] =	ssyncadd.s32 $0xFFFFD900  }
0xff: {  	[hbm:s14], [sflag:s13] =	dma.local @!p0 [spmem:s15], $0x100  }
0x100: {  	s13 =	simm.s32 @!p0 $0x5  }
0x101: {  	_ =	swait.ge @!p0 [sflag:s13], $0x100  }
0x102: {  	s12 =	sadd.s32 $0x1, s12;
	s31 =	rddreg [dreg:$0x10]  }
0x103: {  	p1 =	sne.s32 s12, s31  }
.Ltmp1:
0x104: {  	_ = 	snop;
	(pc) =	sbr.rel @p1 .LBB2_1-.Ltmp1, $3  }
0x105: {  	_ =	sdelay $0x1  }
0x106: {  	[sflag:s13] =	ssyncset.done @!p0 $0x0  }
0x107: {  	[sflag:s13] =	ssyncadd.s32 @!p0 $0xFFFFFF00  }
0x108: {  	_ =	sfence.sel $0x180000  }
0x109: {  	[bflag:$0x0] =	sbarrier.arrive $0xFFFF  }
0x10a: {  	_ =	strace $0x9000004A  }
0x10b: {  	s0 =	stileid.u32;
	[bflag:$0x2] =	sbarrier.arrive $0xFFFF  }
0x10c: {  	p0 =	sne.s32 s0, $0x0;
	s0 =	rddreg [dreg:$0x2]  }
0x10d: {  	s0 =	sadd.s32 @!p0 $0x100000, s0  }
0x10e: {  	[sflag:s0] =	ssyncadd.tile.s32 @!p0 $0x1;
	_ =	shalt  }
.Lfunc_end2:
_tile_overlayer_lowered:
.L_overlay_start_2:
0x10f: {  	(tag) =	ssettag $0x2  }
0x110: {  	s0 =	rddreg [dreg:$0x0];
	s2 =	stileid.u32  }
0x111: {  	s1 =	rddreg [dreg:$0x1];
	p0 =	sne.s32 s2, $0x0  }
0x112: {  	s3 =	rddreg [dreg:$0x2];
	[bflag:$0x3] =	sbarrier.arrive $0xFFFF;
	s2 =	simm.s32 @!p0 $0x1C05  }
0x113: {  	[timem:s3], [sflag:s2] =	dma.local @!p0 [hbm:s0], s1  }
0x114: {  	s0 =	simm.s32 @!p0 $0x5  }
0x115: {  	_ =	swait.ge @!p0 [sflag:s0], s1  }
0x116: {  	s1 =	ssub.s32 @!p0 $0x0, s1;
	[sflag:s0] =	ssyncset.done @!p0 $0x0  }
0x117: {  	[sflag:s0] =	ssyncadd.s32 @!p0 s1  }
0x118: {  	[bflag:$0x3] =	sbarrier.arrive $0xFFFF  }
0x119: {  	_ =	shalt  }

// kernel: kernel.16.cloned.1.call-start
scs
__scs_entry_jumppad:
0x0: {  	(pc) =	sbr.rel $0x88, $3  }
0x1: {  	(tag) =	ssettag $0x0;
	lr =	simm.s32 $0x1  }
0x2: {  	[smem:$0x3F90] =	sst lr;
	_ =	strace $0xD0000000  }
0x3: {  	_ = 	snop  }
0x4: {  	_ = 	snop  }
0x5: {  	_ = 	snop  }
0x6: {  	_ = 	snop  }
0x7: {  	_ = 	snop  }
__scs_overlays_trampoline_lowered:
0x8: {  	[smem:$0x3F9F] =	sst s0  }
0x9: {  	[smem:$0x3FA0] =	sst s1  }
0xa: {  	[smem:$0x3FA1] =	sst s2  }
0xb: {  	[smem:$0x3FA2] =	sst s3  }
0xc: {  	[smem:$0x3FA3] =	sst s4  }
0xd: {  	[smem:$0x3FA4] =	sst s5  }
0xe: {  	[smem:$0x3FA5] =	sst s6  }
0xf: {  	[smem:$0x3FA6] =	sst s7  }
0x10: {  	[smem:$0x3FA7] =	sst s8  }
0x11: {  	[smem:$0x3FA8] =	sst s9;
	s0 =	simm.s32 @!p0 $0x0  }
0x12: {  	s1 =	sld [smem:$0x3F8E];
	s0 =	simm.s32 @p0 $0x1  }
0x13: {  	[smem:$0x3FA9] =	sst s0;
	s0 =	simm.s32 @!p1 $0x0  }
0x14: {  	s2 =	sld [smem:$0x3F8D];
	s0 =	simm.s32 @p1 $0x1  }
0x15: {  	[smem:$0x3FAA] =	sst s0;
	s0 =	simm.s32 @!p2 $0x0  }
0x16: {  	s3 =	sld [smem:$0x3FDB];
	s0 =	simm.s32 @p2 $0x1  }
0x17: {  	s4 =	simm.s32 $0x1BF5;
	[smem:$0x3FAC] =	sst s0  }
0x18: {  	s0 =	sld [smem:$0x3F8F];
	_ =	swait.ge [sflag:s4], $0x0  }
0x19: {  	s7 =	sld [smem:$0x3F90]  }
0x1a: {  	s8 =	sadd.s32 $0xFFFFE003, lr  }
0x1b: {  	s9 =	sadd.s32 $0xFFFFFEF7, lr;
	s5 =	simm.s32 $0xFFFFFFFF;
	p2 =	slt.u32 s8, $0xFFFFF086  }
0x1c: {  	p1 =	slt.u32 s9, $0xF7A;
	s5 =	simm.s32 @!p2 $0x0  }
0x1d: {  	s5 =	simm.s32 @p1 $0x1;
	p0 =	seq.s32 s7, s2  }
0x1e: {  	s7 =	smul.u32 @!p0 $0xF7A, s2;
	p2 =	seq.s32 @!p0 s5, $0x0  }
0x1f: {  	s9 =	smul.u32 $0xF7A, s1;
	s8 =	simm.s32 @!p0 $0x1BF5;
	p2 =	por !p2, p0  }
0x20: {  	[sflag:s8] =	ssyncset.s32 @!p0 $0xFFFFF086;
	s6 =	sadd.s32 @!p0 s3, s7;
	s7 =	simm.s32 @!p0 $0x108  }
0x21: {  	s3 =	sadd.s32 s3, s9;
	s6 =	sadd.s32 @!p0 $0x88, s6;
	s7 =	simm.s32 @p2 $0x1082  }
0x22: {  	[simem:s7], [sflag:s8] =	dma.local @!p0 [hbm:s6], $0xF7A  }
0x23: {  	s9 =	sor.u32 $0xD0000000, s2;
	s6 =	simm.s32 $0x108;
	_ =	swait.ge @!p0 [sflag:s8], $0x0  }
0x24: {  	s3 =	sadd.s32 $0x88, s3;
	s6 =	simm.s32 @!p1 $0x1082;
	[sflag:s4] =	ssyncset.s32 $0xFFFFF086  }
0x25: {  	[simem:s6], [sflag:s4] =	dma.local [hbm:s3], $0xF7A  }
0x26: {  	[smem:$0x3F90] =	sst s1;
	(tag) =	ssettag s2;
	_ =	strace s9  }
0x27: {  	s1 =	sld [smem:$0x3FA0]  }
0x28: {  	s2 =	sld [smem:$0x3FA1]  }
0x29: {  	s4 =	sld [smem:$0x3FA3]  }
0x2a: {  	p0 =	seq.s32 s5, $0x0;
	s5 =	sld [smem:$0x3FA4]  }
0x2b: {  	s6 =	sld [smem:$0x3FA5]  }
0x2c: {  	s7 =	sld [smem:$0x3FA6]  }
0x2d: {  	s3 =	simm.s32 $0x108;
	s8 =	sld [smem:$0x3FA7]  }
0x2e: {  	s3 =	simm.s32 @!p0 $0x1082;
	s9 =	sld [smem:$0x3FA8]  }
0x2f: {  	lr =	sadd.s32 s0, s3;
	s0 =	sld [smem:$0x3F9F]  }
0x30: {  	s3 =	sld [smem:$0x3FA2]  }
0x31: {  	[smem:$0x3FAB] =	sst s10  }
0x32: {  	s10 =	sld [smem:$0x3FA9];
	_ =	sdelay $0x3  }
0x33: {  	p0 =	seq.s32 s10, $0x1;
	s10 =	sld [smem:$0x3FAB];
	_ =	sdelay $0x3  }
0x34: {  	[smem:$0x3FAB] =	sst s10  }
0x35: {  	s10 =	sld [smem:$0x3FAA];
	_ =	sdelay $0x3  }
0x36: {  	p1 =	seq.s32 s10, $0x1;
	s10 =	sld [smem:$0x3FAB];
	_ =	sdelay $0x3  }
0x37: {  	[smem:$0x3FAB] =	sst s10  }
0x38: {  	s10 =	sld [smem:$0x3FAC]  }
0x39: {  	_ = 	snop;
	(pc) =	sbr.ind lr, $3  }
0x3a: {  	_ = 	snop  }
0x3b: {  	_ = 	snop  }
0x3c: {  	p2 =	seq.s32 s10, $0x1;
	s10 =	sld [smem:$0x3FAB]  }
0x3d: {  	_ =	shalt  }
0x3e: {  	_ =	shalt  }
0x3f: {  	_ =	shalt  }
0x40: {  	_ =	shalt  }
0x41: {  	_ =	shalt  }
0x42: {  	_ =	shalt  }
0x43: {  	_ =	shalt  }
0x44: {  	_ =	shalt  }
0x45: {  	_ =	shalt  }
0x46: {  	_ =	shalt  }
0x47: {  	_ =	shalt  }
0x48: {  	_ =	shalt  }
0x49: {  	_ =	shalt  }
0x4a: {  	_ =	shalt  }
0x4b: {  	_ =	shalt  }
0x4c: {  	_ =	shalt  }
0x4d: {  	_ =	shalt  }
0x4e: {  	_ =	shalt  }
0x4f: {  	_ =	shalt  }
0x50: {  	_ =	shalt  }
0x51: {  	_ =	shalt  }
0x52: {  	_ =	shalt  }
0x53: {  	_ =	shalt  }
0x54: {  	_ =	shalt  }
0x55: {  	_ =	shalt  }
0x56: {  	_ =	shalt  }
0x57: {  	_ =	shalt  }
0x58: {  	_ =	shalt  }
0x59: {  	_ =	shalt  }
0x5a: {  	_ =	shalt  }
0x5b: {  	_ =	shalt  }
0x5c: {  	_ =	shalt  }
0x5d: {  	_ =	shalt  }
0x5e: {  	_ =	shalt  }
0x5f: {  	_ =	shalt  }
0x60: {  	_ =	shalt  }
0x61: {  	_ =	shalt  }
0x62: {  	_ =	shalt  }
0x63: {  	_ =	shalt  }
0x64: {  	_ =	shalt  }
0x65: {  	_ =	shalt  }
0x66: {  	_ =	shalt  }
0x67: {  	_ =	shalt  }
0x68: {  	_ =	shalt  }
0x69: {  	_ =	shalt  }
0x6a: {  	_ =	shalt  }
0x6b: {  	_ =	shalt  }
0x6c: {  	_ =	shalt  }
0x6d: {  	_ =	shalt  }
0x6e: {  	_ =	shalt  }
0x6f: {  	_ =	shalt  }
0x70: {  	_ =	shalt  }
0x71: {  	_ =	shalt  }
0x72: {  	_ =	shalt  }
0x73: {  	_ =	shalt  }
0x74: {  	_ =	shalt  }
0x75: {  	_ =	shalt  }
0x76: {  	_ =	shalt  }
0x77: {  	_ =	shalt  }
0x78: {  	_ =	shalt  }
0x79: {  	_ =	shalt  }
0x7a: {  	_ =	shalt  }
0x7b: {  	_ =	shalt  }
0x7c: {  	_ =	shalt  }
0x7d: {  	_ =	shalt  }
0x7e: {  	_ =	shalt  }
0x7f: {  	_ =	shalt  }
0x80: {  	_ =	shalt  }
0x81: {  	_ =	shalt  }
0x82: {  	_ =	shalt  }
0x83: {  	_ =	shalt  }
0x84: {  	_ =	shalt  }
0x85: {  	_ =	shalt  }
0x86: {  	_ =	shalt  }
0x87: {  	_ =	shalt  }
.Lfunc_end0:
.L_simem_size_0:
called_computation.2_lowered:
.L_overlay_start_0:
0x88: {  	s2 =	sld [smem:$0x3FD9]  }
0x89: {  	s3 =	sld [smem:$0x3FFE];
	_ =	sdelay $0x1  }
0x8a: {  	s1 =	srdreg.scid  }
0x8b: {  	s0 =	sand.u32 $0x1, s1  }
0x8c: {  	s16 =	sshll.u32 s0, $0xA;
	s2 =	sadd.s32 s3, s2  }
0x8d: {  	s2 =	sadd.s32 s2, s16  }
0x8e: {  	[smem:$0x3FB7] =	sst s2  }
0x8f: {  	_ = 	snop  }
0x90: {  	(tm) =	ssettm $0x1  }
0x91: {  	s17 =	sld [smem:$0x3FFB];
	_ =	sdelay $0x3  }
0x92: {  	_ =	strace s17  }
0x93: {  	s2 =	sld [smem:$0x3FFC];
	_ =	sdelay $0x3  }
0x94: {  	_ =	strace s2  }
0x95: {  	s2 =	sld [smem:$0x3FFD];
	_ =	sdelay $0x3  }
0x96: {  	_ =	strace s2  }
0x97: {  	_ =	strace $0x8FFFFFFF  }
0x98: {  	s18 =	sld [smem:$0x3FDB];
	_ =	sdelay $0x1  }
0x99: {  	s19 =	simm.s32 $_scs_section_size  }
0x9a: {  	s4 =	simm.s32 $_size__tile_overlayer_lowered;
	s5 =	simm.s32 $_tile_overlayer_lowered  }
0x9b: {  	s22 =	simm.s32 $0x1BFF;
	s21 =	sshll.u32 s5, $0x1;
	s2 =	sadd.s32 s19, s18  }
0x9c: {  	s6 =	simm.s32 $0x0;
	s20 =	sshll.u32 s4, $0x1;
	s4 =	sadd.s32 s21, s2  }
0x9d: {  	[timem:s6], [sflag:s22] =	dma.local [hbm:s4], s20  }
0x9e: {  	_ =	swait.ge [sflag:s22], s20  }
0x9f: {  	s3 =	ssub.s32 $0x0, s20;
	[sflag:s22] =	ssyncset.done $0x0  }
0xa0: {  	[sflag:s22] =	ssyncadd.s32 s3;
	_ =	sdelay $0x1  }
0xa1: {  	s23 =	simm.s32 $0x1B8B  }
0xa2: {  	_ =	swait.ge [sflag:s23], $0x1  }
0xa3: {  	[sflag:s23] =	ssyncset.done $0x0  }
0xa4: {  	s25 =	simm.s32 $0x1B8E;
	s24 =	sld [smem:$0x3FFE];
	[sflag:s23] =	ssyncadd.s32 $0xFFFFFFFF  }
0xa5: {  	s26 =	simm.s32 $execute0_lowered;
	[smem:$0x3FD2] =	sst s25  }
0xa6: {  	s4 =	sshll.u32 s26, $0x1;
	_ =	strace $0x8000004C;
	[dreg:$0x1] =	wrdreg $0xFFFFFFFF  }
0xa7: {  	s28 =	simm.s32 $_size_execute0_lowered;
	s2 =	sadd.s32 s2, s4;
	[dreg:$0x0] =	wrdreg $0x0  }
0xa8: {  	s4 =	sshll.u32 s28, $0x1;
	[dreg:$0x2] =	wrdreg s2  }
0xa9: {  	[dreg:$0x3] =	wrdreg s4  }
0xaa: {  	[dreg:$0x4] =	wrdreg $0xC0  }
0xab: {  	_ =	task [dreg:s6], $0x5FFFF  }
0xac: {  	[dreg:$0x1] =	wrdreg $0xFFFFFFFF  }
0xad: {  	[dreg:$0x0] =	wrdreg $0x60  }
0xae: {  	[dreg:$0x2] =	wrdreg s24  }
0xaf: {  	[dreg:$0x3] =	wrdreg $0x0  }
0xb0: {  	[dreg:$0x4] =	wrdreg $0x9  }
0xb1: {  	_ =	task.clear_ibuf [dreg:s6], $0x5FFFF;
	_ =	strace $0x9000004C  }
0xb2: {  	s29 =	simm.s32 $0x9;
	_ =	strace $0x8000004E  }
0xb3: {  	_ =	swait.ge [sflag:s29], $0x1  }
0xb4: {  	[sflag:s29] =	ssyncadd.s32 $0xFFFFFFFF  }
0xb5: {  	_ =	strace $0x9000004E  }
0xb6: {  	_ =	sfence  }
0xb7: {  	s30 =	sld [smem:$0x0];
	_ =	sdelay $0x2  }
0xb8: {  	s31 =	sshll.u32 s1, $0xD;
	s1 =	sshrl.u32 s1, $0x2  }
0xb9: {  	s3 =	sand.u32 $0x4000, s31;
	s1 =	sadd.s32 s1, s30  }
0xba: {  	s0 =	sor.u32 s3, s0;
	s1 =	sshll.u32 s1, $0x11  }
0xbb: {  	s0 =	sor.u32 s1, s0  }
0xbc: {  	s0 =	sadd.s32 $0x8F2B, s0  }
0xbd: {  	[sflag:s0] =	ssyncadd.remote.s32 $0x1  }
0xbe: {  	_ =	sfence.sel $0xFFFF  }
0xbf: {  	[dreg:$0x0] =	wrdreg $0xFFFFFFFF;
	(pc) =	sbr.abs _section_cstart, $3  }
0xc0: {  	[dreg:$0x1] =	wrdreg $0xFFFFFFFF  }
0xc1: {  	_ =	task.clear_ibuf [dreg:s6], $0x2FFFF;
	_ =	strace $0x9FFFFFFF  }
0xc2: {  	(tm) =	ssettm $0x7FFFFFFF  }
0xc3: {  	_ =	shalt  }
tec
execute0_lowered:
.L_overlay_start_1:
0x0: {  	(tag) =	ssettag $0x1  }
0x1: {  	s0 =	rddreg [dreg:$0x0]  }
0x2: {  	s1 =	rddreg [dreg:$0x1];
	s2 =	simm.s32 $0x0;
	s15 =	stileid.u32  }
0x3: {  	s3 =	srdreg.scid;
	s28 =	simm.s32 $0x16280;
	s8 =	smul.u32 $0x7D00, s15  }
0x4: {  	s29 =	simm.s32 $0x18A80;
	s30 =	simm.s32 $0x18B80;
	s10 =	smul.u32 $0xFA, s15  }
0x5: {  	[smem:$0x7FF] =	sst s2;
	s3 =	sand.u32 $0x1, s3;
	s25 =	smul.u32 $0x4E000, s15  }
0x6: {  	s5 =	sadd.s32 $0x4B800, s0;
	s6 =	sadd.s32 $0x2C400, s0;
	s31 =	smul.u32 $0x270, s15  }
0x7: {  	s7 =	sadd.s32 $0x1CA00, s0;
	s0 =	sadd.s32 $0x99A00, s0;
	s20 =	smul.u32 $0xFA0, s15  }
0x8: {  	s21 =	sadd.s32 $0x138000, s1;
	p0 =	sne.s32 s15, $0xF;
	s4 =	smul.u32 $0x7D000, s3  }
0x9: {  	_ =	strace $0x8000004D;
	s9 =	ssub.s32 $0x2, s3;
	s14 =	smul.u32 $0x2710, s3  }
0xa: {  	s3 =	smul.u32 $0x138800, s3;
	[dreg:$0xc] =	wrdreg s21;
	s21 =	simm.s32 $0x13880  }
0xb: {  	s11 =	sshrl.u32 s9, $0x1;
	[dreg:$0x3] =	wrdreg s10;
	s24 =	sadd.s32 $0x100, s8  }
0xc: {  	s17 =	sshrl.u32 s25, $0x2;
	s12 =	sadd.s32 s8, s4;
	s9 =	ssub.s32 s9, s11  }
0xd: {  	s8 =	sshrl.u32 s8, $0x3;
	s13 =	sadd.s32 s4, s24;
	s16 =	sshrl.u32 s24, $0x3  }
0xe: {  	s18 =	sadd.s32 s31, s14;
	s3 =	sshrl.u32 s3, $0x3;
	s24 =	sadd.s32 s20, s7  }
0xf: {  	s31 =	simm.s32 $0x18C00;
	s11 =	simm.s32 $0x4;
	s23 =	sshrl.u32 s12, $0x3  }
0x10: {  	s8 =	sadd.s32 s7, s8;
	s26 =	sshrl.u32 s13, $0x3;
	[dreg:$0x5] =	wrdreg s31  }
0x11: {  	s19 =	sshll.u32 s18, $0x4;
	s25 =	sadd.s32 $0x200, s12;
	[dreg:$0x7] =	wrdreg s8  }
0x12: {  	s3 =	sadd.s32 $0x27000, s3;
	s10 =	sadd.s32 s6, s23;
	[dreg:$0x11] =	wrdreg s25  }
0x13: {  	s12 =	simm.s32 $0x0;
	s8 =	sadd.s32 s6, s26;
	[dreg:$0x6] =	wrdreg s10  }
0x14: {  	s22 =	sadd.s32 s5, s3;
	s23 =	smax.u32 s9, $0x1;
	[dreg:$0x8] =	wrdreg s8  }
0x15: {  	s26 =	simm.s32 $0x18B00;
	s25 =	simm.s32 $0x13A80;
	[dreg:$0xd] =	wrdreg s22  }
0x16: {  	s9 =	simm.s32 $0x1B480;
	s8 =	sadd.s32 s7, s16;
	[dreg:$0x10] =	wrdreg s23  }
0x17: {  	s10 =	sadd.s32 s5, s19;
	s22 =	simm.s32 $0x13980;
	[dreg:$0x4] =	wrdreg s26  }
0x18: {  	s23 =	simm.s32 $0x1;
	s26 =	simm.s32 $0x13900;
	[dreg:$0x9] =	wrdreg s8  }
0x19: {  	s16 =	simm.s32 $0x5;
	s8 =	sadd.s32 s17, s1;
	[dreg:$0xb] =	wrdreg s10  }
0x1a: {  	s10 =	simm.s32 $0x3;
	[dreg:$0xa] =	wrdreg s8;
	s8 =	sadd.s32 s0, s19  }
0x1b: {  	s0 =	sadd.s32 s0, s3;
	s3 =	simm.s32 $0x13A00;
	[dreg:$0xe] =	wrdreg s8  }
0x1c: {  	[dreg:$0xf] =	wrdreg s0;
	s0 =	sadd.s32 $0x40, s24;
	s24 =	simm.s32 $0x50  }
0x1d: {  	s8 =	simm.s32 $0x18C80;
	[dreg:$0x12] =	wrdreg s0;
	s0 =	simm.s32 $0x2  }
.LBB2_1:
0x1e: {  	s13 =	rddreg [dreg:$0x6]  }
0x1f: {  	[tilespmem:s21], [sflag:$0x1] =	stream.linear.gather [hbm4b:s13+s2], $0x100, $0x38;
	[tilespmem:$0x1DC80] =	vst v63  }
0x20: {  	s15 =	rddreg [dreg:$0x7]  }
0x21: {  	[tilespmem:s22], [sflag:$0x1] =	stream.linear.gather [hbm4b:s15+s2], $0x100, $0x38;
	[tilespmem:$0x1DC80] =	vst v63  }
0x22: {  	_ =	swait.ge [sflag:s23], $0x100  }
0x23: {  	[sflag:s23] =	ssyncset.done $0x0  }
0x24: {  	[sflag:s23] =	ssyncadd.s32 $0xFFFFFF00  }
0x25: {  	_ =	swait.ge [sflag:s23], $0x100  }
0x26: {  	[sflag:s23] =	ssyncset.done $0x0  }
0x27: {  	[sflag:s23] =	ssyncadd.s32 $0xFFFFFF00  }
0x28: {  	[tilespmem:s25], [sflag:$0x2] =	stream.indirect.gather [hbm4b:s5+s24], $0x80, s21, s24, $0xb8;
	[tilespmem:$0x1DC80] =	vst v63  }
0x29: {  	_ = 	snop  }
0x2a: {  	[tilespmem:s28], [sflag:$0x2] =	stream.indirect.gather [hbm4b:s5+s24], $0x80, s26, s24, $0xb8;
	[tilespmem:$0x1DC80] =	vst v63  }
0x2b: {  	s17 =	rddreg [dreg:$0x8]  }
0x2c: {  	[tilespmem:s29], [sflag:$0x1] =	stream.linear.gather [hbm4b:s17+s2], $0x100, $0x38;
	[tilespmem:$0x1DC80] =	vst v63  }
0x2d: {  	s18 =	rddreg [dreg:$0x9]  }
0x2e: {  	[tilespmem:s30], [sflag:$0x1] =	stream.linear.gather [hbm4b:s18+s2], $0x100, $0x38;
	[tilespmem:$0x1DC80] =	vst v63  }
0x2f: {  	_ =	swait.ge [sflag:s23], $0x100  }
0x30: {  	[sflag:s23] =	ssyncset.done $0x0  }
0x31: {  	[sflag:s23] =	ssyncadd.s32 $0xFFFFFF00  }
0x32: {  	s19 =	stileid.u32;
	_ =	swait.ge [sflag:s23], $0x100  }
0x33: {  	s13 =	sshll.u32 s19, $0x6;
	s14 =	rddreg [dreg:$0xa]  }
0x34: {  	[sflag:s23] =	ssyncset.done $0x0;
	s20 =	rddreg [dreg:$0xb];
	s15 =	sshrl.u32 s14, $0x3  }
0x35: {  	s13 =	sor.u32 $0x1C05, s13;
	[sflag:s23] =	ssyncadd.s32 $0xFFFFFF00;
	[dreg:$0x13] =	wrdreg s15  }
0x36: {  	[spmem:s15], [sflag:s13] =	dma.local [hbm:s20], $0x2700  }
0x37: {  	_ =	swait.ge [sflag:s16], $0x2700  }
0x38: {  	[sflag:s16] =	ssyncset.done $0x0  }
0x39: {  	s14 =	rddreg [dreg:$0xc];
	[sflag:s16] =	ssyncadd.s32 $0xFFFFD900  }
0x3a: {  	s15 =	sshrl.u32 @!p0 s14, $0x3;
	s14 =	rddreg [dreg:$0xd];
	s16 =	simm.s32 @!p0 $0x5  }
0x3b: {  	[spmem:s15], [sflag:s13] =	dma.local @!p0 [hbm:s14], $0x100  }
0x3c: {  	_ =	swait.ge @!p0 [sflag:s16], $0x100  }
0x3d: {  	[sflag:s16] =	ssyncset.done @!p0 $0x0  }
0x3e: {  	[sflag:s16] =	ssyncadd.s32 @!p0 $0xFFFFFF00  }
0x3f: {  	[bflag:$0x0] =	sbarrier.arrive $0xFFFF  }
0x40: {  	s31 =	rddreg [dreg:$0x3];
	_ =	swait.ge [sflag:s0], $0x2800  }
0x41: {  	[sflag:s0] =	ssyncset.done $0x0  }
0x42: {  	[sflag:s0] =	ssyncadd.s32 $0xFFFFD800  }
0x43: {  	_ =	swait.ge [sflag:s0], $0x2800  }
0x44: {  	[sflag:s0] =	ssyncset.done $0x0  }
0x45: {  	[sflag:s0] =	ssyncadd.s32 $0xFFFFD800  }
0x46: {  	[spmem:s1] =	stream.indirect.scatter.add.f32 [tilespmem:s25], [sflag:$0x3], $0x80, s22, s24, $0xb8;
	[tilespmem:$0x1DC80] =	vst v63  }
0x47: {  	_ = 	snop  }
0x48: {  	[spmem:s1] =	stream.indirect.scatter.add.f32 [tilespmem:s28], [sflag:$0x3], $0x80, s3, s24, $0xb8;
	[tilespmem:$0x1DC80] =	vst v63  }
0x49: {  	_ = 	snop  }
0x4a: {  	[tilespmem:s8], [sflag:$0x2] =	stream.indirect.gather [hbm4b:s5+s24], $0x80, s29, s24, $0xb8;
	[tilespmem:$0x1DC80] =	vst v63  }
0x4b: {  	s17 =	rddreg [dreg:$0x4]  }
0x4c: {  	[tilespmem:s9], [sflag:$0x2] =	stream.indirect.gather [hbm4b:s5+s24], $0x80, s17, s24, $0xb8;
	[tilespmem:$0x1DC80] =	vst v63  }
0x4d: {  	_ =	swait.ge [sflag:s10], $0x2800  }
0x4e: {  	[sflag:s10] =	ssyncset.done $0x0  }
0x4f: {  	[sflag:s10] =	ssyncadd.s32 $0xFFFFD800  }
0x50: {  	_ =	swait.ge [sflag:s10], $0x2800  }
0x51: {  	s19 =	rddreg [dreg:$0x11]  }
0x52: {  	[sflag:s10] =	ssyncset.done $0x0;
	s14 =	sshrl.u32 s19, $0x3  }
0x53: {  	[sflag:s10] =	ssyncadd.s32 $0xFFFFD800;
	s17 =	sadd.s32 s6, s14  }
0x54: {  	[tilespmem:s21], [sflag:$0x1] =	stream.linear.gather [hbm4b:s17+s2], $0x100, $0x38;
	[tilespmem:$0x1DC80] =	vst v63  }
0x55: {  	s18 =	rddreg [dreg:$0x12]  }
0x56: {  	[tilespmem:s22], [sflag:$0x1] =	stream.linear.gather [hbm4b:s18+s2], $0x100, $0x38;
	[tilespmem:$0x1DC80] =	vst v63  }
0x57: {  	_ =	swait.ge [sflag:s23], $0x100  }
0x58: {  	[sflag:s23] =	ssyncset.done $0x0  }
0x59: {  	[sflag:s23] =	ssyncadd.s32 $0xFFFFFF00  }
0x5a: {  	_ =	swait.ge [sflag:s23], $0x100  }
0x5b: {  	[sflag:s23] =	ssyncset.done $0x0  }
0x5c: {  	[sflag:s23] =	ssyncadd.s32 $0xFFFFFF00  }
0x5d: {  	_ =	swait.ge [sflag:s0], $0x2800  }
0x5e: {  	[sflag:s0] =	ssyncset.done $0x0  }
0x5f: {  	[sflag:s0] =	ssyncadd.s32 $0xFFFFD800  }
0x60: {  	_ =	swait.ge [sflag:s0], $0x2800  }
0x61: {  	[sflag:s0] =	ssyncset.done $0x0  }
0x62: {  	[sflag:s0] =	ssyncadd.s32 $0xFFFFD800  }
0x63: {  	[spmem:s1] =	stream.indirect.scatter.add.f32 [tilespmem:s8], [sflag:$0x4], $0x80, s30, s24, $0xb8;
	[tilespmem:$0x1DC80] =	vst v63  }
0x64: {  	s20 =	rddreg [dreg:$0x5]  }
0x65: {  	[spmem:s1] =	stream.indirect.scatter.add.f32 [tilespmem:s9], [sflag:$0x4], $0x80, s20, s24, $0xb8;
	[tilespmem:$0x1DC80] =	vst v63  }
0x66: {  	s16 =	sadd.s32 $0x4, s31  }
0x67: {  	[tilespmem:s25], [sflag:$0x2] =	stream.indirect.gather [hbm4b:s5+s24], $0x80, s21, s24, $0xb8;
	[tilespmem:$0x1DC80] =	vst v63  }
0x68: {  	p1 =	slt.s32 s16, $0xF9C  }
0x69: {  	[tilespmem:s28], [sflag:$0x2] =	stream.indirect.gather [hbm4b:s5+s24], $0x80, s26, s24, $0xb8;
	[tilespmem:$0x1DC80] =	vst v63  }
0x6a: {  	s16 =	simm.s32 @!p1 $0xF9C;
	_ =	swait.ge [sflag:s11], $0x2800  }
0x6b: {  	s16 =	sshll.u32 s16, $0x7;
	[sflag:s11] =	ssyncset.done $0x0  }
0x6c: {  	s16 =	sadd.s32 $0x100, s16;
	[sflag:s11] =	ssyncadd.s32 $0xFFFFD800  }
0x6d: {  	s31 =	sadd.s32 s4, s16;
	_ =	swait.ge [sflag:s11], $0x2800  }
0x6e: {  	s17 =	sshrl.u32 s31, $0x3;
	[sflag:s11] =	ssyncset.done $0x0  }
0x6f: {  	s16 =	sshrl.u32 s16, $0x3;
	s17 =	sadd.s32 s6, s17;
	[sflag:s11] =	ssyncadd.s32 $0xFFFFD800  }
0x70: {  	[tilespmem:s29], [sflag:$0x1] =	stream.linear.gather [hbm4b:s17+s2], $0x100, $0x38;
	[tilespmem:$0x1DC80] =	vst v63  }
0x71: {  	s16 =	sadd.s32 s7, s16  }
0x72: {  	[tilespmem:s30], [sflag:$0x1] =	stream.linear.gather [hbm4b:s16+s2], $0x100, $0x38;
	[tilespmem:$0x1DC80] =	vst v63  }
0x73: {  	_ =	swait.ge [sflag:s23], $0x100  }
0x74: {  	[sflag:s23] =	ssyncset.done $0x0  }
0x75: {  	[sflag:s23] =	ssyncadd.s32 $0xFFFFFF00  }
0x76: {  	s20 =	simm.s32 $0xC;
	_ =	swait.ge [sflag:s23], $0x100  }
0x77: {  	s17 =	sadd.s32 $0x40, s18;
	s16 =	simm.s32 $0x8;
	[sflag:s23] =	ssyncset.done $0x0  }
.LBB2_2:
0x78: {  	[sflag:s23] =	ssyncadd.s32 $0xFFFFFF00  }
0x79: {  	s18 =	rddreg [dreg:$0x3];
	_ =	swait.ge [sflag:s0], $0x2800  }
0x7a: {  	[sflag:s0] =	ssyncset.done $0x0  }
0x7b: {  	[sflag:s0] =	ssyncadd.s32 $0xFFFFD800  }
0x7c: {  	_ =	swait.ge [sflag:s0], $0x2800  }
0x7d: {  	[sflag:s0] =	ssyncset.done $0x0  }
0x7e: {  	[sflag:s0] =	ssyncadd.s32 $0xFFFFD800  }
0x7f: {  	[spmem:s1] =	stream.indirect.scatter.add.f32 [tilespmem:s25], [sflag:$0x3], $0x80, s22, s24, $0xb8;
	[tilespmem:$0x1DC80] =	vst v63  }
0x80: {  	_ = 	snop  }
0x81: {  	[spmem:s1] =	stream.indirect.scatter.add.f32 [tilespmem:s28], [sflag:$0x3], $0x80, s3, s24, $0xb8;
	[tilespmem:$0x1DC80] =	vst v63  }
0x82: {  	_ = 	snop  }
0x83: {  	[tilespmem:s8], [sflag:$0x2] =	stream.indirect.gather [hbm4b:s5+s24], $0x80, s29, s24, $0xb8;
	[tilespmem:$0x1DC80] =	vst v63  }
0x84: {  	s14 =	rddreg [dreg:$0x4]  }
0x85: {  	[tilespmem:s9], [sflag:$0x2] =	stream.indirect.gather [hbm4b:s5+s24], $0x80, s14, s24, $0xb8;
	[tilespmem:$0x1DC80] =	vst v63  }
0x86: {  	_ =	swait.ge [sflag:s10], $0x2800  }
0x87: {  	[sflag:s10] =	ssyncset.done $0x0  }
0x88: {  	[sflag:s10] =	ssyncadd.s32 $0xFFFFD800  }
0x89: {  	s19 =	sadd.s32 $0x200, s19;
	_ =	swait.ge [sflag:s10], $0x2800  }
0x8a: {  	s14 =	sshrl.u32 s19, $0x3;
	[sflag:s10] =	ssyncset.done $0x0  }
0x8b: {  	s14 =	sadd.s32 s6, s14;
	[sflag:s10] =	ssyncadd.s32 $0xFFFFD800  }
0x8c: {  	[tilespmem:s21], [sflag:$0x1] =	stream.linear.gather [hbm4b:s14+s2], $0x100, $0x38;
	[tilespmem:$0x1DC80] =	vst v63  }
0x8d: {  	_ = 	snop  }
0x8e: {  	[tilespmem:s22], [sflag:$0x1] =	stream.linear.gather [hbm4b:s17+s2], $0x100, $0x38;
	[tilespmem:$0x1DC80] =	vst v63  }
0x8f: {  	_ =	swait.ge [sflag:s23], $0x100  }
0x90: {  	[sflag:s23] =	ssyncset.done $0x0  }
0x91: {  	[sflag:s23] =	ssyncadd.s32 $0xFFFFFF00  }
0x92: {  	_ =	swait.ge [sflag:s23], $0x100  }
0x93: {  	[sflag:s23] =	ssyncset.done $0x0  }
0x94: {  	[sflag:s23] =	ssyncadd.s32 $0xFFFFFF00  }
0x95: {  	_ =	swait.ge [sflag:s0], $0x2800  }
0x96: {  	[sflag:s0] =	ssyncset.done $0x0  }
0x97: {  	[sflag:s0] =	ssyncadd.s32 $0xFFFFD800  }
0x98: {  	_ =	swait.ge [sflag:s0], $0x2800  }
0x99: {  	[sflag:s0] =	ssyncset.done $0x0  }
0x9a: {  	[sflag:s0] =	ssyncadd.s32 $0xFFFFD800  }
0x9b: {  	[spmem:s1] =	stream.indirect.scatter.add.f32 [tilespmem:s8], [sflag:$0x4], $0x80, s30, s24, $0xb8;
	[tilespmem:$0x1DC80] =	vst v63  }
0x9c: {  	s14 =	rddreg [dreg:$0x5]  }
0x9d: {  	[spmem:s1] =	stream.indirect.scatter.add.f32 [tilespmem:s9], [sflag:$0x4], $0x80, s14, s24, $0xb8;
	[tilespmem:$0x1DC80] =	vst v63  }
0x9e: {  	s18 =	sadd.s32 s16, s18  }
0x9f: {  	[tilespmem:s25], [sflag:$0x2] =	stream.indirect.gather [hbm4b:s5+s24], $0x80, s21, s24, $0xb8;
	[tilespmem:$0x1DC80] =	vst v63  }
0xa0: {  	p2 =	slt.s32 s18, $0xF9C  }
0xa1: {  	[tilespmem:s28], [sflag:$0x2] =	stream.indirect.gather [hbm4b:s5+s24], $0x80, s26, s24, $0xb8;
	[tilespmem:$0x1DC80] =	vst v63  }
0xa2: {  	s18 =	simm.s32 @!p2 $0xF9C;
	_ =	swait.ge [sflag:s11], $0x2800  }
0xa3: {  	s18 =	sshll.u32 s18, $0x7;
	[sflag:s11] =	ssyncset.done $0x0  }
0xa4: {  	s31 =	smov.u32 s20;
	s18 =	sadd.s32 $0x100, s18;
	[sflag:s11] =	ssyncadd.s32 $0xFFFFD800  }
0xa5: {  	s16 =	smov.u32 s31;
	s31 =	sadd.s32 s4, s18;
	_ =	swait.ge [sflag:s11], $0x2800  }
0xa6: {  	s31 =	sshrl.u32 s31, $0x3;
	[sflag:s11] =	ssyncset.done $0x0  }
0xa7: {  	s18 =	sshrl.u32 s18, $0x3;
	s31 =	sadd.s32 s6, s31;
	[sflag:s11] =	ssyncadd.s32 $0xFFFFD800  }
0xa8: {  	[tilespmem:s29], [sflag:$0x1] =	stream.linear.gather [hbm4b:s31+s2], $0x100, $0x38;
	[tilespmem:$0x1DC80] =	vst v63  }
0xa9: {  	p1 =	sne.s32 s20, $0xF8;
	s31 =	sadd.s32 s7, s18  }
0xaa: {  	[tilespmem:s30], [sflag:$0x1] =	stream.linear.gather [hbm4b:s31+s2], $0x100, $0x38;
	[tilespmem:$0x1DC80] =	vst v63  }
.Ltmp0:
0xab: {  	_ =	swait.ge [sflag:s23], $0x100;
	(pc) =	sbr.rel @p1 .LBB2_2-.Ltmp0, $4  }
0xac: {  	[sflag:s23] =	ssyncset.done $0x0  }
0xad: {  	[sflag:s23] =	ssyncadd.s32 $0xFFFFFF00  }
0xae: {  	_ =	swait.ge [sflag:s23], $0x100  }
0xaf: {  	s20 =	sadd.s32 $0x4, s20;
	s17 =	sadd.s32 $0x40, s17;
	[sflag:s23] =	ssyncset.done $0x0  }
0xb0: {  	[sflag:s23] =	ssyncadd.s32 $0xFFFFFF00  }
0xb1: {  	s14 =	rddreg [dreg:$0x3];
	_ =	swait.ge [sflag:s0], $0x2800  }
0xb2: {  	[sflag:s0] =	ssyncset.done $0x0  }
0xb3: {  	[sflag:s0] =	ssyncadd.s32 $0xFFFFD800  }
0xb4: {  	_ =	swait.ge [sflag:s0], $0x2800  }
0xb5: {  	[sflag:s0] =	ssyncset.done $0x0  }
0xb6: {  	[sflag:s0] =	ssyncadd.s32 $0xFFFFD800  }
0xb7: {  	[spmem:s1] =	stream.indirect.scatter.add.f32 [tilespmem:s25], [sflag:$0x3], $0x80, s22, s24, $0xb8;
	[tilespmem:$0x1DC80] =	vst v63  }
0xb8: {  	_ = 	snop  }
0xb9: {  	[spmem:s1] =	stream.indirect.scatter.add.f32 [tilespmem:s28], [sflag:$0x3], $0x80, s3, s24, $0xb8;
	[tilespmem:$0x1DC80] =	vst v63  }
0xba: {  	_ = 	snop  }
0xbb: {  	[tilespmem:s8], [sflag:$0x2] =	stream.indirect.gather [hbm4b:s5+s24], $0x80, s29, s24, $0xb8;
	[tilespmem:$0x1DC80] =	vst v63  }
0xbc: {  	s18 =	rddreg [dreg:$0x4]  }
0xbd: {  	[tilespmem:s9], [sflag:$0x2] =	stream.indirect.gather [hbm4b:s5+s24], $0x80, s18, s24, $0xb8;
	[tilespmem:$0x1DC80] =	vst v63  }
0xbe: {  	_ =	swait.ge [sflag:s10], $0x2800  }
0xbf: {  	[sflag:s10] =	ssyncset.done $0x0  }
0xc0: {  	[sflag:s10] =	ssyncadd.s32 $0xFFFFD800  }
0xc1: {  	s20 =	sadd.s32 $0x200, s19;
	_ =	swait.ge [sflag:s10], $0x2800  }
0xc2: {  	s18 =	sshrl.u32 s20, $0x3;
	[sflag:s10] =	ssyncset.done $0x0  }
0xc3: {  	s18 =	sadd.s32 s6, s18;
	[sflag:s10] =	ssyncadd.s32 $0xFFFFD800  }
0xc4: {  	[tilespmem:s21], [sflag:$0x1] =	stream.linear.gather [hbm4b:s18+s2], $0x100, $0x38;
	[tilespmem:$0x1DC80] =	vst v63  }
0xc5: {  	_ = 	snop  }
0xc6: {  	[tilespmem:s22], [sflag:$0x1] =	stream.linear.gather [hbm4b:s17+s2], $0x100, $0x38;
	[tilespmem:$0x1DC80] =	vst v63  }
0xc7: {  	_ =	swait.ge [sflag:s23], $0x100  }
0xc8: {  	[sflag:s23] =	ssyncset.done $0x0  }
0xc9: {  	[sflag:s23] =	ssyncadd.s32 $0xFFFFFF00  }
0xca: {  	_ =	swait.ge [sflag:s23], $0x100  }
0xcb: {  	[sflag:s23] =	ssyncset.done $0x0  }
0xcc: {  	[sflag:s23] =	ssyncadd.s32 $0xFFFFFF00  }
0xcd: {  	_ =	swait.ge [sflag:s0], $0x2800  }
0xce: {  	[sflag:s0] =	ssyncset.done $0x0  }
0xcf: {  	[sflag:s0] =	ssyncadd.s32 $0xFFFFD800  }
0xd0: {  	_ =	swait.ge [sflag:s0], $0x2800  }
0xd1: {  	[sflag:s0] =	ssyncset.done $0x0  }
0xd2: {  	[sflag:s0] =	ssyncadd.s32 $0xFFFFD800  }
0xd3: {  	[spmem:s1] =	stream.indirect.scatter.add.f32 [tilespmem:s8], [sflag:$0x4], $0x80, s30, s24, $0xb8;
	[tilespmem:$0x1DC80] =	vst v63  }
0xd4: {  	s31 =	rddreg [dreg:$0x5]  }
0xd5: {  	[spmem:s1] =	stream.indirect.scatter.add.f32 [tilespmem:s9], [sflag:$0x4], $0x80, s31, s24, $0xb8;
	[tilespmem:$0x1DC80] =	vst v63  }
0xd6: {  	s14 =	sadd.s32 s16, s14  }
0xd7: {  	[tilespmem:s25], [sflag:$0x2] =	stream.indirect.gather [hbm4b:s5+s24], $0x80, s21, s24, $0xb8;
	[tilespmem:$0x1DC80] =	vst v63  }
0xd8: {  	p1 =	slt.s32 s14, $0xF9C  }
0xd9: {  	[tilespmem:s28], [sflag:$0x2] =	stream.indirect.gather [hbm4b:s5+s24], $0x80, s26, s24, $0xb8;
	[tilespmem:$0x1DC80] =	vst v63  }
0xda: {  	s14 =	simm.s32 @!p1 $0xF9C;
	_ =	swait.ge [sflag:s11], $0x2800  }
0xdb: {  	s14 =	sshll.u32 s14, $0x7;
	[sflag:s11] =	ssyncset.done $0x0  }
0xdc: {  	s14 =	sadd.s32 $0x100, s14;
	[sflag:s11] =	ssyncadd.s32 $0xFFFFD800  }
0xdd: {  	s18 =	sadd.s32 s4, s14;
	_ =	swait.ge [sflag:s11], $0x2800  }
0xde: {  	s16 =	sshrl.u32 s18, $0x3;
	[sflag:s11] =	ssyncset.done $0x0  }
0xdf: {  	s14 =	sshrl.u32 s14, $0x3;
	s16 =	sadd.s32 s6, s16;
	[sflag:s11] =	ssyncadd.s32 $0xFFFFD800  }
0xe0: {  	[tilespmem:s29], [sflag:$0x1] =	stream.linear.gather [hbm4b:s16+s2], $0x100, $0x38;
	[tilespmem:$0x1DC80] =	vst v63  }
0xe1: {  	s14 =	sadd.s32 s7, s14  }
0xe2: {  	[tilespmem:s30], [sflag:$0x1] =	stream.linear.gather [hbm4b:s14+s2], $0x100, $0x38;
	[tilespmem:$0x1DC80] =	vst v63  }
0xe3: {  	_ =	swait.ge [sflag:s23], $0x100  }
0xe4: {  	[sflag:s23] =	ssyncset.done $0x0  }
0xe5: {  	[sflag:s23] =	ssyncadd.s32 $0xFFFFFF00  }
0xe6: {  	_ =	swait.ge [sflag:s23], $0x100  }
0xe7: {  	[sflag:s23] =	ssyncset.done $0x0  }
0xe8: {  	[sflag:s23] =	ssyncadd.s32 $0xFFFFFF00  }
0xe9: {  	_ =	swait.ge [sflag:s0], $0x2800  }
0xea: {  	[sflag:s0] =	ssyncset.done $0x0  }
0xeb: {  	[sflag:s0] =	ssyncadd.s32 $0xFFFFD800  }
0xec: {  	_ =	swait.ge [sflag:s0], $0x2800  }
0xed: {  	[sflag:s0] =	ssyncset.done $0x0  }
0xee: {  	[sflag:s0] =	ssyncadd.s32 $0xFFFFD800  }
0xef: {  	[spmem:s1] =	stream.indirect.scatter.add.f32 [tilespmem:s25], [sflag:$0x3], $0x80, s22, s24, $0xb8;
	[tilespmem:$0x1DC80] =	vst v63  }
0xf0: {  	_ = 	snop  }
0xf1: {  	[spmem:s1] =	stream.indirect.scatter.add.f32 [tilespmem:s28], [sflag:$0x3], $0x80, s3, s24, $0xb8;
	[tilespmem:$0x1DC80] =	vst v63  }
0xf2: {  	_ =	swait.ge [sflag:s10], $0x2800  }
0xf3: {  	[sflag:s10] =	ssyncset.done $0x0  }
0xf4: {  	[sflag:s10] =	ssyncadd.s32 $0xFFFFD800  }
0xf5: {  	_ =	swait.ge [sflag:s10], $0x2800  }
0xf6: {  	[sflag:s10] =	ssyncset.done $0x0  }
0xf7: {  	[sflag:s10] =	ssyncadd.s32 $0xFFFFD800  }
0xf8: {  	[bflag:$0x0] =	sbarrier.arrive $0xFFFF  }
0xf9: {  	s19 =	rddreg [dreg:$0xe]  }
0xfa: {  	s16 =	simm.s32 $0x5;
	s20 =	rddreg [dreg:$0x13]  }
0xfb: {  	[hbm:s19], [sflag:s13] =	dma.local [spmem:s20], $0x2700  }
0xfc: {  	_ =	swait.ge [sflag:s16], $0x2700  }
0xfd: {  	[sflag:s16] =	ssyncset.done $0x0  }
0xfe: {  	s14 =	rddreg [dreg:$0xf];
	[sflag:s16] =	ssyncadd.s32 $0xFFFFD900  }
0xff: {  	[hbm:s14], [sflag:s13] =	dma.local @!p0 [spmem:s15], $0x100  }
0x100: {  	s13 =	simm.s32 @!p0 $0x5  }
0x101: {  	_ =	swait.ge @!p0 [sflag:s13], $0x100  }
0x102: {  	s12 =	sadd.s32 $0x1, s12;
	s31 =	rddreg [dreg:$0x10]  }
0x103: {  	p1 =	sne.s32 s12, s31  }
.Ltmp1:
0x104: {  	_ = 	snop;
	(pc) =	sbr.rel @p1 .LBB2_1-.Ltmp1, $3  }
0x105: {  	_ =	sdelay $0x1  }
0x106: {  	[sflag:s13] =	ssyncset.done @!p0 $0x0  }
0x107: {  	[sflag:s13] =	ssyncadd.s32 @!p0 $0xFFFFFF00  }
0x108: {  	_ =	sfence.sel $0x180000  }
0x109: {  	[bflag:$0x0] =	sbarrier.arrive $0xFFFF  }
0x10a: {  	_ =	strace $0x9000004D  }
0x10b: {  	s0 =	stileid.u32;
	[bflag:$0x2] =	sbarrier.arrive $0xFFFF  }
0x10c: {  	p0 =	sne.s32 s0, $0x0;
	s0 =	rddreg [dreg:$0x2]  }
0x10d: {  	s0 =	sadd.s32 @!p0 $0x100000, s0  }
0x10e: {  	[sflag:s0] =	ssyncadd.tile.s32 @!p0 $0x1;
	_ =	shalt  }
.Lfunc_end2:
_tile_overlayer_lowered:
.L_overlay_start_2:
0x10f: {  	(tag) =	ssettag $0x2  }
0x110: {  	s0 =	rddreg [dreg:$0x0];
	s2 =	stileid.u32  }
0x111: {  	s1 =	rddreg [dreg:$0x1];
	p0 =	sne.s32 s2, $0x0  }
0x112: {  	s3 =	rddreg [dreg:$0x2];
	[bflag:$0x3] =	sbarrier.arrive $0xFFFF;
	s2 =	simm.s32 @!p0 $0x1C05  }
0x113: {  	[timem:s3], [sflag:s2] =	dma.local @!p0 [hbm:s0], s1  }
0x114: {  	s0 =	simm.s32 @!p0 $0x5  }
0x115: {  	_ =	swait.ge @!p0 [sflag:s0], s1  }
0x116: {  	s1 =	ssub.s32 @!p0 $0x0, s1;
	[sflag:s0] =	ssyncset.done @!p0 $0x0  }
0x117: {  	[sflag:s0] =	ssyncadd.s32 @!p0 s1  }
0x118: {  	[bflag:$0x3] =	sbarrier.arrive $0xFFFF  }
0x119: {  	_ =	shalt  }

// kernel: kernel.19.cloned.1.call-start
scs
__scs_entry_jumppad:
0x0: {  	(pc) =	sbr.rel $0x88, $3  }
0x1: {  	(tag) =	ssettag $0x0;
	lr =	simm.s32 $0x1  }
0x2: {  	[smem:$0x3F90] =	sst lr;
	_ =	strace $0xD0000000  }
0x3: {  	_ = 	snop  }
0x4: {  	_ = 	snop  }
0x5: {  	_ = 	snop  }
0x6: {  	_ = 	snop  }
0x7: {  	_ = 	snop  }
__scs_overlays_trampoline_lowered:
0x8: {  	[smem:$0x3F9F] =	sst s0  }
0x9: {  	[smem:$0x3FA0] =	sst s1  }
0xa: {  	[smem:$0x3FA1] =	sst s2  }
0xb: {  	[smem:$0x3FA2] =	sst s3  }
0xc: {  	[smem:$0x3FA3] =	sst s4  }
0xd: {  	[smem:$0x3FA4] =	sst s5  }
0xe: {  	[smem:$0x3FA5] =	sst s6  }
0xf: {  	[smem:$0x3FA6] =	sst s7  }
0x10: {  	[smem:$0x3FA7] =	sst s8  }
0x11: {  	[smem:$0x3FA8] =	sst s9;
	s0 =	simm.s32 @!p0 $0x0  }
0x12: {  	s1 =	sld [smem:$0x3F8E];
	s0 =	simm.s32 @p0 $0x1  }
0x13: {  	[smem:$0x3FA9] =	sst s0;
	s0 =	simm.s32 @!p1 $0x0  }
0x14: {  	s2 =	sld [smem:$0x3F8D];
	s0 =	simm.s32 @p1 $0x1  }
0x15: {  	[smem:$0x3FAA] =	sst s0;
	s0 =	simm.s32 @!p2 $0x0  }
0x16: {  	s3 =	sld [smem:$0x3FDB];
	s0 =	simm.s32 @p2 $0x1  }
0x17: {  	s4 =	simm.s32 $0x1BF5;
	[smem:$0x3FAC] =	sst s0  }
0x18: {  	s0 =	sld [smem:$0x3F8F];
	_ =	swait.ge [sflag:s4], $0x0  }
0x19: {  	s7 =	sld [smem:$0x3F90]  }
0x1a: {  	s8 =	sadd.s32 $0xFFFFE003, lr  }
0x1b: {  	s9 =	sadd.s32 $0xFFFFFEF7, lr;
	s5 =	simm.s32 $0xFFFFFFFF;
	p2 =	slt.u32 s8, $0xFFFFF086  }
0x1c: {  	p1 =	slt.u32 s9, $0xF7A;
	s5 =	simm.s32 @!p2 $0x0  }
0x1d: {  	s5 =	simm.s32 @p1 $0x1;
	p0 =	seq.s32 s7, s2  }
0x1e: {  	s7 =	smul.u32 @!p0 $0xF7A, s2;
	p2 =	seq.s32 @!p0 s5, $0x0  }
0x1f: {  	s9 =	smul.u32 $0xF7A, s1;
	s8 =	simm.s32 @!p0 $0x1BF5;
	p2 =	por !p2, p0  }
0x20: {  	[sflag:s8] =	ssyncset.s32 @!p0 $0xFFFFF086;
	s6 =	sadd.s32 @!p0 s3, s7;
	s7 =	simm.s32 @!p0 $0x108  }
0x21: {  	s3 =	sadd.s32 s3, s9;
	s6 =	sadd.s32 @!p0 $0x88, s6;
	s7 =	simm.s32 @p2 $0x1082  }
0x22: {  	[simem:s7], [sflag:s8] =	dma.local @!p0 [hbm:s6], $0xF7A  }
0x23: {  	s9 =	sor.u32 $0xD0000000, s2;
	s6 =	simm.s32 $0x108;
	_ =	swait.ge @!p0 [sflag:s8], $0x0  }
0x24: {  	s3 =	sadd.s32 $0x88, s3;
	s6 =	simm.s32 @!p1 $0x1082;
	[sflag:s4] =	ssyncset.s32 $0xFFFFF086  }
0x25: {  	[simem:s6], [sflag:s4] =	dma.local [hbm:s3], $0xF7A  }
0x26: {  	[smem:$0x3F90] =	sst s1;
	(tag) =	ssettag s2;
	_ =	strace s9  }
0x27: {  	s1 =	sld [smem:$0x3FA0]  }
0x28: {  	s2 =	sld [smem:$0x3FA1]  }
0x29: {  	s4 =	sld [smem:$0x3FA3]  }
0x2a: {  	p0 =	seq.s32 s5, $0x0;
	s5 =	sld [smem:$0x3FA4]  }
0x2b: {  	s6 =	sld [smem:$0x3FA5]  }
0x2c: {  	s7 =	sld [smem:$0x3FA6]  }
0x2d: {  	s3 =	simm.s32 $0x108;
	s8 =	sld [smem:$0x3FA7]  }
0x2e: {  	s3 =	simm.s32 @!p0 $0x1082;
	s9 =	sld [smem:$0x3FA8]  }
0x2f: {  	lr =	sadd.s32 s0, s3;
	s0 =	sld [smem:$0x3F9F]  }
0x30: {  	s3 =	sld [smem:$0x3FA2]  }
0x31: {  	[smem:$0x3FAB] =	sst s10  }
0x32: {  	s10 =	sld [smem:$0x3FA9];
	_ =	sdelay $0x3  }
0x33: {  	p0 =	seq.s32 s10, $0x1;
	s10 =	sld [smem:$0x3FAB];
	_ =	sdelay $0x3  }
0x34: {  	[smem:$0x3FAB] =	sst s10  }
0x35: {  	s10 =	sld [smem:$0x3FAA];
	_ =	sdelay $0x3  }
0x36: {  	p1 =	seq.s32 s10, $0x1;
	s10 =	sld [smem:$0x3FAB];
	_ =	sdelay $0x3  }
0x37: {  	[smem:$0x3FAB] =	sst s10  }
0x38: {  	s10 =	sld [smem:$0x3FAC]  }
0x39: {  	_ = 	snop;
	(pc) =	sbr.ind lr, $3  }
0x3a: {  	_ = 	snop  }
0x3b: {  	_ = 	snop  }
0x3c: {  	p2 =	seq.s32 s10, $0x1;
	s10 =	sld [smem:$0x3FAB]  }
0x3d: {  	_ =	shalt  }
0x3e: {  	_ =	shalt  }
0x3f: {  	_ =	shalt  }
0x40: {  	_ =	shalt  }
0x41: {  	_ =	shalt  }
0x42: {  	_ =	shalt  }
0x43: {  	_ =	shalt  }
0x44: {  	_ =	shalt  }
0x45: {  	_ =	shalt  }
0x46: {  	_ =	shalt  }
0x47: {  	_ =	shalt  }
0x48: {  	_ =	shalt  }
0x49: {  	_ =	shalt  }
0x4a: {  	_ =	shalt  }
0x4b: {  	_ =	shalt  }
0x4c: {  	_ =	shalt  }
0x4d: {  	_ =	shalt  }
0x4e: {  	_ =	shalt  }
0x4f: {  	_ =	shalt  }
0x50: {  	_ =	shalt  }
0x51: {  	_ =	shalt  }
0x52: {  	_ =	shalt  }
0x53: {  	_ =	shalt  }
0x54: {  	_ =	shalt  }
0x55: {  	_ =	shalt  }
0x56: {  	_ =	shalt  }
0x57: {  	_ =	shalt  }
0x58: {  	_ =	shalt  }
0x59: {  	_ =	shalt  }
0x5a: {  	_ =	shalt  }
0x5b: {  	_ =	shalt  }
0x5c: {  	_ =	shalt  }
0x5d: {  	_ =	shalt  }
0x5e: {  	_ =	shalt  }
0x5f: {  	_ =	shalt  }
0x60: {  	_ =	shalt  }
0x61: {  	_ =	shalt  }
0x62: {  	_ =	shalt  }
0x63: {  	_ =	shalt  }
0x64: {  	_ =	shalt  }
0x65: {  	_ =	shalt  }
0x66: {  	_ =	shalt  }
0x67: {  	_ =	shalt  }
0x68: {  	_ =	shalt  }
0x69: {  	_ =	shalt  }
0x6a: {  	_ =	shalt  }
0x6b: {  	_ =	shalt  }
0x6c: {  	_ =	shalt  }
0x6d: {  	_ =	shalt  }
0x6e: {  	_ =	shalt  }
0x6f: {  	_ =	shalt  }
0x70: {  	_ =	shalt  }
0x71: {  	_ =	shalt  }
0x72: {  	_ =	shalt  }
0x73: {  	_ =	shalt  }
0x74: {  	_ =	shalt  }
0x75: {  	_ =	shalt  }
0x76: {  	_ =	shalt  }
0x77: {  	_ =	shalt  }
0x78: {  	_ =	shalt  }
0x79: {  	_ =	shalt  }
0x7a: {  	_ =	shalt  }
0x7b: {  	_ =	shalt  }
0x7c: {  	_ =	shalt  }
0x7d: {  	_ =	shalt  }
0x7e: {  	_ =	shalt  }
0x7f: {  	_ =	shalt  }
0x80: {  	_ =	shalt  }
0x81: {  	_ =	shalt  }
0x82: {  	_ =	shalt  }
0x83: {  	_ =	shalt  }
0x84: {  	_ =	shalt  }
0x85: {  	_ =	shalt  }
0x86: {  	_ =	shalt  }
0x87: {  	_ =	shalt  }
.Lfunc_end0:
.L_simem_size_0:
called_computation.3_lowered:
.L_overlay_start_0:
0x88: {  	s2 =	sld [smem:$0x3FD9]  }
0x89: {  	s3 =	sld [smem:$0x3FFE];
	_ =	sdelay $0x1  }
0x8a: {  	s1 =	srdreg.scid  }
0x8b: {  	s0 =	sand.u32 $0x1, s1  }
0x8c: {  	s16 =	sshll.u32 s0, $0xA;
	s2 =	sadd.s32 s3, s2  }
0x8d: {  	s2 =	sadd.s32 s2, s16  }
0x8e: {  	[smem:$0x3FB7] =	sst s2  }
0x8f: {  	_ = 	snop  }
0x90: {  	(tm) =	ssettm $0x1  }
0x91: {  	s17 =	sld [smem:$0x3FFB];
	_ =	sdelay $0x3  }
0x92: {  	_ =	strace s17  }
0x93: {  	s2 =	sld [smem:$0x3FFC];
	_ =	sdelay $0x3  }
0x94: {  	_ =	strace s2  }
0x95: {  	s2 =	sld [smem:$0x3FFD];
	_ =	sdelay $0x3  }
0x96: {  	_ =	strace s2  }
0x97: {  	_ =	strace $0x8FFFFFFF  }
0x98: {  	s18 =	sld [smem:$0x3FDB];
	_ =	sdelay $0x1  }
0x99: {  	s19 =	simm.s32 $_scs_section_size  }
0x9a: {  	s4 =	simm.s32 $_size__tile_overlayer_lowered;
	s5 =	simm.s32 $_tile_overlayer_lowered  }
0x9b: {  	s22 =	simm.s32 $0x1BFF;
	s21 =	sshll.u32 s5, $0x1;
	s2 =	sadd.s32 s19, s18  }
0x9c: {  	s6 =	simm.s32 $0x0;
	s20 =	sshll.u32 s4, $0x1;
	s4 =	sadd.s32 s21, s2  }
0x9d: {  	[timem:s6], [sflag:s22] =	dma.local [hbm:s4], s20  }
0x9e: {  	_ =	swait.ge [sflag:s22], s20  }
0x9f: {  	s3 =	ssub.s32 $0x0, s20;
	[sflag:s22] =	ssyncset.done $0x0  }
0xa0: {  	[sflag:s22] =	ssyncadd.s32 s3;
	_ =	sdelay $0x1  }
0xa1: {  	s23 =	simm.s32 $0x1B8B  }
0xa2: {  	_ =	swait.ge [sflag:s23], $0x1  }
0xa3: {  	[sflag:s23] =	ssyncset.done $0x0  }
0xa4: {  	s25 =	simm.s32 $0x1B8E;
	s24 =	sld [smem:$0x3FFE];
	[sflag:s23] =	ssyncadd.s32 $0xFFFFFFFF  }
0xa5: {  	s26 =	simm.s32 $execute0_lowered;
	[smem:$0x3FD2] =	sst s25  }
0xa6: {  	s4 =	sshll.u32 s26, $0x1;
	_ =	strace $0x8000004F;
	[dreg:$0x1] =	wrdreg $0xFFFFFFFF  }
0xa7: {  	s28 =	simm.s32 $_size_execute0_lowered;
	s2 =	sadd.s32 s2, s4;
	[dreg:$0x0] =	wrdreg $0x0  }
0xa8: {  	s4 =	sshll.u32 s28, $0x1;
	[dreg:$0x2] =	wrdreg s2  }
0xa9: {  	[dreg:$0x3] =	wrdreg s4  }
0xaa: {  	[dreg:$0x4] =	wrdreg $0xC0  }
0xab: {  	_ =	task [dreg:s6], $0x5FFFF  }
0xac: {  	[dreg:$0x1] =	wrdreg $0xFFFFFFFF  }
0xad: {  	[dreg:$0x0] =	wrdreg $0x60  }
0xae: {  	[dreg:$0x2] =	wrdreg s24  }
0xaf: {  	[dreg:$0x3] =	wrdreg $0x0  }
0xb0: {  	[dreg:$0x4] =	wrdreg $0x9  }
0xb1: {  	_ =	task.clear_ibuf [dreg:s6], $0x5FFFF;
	_ =	strace $0x9000004F  }
0xb2: {  	s29 =	simm.s32 $0x9;
	_ =	strace $0x80000051  }
0xb3: {  	_ =	swait.ge [sflag:s29], $0x1  }
0xb4: {  	[sflag:s29] =	ssyncadd.s32 $0xFFFFFFFF  }
0xb5: {  	_ =	strace $0x90000051  }
0xb6: {  	_ =	sfence  }
0xb7: {  	s30 =	sld [smem:$0x0];
	_ =	sdelay $0x2  }
0xb8: {  	s31 =	sshll.u32 s1, $0xD;
	s1 =	sshrl.u32 s1, $0x2  }
0xb9: {  	s3 =	sand.u32 $0x4000, s31;
	s1 =	sadd.s32 s1, s30  }
0xba: {  	s0 =	sor.u32 s3, s0;
	s1 =	sshll.u32 s1, $0x11  }
0xbb: {  	s0 =	sor.u32 s1, s0  }
0xbc: {  	s0 =	sadd.s32 $0x8F2B, s0  }
0xbd: {  	[sflag:s0] =	ssyncadd.remote.s32 $0x1  }
0xbe: {  	_ =	sfence.sel $0xFFFF  }
0xbf: {  	[dreg:$0x0] =	wrdreg $0xFFFFFFFF;
	(pc) =	sbr.abs _section_cstart, $3  }
0xc0: {  	[dreg:$0x1] =	wrdreg $0xFFFFFFFF  }
0xc1: {  	_ =	task.clear_ibuf [dreg:s6], $0x2FFFF;
	_ =	strace $0x9FFFFFFF  }
0xc2: {  	(tm) =	ssettm $0x7FFFFFFF  }
0xc3: {  	_ =	shalt  }
tec
execute0_lowered:
.L_overlay_start_1:
0x0: {  	(tag) =	ssettag $0x1  }
0x1: {  	s0 =	rddreg [dreg:$0x0]  }
0x2: {  	s1 =	rddreg [dreg:$0x1];
	s2 =	simm.s32 $0x0;
	s15 =	stileid.u32  }
0x3: {  	s3 =	srdreg.scid;
	s28 =	simm.s32 $0x16280;
	s8 =	smul.u32 $0x7D00, s15  }
0x4: {  	s29 =	simm.s32 $0x18A80;
	s30 =	simm.s32 $0x18B80;
	s10 =	smul.u32 $0xFA, s15  }
0x5: {  	[smem:$0x7FF] =	sst s2;
	s3 =	sand.u32 $0x1, s3;
	s25 =	smul.u32 $0x4E000, s15  }
0x6: {  	s5 =	sadd.s32 $0x4B800, s0;
	s6 =	sadd.s32 $0x2C400, s0;
	s31 =	smul.u32 $0x270, s15  }
0x7: {  	s7 =	sadd.s32 $0x1CA00, s0;
	s0 =	sadd.s32 $0x99A00, s0;
	s20 =	smul.u32 $0xFA0, s15  }
0x8: {  	s21 =	sadd.s32 $0x138000, s1;
	p0 =	sne.s32 s15, $0xF;
	s4 =	smul.u32 $0x7D000, s3  }
0x9: {  	_ =	strace $0x80000050;
	s9 =	ssub.s32 $0x2, s3;
	s14 =	smul.u32 $0x2710, s3  }
0xa: {  	s3 =	smul.u32 $0x138800, s3;
	[dreg:$0xc] =	wrdreg s21;
	s21 =	simm.s32 $0x13880  }
0xb: {  	s11 =	sshrl.u32 s9, $0x1;
	[dreg:$0x3] =	wrdreg s10;
	s24 =	sadd.s32 $0x100, s8  }
0xc: {  	s17 =	sshrl.u32 s25, $0x2;
	s12 =	sadd.s32 s8, s4;
	s9 =	ssub.s32 s9, s11  }
0xd: {  	s8 =	sshrl.u32 s8, $0x3;
	s13 =	sadd.s32 s4, s24;
	s16 =	sshrl.u32 s24, $0x3  }
0xe: {  	s18 =	sadd.s32 s31, s14;
	s3 =	sshrl.u32 s3, $0x3;
	s24 =	sadd.s32 s20, s7  }
0xf: {  	s31 =	simm.s32 $0x18C00;
	s11 =	simm.s32 $0x4;
	s23 =	sshrl.u32 s12, $0x3  }
0x10: {  	s8 =	sadd.s32 s7, s8;
	s26 =	sshrl.u32 s13, $0x3;
	[dreg:$0x5] =	wrdreg s31  }
0x11: {  	s19 =	sshll.u32 s18, $0x4;
	s25 =	sadd.s32 $0x200, s12;
	[dreg:$0x7] =	wrdreg s8  }
0x12: {  	s3 =	sadd.s32 $0x27000, s3;
	s10 =	sadd.s32 s6, s23;
	[dreg:$0x11] =	wrdreg s25  }
0x13: {  	s12 =	simm.s32 $0x0;
	s8 =	sadd.s32 s6, s26;
	[dreg:$0x6] =	wrdreg s10  }
0x14: {  	s22 =	sadd.s32 s5, s3;
	s23 =	smax.u32 s9, $0x1;
	[dreg:$0x8] =	wrdreg s8  }
0x15: {  	s26 =	simm.s32 $0x18B00;
	s25 =	simm.s32 $0x13A80;
	[dreg:$0xd] =	wrdreg s22  }
0x16: {  	s9 =	simm.s32 $0x1B480;
	s8 =	sadd.s32 s7, s16;
	[dreg:$0x10] =	wrdreg s23  }
0x17: {  	s10 =	sadd.s32 s5, s19;
	s22 =	simm.s32 $0x13980;
	[dreg:$0x4] =	wrdreg s26  }
0x18: {  	s23 =	simm.s32 $0x1;
	s26 =	simm.s32 $0x13900;
	[dreg:$0x9] =	wrdreg s8  }
0x19: {  	s16 =	simm.s32 $0x5;
	s8 =	sadd.s32 s17, s1;
	[dreg:$0xb] =	wrdreg s10  }
0x1a: {  	s10 =	simm.s32 $0x3;
	[dreg:$0xa] =	wrdreg s8;
	s8 =	sadd.s32 s0, s19  }
0x1b: {  	s0 =	sadd.s32 s0, s3;
	s3 =	simm.s32 $0x13A00;
	[dreg:$0xe] =	wrdreg s8  }
0x1c: {  	[dreg:$0xf] =	wrdreg s0;
	s0 =	sadd.s32 $0x40, s24;
	s24 =	simm.s32 $0x50  }
0x1d: {  	s8 =	simm.s32 $0x18C80;
	[dreg:$0x12] =	wrdreg s0;
	s0 =	simm.s32 $0x2  }
.LBB2_1:
0x1e: {  	s13 =	rddreg [dreg:$0x6]  }
0x1f: {  	[tilespmem:s21], [sflag:$0x1] =	stream.linear.gather [hbm4b:s13+s2], $0x100, $0x38;
	[tilespmem:$0x1DC80] =	vst v63  }
0x20: {  	s15 =	rddreg [dreg:$0x7]  }
0x21: {  	[tilespmem:s22], [sflag:$0x1] =	stream.linear.gather [hbm4b:s15+s2], $0x100, $0x38;
	[tilespmem:$0x1DC80] =	vst v63  }
0x22: {  	_ =	swait.ge [sflag:s23], $0x100  }
0x23: {  	[sflag:s23] =	ssyncset.done $0x0  }
0x24: {  	[sflag:s23] =	ssyncadd.s32 $0xFFFFFF00  }
0x25: {  	_ =	swait.ge [sflag:s23], $0x100  }
0x26: {  	[sflag:s23] =	ssyncset.done $0x0  }
0x27: {  	[sflag:s23] =	ssyncadd.s32 $0xFFFFFF00  }
0x28: {  	[tilespmem:s25], [sflag:$0x2] =	stream.indirect.gather [hbm4b:s5+s24], $0x80, s21, s24, $0xb8;
	[tilespmem:$0x1DC80] =	vst v63  }
0x29: {  	_ = 	snop  }
0x2a: {  	[tilespmem:s28], [sflag:$0x2] =	stream.indirect.gather [hbm4b:s5+s24], $0x80, s26, s24, $0xb8;
	[tilespmem:$0x1DC80] =	vst v63  }
0x2b: {  	s17 =	rddreg [dreg:$0x8]  }
0x2c: {  	[tilespmem:s29], [sflag:$0x1] =	stream.linear.gather [hbm4b:s17+s2], $0x100, $0x38;
	[tilespmem:$0x1DC80] =	vst v63  }
0x2d: {  	s18 =	rddreg [dreg:$0x9]  }
0x2e: {  	[tilespmem:s30], [sflag:$0x1] =	stream.linear.gather [hbm4b:s18+s2], $0x100, $0x38;
	[tilespmem:$0x1DC80] =	vst v63  }
0x2f: {  	_ =	swait.ge [sflag:s23], $0x100  }
0x30: {  	[sflag:s23] =	ssyncset.done $0x0  }
0x31: {  	[sflag:s23] =	ssyncadd.s32 $0xFFFFFF00  }
0x32: {  	s19 =	stileid.u32;
	_ =	swait.ge [sflag:s23], $0x100  }
0x33: {  	s13 =	sshll.u32 s19, $0x6;
	s14 =	rddreg [dreg:$0xa]  }
0x34: {  	[sflag:s23] =	ssyncset.done $0x0;
	s20 =	rddreg [dreg:$0xb];
	s15 =	sshrl.u32 s14, $0x3  }
0x35: {  	s13 =	sor.u32 $0x1C05, s13;
	[sflag:s23] =	ssyncadd.s32 $0xFFFFFF00;
	[dreg:$0x13] =	wrdreg s15  }
0x36: {  	[spmem:s15], [sflag:s13] =	dma.local [hbm:s20], $0x2700  }
0x37: {  	_ =	swait.ge [sflag:s16], $0x2700  }
0x38: {  	[sflag:s16] =	ssyncset.done $0x0  }
0x39: {  	s14 =	rddreg [dreg:$0xc];
	[sflag:s16] =	ssyncadd.s32 $0xFFFFD900  }
0x3a: {  	s15 =	sshrl.u32 @!p0 s14, $0x3;
	s14 =	rddreg [dreg:$0xd];
	s16 =	simm.s32 @!p0 $0x5  }
0x3b: {  	[spmem:s15], [sflag:s13] =	dma.local @!p0 [hbm:s14], $0x100  }
0x3c: {  	_ =	swait.ge @!p0 [sflag:s16], $0x100  }
0x3d: {  	[sflag:s16] =	ssyncset.done @!p0 $0x0  }
0x3e: {  	[sflag:s16] =	ssyncadd.s32 @!p0 $0xFFFFFF00  }
0x3f: {  	[bflag:$0x0] =	sbarrier.arrive $0xFFFF  }
0x40: {  	s31 =	rddreg [dreg:$0x3];
	_ =	swait.ge [sflag:s0], $0x2800  }
0x41: {  	[sflag:s0] =	ssyncset.done $0x0  }
0x42: {  	[sflag:s0] =	ssyncadd.s32 $0xFFFFD800  }
0x43: {  	_ =	swait.ge [sflag:s0], $0x2800  }
0x44: {  	[sflag:s0] =	ssyncset.done $0x0  }
0x45: {  	[sflag:s0] =	ssyncadd.s32 $0xFFFFD800  }
0x46: {  	[spmem:s1] =	stream.indirect.scatter.add.f32 [tilespmem:s25], [sflag:$0x3], $0x80, s22, s24, $0xb8;
	[tilespmem:$0x1DC80] =	vst v63  }
0x47: {  	_ = 	snop  }
0x48: {  	[spmem:s1] =	stream.indirect.scatter.add.f32 [tilespmem:s28], [sflag:$0x3], $0x80, s3, s24, $0xb8;
	[tilespmem:$0x1DC80] =	vst v63  }
0x49: {  	_ = 	snop  }
0x4a: {  	[tilespmem:s8], [sflag:$0x2] =	stream.indirect.gather [hbm4b:s5+s24], $0x80, s29, s24, $0xb8;
	[tilespmem:$0x1DC80] =	vst v63  }
0x4b: {  	s17 =	rddreg [dreg:$0x4]  }
0x4c: {  	[tilespmem:s9], [sflag:$0x2] =	stream.indirect.gather [hbm4b:s5+s24], $0x80, s17, s24, $0xb8;
	[tilespmem:$0x1DC80] =	vst v63  }
0x4d: {  	_ =	swait.ge [sflag:s10], $0x2800  }
0x4e: {  	[sflag:s10] =	ssyncset.done $0x0  }
0x4f: {  	[sflag:s10] =	ssyncadd.s32 $0xFFFFD800  }
0x50: {  	_ =	swait.ge [sflag:s10], $0x2800  }
0x51: {  	s19 =	rddreg [dreg:$0x11]  }
0x52: {  	[sflag:s10] =	ssyncset.done $0x0;
	s14 =	sshrl.u32 s19, $0x3  }
0x53: {  	[sflag:s10] =	ssyncadd.s32 $0xFFFFD800;
	s17 =	sadd.s32 s6, s14  }
0x54: {  	[tilespmem:s21], [sflag:$0x1] =	stream.linear.gather [hbm4b:s17+s2], $0x100, $0x38;
	[tilespmem:$0x1DC80] =	vst v63  }
0x55: {  	s18 =	rddreg [dreg:$0x12]  }
0x56: {  	[tilespmem:s22], [sflag:$0x1] =	stream.linear.gather [hbm4b:s18+s2], $0x100, $0x38;
	[tilespmem:$0x1DC80] =	vst v63  }
0x57: {  	_ =	swait.ge [sflag:s23], $0x100  }
0x58: {  	[sflag:s23] =	ssyncset.done $0x0  }
0x59: {  	[sflag:s23] =	ssyncadd.s32 $0xFFFFFF00  }
0x5a: {  	_ =	swait.ge [sflag:s23], $0x100  }
0x5b: {  	[sflag:s23] =	ssyncset.done $0x0  }
0x5c: {  	[sflag:s23] =	ssyncadd.s32 $0xFFFFFF00  }
0x5d: {  	_ =	swait.ge [sflag:s0], $0x2800  }
0x5e: {  	[sflag:s0] =	ssyncset.done $0x0  }
0x5f: {  	[sflag:s0] =	ssyncadd.s32 $0xFFFFD800  }
0x60: {  	_ =	swait.ge [sflag:s0], $0x2800  }
0x61: {  	[sflag:s0] =	ssyncset.done $0x0  }
0x62: {  	[sflag:s0] =	ssyncadd.s32 $0xFFFFD800  }
0x63: {  	[spmem:s1] =	stream.indirect.scatter.add.f32 [tilespmem:s8], [sflag:$0x4], $0x80, s30, s24, $0xb8;
	[tilespmem:$0x1DC80] =	vst v63  }
0x64: {  	s20 =	rddreg [dreg:$0x5]  }
0x65: {  	[spmem:s1] =	stream.indirect.scatter.add.f32 [tilespmem:s9], [sflag:$0x4], $0x80, s20, s24, $0xb8;
	[tilespmem:$0x1DC80] =	vst v63  }
0x66: {  	s16 =	sadd.s32 $0x4, s31  }
0x67: {  	[tilespmem:s25], [sflag:$0x2] =	stream.indirect.gather [hbm4b:s5+s24], $0x80, s21, s24, $0xb8;
	[tilespmem:$0x1DC80] =	vst v63  }
0x68: {  	p1 =	slt.s32 s16, $0xF9C  }
0x69: {  	[tilespmem:s28], [sflag:$0x2] =	stream.indirect.gather [hbm4b:s5+s24], $0x80, s26, s24, $0xb8;
	[tilespmem:$0x1DC80] =	vst v63  }
0x6a: {  	s16 =	simm.s32 @!p1 $0xF9C;
	_ =	swait.ge [sflag:s11], $0x2800  }
0x6b: {  	s16 =	sshll.u32 s16, $0x7;
	[sflag:s11] =	ssyncset.done $0x0  }
0x6c: {  	s16 =	sadd.s32 $0x100, s16;
	[sflag:s11] =	ssyncadd.s32 $0xFFFFD800  }
0x6d: {  	s31 =	sadd.s32 s4, s16;
	_ =	swait.ge [sflag:s11], $0x2800  }
0x6e: {  	s17 =	sshrl.u32 s31, $0x3;
	[sflag:s11] =	ssyncset.done $0x0  }
0x6f: {  	s16 =	sshrl.u32 s16, $0x3;
	s17 =	sadd.s32 s6, s17;
	[sflag:s11] =	ssyncadd.s32 $0xFFFFD800  }
0x70: {  	[tilespmem:s29], [sflag:$0x1] =	stream.linear.gather [hbm4b:s17+s2], $0x100, $0x38;
	[tilespmem:$0x1DC80] =	vst v63  }
0x71: {  	s16 =	sadd.s32 s7, s16  }
0x72: {  	[tilespmem:s30], [sflag:$0x1] =	stream.linear.gather [hbm4b:s16+s2], $0x100, $0x38;
	[tilespmem:$0x1DC80] =	vst v63  }
0x73: {  	_ =	swait.ge [sflag:s23], $0x100  }
0x74: {  	[sflag:s23] =	ssyncset.done $0x0  }
0x75: {  	[sflag:s23] =	ssyncadd.s32 $0xFFFFFF00  }
0x76: {  	s20 =	simm.s32 $0xC;
	_ =	swait.ge [sflag:s23], $0x100  }
0x77: {  	s17 =	sadd.s32 $0x40, s18;
	s16 =	simm.s32 $0x8;
	[sflag:s23] =	ssyncset.done $0x0  }
.LBB2_2:
0x78: {  	[sflag:s23] =	ssyncadd.s32 $0xFFFFFF00  }
0x79: {  	s18 =	rddreg [dreg:$0x3];
	_ =	swait.ge [sflag:s0], $0x2800  }
0x7a: {  	[sflag:s0] =	ssyncset.done $0x0  }
0x7b: {  	[sflag:s0] =	ssyncadd.s32 $0xFFFFD800  }
0x7c: {  	_ =	swait.ge [sflag:s0], $0x2800  }
0x7d: {  	[sflag:s0] =	ssyncset.done $0x0  }
0x7e: {  	[sflag:s0] =	ssyncadd.s32 $0xFFFFD800  }
0x7f: {  	[spmem:s1] =	stream.indirect.scatter.add.f32 [tilespmem:s25], [sflag:$0x3], $0x80, s22, s24, $0xb8;
	[tilespmem:$0x1DC80] =	vst v63  }
0x80: {  	_ = 	snop  }
0x81: {  	[spmem:s1] =	stream.indirect.scatter.add.f32 [tilespmem:s28], [sflag:$0x3], $0x80, s3, s24, $0xb8;
	[tilespmem:$0x1DC80] =	vst v63  }
0x82: {  	_ = 	snop  }
0x83: {  	[tilespmem:s8], [sflag:$0x2] =	stream.indirect.gather [hbm4b:s5+s24], $0x80, s29, s24, $0xb8;
	[tilespmem:$0x1DC80] =	vst v63  }
0x84: {  	s14 =	rddreg [dreg:$0x4]  }
0x85: {  	[tilespmem:s9], [sflag:$0x2] =	stream.indirect.gather [hbm4b:s5+s24], $0x80, s14, s24, $0xb8;
	[tilespmem:$0x1DC80] =	vst v63  }
0x86: {  	_ =	swait.ge [sflag:s10], $0x2800  }
0x87: {  	[sflag:s10] =	ssyncset.done $0x0  }
0x88: {  	[sflag:s10] =	ssyncadd.s32 $0xFFFFD800  }
0x89: {  	s19 =	sadd.s32 $0x200, s19;
	_ =	swait.ge [sflag:s10], $0x2800  }
0x8a: {  	s14 =	sshrl.u32 s19, $0x3;
	[sflag:s10] =	ssyncset.done $0x0  }
0x8b: {  	s14 =	sadd.s32 s6, s14;
	[sflag:s10] =	ssyncadd.s32 $0xFFFFD800  }
0x8c: {  	[tilespmem:s21], [sflag:$0x1] =	stream.linear.gather [hbm4b:s14+s2], $0x100, $0x38;
	[tilespmem:$0x1DC80] =	vst v63  }
0x8d: {  	_ = 	snop  }
0x8e: {  	[tilespmem:s22], [sflag:$0x1] =	stream.linear.gather [hbm4b:s17+s2], $0x100, $0x38;
	[tilespmem:$0x1DC80] =	vst v63  }
0x8f: {  	_ =	swait.ge [sflag:s23], $0x100  }
0x90: {  	[sflag:s23] =	ssyncset.done $0x0  }
0x91: {  	[sflag:s23] =	ssyncadd.s32 $0xFFFFFF00  }
0x92: {  	_ =	swait.ge [sflag:s23], $0x100  }
0x93: {  	[sflag:s23] =	ssyncset.done $0x0  }
0x94: {  	[sflag:s23] =	ssyncadd.s32 $0xFFFFFF00  }
0x95: {  	_ =	swait.ge [sflag:s0], $0x2800  }
0x96: {  	[sflag:s0] =	ssyncset.done $0x0  }
0x97: {  	[sflag:s0] =	ssyncadd.s32 $0xFFFFD800  }
0x98: {  	_ =	swait.ge [sflag:s0], $0x2800  }
0x99: {  	[sflag:s0] =	ssyncset.done $0x0  }
0x9a: {  	[sflag:s0] =	ssyncadd.s32 $0xFFFFD800  }
0x9b: {  	[spmem:s1] =	stream.indirect.scatter.add.f32 [tilespmem:s8], [sflag:$0x4], $0x80, s30, s24, $0xb8;
	[tilespmem:$0x1DC80] =	vst v63  }
0x9c: {  	s14 =	rddreg [dreg:$0x5]  }
0x9d: {  	[spmem:s1] =	stream.indirect.scatter.add.f32 [tilespmem:s9], [sflag:$0x4], $0x80, s14, s24, $0xb8;
	[tilespmem:$0x1DC80] =	vst v63  }
0x9e: {  	s18 =	sadd.s32 s16, s18  }
0x9f: {  	[tilespmem:s25], [sflag:$0x2] =	stream.indirect.gather [hbm4b:s5+s24], $0x80, s21, s24, $0xb8;
	[tilespmem:$0x1DC80] =	vst v63  }
0xa0: {  	p2 =	slt.s32 s18, $0xF9C  }
0xa1: {  	[tilespmem:s28], [sflag:$0x2] =	stream.indirect.gather [hbm4b:s5+s24], $0x80, s26, s24, $0xb8;
	[tilespmem:$0x1DC80] =	vst v63  }
0xa2: {  	s18 =	simm.s32 @!p2 $0xF9C;
	_ =	swait.ge [sflag:s11], $0x2800  }
0xa3: {  	s18 =	sshll.u32 s18, $0x7;
	[sflag:s11] =	ssyncset.done $0x0  }
0xa4: {  	s31 =	smov.u32 s20;
	s18 =	sadd.s32 $0x100, s18;
	[sflag:s11] =	ssyncadd.s32 $0xFFFFD800  }
0xa5: {  	s16 =	smov.u32 s31;
	s31 =	sadd.s32 s4, s18;
	_ =	swait.ge [sflag:s11], $0x2800  }
0xa6: {  	s31 =	sshrl.u32 s31, $0x3;
	[sflag:s11] =	ssyncset.done $0x0  }
0xa7: {  	s18 =	sshrl.u32 s18, $0x3;
	s31 =	sadd.s32 s6, s31;
	[sflag:s11] =	ssyncadd.s32 $0xFFFFD800  }
0xa8: {  	[tilespmem:s29], [sflag:$0x1] =	stream.linear.gather [hbm4b:s31+s2], $0x100, $0x38;
	[tilespmem:$0x1DC80] =	vst v63  }
0xa9: {  	p1 =	sne.s32 s20, $0xF8;
	s31 =	sadd.s32 s7, s18  }
0xaa: {  	[tilespmem:s30], [sflag:$0x1] =	stream.linear.gather [hbm4b:s31+s2], $0x100, $0x38;
	[tilespmem:$0x1DC80] =	vst v63  }
.Ltmp0:
0xab: {  	_ =	swait.ge [sflag:s23], $0x100;
	(pc) =	sbr.rel @p1 .LBB2_2-.Ltmp0, $4  }
0xac: {  	[sflag:s23] =	ssyncset.done $0x0  }
0xad: {  	[sflag:s23] =	ssyncadd.s32 $0xFFFFFF00  }
0xae: {  	_ =	swait.ge [sflag:s23], $0x100  }
0xaf: {  	s20 =	sadd.s32 $0x4, s20;
	s17 =	sadd.s32 $0x40, s17;
	[sflag:s23] =	ssyncset.done $0x0  }
0xb0: {  	[sflag:s23] =	ssyncadd.s32 $0xFFFFFF00  }
0xb1: {  	s14 =	rddreg [dreg:$0x3];
	_ =	swait.ge [sflag:s0], $0x2800  }
0xb2: {  	[sflag:s0] =	ssyncset.done $0x0  }
0xb3: {  	[sflag:s0] =	ssyncadd.s32 $0xFFFFD800  }
0xb4: {  	_ =	swait.ge [sflag:s0], $0x2800  }
0xb5: {  	[sflag:s0] =	ssyncset.done $0x0  }
0xb6: {  	[sflag:s0] =	ssyncadd.s32 $0xFFFFD800  }
0xb7: {  	[spmem:s1] =	stream.indirect.scatter.add.f32 [tilespmem:s25], [sflag:$0x3], $0x80, s22, s24, $0xb8;
	[tilespmem:$0x1DC80] =	vst v63  }
0xb8: {  	_ = 	snop  }
0xb9: {  	[spmem:s1] =	stream.indirect.scatter.add.f32 [tilespmem:s28], [sflag:$0x3], $0x80, s3, s24, $0xb8;
	[tilespmem:$0x1DC80] =	vst v63  }
0xba: {  	_ = 	snop  }
0xbb: {  	[tilespmem:s8], [sflag:$0x2] =	stream.indirect.gather [hbm4b:s5+s24], $0x80, s29, s24, $0xb8;
	[tilespmem:$0x1DC80] =	vst v63  }
0xbc: {  	s18 =	rddreg [dreg:$0x4]  }
0xbd: {  	[tilespmem:s9], [sflag:$0x2] =	stream.indirect.gather [hbm4b:s5+s24], $0x80, s18, s24, $0xb8;
	[tilespmem:$0x1DC80] =	vst v63  }
0xbe: {  	_ =	swait.ge [sflag:s10], $0x2800  }
0xbf: {  	[sflag:s10] =	ssyncset.done $0x0  }
0xc0: {  	[sflag:s10] =	ssyncadd.s32 $0xFFFFD800  }
0xc1: {  	s20 =	sadd.s32 $0x200, s19;
	_ =	swait.ge [sflag:s10], $0x2800  }
0xc2: {  	s18 =	sshrl.u32 s20, $0x3;
	[sflag:s10] =	ssyncset.done $0x0  }
0xc3: {  	s18 =	sadd.s32 s6, s18;
	[sflag:s10] =	ssyncadd.s32 $0xFFFFD800  }
0xc4: {  	[tilespmem:s21], [sflag:$0x1] =	stream.linear.gather [hbm4b:s18+s2], $0x100, $0x38;
	[tilespmem:$0x1DC80] =	vst v63  }
0xc5: {  	_ = 	snop  }
0xc6: {  	[tilespmem:s22], [sflag:$0x1] =	stream.linear.gather [hbm4b:s17+s2], $0x100, $0x38;
	[tilespmem:$0x1DC80] =	vst v63  }
0xc7: {  	_ =	swait.ge [sflag:s23], $0x100  }
0xc8: {  	[sflag:s23] =	ssyncset.done $0x0  }
0xc9: {  	[sflag:s23] =	ssyncadd.s32 $0xFFFFFF00  }
0xca: {  	_ =	swait.ge [sflag:s23], $0x100  }
0xcb: {  	[sflag:s23] =	ssyncset.done $0x0  }
0xcc: {  	[sflag:s23] =	ssyncadd.s32 $0xFFFFFF00  }
0xcd: {  	_ =	swait.ge [sflag:s0], $0x2800  }
0xce: {  	[sflag:s0] =	ssyncset.done $0x0  }
0xcf: {  	[sflag:s0] =	ssyncadd.s32 $0xFFFFD800  }
0xd0: {  	_ =	swait.ge [sflag:s0], $0x2800  }
0xd1: {  	[sflag:s0] =	ssyncset.done $0x0  }
0xd2: {  	[sflag:s0] =	ssyncadd.s32 $0xFFFFD800  }
0xd3: {  	[spmem:s1] =	stream.indirect.scatter.add.f32 [tilespmem:s8], [sflag:$0x4], $0x80, s30, s24, $0xb8;
	[tilespmem:$0x1DC80] =	vst v63  }
0xd4: {  	s31 =	rddreg [dreg:$0x5]  }
0xd5: {  	[spmem:s1] =	stream.indirect.scatter.add.f32 [tilespmem:s9], [sflag:$0x4], $0x80, s31, s24, $0xb8;
	[tilespmem:$0x1DC80] =	vst v63  }
0xd6: {  	s14 =	sadd.s32 s16, s14  }
0xd7: {  	[tilespmem:s25], [sflag:$0x2] =	stream.indirect.gather [hbm4b:s5+s24], $0x80, s21, s24, $0xb8;
	[tilespmem:$0x1DC80] =	vst v63  }
0xd8: {  	p1 =	slt.s32 s14, $0xF9C  }
0xd9: {  	[tilespmem:s28], [sflag:$0x2] =	stream.indirect.gather [hbm4b:s5+s24], $0x80, s26, s24, $0xb8;
	[tilespmem:$0x1DC80] =	vst v63  }
0xda: {  	s14 =	simm.s32 @!p1 $0xF9C;
	_ =	swait.ge [sflag:s11], $0x2800  }
0xdb: {  	s14 =	sshll.u32 s14, $0x7;
	[sflag:s11] =	ssyncset.done $0x0  }
0xdc: {  	s14 =	sadd.s32 $0x100, s14;
	[sflag:s11] =	ssyncadd.s32 $0xFFFFD800  }
0xdd: {  	s18 =	sadd.s32 s4, s14;
	_ =	swait.ge [sflag:s11], $0x2800  }
0xde: {  	s16 =	sshrl.u32 s18, $0x3;
	[sflag:s11] =	ssyncset.done $0x0  }
0xdf: {  	s14 =	sshrl.u32 s14, $0x3;
	s16 =	sadd.s32 s6, s16;
	[sflag:s11] =	ssyncadd.s32 $0xFFFFD800  }
0xe0: {  	[tilespmem:s29], [sflag:$0x1] =	stream.linear.gather [hbm4b:s16+s2], $0x100, $0x38;
	[tilespmem:$0x1DC80] =	vst v63  }
0xe1: {  	s14 =	sadd.s32 s7, s14  }
0xe2: {  	[tilespmem:s30], [sflag:$0x1] =	stream.linear.gather [hbm4b:s14+s2], $0x100, $0x38;
	[tilespmem:$0x1DC80] =	vst v63  }
0xe3: {  	_ =	swait.ge [sflag:s23], $0x100  }
0xe4: {  	[sflag:s23] =	ssyncset.done $0x0  }
0xe5: {  	[sflag:s23] =	ssyncadd.s32 $0xFFFFFF00  }
0xe6: {  	_ =	swait.ge [sflag:s23], $0x100  }
0xe7: {  	[sflag:s23] =	ssyncset.done $0x0  }
0xe8: {  	[sflag:s23] =	ssyncadd.s32 $0xFFFFFF00  }
0xe9: {  	_ =	swait.ge [sflag:s0], $0x2800  }
0xea: {  	[sflag:s0] =	ssyncset.done $0x0  }
0xeb: {  	[sflag:s0] =	ssyncadd.s32 $0xFFFFD800  }
0xec: {  	_ =	swait.ge [sflag:s0], $0x2800  }
0xed: {  	[sflag:s0] =	ssyncset.done $0x0  }
0xee: {  	[sflag:s0] =	ssyncadd.s32 $0xFFFFD800  }
0xef: {  	[spmem:s1] =	stream.indirect.scatter.add.f32 [tilespmem:s25], [sflag:$0x3], $0x80, s22, s24, $0xb8;
	[tilespmem:$0x1DC80] =	vst v63  }
0xf0: {  	_ = 	snop  }
0xf1: {  	[spmem:s1] =	stream.indirect.scatter.add.f32 [tilespmem:s28], [sflag:$0x3], $0x80, s3, s24, $0xb8;
	[tilespmem:$0x1DC80] =	vst v63  }
0xf2: {  	_ =	swait.ge [sflag:s10], $0x2800  }
0xf3: {  	[sflag:s10] =	ssyncset.done $0x0  }
0xf4: {  	[sflag:s10] =	ssyncadd.s32 $0xFFFFD800  }
0xf5: {  	_ =	swait.ge [sflag:s10], $0x2800  }
0xf6: {  	[sflag:s10] =	ssyncset.done $0x0  }
0xf7: {  	[sflag:s10] =	ssyncadd.s32 $0xFFFFD800  }
0xf8: {  	[bflag:$0x0] =	sbarrier.arrive $0xFFFF  }
0xf9: {  	s19 =	rddreg [dreg:$0xe]  }
0xfa: {  	s16 =	simm.s32 $0x5;
	s20 =	rddreg [dreg:$0x13]  }
0xfb: {  	[hbm:s19], [sflag:s13] =	dma.local [spmem:s20], $0x2700  }
0xfc: {  	_ =	swait.ge [sflag:s16], $0x2700  }
0xfd: {  	[sflag:s16] =	ssyncset.done $0x0  }
0xfe: {  	s14 =	rddreg [dreg:$0xf];
	[sflag:s16] =	ssyncadd.s32 $0xFFFFD900  }
0xff: {  	[hbm:s14], [sflag:s13] =	dma.local @!p0 [spmem:s15], $0x100  }
0x100: {  	s13 =	simm.s32 @!p0 $0x5  }
0x101: {  	_ =	swait.ge @!p0 [sflag:s13], $0x100  }
0x102: {  	s12 =	sadd.s32 $0x1, s12;
	s31 =	rddreg [dreg:$0x10]  }
0x103: {  	p1 =	sne.s32 s12, s31  }
.Ltmp1:
0x104: {  	_ = 	snop;
	(pc) =	sbr.rel @p1 .LBB2_1-.Ltmp1, $3  }
0x105: {  	_ =	sdelay $0x1  }
0x106: {  	[sflag:s13] =	ssyncset.done @!p0 $0x0  }
0x107: {  	[sflag:s13] =	ssyncadd.s32 @!p0 $0xFFFFFF00  }
0x108: {  	_ =	sfence.sel $0x180000  }
0x109: {  	[bflag:$0x0] =	sbarrier.arrive $0xFFFF  }
0x10a: {  	_ =	strace $0x90000050  }
0x10b: {  	s0 =	stileid.u32;
	[bflag:$0x2] =	sbarrier.arrive $0xFFFF  }
0x10c: {  	p0 =	sne.s32 s0, $0x0;
	s0 =	rddreg [dreg:$0x2]  }
0x10d: {  	s0 =	sadd.s32 @!p0 $0x100000, s0  }
0x10e: {  	[sflag:s0] =	ssyncadd.tile.s32 @!p0 $0x1;
	_ =	shalt  }
.Lfunc_end2:
_tile_overlayer_lowered:
.L_overlay_start_2:
0x10f: {  	(tag) =	ssettag $0x2  }
0x110: {  	s0 =	rddreg [dreg:$0x0];
	s2 =	stileid.u32  }
0x111: {  	s1 =	rddreg [dreg:$0x1];
	p0 =	sne.s32 s2, $0x0  }
0x112: {  	s3 =	rddreg [dreg:$0x2];
	[bflag:$0x3] =	sbarrier.arrive $0xFFFF;
	s2 =	simm.s32 @!p0 $0x1C05  }
0x113: {  	[timem:s3], [sflag:s2] =	dma.local @!p0 [hbm:s0], s1  }
0x114: {  	s0 =	simm.s32 @!p0 $0x5  }
0x115: {  	_ =	swait.ge @!p0 [sflag:s0], s1  }
0x116: {  	s1 =	ssub.s32 @!p0 $0x0, s1;
	[sflag:s0] =	ssyncset.done @!p0 $0x0  }
0x117: {  	[sflag:s0] =	ssyncadd.s32 @!p0 s1  }
0x118: {  	[bflag:$0x3] =	sbarrier.arrive $0xFFFF  }
0x119: {  	_ =	shalt  }

</sc_bundles>
